<compile_context>
chip_gen: v7x
topology: tpu7x:2x2x1
jax: 0.10.2.dev20260603
libtpu: 0.0.44.dev20260713+nightly
codegen_flags: <defaults>
</compile_context>

<pallas_src>
import functools

import jax
import jax.numpy as jnp
from jax import lax
from jax.experimental import pallas as pl
from jax.experimental.pallas import tpu as pltpu
from jax.experimental.pallas import tpu_sc as plsc

HIDDEN = 32

NUM_CORES = 2
NUM_SUBCORES = 16
NW = NUM_CORES * NUM_SUBCORES

GRP_B = 32


def _make_gather(batch: int, hist: int):
    b_per_w = batch // NW
    n_grp = b_per_w // GRP_B
    n_pairs = n_grp // 2
    mesh = plsc.VectorSubcoreMesh(core_axis_name="c", subcore_axis_name="s")

    @functools.partial(
        pl.kernel,
        mesh=mesh,
        out_type=jax.ShapeDtypeStruct((batch, hist, HIDDEN), jnp.float32),
        scratch_types=[
            pltpu.VMEM((2, GRP_B, hist), jnp.int32),
            pltpu.VMEM((2, GRP_B, hist, HIDDEN), jnp.float32),
            pltpu.SemaphoreType.DMA,
            pltpu.SemaphoreType.DMA,
            pltpu.SemaphoreType.DMA,
            pltpu.SemaphoreType.DMA,
            pltpu.SemaphoreType.DMA,
        ],
        compiler_params=pltpu.CompilerParams(use_tc_tiling_on_sc=False),
    )
    def gather_kernel(idx_hbm, table_hbm, out_hbm, idx_v, rows_v,
                      sem_i0, sem_i1, sem_o0, sem_o1, sem_g):
        sem_idx = (sem_i0, sem_i1)
        sem_out = (sem_o0, sem_o1)
        wid = lax.axis_index("s") * NUM_CORES + lax.axis_index("c")
        b_base = wid * b_per_w

        def start_idx(g, b):
            pltpu.async_copy(
                idx_hbm.at[pl.ds(b_base + g * GRP_B, GRP_B)],
                idx_v.at[b], sem_idx[b],
            )

        def wait_idx(b):
            pltpu.make_async_copy(
                idx_hbm.at[pl.ds(b_base, GRP_B)],
                idx_v.at[b], sem_idx[b],
            ).wait()

        def run_gathers(b):
            copies = []
            for j in range(GRP_B):
                copies.append(
                    pltpu.async_copy(
                        table_hbm.at[idx_v.at[b].at[j]],
                        rows_v.at[b].at[j],
                        sem_g,
                    )
                )
            for c in copies:
                c.wait()

        def start_out(g, b):
            pltpu.async_copy(
                rows_v.at[b],
                out_hbm.at[pl.ds(b_base + g * GRP_B, GRP_B)],
                sem_out[b],
            )

        def wait_out(b):
            pltpu.make_async_copy(
                rows_v.at[b],
                out_hbm.at[pl.ds(b_base, GRP_B)], sem_out[b],
            ).wait()

        start_idx(0, 0)
        start_idx(1, 1)

        def pair_body(p, carry):
            for b in range(2):
                g = 2 * p + b
                wait_idx(b)

                @pl.when(g >= 2)
                def _wait_out():
                    wait_out(b)

                run_gathers(b)

                @pl.when(g + 2 < n_grp)
                def _prefetch_idx():
                    start_idx(g + 2, b)

                start_out(g, b)
            return carry

        lax.fori_loop(0, n_pairs, pair_body, 0)

        wait_out(0)
        wait_out(1)

    return gather_kernel


def kernel(indices, table):
    batch, hist = indices.shape
    return _make_gather(batch, hist)(indices, table)

# --- scband reference (transcript-rebuilt; emitter-appended) ---
"""Pipeline reference for scband-self-check-language-model-85993835200644 (READ-ONLY COPY).

The authoritative reference and input builder live on the scoring server;
editing this copy changes nothing except your own understanding.
"""

import jax, jax.numpy as jnp
import numpy as np

VOCAB = 1000000
HIDDEN = 32
BATCH = 16384
HIST = 50

def setup_inputs(seed: int = 0) -> dict:
    key = jax.random.key(seed)
    k_idx, k_tab = jax.random.split(key)
    indices = jax.random.randint(k_idx, (BATCH, HIST), 0, VOCAB, dtype=jnp.int64 if jax.config.read('jax_enable_x64') else jnp.int32)
    table = jax.random.normal(k_tab, (VOCAB, HIDDEN), dtype=jnp.float32)
    return {"indices": indices, "table": table}

def reference(indices, table):
    # Faithful to torch.nn.Embedding lookup: out[b, l, :] = table[indices[b, l], :]
    return jnp.take(table, indices, axis=0)

if __name__ == "__main__":
    import jax
    _d = setup_inputs()
    print(jax.jit(kernel)(*tuple(_d.values())))

</pallas_src>

<mosaic_0001>
#map = affine_map<(d0, d1) -> (0, 0)>
#map1 = affine_map<(d0, d1) -> (0, 0, 0)>
module attributes {stable_mosaic.version = 14 : i64} {
  func.func @gather_kernel(%arg0: i32, %arg1: i32, %arg2: memref<16384x50xi32, #tpu.memory_space<hbm>>, %arg3: memref<1000000x32xf32, #tpu.memory_space<hbm>>, %arg4: memref<16384x50x32xf32, #tpu.memory_space<hbm>>, %arg5: memref<2x32x50xi32, #tpu.memory_space<vmem>>, %arg6: memref<2x32x50x32xf32, #tpu.memory_space<vmem>>, %arg7: memref<!tpu.dma_semaphore, #tpu.memory_space<semaphore_mem>>, %arg8: memref<!tpu.dma_semaphore, #tpu.memory_space<semaphore_mem>>, %arg9: memref<!tpu.dma_semaphore, #tpu.memory_space<semaphore_mem>>, %arg10: memref<!tpu.dma_semaphore, #tpu.memory_space<semaphore_mem>>, %arg11: memref<!tpu.dma_semaphore, #tpu.memory_space<semaphore_mem>>) attributes {dimension_semantics = [#tpu.dimension_semantics<core_parallel>, #tpu.dimension_semantics<subcore_parallel>], iteration_bounds = array<i64: 2, 16>, scalar_prefetch = 0 : i64, scratch_operands = 7 : i64, tpu.core_type = #tpu.core_type<sc_vector_subcore>, window_params = [{transform_indices = #map}, {transform_indices = #map}, {transform_indices = #map1}]} {
    %mul3A = arith.constant 2 : i32
    %mul3A_0 = arith.muli %arg1, %mul3A : i32
    %add3A = arith.addi %mul3A_0, %arg0 : i32
    %mul3A_1 = arith.constant 512 : i32
    %mul3A_2 = arith.muli %add3A, %mul3A_1 : i32
    %add3A_3 = arith.constant 0 : i32
    %add3A_4 = arith.addi %mul3A_2, %add3A_3 : i32
    %dma_start3A = arith.constant 0 : i32
    %dma_start3A_5 = arith.constant 0 : i32
    %dma_start3A_6 = arith.constant 0 : i32
    %dma_start3A_7 = tpu.memref_slice %arg5[%dma_start3A, %dma_start3A_5, %dma_start3A_6] : memref<2x32x50xi32, #tpu.memory_space<vmem>> -> memref<1x32x50xi32, #tpu.memory_space<vmem>>
    %dma_start3A_8 = tpu.memref_squeeze %dma_start3A_7 : memref<1x32x50xi32, #tpu.memory_space<vmem>> -> memref<32x50xi32, #tpu.memory_space<vmem>>
    %dma_start3A_9 = arith.constant 0 : i32
    %dma_start3A_10 = tpu.memref_slice %arg2[%add3A_4, %dma_start3A_9] : memref<16384x50xi32, #tpu.memory_space<hbm>> -> memref<32x50xi32, #tpu.memory_space<hbm>>
    %dma_start3A_11 = arith.constant 0 : i32
    %dma_start3A_12 = arith.constant 0 : i32
    %dma_start3A_13 = tpu.memref_slice %arg5[%dma_start3A, %dma_start3A_11, %dma_start3A_12] : memref<2x32x50xi32, #tpu.memory_space<vmem>> -> memref<1x32x50xi32, #tpu.memory_space<vmem>>
    %dma_start3A_14 = tpu.memref_squeeze %dma_start3A_13 : memref<1x32x50xi32, #tpu.memory_space<vmem>> -> memref<32x50xi32, #tpu.memory_space<vmem>>
    %dma_start3A_15 = arith.constant 0 : i32
    %dma_start3A_16 = tpu.memref_slice %arg2[%add3A_4, %dma_start3A_15] : memref<16384x50xi32, #tpu.memory_space<hbm>> -> memref<32x50xi32, #tpu.memory_space<hbm>>
    tpu.enqueue_dma source(%dma_start3A_16 : memref<32x50xi32, #tpu.memory_space<hbm>>) target(%dma_start3A_14 : memref<32x50xi32, #tpu.memory_space<vmem>>) target_semaphore(%arg7 : memref<!tpu.dma_semaphore, #tpu.memory_space<semaphore_mem>>)
    %add3A_17 = arith.constant 32 : i32
    %add3A_18 = arith.addi %mul3A_2, %add3A_17 : i32
    %dma_start3A_19 = arith.constant 1 : i32
    %dma_start3A_20 = arith.constant 0 : i32
    %dma_start3A_21 = arith.constant 0 : i32
    %dma_start3A_22 = tpu.memref_slice %arg5[%dma_start3A_19, %dma_start3A_20, %dma_start3A_21] : memref<2x32x50xi32, #tpu.memory_space<vmem>> -> memref<1x32x50xi32, #tpu.memory_space<vmem>>
    %dma_start3A_23 = tpu.memref_squeeze %dma_start3A_22 : memref<1x32x50xi32, #tpu.memory_space<vmem>> -> memref<32x50xi32, #tpu.memory_space<vmem>>
    %dma_start3A_24 = arith.constant 0 : i32
    %dma_start3A_25 = tpu.memref_slice %arg2[%add3A_18, %dma_start3A_24] : memref<16384x50xi32, #tpu.memory_space<hbm>> -> memref<32x50xi32, #tpu.memory_space<hbm>>
    %dma_start3A_26 = arith.constant 0 : i32
    %dma_start3A_27 = arith.constant 0 : i32
    %dma_start3A_28 = tpu.memref_slice %arg5[%dma_start3A_19, %dma_start3A_26, %dma_start3A_27] : memref<2x32x50xi32, #tpu.memory_space<vmem>> -> memref<1x32x50xi32, #tpu.memory_space<vmem>>
    %dma_start3A_29 = tpu.memref_squeeze %dma_start3A_28 : memref<1x32x50xi32, #tpu.memory_space<vmem>> -> memref<32x50xi32, #tpu.memory_space<vmem>>
    %dma_start3A_30 = arith.constant 0 : i32
    %dma_start3A_31 = tpu.memref_slice %arg2[%add3A_18, %dma_start3A_30] : memref<16384x50xi32, #tpu.memory_space<hbm>> -> memref<32x50xi32, #tpu.memory_space<hbm>>
    tpu.enqueue_dma source(%dma_start3A_31 : memref<32x50xi32, #tpu.memory_space<hbm>>) target(%dma_start3A_29 : memref<32x50xi32, #tpu.memory_space<vmem>>) target_semaphore(%arg8 : memref<!tpu.dma_semaphore, #tpu.memory_space<semaphore_mem>>)
    %scan3A = arith.constant 0 : i32
    %scan3A_32 = arith.constant 0 : i32
    %scan3A_33 = arith.constant 8 : i32
    %scan3A_34 = arith.addi %scan3A_32, %scan3A_33 : i32
    %scan3A_35 = arith.constant 1 : i32
    scf.for %scan3A_70 = %scan3A_32 to %scan3A_34 step %scan3A_35  : i32 {
      %mul3A_71 = arith.constant 2 : i32
      %mul3A_72 = arith.muli %mul3A_71, %scan3A_70 : i32
      %add3A_73 = arith.constant 0 : i32
      %add3A_74 = arith.addi %mul3A_72, %add3A_73 : i32
      %dma_wait3A_75 = arith.constant 0 : i32
      %dma_wait3A_76 = arith.constant 0 : i32
      %dma_wait3A_77 = arith.constant 0 : i32
      %dma_wait3A_78 = tpu.memref_slice %arg5[%dma_wait3A_75, %dma_wait3A_76, %dma_wait3A_77] : memref<2x32x50xi32, #tpu.memory_space<vmem>> -> memref<1x32x50xi32, #tpu.memory_space<vmem>>
      %dma_wait3A_79 = tpu.memref_squeeze %dma_wait3A_78 : memref<1x32x50xi32, #tpu.memory_space<vmem>> -> memref<32x50xi32, #tpu.memory_space<vmem>>
      %dma_wait3A_80 = arith.constant 0 : i32
      %dma_wait3A_81 = tpu.memref_slice %arg2[%mul3A_2, %dma_wait3A_80] : memref<16384x50xi32, #tpu.memory_space<hbm>> -> memref<32x50xi32, #tpu.memory_space<hbm>>
      %dma_wait3A_82 = arith.constant 0 : i32
      %dma_wait3A_83 = arith.constant 0 : i32
      %dma_wait3A_84 = tpu.memref_slice %arg5[%dma_wait3A_75, %dma_wait3A_82, %dma_wait3A_83] : memref<2x32x50xi32, #tpu.memory_space<vmem>> -> memref<1x32x50xi32, #tpu.memory_space<vmem>>
      %dma_wait3A_85 = tpu.memref_squeeze %dma_wait3A_84 : memref<1x32x50xi32, #tpu.memory_space<vmem>> -> memref<32x50xi32, #tpu.memory_space<vmem>>
      %dma_wait3A_86 = arith.constant 0 : i32
      %dma_wait3A_87 = tpu.memref_slice %arg2[%mul3A_2, %dma_wait3A_86] : memref<16384x50xi32, #tpu.memory_space<hbm>> -> memref<32x50xi32, #tpu.memory_space<hbm>>
      tpu.wait_dma2 semaphore(%arg7 : memref<!tpu.dma_semaphore, #tpu.memory_space<semaphore_mem>>) src(%dma_wait3A_87 : memref<32x50xi32, #tpu.memory_space<hbm>>) dst(%dma_wait3A_85 : memref<32x50xi32, #tpu.memory_space<vmem>>)
      %ge3A = arith.constant 2 : i32
      %ge3A_88 = arith.cmpi sge, %add3A_74, %ge3A : i32
      %convert_element_type3A = arith.extui %ge3A_88 : i1 to i32
      %cond3A = arith.constant 0 : i32
      %cond3A_89 = arith.cmpi ne, %convert_element_type3A, %cond3A : i32
      scf.if %cond3A_89 {
        %dma_wait3A_3109 = arith.constant 0 : i32
        %dma_wait3A_3110 = arith.constant 0 : i32
        %dma_wait3A_3111 = arith.constant 0 : i32
        %dma_wait3A_3112 = arith.constant 0 : i32
        %dma_wait3A_3113 = tpu.memref_slice %arg6[%dma_wait3A_3109, %dma_wait3A_3110, %dma_wait3A_3111, %dma_wait3A_3112] : memref<2x32x50x32xf32, #tpu.memory_space<vmem>> -> memref<1x32x50x32xf32, #tpu.memory_space<vmem>>
        %dma_wait3A_3114 = tpu.memref_squeeze %dma_wait3A_3113 : memref<1x32x50x32xf32, #tpu.memory_space<vmem>> -> memref<32x50x32xf32, #tpu.memory_space<vmem>>
        %dma_wait3A_3115 = arith.constant 0 : i32
        %dma_wait3A_3116 = arith.constant 0 : i32
        %dma_wait3A_3117 = tpu.memref_slice %arg4[%mul3A_2, %dma_wait3A_3115, %dma_wait3A_3116] : memref<16384x50x32xf32, #tpu.memory_space<hbm>> -> memref<32x50x32xf32, #tpu.memory_space<hbm>>
        %dma_wait3A_3118 = arith.constant 0 : i32
        %dma_wait3A_3119 = arith.constant 0 : i32
        %dma_wait3A_3120 = tpu.memref_slice %arg4[%mul3A_2, %dma_wait3A_3118, %dma_wait3A_3119] : memref<16384x50x32xf32, #tpu.memory_space<hbm>> -> memref<32x50x32xf32, #tpu.memory_space<hbm>>
        %dma_wait3A_3121 = arith.constant 0 : i32
        %dma_wait3A_3122 = arith.constant 0 : i32
        %dma_wait3A_3123 = arith.constant 0 : i32
        %dma_wait3A_3124 = tpu.memref_slice %arg6[%dma_wait3A_3109, %dma_wait3A_3121, %dma_wait3A_3122, %dma_wait3A_3123] : memref<2x32x50x32xf32, #tpu.memory_space<vmem>> -> memref<1x32x50x32xf32, #tpu.memory_space<vmem>>
        %dma_wait3A_3125 = tpu.memref_squeeze %dma_wait3A_3124 : memref<1x32x50x32xf32, #tpu.memory_space<vmem>> -> memref<32x50x32xf32, #tpu.memory_space<vmem>>
        tpu.wait_dma2 semaphore(%arg9 : memref<!tpu.dma_semaphore, #tpu.memory_space<semaphore_mem>>) src(%dma_wait3A_3125 : memref<32x50x32xf32, #tpu.memory_space<vmem>>) dst(%dma_wait3A_3120 : memref<32x50x32xf32, #tpu.memory_space<hbm>>)
      } else {
      }
      %dma_start3A_90 = arith.constant 0 : i32
      %dma_start3A_91 = arith.constant 0 : i32
      %dma_start3A_92 = arith.constant 0 : i32
      %dma_start3A_93 = arith.constant 0 : i32
      %dma_start3A_94 = arith.constant 0 : i32
      %dma_start3A_95 = arith.constant 0 : i32
      %dma_start3A_96 = arith.constant 0 : i32
      %dma_start3A_97 = tpu.memref_slice %arg6[%dma_start3A_92, %dma_start3A_94, %dma_start3A_95, %dma_start3A_96] : memref<2x32x50x32xf32, #tpu.memory_space<vmem>> -> memref<1x32x50x32xf32, #tpu.memory_space<vmem>>
      %dma_start3A_98 = tpu.memref_squeeze %dma_start3A_97 : memref<1x32x50x32xf32, #tpu.memory_space<vmem>> -> memref<32x50x32xf32, #tpu.memory_space<vmem>>
      %dma_start3A_99 = arith.constant 0 : i32
      %dma_start3A_100 = arith.constant 0 : i32
      %dma_start3A_101 = tpu.memref_slice %dma_start3A_98[%dma_start3A_93, %dma_start3A_99, %dma_start3A_100] : memref<32x50x32xf32, #tpu.memory_space<vmem>> -> memref<1x50x32xf32, #tpu.memory_space<vmem>>
      %dma_start3A_102 = tpu.memref_squeeze %dma_start3A_101 : memref<1x50x32xf32, #tpu.memory_space<vmem>> -> memref<50x32xf32, #tpu.memory_space<vmem>>
      %dma_start3A_103 = arith.constant 0 : i32
      %dma_start3A_104 = arith.constant 0 : i32
      %dma_start3A_105 = tpu.memref_slice %arg5[%dma_start3A_90, %dma_start3A_103, %dma_start3A_104] : memref<2x32x50xi32, #tpu.memory_space<vmem>> -> memref<1x32x50xi32, #tpu.memory_space<vmem>>
      %dma_start3A_106 = tpu.memref_squeeze %dma_start3A_105 : memref<1x32x50xi32, #tpu.memory_space<vmem>> -> memref<32x50xi32, #tpu.memory_space<vmem>>
      %dma_start3A_107 = arith.constant 0 : i32
      %dma_start3A_108 = tpu.memref_slice %dma_start3A_106[%dma_start3A_91, %dma_start3A_107] : memref<32x50xi32, #tpu.memory_space<vmem>> -> memref<1x50xi32, #tpu.memory_space<vmem>>
      %dma_start3A_109 = tpu.memref_squeeze %dma_start3A_108 : memref<1x50xi32, #tpu.memory_space<vmem>> -> memref<50xi32, #tpu.memory_space<vmem>>
      %dma_start3A_110 = arith.constant 0 : i32
      %dma_start3A_111 = arith.constant 0 : i32
      %dma_start3A_112 = tpu.memref_slice %arg3[%dma_start3A_110, %dma_start3A_111] : memref<1000000x32xf32, #tpu.memory_space<hbm>> -> memref<1000000x32xf32, #tpu.memory_space<hbm>>
      tpu.enqueue_indirect_dma source(%dma_start3A_112 : memref<1000000x32xf32, #tpu.memory_space<hbm>>) target(%dma_start3A_102 : memref<50x32xf32, #tpu.memory_space<vmem>>) offsets(%dma_start3A_109 : memref<50xi32, #tpu.memory_space<vmem>>) semaphore(%arg11 : memref<!tpu.dma_semaphore, #tpu.memory_space<semaphore_mem>>)
      %dma_start3A_113 = arith.constant 0 : i32
      %dma_start3A_114 = arith.constant 1 : i32
      %dma_start3A_115 = arith.constant 0 : i32
      %dma_start3A_116 = arith.constant 1 : i32
      %dma_start3A_117 = arith.constant 0 : i32
      %dma_start3A_118 = arith.constant 0 : i32
      %dma_start3A_119 = arith.constant 0 : i32
      %dma_start3A_120 = tpu.memref_slice %arg6[%dma_start3A_115, %dma_start3A_117, %dma_start3A_118, %dma_start3A_119] : memref<2x32x50x32xf32, #tpu.memory_space<vmem>> -> memref<1x32x50x32xf32, #tpu.memory_space<vmem>>
      %dma_start3A_121 = tpu.memref_squeeze %dma_start3A_120 : memref<1x32x50x32xf32, #tpu.memory_space<vmem>> -> memref<32x50x32xf32, #tpu.memory_space<vmem>>
      %dma_start3A_122 = arith.constant 0 : i32
      %dma_start3A_123 = arith.constant 0 : i32
      %dma_start3A_124 = tpu.memref_slice %dma_start3A_121[%dma_start3A_116, %dma_start3A_122, %dma_start3A_123] : memref<32x50x32xf32, #tpu.memory_space<vmem>> -> memref<1x50x32xf32, #tpu.memory_space<vmem>>
      %dma_start3A_125 = tpu.memref_squeeze %dma_start3A_124 : memref<1x50x32xf32, #tpu.memory_space<vmem>> -> memref<50x32xf32, #tpu.memory_space<vmem>>
      %dma_start3A_126 = arith.constant 0 : i32
      %dma_start3A_127 = arith.constant 0 : i32
      %dma_start3A_128 = tpu.memref_slice %arg5[%dma_start3A_113, %dma_start3A_126, %dma_start3A_127] : memref<2x32x50xi32, #tpu.memory_space<vmem>> -> memref<1x32x50xi32, #tpu.memory_space<vmem>>
      %dma_start3A_129 = tpu.memref_squeeze %dma_start3A_128 : memref<1x32x50xi32, #tpu.memory_space<vmem>> -> memref<32x50xi32, #tpu.memory_space<vmem>>
      %dma_start3A_130 = arith.constant 0 : i32
      %dma_start3A_131 = tpu.memref_slice %dma_start3A_129[%dma_start3A_114, %dma_start3A_130] : memref<32x50xi32, #tpu.memory_space<vmem>> -> memref<1x50xi32, #tpu.memory_space<vmem>>
      %dma_start3A_132 = tpu.memref_squeeze %dma_start3A_131 : memref<1x50xi32, #tpu.memory_space<vmem>> -> memref<50xi32, #tpu.memory_space<vmem>>
      %dma_start3A_133 = arith.constant 0 : i32
      %dma_start3A_134 = arith.constant 0 : i32
      %dma_start3A_135 = tpu.memref_slice %arg3[%dma_start3A_133, %dma_start3A_134] : memref<1000000x32xf32, #tpu.memory_space<hbm>> -> memref<1000000x32xf32, #tpu.memory_space<hbm>>
      tpu.enqueue_indirect_dma source(%dma_start3A_135 : memref<1000000x32xf32, #tpu.memory_space<hbm>>) target(%dma_start3A_125 : memref<50x32xf32, #tpu.memory_space<vmem>>) offsets(%dma_start3A_132 : memref<50xi32, #tpu.memory_space<vmem>>) semaphore(%arg11 : memref<!tpu.dma_semaphore, #tpu.memory_space<semaphore_mem>>)
      %dma_start3A_136 = arith.constant 0 : i32
      %dma_start3A_137 = arith.constant 2 : i32
      %dma_start3A_138 = arith.constant 0 : i32
      %dma_start3A_139 = arith.constant 2 : i32
      %dma_start3A_140 = arith.constant 0 : i32
      %dma_start3A_141 = arith.constant 0 : i32
      %dma_start3A_142 = arith.constant 0 : i32
      %dma_start3A_143 = tpu.memref_slice %arg6[%dma_start3A_138, %dma_start3A_140, %dma_start3A_141, %dma_start3A_142] : memref<2x32x50x32xf32, #tpu.memory_space<vmem>> -> memref<1x32x50x32xf32, #tpu.memory_space<vmem>>
      %dma_start3A_144 = tpu.memref_squeeze %dma_start3A_143 : memref<1x32x50x32xf32, #tpu.memory_space<vmem>> -> memref<32x50x32xf32, #tpu.memory_space<vmem>>
      %dma_start3A_145 = arith.constant 0 : i32
      %dma_start3A_146 = arith.constant 0 : i32
      %dma_start3A_147 = tpu.memref_slice %dma_start3A_144[%dma_start3A_139, %dma_start3A_145, %dma_start3A_146] : memref<32x50x32xf32, #tpu.memory_space<vmem>> -> memref<1x50x32xf32, #tpu.memory_space<vmem>>
      %dma_start3A_148 = tpu.memref_squeeze %dma_start3A_147 : memref<1x50x32xf32, #tpu.memory_space<vmem>> -> memref<50x32xf32, #tpu.memory_space<vmem>>
      %dma_start3A_149 = arith.constant 0 : i32
      %dma_start3A_150 = arith.constant 0 : i32
      %dma_start3A_151 = tpu.memref_slice %arg5[%dma_start3A_136, %dma_start3A_149, %dma_start3A_150] : memref<2x32x50xi32, #tpu.memory_space<vmem>> -> memref<1x32x50xi32, #tpu.memory_space<vmem>>
      %dma_start3A_152 = tpu.memref_squeeze %dma_start3A_151 : memref<1x32x50xi32, #tpu.memory_space<vmem>> -> memref<32x50xi32, #tpu.memory_space<vmem>>
      %dma_start3A_153 = arith.constant 0 : i32
      %dma_start3A_154 = tpu.memref_slice %dma_start3A_152[%dma_start3A_137, %dma_start3A_153] : memref<32x50xi32, #tpu.memory_space<vmem>> -> memref<1x50xi32, #tpu.memory_space<vmem>>
      %dma_start3A_155 = tpu.memref_squeeze %dma_start3A_154 : memref<1x50xi32, #tpu.memory_space<vmem>> -> memref<50xi32, #tpu.memory_space<vmem>>
      %dma_start3A_156 = arith.constant 0 : i32
      %dma_start3A_157 = arith.constant 0 : i32
      %dma_start3A_158 = tpu.memref_slice %arg3[%dma_start3A_156, %dma_start3A_157] : memref<1000000x32xf32, #tpu.memory_space<hbm>> -> memref<1000000x32xf32, #tpu.memory_space<hbm>>
      tpu.enqueue_indirect_dma source(%dma_start3A_158 : memref<1000000x32xf32, #tpu.memory_space<hbm>>) target(%dma_start3A_148 : memref<50x32xf32, #tpu.memory_space<vmem>>) offsets(%dma_start3A_155 : memref<50xi32, #tpu.memory_space<vmem>>) semaphore(%arg11 : memref<!tpu.dma_semaphore, #tpu.memory_space<semaphore_mem>>)
      %dma_start3A_159 = arith.constant 0 : i32
      %dma_start3A_160 = arith.constant 3 : i32
      %dma_start3A_161 = arith.constant 0 : i32
      %dma_start3A_162 = arith.constant 3 : i32
      %dma_start3A_163 = arith.constant 0 : i32
      %dma_start3A_164 = arith.constant 0 : i32
      %dma_start3A_165 = arith.constant 0 : i32
      %dma_start3A_166 = tpu.memref_slice %arg6[%dma_start3A_161, %dma_start3A_163, %dma_start3A_164, %dma_start3A_165] : memref<2x32x50x32xf32, #tpu.memory_space<vmem>> -> memref<1x32x50x32xf32, #tpu.memory_space<vmem>>
      %dma_start3A_167 = tpu.memref_squeeze %dma_start3A_166 : memref<1x32x50x32xf32, #tpu.memory_space<vmem>> -> memref<32x50x32xf32, #tpu.memory_space<vmem>>
      %dma_start3A_168 = arith.constant 0 : i32
      %dma_start3A_169 = arith.constant 0 : i32
      %dma_start3A_170 = tpu.memref_slice %dma_start3A_167[%dma_start3A_162, %dma_start3A_168, %dma_start3A_169] : memref<32x50x32xf32, #tpu.memory_space<vmem>> -> memref<1x50x32xf32, #tpu.memory_space<vmem>>
      %dma_start3A_171 = tpu.memref_squeeze %dma_start3A_170 : memref<1x50x32xf32, #tpu.memory_space<vmem>> -> memref<50x32xf32, #tpu.memory_space<vmem>>
      %dma_start3A_172 = arith.constant 0 : i32
      %dma_start3A_173 = arith.constant 0 : i32
      %dma_start3A_174 = tpu.memref_slice %arg5[%dma_start3A_159, %dma_start3A_172, %dma_start3A_173] : memref<2x32x50xi32, #tpu.memory_space<vmem>> -> memref<1x32x50xi32, #tpu.memory_space<vmem>>
      %dma_start3A_175 = tpu.memref_squeeze %dma_start3A_174 : memref<1x32x50xi32, #tpu.memory_space<vmem>> -> memref<32x50xi32, #tpu.memory_space<vmem>>
      %dma_start3A_176 = arith.constant 0 : i32
      %dma_start3A_177 = tpu.memref_slice %dma_start3A_175[%dma_start3A_160, %dma_start3A_176] : memref<32x50xi32, #tpu.memory_space<vmem>> -> memref<1x50xi32, #tpu.memory_space<vmem>>
      %dma_start3A_178 = tpu.memref_squeeze %dma_start3A_177 : memref<1x50xi32, #tpu.memory_space<vmem>> -> memref<50xi32, #tpu.memory_space<vmem>>
      %dma_start3A_179 = arith.constant 0 : i32
      %dma_start3A_180 = arith.constant 0 : i32
      %dma_start3A_181 = tpu.memref_slice %arg3[%dma_start3A_179, %dma_start3A_180] : memref<1000000x32xf32, #tpu.memory_space<hbm>> -> memref<1000000x32xf32, #tpu.memory_space<hbm>>
      tpu.enqueue_indirect_dma source(%dma_start3A_181 : memref<1000000x32xf32, #tpu.memory_space<hbm>>) target(%dma_start3A_171 : memref<50x32xf32, #tpu.memory_space<vmem>>) offsets(%dma_start3A_178 : memref<50xi32, #tpu.memory_space<vmem>>) semaphore(%arg11 : memref<!tpu.dma_semaphore, #tpu.memory_space<semaphore_mem>>)
      %dma_start3A_182 = arith.constant 0 : i32
      %dma_start3A_183 = arith.constant 4 : i32
      %dma_start3A_184 = arith.constant 0 : i32
      %dma_start3A_185 = arith.constant 4 : i32
      %dma_start3A_186 = arith.constant 0 : i32
      %dma_start3A_187 = arith.constant 0 : i32
      %dma_start3A_188 = arith.constant 0 : i32
      %dma_start3A_189 = tpu.memref_slice %arg6[%dma_start3A_184, %dma_start3A_186, %dma_start3A_187, %dma_start3A_188] : memref<2x32x50x32xf32, #tpu.memory_space<vmem>> -> memref<1x32x50x32xf32, #tpu.memory_space<vmem>>
      %dma_start3A_190 = tpu.memref_squeeze %dma_start3A_189 : memref<1x32x50x32xf32, #tpu.memory_space<vmem>> -> memref<32x50x32xf32, #tpu.memory_space<vmem>>
      %dma_start3A_191 = arith.constant 0 : i32
      %dma_start3A_192 = arith.constant 0 : i32
      %dma_start3A_193 = tpu.memref_slice %dma_start3A_190[%dma_start3A_185, %dma_start3A_191, %dma_start3A_192] : memref<32x50x32xf32, #tpu.memory_space<vmem>> -> memref<1x50x32xf32, #tpu.memory_space<vmem>>
      %dma_start3A_194 = tpu.memref_squeeze %dma_start3A_193 : memref<1x50x32xf32, #tpu.memory_space<vmem>> -> memref<50x32xf32, #tpu.memory_space<vmem>>
      %dma_start3A_195 = arith.constant 0 : i32
      %dma_start3A_196 = arith.constant 0 : i32
      %dma_start3A_197 = tpu.memref_slice %arg5[%dma_start3A_182, %dma_start3A_195, %dma_start3A_196] : memref<2x32x50xi32, #tpu.memory_space<vmem>> -> memref<1x32x50xi32, #tpu.memory_space<vmem>>
      %dma_start3A_198 = tpu.memref_squeeze %dma_start3A_197 : memref<1x32x50xi32, #tpu.memory_space<vmem>> -> memref<32x50xi32, #tpu.memory_space<vmem>>
      %dma_start3A_199 = arith.constant 0 : i32
      %dma_start3A_200 = tpu.memref_slice %dma_start3A_198[%dma_start3A_183, %dma_start3A_199] : memref<32x50xi32, #tpu.memory_space<vmem>> -> memref<1x50xi32, #tpu.memory_space<vmem>>
      %dma_start3A_201 = tpu.memref_squeeze %dma_start3A_200 : memref<1x50xi32, #tpu.memory_space<vmem>> -> memref<50xi32, #tpu.memory_space<vmem>>
      %dma_start3A_202 = arith.constant 0 : i32
      %dma_start3A_203 = arith.constant 0 : i32
      %dma_start3A_204 = tpu.memref_slice %arg3[%dma_start3A_202, %dma_start3A_203] : memref<1000000x32xf32, #tpu.memory_space<hbm>> -> memref<1000000x32xf32, #tpu.memory_space<hbm>>
      tpu.enqueue_indirect_dma source(%dma_start3A_204 : memref<1000000x32xf32, #tpu.memory_space<hbm>>) target(%dma_start3A_194 : memref<50x32xf32, #tpu.memory_space<vmem>>) offsets(%dma_start3A_201 : memref<50xi32, #tpu.memory_space<vmem>>) semaphore(%arg11 : memref<!tpu.dma_semaphore, #tpu.memory_space<semaphore_mem>>)
      %dma_start3A_205 = arith.constant 0 : i32
      %dma_start3A_206 = arith.constant 5 : i32
      %dma_start3A_207 = arith.constant 0 : i32
      %dma_start3A_208 = arith.constant 5 : i32
      %dma_start3A_209 = arith.constant 0 : i32
      %dma_start3A_210 = arith.constant 0 : i32
      %dma_start3A_211 = arith.constant 0 : i32
      %dma_start3A_212 = tpu.memref_slice %arg6[%dma_start3A_207, %dma_start3A_209, %dma_start3A_210, %dma_start3A_211] : memref<2x32x50x32xf32, #tpu.memory_space<vmem>> -> memref<1x32x50x32xf32, #tpu.memory_space<vmem>>
      %dma_start3A_213 = tpu.memref_squeeze %dma_start3A_212 : memref<1x32x50x32xf32, #tpu.memory_space<vmem>> -> memref<32x50x32xf32, #tpu.memory_space<vmem>>
      %dma_start3A_214 = arith.constant 0 : i32
      %dma_start3A_215 = arith.constant 0 : i32
      %dma_start3A_216 = tpu.memref_slice %dma_start3A_213[%dma_start3A_208, %dma_start3A_214, %dma_start3A_215] : memref<32x50x32xf32, #tpu.memory_space<vmem>> -> memref<1x50x32xf32, #tpu.memory_space<vmem>>
      %dma_start3A_217 = tpu.memref_squeeze %dma_start3A_216 : memref<1x50x32xf32, #tpu.memory_space<vmem>> -> memref<50x32xf32, #tpu.memory_space<vmem>>
      %dma_start3A_218 = arith.constant 0 : i32
      %dma_start3A_219 = arith.constant 0 : i32
      %dma_start3A_220 = tpu.memref_slice %arg5[%dma_start3A_205, %dma_start3A_218, %dma_start3A_219] : memref<2x32x50xi32, #tpu.memory_space<vmem>> -> memref<1x32x50xi32, #tpu.memory_space<vmem>>
      %dma_start3A_221 = tpu.memref_squeeze %dma_start3A_220 : memref<1x32x50xi32, #tpu.memory_space<vmem>> -> memref<32x50xi32, #tpu.memory_space<vmem>>
      %dma_start3A_222 = arith.constant 0 : i32
      %dma_start3A_223 = tpu.memref_slice %dma_start3A_221[%dma_start3A_206, %dma_start3A_222] : memref<32x50xi32, #tpu.memory_space<vmem>> -> memref<1x50xi32, #tpu.memory_space<vmem>>
      %dma_start3A_224 = tpu.memref_squeeze %dma_start3A_223 : memref<1x50xi32, #tpu.memory_space<vmem>> -> memref<50xi32, #tpu.memory_space<vmem>>
      %dma_start3A_225 = arith.constant 0 : i32
      %dma_start3A_226 = arith.constant 0 : i32
      %dma_start3A_227 = tpu.memref_slice %arg3[%dma_start3A_225, %dma_start3A_226] : memref<1000000x32xf32, #tpu.memory_space<hbm>> -> memref<1000000x32xf32, #tpu.memory_space<hbm>>
      tpu.enqueue_indirect_dma source(%dma_start3A_227 : memref<1000000x32xf32, #tpu.memory_space<hbm>>) target(%dma_start3A_217 : memref<50x32xf32, #tpu.memory_space<vmem>>) offsets(%dma_start3A_224 : memref<50xi32, #tpu.memory_space<vmem>>) semaphore(%arg11 : memref<!tpu.dma_semaphore, #tpu.memory_space<semaphore_mem>>)
      %dma_start3A_228 = arith.constant 0 : i32
      %dma_start3A_229 = arith.constant 6 : i32
      %dma_start3A_230 = arith.constant 0 : i32
      %dma_start3A_231 = arith.constant 6 : i32
      %dma_start3A_232 = arith.constant 0 : i32
      %dma_start3A_233 = arith.constant 0 : i32
      %dma_start3A_234 = arith.constant 0 : i32
      %dma_start3A_235 = tpu.memref_slice %arg6[%dma_start3A_230, %dma_start3A_232, %dma_start3A_233, %dma_start3A_234] : memref<2x32x50x32xf32, #tpu.memory_space<vmem>> -> memref<1x32x50x32xf32, #tpu.memory_space<vmem>>
      %dma_start3A_236 = tpu.memref_squeeze %dma_start3A_235 : memref<1x32x50x32xf32, #tpu.memory_space<vmem>> -> memref<32x50x32xf32, #tpu.memory_space<vmem>>
      %dma_start3A_237 = arith.constant 0 : i32
      %dma_start3A_238 = arith.constant 0 : i32
      %dma_start3A_239 = tpu.memref_slice %dma_start3A_236[%dma_start3A_231, %dma_start3A_237, %dma_start3A_238] : memref<32x50x32xf32, #tpu.memory_space<vmem>> -> memref<1x50x32xf32, #tpu.memory_space<vmem>>
      %dma_start3A_240 = tpu.memref_squeeze %dma_start3A_239 : memref<1x50x32xf32, #tpu.memory_space<vmem>> -> memref<50x32xf32, #tpu.memory_space<vmem>>
      %dma_start3A_241 = arith.constant 0 : i32
      %dma_start3A_242 = arith.constant 0 : i32
      %dma_start3A_243 = tpu.memref_slice %arg5[%dma_start3A_228, %dma_start3A_241, %dma_start3A_242] : memref<2x32x50xi32, #tpu.memory_space<vmem>> -> memref<1x32x50xi32, #tpu.memory_space<vmem>>
      %dma_start3A_244 = tpu.memref_squeeze %dma_start3A_243 : memref<1x32x50xi32, #tpu.memory_space<vmem>> -> memref<32x50xi32, #tpu.memory_space<vmem>>
      %dma_start3A_245 = arith.constant 0 : i32
      %dma_start3A_246 = tpu.memref_slice %dma_start3A_244[%dma_start3A_229, %dma_start3A_245] : memref<32x50xi32, #tpu.memory_space<vmem>> -> memref<1x50xi32, #tpu.memory_space<vmem>>
      %dma_start3A_247 = tpu.memref_squeeze %dma_start3A_246 : memref<1x50xi32, #tpu.memory_space<vmem>> -> memref<50xi32, #tpu.memory_space<vmem>>
      %dma_start3A_248 = arith.constant 0 : i32
      %dma_start3A_249 = arith.constant 0 : i32
      %dma_start3A_250 = tpu.memref_slice %arg3[%dma_start3A_248, %dma_start3A_249] : memref<1000000x32xf32, #tpu.memory_space<hbm>> -> memref<1000000x32xf32, #tpu.memory_space<hbm>>
      tpu.enqueue_indirect_dma source(%dma_start3A_250 : memref<1000000x32xf32, #tpu.memory_space<hbm>>) target(%dma_start3A_240 : memref<50x32xf32, #tpu.memory_space<vmem>>) offsets(%dma_start3A_247 : memref<50xi32, #tpu.memory_space<vmem>>) semaphore(%arg11 : memref<!tpu.dma_semaphore, #tpu.memory_space<semaphore_mem>>)
      %dma_start3A_251 = arith.constant 0 : i32
      %dma_start3A_252 = arith.constant 7 : i32
      %dma_start3A_253 = arith.constant 0 : i32
      %dma_start3A_254 = arith.constant 7 : i32
      %dma_start3A_255 = arith.constant 0 : i32
      %dma_start3A_256 = arith.constant 0 : i32
      %dma_start3A_257 = arith.constant 0 : i32
      %dma_start3A_258 = tpu.memref_slice %arg6[%dma_start3A_253, %dma_start3A_255, %dma_start3A_256, %dma_start3A_257] : memref<2x32x50x32xf32, #tpu.memory_space<vmem>> -> memref<1x32x50x32xf32, #tpu.memory_space<vmem>>
      %dma_start3A_259 = tpu.memref_squeeze %dma_start3A_258 : memref<1x32x50x32xf32, #tpu.memory_space<vmem>> -> memref<32x50x32xf32, #tpu.memory_space<vmem>>
      %dma_start3A_260 = arith.constant 0 : i32
      %dma_start3A_261 = arith.constant 0 : i32
      %dma_start3A_262 = tpu.memref_slice %dma_start3A_259[%dma_start3A_254, %dma_start3A_260, %dma_start3A_261] : memref<32x50x32xf32, #tpu.memory_space<vmem>> -> memref<1x50x32xf32, #tpu.memory_space<vmem>>
      %dma_start3A_263 = tpu.memref_squeeze %dma_start3A_262 : memref<1x50x32xf32, #tpu.memory_space<vmem>> -> memref<50x32xf32, #tpu.memory_space<vmem>>
      %dma_start3A_264 = arith.constant 0 : i32
      %dma_start3A_265 = arith.constant 0 : i32
      %dma_start3A_266 = tpu.memref_slice %arg5[%dma_start3A_251, %dma_start3A_264, %dma_start3A_265] : memref<2x32x50xi32, #tpu.memory_space<vmem>> -> memref<1x32x50xi32, #tpu.memory_space<vmem>>
      %dma_start3A_267 = tpu.memref_squeeze %dma_start3A_266 : memref<1x32x50xi32, #tpu.memory_space<vmem>> -> memref<32x50xi32, #tpu.memory_space<vmem>>
      %dma_start3A_268 = arith.constant 0 : i32
      %dma_start3A_269 = tpu.memref_slice %dma_start3A_267[%dma_start3A_252, %dma_start3A_268] : memref<32x50xi32, #tpu.memory_space<vmem>> -> memref<1x50xi32, #tpu.memory_space<vmem>>
      %dma_start3A_270 = tpu.memref_squeeze %dma_start3A_269 : memref<1x50xi32, #tpu.memory_space<vmem>> -> memref<50xi32, #tpu.memory_space<vmem>>
      %dma_start3A_271 = arith.constant 0 : i32
      %dma_start3A_272 = arith.constant 0 : i32
      %dma_start3A_273 = tpu.memref_slice %arg3[%dma_start3A_271, %dma_start3A_272] : memref<1000000x32xf32, #tpu.memory_space<hbm>> -> memref<1000000x32xf32, #tpu.memory_space<hbm>>
      tpu.enqueue_indirect_dma source(%dma_start3A_273 : memref<1000000x32xf32, #tpu.memory_space<hbm>>) target(%dma_start3A_263 : memref<50x32xf32, #tpu.memory_space<vmem>>) offsets(%dma_start3A_270 : memref<50xi32, #tpu.memory_space<vmem>>) semaphore(%arg11 : memref<!tpu.dma_semaphore, #tpu.memory_space<semaphore_mem>>)
      %dma_start3A_274 = arith.constant 0 : i32
      %dma_start3A_275 = arith.constant 8 : i32
      %dma_start3A_276 = arith.constant 0 : i32
      %dma_start3A_277 = arith.constant 8 : i32
      %dma_start3A_278 = arith.constant 0 : i32
      %dma_start3A_279 = arith.constant 0 : i32
      %dma_start3A_280 = arith.constant 0 : i32
      %dma_start3A_281 = tpu.memref_slice %arg6[%dma_start3A_276, %dma_start3A_278, %dma_start3A_279, %dma_start3A_280] : memref<2x32x50x32xf32, #tpu.memory_space<vmem>> -> memref<1x32x50x32xf32, #tpu.memory_space<vmem>>
      %dma_start3A_282 = tpu.memref_squeeze %dma_start3A_281 : memref<1x32x50x32xf32, #tpu.memory_space<vmem>> -> memref<32x50x32xf32, #tpu.memory_space<vmem>>
      %dma_start3A_283 = arith.constant 0 : i32
      %dma_start3A_284 = arith.constant 0 : i32
      %dma_start3A_285 = tpu.memref_slice %dma_start3A_282[%dma_start3A_277, %dma_start3A_283, %dma_start3A_284] : memref<32x50x32xf32, #tpu.memory_space<vmem>> -> memref<1x50x32xf32, #tpu.memory_space<vmem>>
      %dma_start3A_286 = tpu.memref_squeeze %dma_start3A_285 : memref<1x50x32xf32, #tpu.memory_space<vmem>> -> memref<50x32xf32, #tpu.memory_space<vmem>>
      %dma_start3A_287 = arith.constant 0 : i32
      %dma_start3A_288 = arith.constant 0 : i32
      %dma_start3A_289 = tpu.memref_slice %arg5[%dma_start3A_274, %dma_start3A_287, %dma_start3A_288] : memref<2x32x50xi32, #tpu.memory_space<vmem>> -> memref<1x32x50xi32, #tpu.memory_space<vmem>>
      %dma_start3A_290 = tpu.memref_squeeze %dma_start3A_289 : memref<1x32x50xi32, #tpu.memory_space<vmem>> -> memref<32x50xi32, #tpu.memory_space<vmem>>
      %dma_start3A_291 = arith.constant 0 : i32
      %dma_start3A_292 = tpu.memref_slice %dma_start3A_290[%dma_start3A_275, %dma_start3A_291] : memref<32x50xi32, #tpu.memory_space<vmem>> -> memref<1x50xi32, #tpu.memory_space<vmem>>
      %dma_start3A_293 = tpu.memref_squeeze %dma_start3A_292 : memref<1x50xi32, #tpu.memory_space<vmem>> -> memref<50xi32, #tpu.memory_space<vmem>>
      %dma_start3A_294 = arith.constant 0 : i32
      %dma_start3A_295 = arith.constant 0 : i32
      %dma_start3A_296 = tpu.memref_slice %arg3[%dma_start3A_294, %dma_start3A_295] : memref<1000000x32xf32, #tpu.memory_space<hbm>> -> memref<1000000x32xf32, #tpu.memory_space<hbm>>
      tpu.enqueue_indirect_dma source(%dma_start3A_296 : memref<1000000x32xf32, #tpu.memory_space<hbm>>) target(%dma_start3A_286 : memref<50x32xf32, #tpu.memory_space<vmem>>) offsets(%dma_start3A_293 : memref<50xi32, #tpu.memory_space<vmem>>) semaphore(%arg11 : memref<!tpu.dma_semaphore, #tpu.memory_space<semaphore_mem>>)
      %dma_start3A_297 = arith.constant 0 : i32
      %dma_start3A_298 = arith.constant 9 : i32
      %dma_start3A_299 = arith.constant 0 : i32
      %dma_start3A_300 = arith.constant 9 : i32
      %dma_start3A_301 = arith.constant 0 : i32
      %dma_start3A_302 = arith.constant 0 : i32
      %dma_start3A_303 = arith.constant 0 : i32
      %dma_start3A_304 = tpu.memref_slice %arg6[%dma_start3A_299, %dma_start3A_301, %dma_start3A_302, %dma_start3A_303] : memref<2x32x50x32xf32, #tpu.memory_space<vmem>> -> memref<1x32x50x32xf32, #tpu.memory_space<vmem>>
      %dma_start3A_305 = tpu.memref_squeeze %dma_start3A_304 : memref<1x32x50x32xf32, #tpu.memory_space<vmem>> -> memref<32x50x32xf32, #tpu.memory_space<vmem>>
      %dma_start3A_306 = arith.constant 0 : i32
      %dma_start3A_307 = arith.constant 0 : i32
      %dma_start3A_308 = tpu.memref_slice %dma_start3A_305[%dma_start3A_300, %dma_start3A_306, %dma_start3A_307] : memref<32x50x32xf32, #tpu.memory_space<vmem>> -> memref<1x50x32xf32, #tpu.memory_space<vmem>>
      %dma_start3A_309 = tpu.memref_squeeze %dma_start3A_308 : memref<1x50x32xf32, #tpu.memory_space<vmem>> -> memref<50x32xf32, #tpu.memory_space<vmem>>
      %dma_start3A_310 = arith.constant 0 : i32
      %dma_start3A_311 = arith.constant 0 : i32
      %dma_start3A_312 = tpu.memref_slice %arg5[%dma_start3A_297, %dma_start3A_310, %dma_start3A_311] : memref<2x32x50xi32, #tpu.memory_space<vmem>> -> memref<1x32x50xi32, #tpu.memory_space<vmem>>
      %dma_start3A_313 = tpu.memref_squeeze %dma_start3A_312 : memref<1x32x50xi32, #tpu.memory_space<vmem>> -> memref<32x50xi32, #tpu.memory_space<vmem>>
      %dma_start3A_314 = arith.constant 0 : i32
      %dma_start3A_315 = tpu.memref_slice %dma_start3A_313[%dma_start3A_298, %dma_start3A_314] : memref<32x50xi32, #tpu.memory_space<vmem>> -> memref<1x50xi32, #tpu.memory_space<vmem>>
      %dma_start3A_316 = tpu.memref_squeeze %dma_start3A_315 : memref<1x50xi32, #tpu.memory_space<vmem>> -> memref<50xi32, #tpu.memory_space<vmem>>
      %dma_start3A_317 = arith.constant 0 : i32
      %dma_start3A_318 = arith.constant 0 : i32
      %dma_start3A_319 = tpu.memref_slice %arg3[%dma_start3A_317, %dma_start3A_318] : memref<1000000x32xf32, #tpu.memory_space<hbm>> -> memref<1000000x32xf32, #tpu.memory_space<hbm>>
      tpu.enqueue_indirect_dma source(%dma_start3A_319 : memref<1000000x32xf32, #tpu.memory_space<hbm>>) target(%dma_start3A_309 : memref<50x32xf32, #tpu.memory_space<vmem>>) offsets(%dma_start3A_316 : memref<50xi32, #tpu.memory_space<vmem>>) semaphore(%arg11 : memref<!tpu.dma_semaphore, #tpu.memory_space<semaphore_mem>>)
      %dma_start3A_320 = arith.constant 0 : i32
      %dma_start3A_321 = arith.constant 10 : i32
      %dma_start3A_322 = arith.constant 0 : i32
      %dma_start3A_323 = arith.constant 10 : i32
      %dma_start3A_324 = arith.constant 0 : i32
      %dma_start3A_325 = arith.constant 0 : i32
      %dma_start3A_326 = arith.constant 0 : i32
      %dma_start3A_327 = tpu.memref_slice %arg6[%dma_start3A_322, %dma_start3A_324, %dma_start3A_325, %dma_start3A_326] : memref<2x32x50x32xf32, #tpu.memory_space<vmem>> -> memref<1x32x50x32xf32, #tpu.memory_space<vmem>>
      %dma_start3A_328 = tpu.memref_squeeze %dma_start3A_327 : memref<1x32x50x32xf32, #tpu.memory_space<vmem>> -> memref<32x50x32xf32, #tpu.memory_space<vmem>>
      %dma_start3A_329 = arith.constant 0 : i32
      %dma_start3A_330 = arith.constant 0 : i32
      %dma_start3A_331 = tpu.memref_slice %dma_start3A_328[%dma_start3A_323, %dma_start3A_329, %dma_start3A_330] : memref<32x50x32xf32, #tpu.memory_space<vmem>> -> memref<1x50x32xf32, #tpu.memory_space<vmem>>
      %dma_start3A_332 = tpu.memref_squeeze %dma_start3A_331 : memref<1x50x32xf32, #tpu.memory_space<vmem>> -> memref<50x32xf32, #tpu.memory_space<vmem>>
      %dma_start3A_333 = arith.constant 0 : i32
      %dma_start3A_334 = arith.constant 0 : i32
      %dma_start3A_335 = tpu.memref_slice %arg5[%dma_start3A_320, %dma_start3A_333, %dma_start3A_334] : memref<2x32x50xi32, #tpu.memory_space<vmem>> -> memref<1x32x50xi32, #tpu.memory_space<vmem>>
      %dma_start3A_336 = tpu.memref_squeeze %dma_start3A_335 : memref<1x32x50xi32, #tpu.memory_space<vmem>> -> memref<32x50xi32, #tpu.memory_space<vmem>>
      %dma_start3A_337 = arith.constant 0 : i32
      %dma_start3A_338 = tpu.memref_slice %dma_start3A_336[%dma_start3A_321, %dma_start3A_337] : memref<32x50xi32, #tpu.memory_space<vmem>> -> memref<1x50xi32, #tpu.memory_space<vmem>>
      %dma_start3A_339 = tpu.memref_squeeze %dma_start3A_338 : memref<1x50xi32, #tpu.memory_space<vmem>> -> memref<50xi32, #tpu.memory_space<vmem>>
      %dma_start3A_340 = arith.constant 0 : i32
      %dma_start3A_341 = arith.constant 0 : i32
      %dma_start3A_342 = tpu.memref_slice %arg3[%dma_start3A_340, %dma_start3A_341] : memref<1000000x32xf32, #tpu.memory_space<hbm>> -> memref<1000000x32xf32, #tpu.memory_space<hbm>>
      tpu.enqueue_indirect_dma source(%dma_start3A_342 : memref<1000000x32xf32, #tpu.memory_space<hbm>>) target(%dma_start3A_332 : memref<50x32xf32, #tpu.memory_space<vmem>>) offsets(%dma_start3A_339 : memref<50xi32, #tpu.memory_space<vmem>>) semaphore(%arg11 : memref<!tpu.dma_semaphore, #tpu.memory_space<semaphore_mem>>)
      %dma_start3A_343 = arith.constant 0 : i32
      %dma_start3A_344 = arith.constant 11 : i32
      %dma_start3A_345 = arith.constant 0 : i32
      %dma_start3A_346 = arith.constant 11 : i32
      %dma_start3A_347 = arith.constant 0 : i32
      %dma_start3A_348 = arith.constant 0 : i32
      %dma_start3A_349 = arith.constant 0 : i32
      %dma_start3A_350 = tpu.memref_slice %arg6[%dma_start3A_345, %dma_start3A_347, %dma_start3A_348, %dma_start3A_349] : memref<2x32x50x32xf32, #tpu.memory_space<vmem>> -> memref<1x32x50x32xf32, #tpu.memory_space<vmem>>
      %dma_start3A_351 = tpu.memref_squeeze %dma_start3A_350 : memref<1x32x50x32xf32, #tpu.memory_space<vmem>> -> memref<32x50x32xf32, #tpu.memory_space<vmem>>
      %dma_start3A_352 = arith.constant 0 : i32
      %dma_start3A_353 = arith.constant 0 : i32
      %dma_start3A_354 = tpu.memref_slice %dma_start3A_351[%dma_start3A_346, %dma_start3A_352, %dma_start3A_353] : memref<32x50x32xf32, #tpu.memory_space<vmem>> -> memref<1x50x32xf32, #tpu.memory_space<vmem>>
      %dma_start3A_355 = tpu.memref_squeeze %dma_start3A_354 : memref<1x50x32xf32, #tpu.memory_space<vmem>> -> memref<50x32xf32, #tpu.memory_space<vmem>>
      %dma_start3A_356 = arith.constant 0 : i32
      %dma_start3A_357 = arith.constant 0 : i32
      %dma_start3A_358 = tpu.memref_slice %arg5[%dma_start3A_343, %dma_start3A_356, %dma_start3A_357] : memref<2x32x50xi32, #tpu.memory_space<vmem>> -> memref<1x32x50xi32, #tpu.memory_space<vmem>>
      %dma_start3A_359 = tpu.memref_squeeze %dma_start3A_358 : memref<1x32x50xi32, #tpu.memory_space<vmem>> -> memref<32x50xi32, #tpu.memory_space<vmem>>
      %dma_start3A_360 = arith.constant 0 : i32
      %dma_start3A_361 = tpu.memref_slice %dma_start3A_359[%dma_start3A_344, %dma_start3A_360] : memref<32x50xi32, #tpu.memory_space<vmem>> -> memref<1x50xi32, #tpu.memory_space<vmem>>
      %dma_start3A_362 = tpu.memref_squeeze %dma_start3A_361 : memref<1x50xi32, #tpu.memory_space<vmem>> -> memref<50xi32, #tpu.memory_space<vmem>>
      %dma_start3A_363 = arith.constant 0 : i32
      %dma_start3A_364 = arith.constant 0 : i32
      %dma_start3A_365 = tpu.memref_slice %arg3[%dma_start3A_363, %dma_start3A_364] : memref<1000000x32xf32, #tpu.memory_space<hbm>> -> memref<1000000x32xf32, #tpu.memory_space<hbm>>
      tpu.enqueue_indirect_dma source(%dma_start3A_365 : memref<1000000x32xf32, #tpu.memory_space<hbm>>) target(%dma_start3A_355 : memref<50x32xf32, #tpu.memory_space<vmem>>) offsets(%dma_start3A_362 : memref<50xi32, #tpu.memory_space<vmem>>) semaphore(%arg11 : memref<!tpu.dma_semaphore, #tpu.memory_space<semaphore_mem>>)
      %dma_start3A_366 = arith.constant 0 : i32
      %dma_start3A_367 = arith.constant 12 : i32
      %dma_start3A_368 = arith.constant 0 : i32
      %dma_start3A_369 = arith.constant 12 : i32
      %dma_start3A_370 = arith.constant 0 : i32
      %dma_start3A_371 = arith.constant 0 : i32
      %dma_start3A_372 = arith.constant 0 : i32
      %dma_start3A_373 = tpu.memref_slice %arg6[%dma_start3A_368, %dma_start3A_370, %dma_start3A_371, %dma_start3A_372] : memref<2x32x50x32xf32, #tpu.memory_space<vmem>> -> memref<1x32x50x32xf32, #tpu.memory_space<vmem>>
      %dma_start3A_374 = tpu.memref_squeeze %dma_start3A_373 : memref<1x32x50x32xf32, #tpu.memory_space<vmem>> -> memref<32x50x32xf32, #tpu.memory_space<vmem>>
      %dma_start3A_375 = arith.constant 0 : i32
      %dma_start3A_376 = arith.constant 0 : i32
      %dma_start3A_377 = tpu.memref_slice %dma_start3A_374[%dma_start3A_369, %dma_start3A_375, %dma_start3A_376] : memref<32x50x32xf32, #tpu.memory_space<vmem>> -> memref<1x50x32xf32, #tpu.memory_space<vmem>>
      %dma_start3A_378 = tpu.memref_squeeze %dma_start3A_377 : memref<1x50x32xf32, #tpu.memory_space<vmem>> -> memref<50x32xf32, #tpu.memory_space<vmem>>
      %dma_start3A_379 = arith.constant 0 : i32
      %dma_start3A_380 = arith.constant 0 : i32
      %dma_start3A_381 = tpu.memref_slice %arg5[%dma_start3A_366, %dma_start3A_379, %dma_start3A_380] : memref<2x32x50xi32, #tpu.memory_space<vmem>> -> memref<1x32x50xi32, #tpu.memory_space<vmem>>
      %dma_start3A_382 = tpu.memref_squeeze %dma_start3A_381 : memref<1x32x50xi32, #tpu.memory_space<vmem>> -> memref<32x50xi32, #tpu.memory_space<vmem>>
      %dma_start3A_383 = arith.constant 0 : i32
      %dma_start3A_384 = tpu.memref_slice %dma_start3A_382[%dma_start3A_367, %dma_start3A_383] : memref<32x50xi32, #tpu.memory_space<vmem>> -> memref<1x50xi32, #tpu.memory_space<vmem>>
      %dma_start3A_385 = tpu.memref_squeeze %dma_start3A_384 : memref<1x50xi32, #tpu.memory_space<vmem>> -> memref<50xi32, #tpu.memory_space<vmem>>
      %dma_start3A_386 = arith.constant 0 : i32
      %dma_start3A_387 = arith.constant 0 : i32
      %dma_start3A_388 = tpu.memref_slice %arg3[%dma_start3A_386, %dma_start3A_387] : memref<1000000x32xf32, #tpu.memory_space<hbm>> -> memref<1000000x32xf32, #tpu.memory_space<hbm>>
      tpu.enqueue_indirect_dma source(%dma_start3A_388 : memref<1000000x32xf32, #tpu.memory_space<hbm>>) target(%dma_start3A_378 : memref<50x32xf32, #tpu.memory_space<vmem>>) offsets(%dma_start3A_385 : memref<50xi32, #tpu.memory_space<vmem>>) semaphore(%arg11 : memref<!tpu.dma_semaphore, #tpu.memory_space<semaphore_mem>>)
      %dma_start3A_389 = arith.constant 0 : i32
      %dma_start3A_390 = arith.constant 13 : i32
      %dma_start3A_391 = arith.constant 0 : i32
      %dma_start3A_392 = arith.constant 13 : i32
      %dma_start3A_393 = arith.constant 0 : i32
      %dma_start3A_394 = arith.constant 0 : i32
      %dma_start3A_395 = arith.constant 0 : i32
      %dma_start3A_396 = tpu.memref_slice %arg6[%dma_start3A_391, %dma_start3A_393, %dma_start3A_394, %dma_start3A_395] : memref<2x32x50x32xf32, #tpu.memory_space<vmem>> -> memref<1x32x50x32xf32, #tpu.memory_space<vmem>>
      %dma_start3A_397 = tpu.memref_squeeze %dma_start3A_396 : memref<1x32x50x32xf32, #tpu.memory_space<vmem>> -> memref<32x50x32xf32, #tpu.memory_space<vmem>>
      %dma_start3A_398 = arith.constant 0 : i32
      %dma_start3A_399 = arith.constant 0 : i32
      %dma_start3A_400 = tpu.memref_slice %dma_start3A_397[%dma_start3A_392, %dma_start3A_398, %dma_start3A_399] : memref<32x50x32xf32, #tpu.memory_space<vmem>> -> memref<1x50x32xf32, #tpu.memory_space<vmem>>
      %dma_start3A_401 = tpu.memref_squeeze %dma_start3A_400 : memref<1x50x32xf32, #tpu.memory_space<vmem>> -> memref<50x32xf32, #tpu.memory_space<vmem>>
      %dma_start3A_402 = arith.constant 0 : i32
      %dma_start3A_403 = arith.constant 0 : i32
      %dma_start3A_404 = tpu.memref_slice %arg5[%dma_start3A_389, %dma_start3A_402, %dma_start3A_403] : memref<2x32x50xi32, #tpu.memory_space<vmem>> -> memref<1x32x50xi32, #tpu.memory_space<vmem>>
      %dma_start3A_405 = tpu.memref_squeeze %dma_start3A_404 : memref<1x32x50xi32, #tpu.memory_space<vmem>> -> memref<32x50xi32, #tpu.memory_space<vmem>>
      %dma_start3A_406 = arith.constant 0 : i32
      %dma_start3A_407 = tpu.memref_slice %dma_start3A_405[%dma_start3A_390, %dma_start3A_406] : memref<32x50xi32, #tpu.memory_space<vmem>> -> memref<1x50xi32, #tpu.memory_space<vmem>>
      %dma_start3A_408 = tpu.memref_squeeze %dma_start3A_407 : memref<1x50xi32, #tpu.memory_space<vmem>> -> memref<50xi32, #tpu.memory_space<vmem>>
      %dma_start3A_409 = arith.constant 0 : i32
      %dma_start3A_410 = arith.constant 0 : i32
      %dma_start3A_411 = tpu.memref_slice %arg3[%dma_start3A_409, %dma_start3A_410] : memref<1000000x32xf32, #tpu.memory_space<hbm>> -> memref<1000000x32xf32, #tpu.memory_space<hbm>>
      tpu.enqueue_indirect_dma source(%dma_start3A_411 : memref<1000000x32xf32, #tpu.memory_space<hbm>>) target(%dma_start3A_401 : memref<50x32xf32, #tpu.memory_space<vmem>>) offsets(%dma_start3A_408 : memref<50xi32, #tpu.memory_space<vmem>>) semaphore(%arg11 : memref<!tpu.dma_semaphore, #tpu.memory_space<semaphore_mem>>)
      %dma_start3A_412 = arith.constant 0 : i32
      %dma_start3A_413 = arith.constant 14 : i32
      %dma_start3A_414 = arith.constant 0 : i32
      %dma_start3A_415 = arith.constant 14 : i32
      %dma_start3A_416 = arith.constant 0 : i32
      %dma_start3A_417 = arith.constant 0 : i32
      %dma_start3A_418 = arith.constant 0 : i32
      %dma_start3A_419 = tpu.memref_slice %arg6[%dma_start3A_414, %dma_start3A_416, %dma_start3A_417, %dma_start3A_418] : memref<2x32x50x32xf32, #tpu.memory_space<vmem>> -> memref<1x32x50x32xf32, #tpu.memory_space<vmem>>
      %dma_start3A_420 = tpu.memref_squeeze %dma_start3A_419 : memref<1x32x50x32xf32, #tpu.memory_space<vmem>> -> memref<32x50x32xf32, #tpu.memory_space<vmem>>
      %dma_start3A_421 = arith.constant 0 : i32
      %dma_start3A_422 = arith.constant 0 : i32
      %dma_start3A_423 = tpu.memref_slice %dma_start3A_420[%dma_start3A_415, %dma_start3A_421, %dma_start3A_422] : memref<32x50x32xf32, #tpu.memory_space<vmem>> -> memref<1x50x32xf32, #tpu.memory_space<vmem>>
      %dma_start3A_424 = tpu.memref_squeeze %dma_start3A_423 : memref<1x50x32xf32, #tpu.memory_space<vmem>> -> memref<50x32xf32, #tpu.memory_space<vmem>>
      %dma_start3A_425 = arith.constant 0 : i32
      %dma_start3A_426 = arith.constant 0 : i32
      %dma_start3A_427 = tpu.memref_slice %arg5[%dma_start3A_412, %dma_start3A_425, %dma_start3A_426] : memref<2x32x50xi32, #tpu.memory_space<vmem>> -> memref<1x32x50xi32, #tpu.memory_space<vmem>>
      %dma_start3A_428 = tpu.memref_squeeze %dma_start3A_427 : memref<1x32x50xi32, #tpu.memory_space<vmem>> -> memref<32x50xi32, #tpu.memory_space<vmem>>
      %dma_start3A_429 = arith.constant 0 : i32
      %dma_start3A_430 = tpu.memref_slice %dma_start3A_428[%dma_start3A_413, %dma_start3A_429] : memref<32x50xi32, #tpu.memory_space<vmem>> -> memref<1x50xi32, #tpu.memory_space<vmem>>
      %dma_start3A_431 = tpu.memref_squeeze %dma_start3A_430 : memref<1x50xi32, #tpu.memory_space<vmem>> -> memref<50xi32, #tpu.memory_space<vmem>>
      %dma_start3A_432 = arith.constant 0 : i32
      %dma_start3A_433 = arith.constant 0 : i32
      %dma_start3A_434 = tpu.memref_slice %arg3[%dma_start3A_432, %dma_start3A_433] : memref<1000000x32xf32, #tpu.memory_space<hbm>> -> memref<1000000x32xf32, #tpu.memory_space<hbm>>
      tpu.enqueue_indirect_dma source(%dma_start3A_434 : memref<1000000x32xf32, #tpu.memory_space<hbm>>) target(%dma_start3A_424 : memref<50x32xf32, #tpu.memory_space<vmem>>) offsets(%dma_start3A_431 : memref<50xi32, #tpu.memory_space<vmem>>) semaphore(%arg11 : memref<!tpu.dma_semaphore, #tpu.memory_space<semaphore_mem>>)
      %dma_start3A_435 = arith.constant 0 : i32
      %dma_start3A_436 = arith.constant 15 : i32
      %dma_start3A_437 = arith.constant 0 : i32
      %dma_start3A_438 = arith.constant 15 : i32
      %dma_start3A_439 = arith.constant 0 : i32
      %dma_start3A_440 = arith.constant 0 : i32
      %dma_start3A_441 = arith.constant 0 : i32
      %dma_start3A_442 = tpu.memref_slice %arg6[%dma_start3A_437, %dma_start3A_439, %dma_start3A_440, %dma_start3A_441] : memref<2x32x50x32xf32, #tpu.memory_space<vmem>> -> memref<1x32x50x32xf32, #tpu.memory_space<vmem>>
      %dma_start3A_443 = tpu.memref_squeeze %dma_start3A_442 : memref<1x32x50x32xf32, #tpu.memory_space<vmem>> -> memref<32x50x32xf32, #tpu.memory_space<vmem>>
      %dma_start3A_444 = arith.constant 0 : i32
      %dma_start3A_445 = arith.constant 0 : i32
      %dma_start3A_446 = tpu.memref_slice %dma_start3A_443[%dma_start3A_438, %dma_start3A_444, %dma_start3A_445] : memref<32x50x32xf32, #tpu.memory_space<vmem>> -> memref<1x50x32xf32, #tpu.memory_space<vmem>>
      %dma_start3A_447 = tpu.memref_squeeze %dma_start3A_446 : memref<1x50x32xf32, #tpu.memory_space<vmem>> -> memref<50x32xf32, #tpu.memory_space<vmem>>
      %dma_start3A_448 = arith.constant 0 : i32
      %dma_start3A_449 = arith.constant 0 : i32
      %dma_start3A_450 = tpu.memref_slice %arg5[%dma_start3A_435, %dma_start3A_448, %dma_start3A_449] : memref<2x32x50xi32, #tpu.memory_space<vmem>> -> memref<1x32x50xi32, #tpu.memory_space<vmem>>
      %dma_start3A_451 = tpu.memref_squeeze %dma_start3A_450 : memref<1x32x50xi32, #tpu.memory_space<vmem>> -> memref<32x50xi32, #tpu.memory_space<vmem>>
      %dma_start3A_452 = arith.constant 0 : i32
      %dma_start3A_453 = tpu.memref_slice %dma_start3A_451[%dma_start3A_436, %dma_start3A_452] : memref<32x50xi32, #tpu.memory_space<vmem>> -> memref<1x50xi32, #tpu.memory_space<vmem>>
      %dma_start3A_454 = tpu.memref_squeeze %dma_start3A_453 : memref<1x50xi32, #tpu.memory_space<vmem>> -> memref<50xi32, #tpu.memory_space<vmem>>
      %dma_start3A_455 = arith.constant 0 : i32
      %dma_start3A_456 = arith.constant 0 : i32
      %dma_start3A_457 = tpu.memref_slice %arg3[%dma_start3A_455, %dma_start3A_456] : memref<1000000x32xf32, #tpu.memory_space<hbm>> -> memref<1000000x32xf32, #tpu.memory_space<hbm>>
      tpu.enqueue_indirect_dma source(%dma_start3A_457 : memref<1000000x32xf32, #tpu.memory_space<hbm>>) target(%dma_start3A_447 : memref<50x32xf32, #tpu.memory_space<vmem>>) offsets(%dma_start3A_454 : memref<50xi32, #tpu.memory_space<vmem>>) semaphore(%arg11 : memref<!tpu.dma_semaphore, #tpu.memory_space<semaphore_mem>>)
      %dma_start3A_458 = arith.constant 0 : i32
      %dma_start3A_459 = arith.constant 16 : i32
      %dma_start3A_460 = arith.constant 0 : i32
      %dma_start3A_461 = arith.constant 16 : i32
      %dma_start3A_462 = arith.constant 0 : i32
      %dma_start3A_463 = arith.constant 0 : i32
      %dma_start3A_464 = arith.constant 0 : i32
      %dma_start3A_465 = tpu.memref_slice %arg6[%dma_start3A_460, %dma_start3A_462, %dma_start3A_463, %dma_start3A_464] : memref<2x32x50x32xf32, #tpu.memory_space<vmem>> -> memref<1x32x50x32xf32, #tpu.memory_space<vmem>>
      %dma_start3A_466 = tpu.memref_squeeze %dma_start3A_465 : memref<1x32x50x32xf32, #tpu.memory_space<vmem>> -> memref<32x50x32xf32, #tpu.memory_space<vmem>>
      %dma_start3A_467 = arith.constant 0 : i32
      %dma_start3A_468 = arith.constant 0 : i32
      %dma_start3A_469 = tpu.memref_slice %dma_start3A_466[%dma_start3A_461, %dma_start3A_467, %dma_start3A_468] : memref<32x50x32xf32, #tpu.memory_space<vmem>> -> memref<1x50x32xf32, #tpu.memory_space<vmem>>
      %dma_start3A_470 = tpu.memref_squeeze %dma_start3A_469 : memref<1x50x32xf32, #tpu.memory_space<vmem>> -> memref<50x32xf32, #tpu.memory_space<vmem>>
      %dma_start3A_471 = arith.constant 0 : i32
      %dma_start3A_472 = arith.constant 0 : i32
      %dma_start3A_473 = tpu.memref_slice %arg5[%dma_start3A_458, %dma_start3A_471, %dma_start3A_472] : memref<2x32x50xi32, #tpu.memory_space<vmem>> -> memref<1x32x50xi32, #tpu.memory_space<vmem>>
      %dma_start3A_474 = tpu.memref_squeeze %dma_start3A_473 : memref<1x32x50xi32, #tpu.memory_space<vmem>> -> memref<32x50xi32, #tpu.memory_space<vmem>>
      %dma_start3A_475 = arith.constant 0 : i32
      %dma_start3A_476 = tpu.memref_slice %dma_start3A_474[%dma_start3A_459, %dma_start3A_475] : memref<32x50xi32, #tpu.memory_space<vmem>> -> memref<1x50xi32, #tpu.memory_space<vmem>>
      %dma_start3A_477 = tpu.memref_squeeze %dma_start3A_476 : memref<1x50xi32, #tpu.memory_space<vmem>> -> memref<50xi32, #tpu.memory_space<vmem>>
      %dma_start3A_478 = arith.constant 0 : i32
      %dma_start3A_479 = arith.constant 0 : i32
      %dma_start3A_480 = tpu.memref_slice %arg3[%dma_start3A_478, %dma_start3A_479] : memref<1000000x32xf32, #tpu.memory_space<hbm>> -> memref<1000000x32xf32, #tpu.memory_space<hbm>>
      tpu.enqueue_indirect_dma source(%dma_start3A_480 : memref<1000000x32xf32, #tpu.memory_space<hbm>>) target(%dma_start3A_470 : memref<50x32xf32, #tpu.memory_space<vmem>>) offsets(%dma_start3A_477 : memref<50xi32, #tpu.memory_space<vmem>>) semaphore(%arg11 : memref<!tpu.dma_semaphore, #tpu.memory_space<semaphore_mem>>)
      %dma_start3A_481 = arith.constant 0 : i32
      %dma_start3A_482 = arith.constant 17 : i32
      %dma_start3A_483 = arith.constant 0 : i32
      %dma_start3A_484 = arith.constant 17 : i32
      %dma_start3A_485 = arith.constant 0 : i32
      %dma_start3A_486 = arith.constant 0 : i32
      %dma_start3A_487 = arith.constant 0 : i32
      %dma_start3A_488 = tpu.memref_slice %arg6[%dma_start3A_483, %dma_start3A_485, %dma_start3A_486, %dma_start3A_487] : memref<2x32x50x32xf32, #tpu.memory_space<vmem>> -> memref<1x32x50x32xf32, #tpu.memory_space<vmem>>
      %dma_start3A_489 = tpu.memref_squeeze %dma_start3A_488 : memref<1x32x50x32xf32, #tpu.memory_space<vmem>> -> memref<32x50x32xf32, #tpu.memory_space<vmem>>
      %dma_start3A_490 = arith.constant 0 : i32
      %dma_start3A_491 = arith.constant 0 : i32
      %dma_start3A_492 = tpu.memref_slice %dma_start3A_489[%dma_start3A_484, %dma_start3A_490, %dma_start3A_491] : memref<32x50x32xf32, #tpu.memory_space<vmem>> -> memref<1x50x32xf32, #tpu.memory_space<vmem>>
      %dma_start3A_493 = tpu.memref_squeeze %dma_start3A_492 : memref<1x50x32xf32, #tpu.memory_space<vmem>> -> memref<50x32xf32, #tpu.memory_space<vmem>>
      %dma_start3A_494 = arith.constant 0 : i32
      %dma_start3A_495 = arith.constant 0 : i32
      %dma_start3A_496 = tpu.memref_slice %arg5[%dma_start3A_481, %dma_start3A_494, %dma_start3A_495] : memref<2x32x50xi32, #tpu.memory_space<vmem>> -> memref<1x32x50xi32, #tpu.memory_space<vmem>>
      %dma_start3A_497 = tpu.memref_squeeze %dma_start3A_496 : memref<1x32x50xi32, #tpu.memory_space<vmem>> -> memref<32x50xi32, #tpu.memory_space<vmem>>
      %dma_start3A_498 = arith.constant 0 : i32
      %dma_start3A_499 = tpu.memref_slice %dma_start3A_497[%dma_start3A_482, %dma_start3A_498] : memref<32x50xi32, #tpu.memory_space<vmem>> -> memref<1x50xi32, #tpu.memory_space<vmem>>
      %dma_start3A_500 = tpu.memref_squeeze %dma_start3A_499 : memref<1x50xi32, #tpu.memory_space<vmem>> -> memref<50xi32, #tpu.memory_space<vmem>>
      %dma_start3A_501 = arith.constant 0 : i32
      %dma_start3A_502 = arith.constant 0 : i32
      %dma_start3A_503 = tpu.memref_slice %arg3[%dma_start3A_501, %dma_start3A_502] : memref<1000000x32xf32, #tpu.memory_space<hbm>> -> memref<1000000x32xf32, #tpu.memory_space<hbm>>
      tpu.enqueue_indirect_dma source(%dma_start3A_503 : memref<1000000x32xf32, #tpu.memory_space<hbm>>) target(%dma_start3A_493 : memref<50x32xf32, #tpu.memory_space<vmem>>) offsets(%dma_start3A_500 : memref<50xi32, #tpu.memory_space<vmem>>) semaphore(%arg11 : memref<!tpu.dma_semaphore, #tpu.memory_space<semaphore_mem>>)
      %dma_start3A_504 = arith.constant 0 : i32
      %dma_start3A_505 = arith.constant 18 : i32
      %dma_start3A_506 = arith.constant 0 : i32
      %dma_start3A_507 = arith.constant 18 : i32
      %dma_start3A_508 = arith.constant 0 : i32
      %dma_start3A_509 = arith.constant 0 : i32
      %dma_start3A_510 = arith.constant 0 : i32
      %dma_start3A_511 = tpu.memref_slice %arg6[%dma_start3A_506, %dma_start3A_508, %dma_start3A_509, %dma_start3A_510] : memref<2x32x50x32xf32, #tpu.memory_space<vmem>> -> memref<1x32x50x32xf32, #tpu.memory_space<vmem>>
      %dma_start3A_512 = tpu.memref_squeeze %dma_start3A_511 : memref<1x32x50x32xf32, #tpu.memory_space<vmem>> -> memref<32x50x32xf32, #tpu.memory_space<vmem>>
      %dma_start3A_513 = arith.constant 0 : i32
      %dma_start3A_514 = arith.constant 0 : i32
      %dma_start3A_515 = tpu.memref_slice %dma_start3A_512[%dma_start3A_507, %dma_start3A_513, %dma_start3A_514] : memref<32x50x32xf32, #tpu.memory_space<vmem>> -> memref<1x50x32xf32, #tpu.memory_space<vmem>>
      %dma_start3A_516 = tpu.memref_squeeze %dma_start3A_515 : memref<1x50x32xf32, #tpu.memory_space<vmem>> -> memref<50x32xf32, #tpu.memory_space<vmem>>
      %dma_start3A_517 = arith.constant 0 : i32
      %dma_start3A_518 = arith.constant 0 : i32
      %dma_start3A_519 = tpu.memref_slice %arg5[%dma_start3A_504, %dma_start3A_517, %dma_start3A_518] : memref<2x32x50xi32, #tpu.memory_space<vmem>> -> memref<1x32x50xi32, #tpu.memory_space<vmem>>
      %dma_start3A_520 = tpu.memref_squeeze %dma_start3A_519 : memref<1x32x50xi32, #tpu.memory_space<vmem>> -> memref<32x50xi32, #tpu.memory_space<vmem>>
      %dma_start3A_521 = arith.constant 0 : i32
      %dma_start3A_522 = tpu.memref_slice %dma_start3A_520[%dma_start3A_505, %dma_start3A_521] : memref<32x50xi32, #tpu.memory_space<vmem>> -> memref<1x50xi32, #tpu.memory_space<vmem>>
      %dma_start3A_523 = tpu.memref_squeeze %dma_start3A_522 : memref<1x50xi32, #tpu.memory_space<vmem>> -> memref<50xi32, #tpu.memory_space<vmem>>
      %dma_start3A_524 = arith.constant 0 : i32
      %dma_start3A_525 = arith.constant 0 : i32
      %dma_start3A_526 = tpu.memref_slice %arg3[%dma_start3A_524, %dma_start3A_525] : memref<1000000x32xf32, #tpu.memory_space<hbm>> -> memref<1000000x32xf32, #tpu.memory_space<hbm>>
      tpu.enqueue_indirect_dma source(%dma_start3A_526 : memref<1000000x32xf32, #tpu.memory_space<hbm>>) target(%dma_start3A_516 : memref<50x32xf32, #tpu.memory_space<vmem>>) offsets(%dma_start3A_523 : memref<50xi32, #tpu.memory_space<vmem>>) semaphore(%arg11 : memref<!tpu.dma_semaphore, #tpu.memory_space<semaphore_mem>>)
      %dma_start3A_527 = arith.constant 0 : i32
      %dma_start3A_528 = arith.constant 19 : i32
      %dma_start3A_529 = arith.constant 0 : i32
      %dma_start3A_530 = arith.constant 19 : i32
      %dma_start3A_531 = arith.constant 0 : i32
      %dma_start3A_532 = arith.constant 0 : i32
      %dma_start3A_533 = arith.constant 0 : i32
      %dma_start3A_534 = tpu.memref_slice %arg6[%dma_start3A_529, %dma_start3A_531, %dma_start3A_532, %dma_start3A_533] : memref<2x32x50x32xf32, #tpu.memory_space<vmem>> -> memref<1x32x50x32xf32, #tpu.memory_space<vmem>>
      %dma_start3A_535 = tpu.memref_squeeze %dma_start3A_534 : memref<1x32x50x32xf32, #tpu.memory_space<vmem>> -> memref<32x50x32xf32, #tpu.memory_space<vmem>>
      %dma_start3A_536 = arith.constant 0 : i32
      %dma_start3A_537 = arith.constant 0 : i32
      %dma_start3A_538 = tpu.memref_slice %dma_start3A_535[%dma_start3A_530, %dma_start3A_536, %dma_start3A_537] : memref<32x50x32xf32, #tpu.memory_space<vmem>> -> memref<1x50x32xf32, #tpu.memory_space<vmem>>
      %dma_start3A_539 = tpu.memref_squeeze %dma_start3A_538 : memref<1x50x32xf32, #tpu.memory_space<vmem>> -> memref<50x32xf32, #tpu.memory_space<vmem>>
      %dma_start3A_540 = arith.constant 0 : i32
      %dma_start3A_541 = arith.constant 0 : i32
      %dma_start3A_542 = tpu.memref_slice %arg5[%dma_start3A_527, %dma_start3A_540, %dma_start3A_541] : memref<2x32x50xi32, #tpu.memory_space<vmem>> -> memref<1x32x50xi32, #tpu.memory_space<vmem>>
      %dma_start3A_543 = tpu.memref_squeeze %dma_start3A_542 : memref<1x32x50xi32, #tpu.memory_space<vmem>> -> memref<32x50xi32, #tpu.memory_space<vmem>>
      %dma_start3A_544 = arith.constant 0 : i32
      %dma_start3A_545 = tpu.memref_slice %dma_start3A_543[%dma_start3A_528, %dma_start3A_544] : memref<32x50xi32, #tpu.memory_space<vmem>> -> memref<1x50xi32, #tpu.memory_space<vmem>>
      %dma_start3A_546 = tpu.memref_squeeze %dma_start3A_545 : memref<1x50xi32, #tpu.memory_space<vmem>> -> memref<50xi32, #tpu.memory_space<vmem>>
      %dma_start3A_547 = arith.constant 0 : i32
      %dma_start3A_548 = arith.constant 0 : i32
      %dma_start3A_549 = tpu.memref_slice %arg3[%dma_start3A_547, %dma_start3A_548] : memref<1000000x32xf32, #tpu.memory_space<hbm>> -> memref<1000000x32xf32, #tpu.memory_space<hbm>>
      tpu.enqueue_indirect_dma source(%dma_start3A_549 : memref<1000000x32xf32, #tpu.memory_space<hbm>>) target(%dma_start3A_539 : memref<50x32xf32, #tpu.memory_space<vmem>>) offsets(%dma_start3A_546 : memref<50xi32, #tpu.memory_space<vmem>>) semaphore(%arg11 : memref<!tpu.dma_semaphore, #tpu.memory_space<semaphore_mem>>)
      %dma_start3A_550 = arith.constant 0 : i32
      %dma_start3A_551 = arith.constant 20 : i32
      %dma_start3A_552 = arith.constant 0 : i32
      %dma_start3A_553 = arith.constant 20 : i32
      %dma_start3A_554 = arith.constant 0 : i32
      %dma_start3A_555 = arith.constant 0 : i32
      %dma_start3A_556 = arith.constant 0 : i32
      %dma_start3A_557 = tpu.memref_slice %arg6[%dma_start3A_552, %dma_start3A_554, %dma_start3A_555, %dma_start3A_556] : memref<2x32x50x32xf32, #tpu.memory_space<vmem>> -> memref<1x32x50x32xf32, #tpu.memory_space<vmem>>
      %dma_start3A_558 = tpu.memref_squeeze %dma_start3A_557 : memref<1x32x50x32xf32, #tpu.memory_space<vmem>> -> memref<32x50x32xf32, #tpu.memory_space<vmem>>
      %dma_start3A_559 = arith.constant 0 : i32
      %dma_start3A_560 = arith.constant 0 : i32
      %dma_start3A_561 = tpu.memref_slice %dma_start3A_558[%dma_start3A_553, %dma_start3A_559, %dma_start3A_560] : memref<32x50x32xf32, #tpu.memory_space<vmem>> -> memref<1x50x32xf32, #tpu.memory_space<vmem>>
      %dma_start3A_562 = tpu.memref_squeeze %dma_start3A_561 : memref<1x50x32xf32, #tpu.memory_space<vmem>> -> memref<50x32xf32, #tpu.memory_space<vmem>>
      %dma_start3A_563 = arith.constant 0 : i32
      %dma_start3A_564 = arith.constant 0 : i32
      %dma_start3A_565 = tpu.memref_slice %arg5[%dma_start3A_550, %dma_start3A_563, %dma_start3A_564] : memref<2x32x50xi32, #tpu.memory_space<vmem>> -> memref<1x32x50xi32, #tpu.memory_space<vmem>>
      %dma_start3A_566 = tpu.memref_squeeze %dma_start3A_565 : memref<1x32x50xi32, #tpu.memory_space<vmem>> -> memref<32x50xi32, #tpu.memory_space<vmem>>
      %dma_start3A_567 = arith.constant 0 : i32
      %dma_start3A_568 = tpu.memref_slice %dma_start3A_566[%dma_start3A_551, %dma_start3A_567] : memref<32x50xi32, #tpu.memory_space<vmem>> -> memref<1x50xi32, #tpu.memory_space<vmem>>
      %dma_start3A_569 = tpu.memref_squeeze %dma_start3A_568 : memref<1x50xi32, #tpu.memory_space<vmem>> -> memref<50xi32, #tpu.memory_space<vmem>>
      %dma_start3A_570 = arith.constant 0 : i32
      %dma_start3A_571 = arith.constant 0 : i32
      %dma_start3A_572 = tpu.memref_slice %arg3[%dma_start3A_570, %dma_start3A_571] : memref<1000000x32xf32, #tpu.memory_space<hbm>> -> memref<1000000x32xf32, #tpu.memory_space<hbm>>
      tpu.enqueue_indirect_dma source(%dma_start3A_572 : memref<1000000x32xf32, #tpu.memory_space<hbm>>) target(%dma_start3A_562 : memref<50x32xf32, #tpu.memory_space<vmem>>) offsets(%dma_start3A_569 : memref<50xi32, #tpu.memory_space<vmem>>) semaphore(%arg11 : memref<!tpu.dma_semaphore, #tpu.memory_space<semaphore_mem>>)
      %dma_start3A_573 = arith.constant 0 : i32
      %dma_start3A_574 = arith.constant 21 : i32
      %dma_start3A_575 = arith.constant 0 : i32
      %dma_start3A_576 = arith.constant 21 : i32
      %dma_start3A_577 = arith.constant 0 : i32
      %dma_start3A_578 = arith.constant 0 : i32
      %dma_start3A_579 = arith.constant 0 : i32
      %dma_start3A_580 = tpu.memref_slice %arg6[%dma_start3A_575, %dma_start3A_577, %dma_start3A_578, %dma_start3A_579] : memref<2x32x50x32xf32, #tpu.memory_space<vmem>> -> memref<1x32x50x32xf32, #tpu.memory_space<vmem>>
      %dma_start3A_581 = tpu.memref_squeeze %dma_start3A_580 : memref<1x32x50x32xf32, #tpu.memory_space<vmem>> -> memref<32x50x32xf32, #tpu.memory_space<vmem>>
      %dma_start3A_582 = arith.constant 0 : i32
      %dma_start3A_583 = arith.constant 0 : i32
      %dma_start3A_584 = tpu.memref_slice %dma_start3A_581[%dma_start3A_576, %dma_start3A_582, %dma_start3A_583] : memref<32x50x32xf32, #tpu.memory_space<vmem>> -> memref<1x50x32xf32, #tpu.memory_space<vmem>>
      %dma_start3A_585 = tpu.memref_squeeze %dma_start3A_584 : memref<1x50x32xf32, #tpu.memory_space<vmem>> -> memref<50x32xf32, #tpu.memory_space<vmem>>
      %dma_start3A_586 = arith.constant 0 : i32
      %dma_start3A_587 = arith.constant 0 : i32
      %dma_start3A_588 = tpu.memref_slice %arg5[%dma_start3A_573, %dma_start3A_586, %dma_start3A_587] : memref<2x32x50xi32, #tpu.memory_space<vmem>> -> memref<1x32x50xi32, #tpu.memory_space<vmem>>
      %dma_start3A_589 = tpu.memref_squeeze %dma_start3A_588 : memref<1x32x50xi32, #tpu.memory_space<vmem>> -> memref<32x50xi32, #tpu.memory_space<vmem>>
      %dma_start3A_590 = arith.constant 0 : i32
      %dma_start3A_591 = tpu.memref_slice %dma_start3A_589[%dma_start3A_574, %dma_start3A_590] : memref<32x50xi32, #tpu.memory_space<vmem>> -> memref<1x50xi32, #tpu.memory_space<vmem>>
      %dma_start3A_592 = tpu.memref_squeeze %dma_start3A_591 : memref<1x50xi32, #tpu.memory_space<vmem>> -> memref<50xi32, #tpu.memory_space<vmem>>
      %dma_start3A_593 = arith.constant 0 : i32
      %dma_start3A_594 = arith.constant 0 : i32
      %dma_start3A_595 = tpu.memref_slice %arg3[%dma_start3A_593, %dma_start3A_594] : memref<1000000x32xf32, #tpu.memory_space<hbm>> -> memref<1000000x32xf32, #tpu.memory_space<hbm>>
      tpu.enqueue_indirect_dma source(%dma_start3A_595 : memref<1000000x32xf32, #tpu.memory_space<hbm>>) target(%dma_start3A_585 : memref<50x32xf32, #tpu.memory_space<vmem>>) offsets(%dma_start3A_592 : memref<50xi32, #tpu.memory_space<vmem>>) semaphore(%arg11 : memref<!tpu.dma_semaphore, #tpu.memory_space<semaphore_mem>>)
      %dma_start3A_596 = arith.constant 0 : i32
      %dma_start3A_597 = arith.constant 22 : i32
      %dma_start3A_598 = arith.constant 0 : i32
      %dma_start3A_599 = arith.constant 22 : i32
      %dma_start3A_600 = arith.constant 0 : i32
      %dma_start3A_601 = arith.constant 0 : i32
      %dma_start3A_602 = arith.constant 0 : i32
      %dma_start3A_603 = tpu.memref_slice %arg6[%dma_start3A_598, %dma_start3A_600, %dma_start3A_601, %dma_start3A_602] : memref<2x32x50x32xf32, #tpu.memory_space<vmem>> -> memref<1x32x50x32xf32, #tpu.memory_space<vmem>>
      %dma_start3A_604 = tpu.memref_squeeze %dma_start3A_603 : memref<1x32x50x32xf32, #tpu.memory_space<vmem>> -> memref<32x50x32xf32, #tpu.memory_space<vmem>>
      %dma_start3A_605 = arith.constant 0 : i32
      %dma_start3A_606 = arith.constant 0 : i32
      %dma_start3A_607 = tpu.memref_slice %dma_start3A_604[%dma_start3A_599, %dma_start3A_605, %dma_start3A_606] : memref<32x50x32xf32, #tpu.memory_space<vmem>> -> memref<1x50x32xf32, #tpu.memory_space<vmem>>
      %dma_start3A_608 = tpu.memref_squeeze %dma_start3A_607 : memref<1x50x32xf32, #tpu.memory_space<vmem>> -> memref<50x32xf32, #tpu.memory_space<vmem>>
      %dma_start3A_609 = arith.constant 0 : i32
      %dma_start3A_610 = arith.constant 0 : i32
      %dma_start3A_611 = tpu.memref_slice %arg5[%dma_start3A_596, %dma_start3A_609, %dma_start3A_610] : memref<2x32x50xi32, #tpu.memory_space<vmem>> -> memref<1x32x50xi32, #tpu.memory_space<vmem>>
      %dma_start3A_612 = tpu.memref_squeeze %dma_start3A_611 : memref<1x32x50xi32, #tpu.memory_space<vmem>> -> memref<32x50xi32, #tpu.memory_space<vmem>>
      %dma_start3A_613 = arith.constant 0 : i32
      %dma_start3A_614 = tpu.memref_slice %dma_start3A_612[%dma_start3A_597, %dma_start3A_613] : memref<32x50xi32, #tpu.memory_space<vmem>> -> memref<1x50xi32, #tpu.memory_space<vmem>>
      %dma_start3A_615 = tpu.memref_squeeze %dma_start3A_614 : memref<1x50xi32, #tpu.memory_space<vmem>> -> memref<50xi32, #tpu.memory_space<vmem>>
      %dma_start3A_616 = arith.constant 0 : i32
      %dma_start3A_617 = arith.constant 0 : i32
      %dma_start3A_618 = tpu.memref_slice %arg3[%dma_start3A_616, %dma_start3A_617] : memref<1000000x32xf32, #tpu.memory_space<hbm>> -> memref<1000000x32xf32, #tpu.memory_space<hbm>>
      tpu.enqueue_indirect_dma source(%dma_start3A_618 : memref<1000000x32xf32, #tpu.memory_space<hbm>>) target(%dma_start3A_608 : memref<50x32xf32, #tpu.memory_space<vmem>>) offsets(%dma_start3A_615 : memref<50xi32, #tpu.memory_space<vmem>>) semaphore(%arg11 : memref<!tpu.dma_semaphore, #tpu.memory_space<semaphore_mem>>)
      %dma_start3A_619 = arith.constant 0 : i32
      %dma_start3A_620 = arith.constant 23 : i32
      %dma_start3A_621 = arith.constant 0 : i32
      %dma_start3A_622 = arith.constant 23 : i32
      %dma_start3A_623 = arith.constant 0 : i32
      %dma_start3A_624 = arith.constant 0 : i32
      %dma_start3A_625 = arith.constant 0 : i32
      %dma_start3A_626 = tpu.memref_slice %arg6[%dma_start3A_621, %dma_start3A_623, %dma_start3A_624, %dma_start3A_625] : memref<2x32x50x32xf32, #tpu.memory_space<vmem>> -> memref<1x32x50x32xf32, #tpu.memory_space<vmem>>
      %dma_start3A_627 = tpu.memref_squeeze %dma_start3A_626 : memref<1x32x50x32xf32, #tpu.memory_space<vmem>> -> memref<32x50x32xf32, #tpu.memory_space<vmem>>
      %dma_start3A_628 = arith.constant 0 : i32
      %dma_start3A_629 = arith.constant 0 : i32
      %dma_start3A_630 = tpu.memref_slice %dma_start3A_627[%dma_start3A_622, %dma_start3A_628, %dma_start3A_629] : memref<32x50x32xf32, #tpu.memory_space<vmem>> -> memref<1x50x32xf32, #tpu.memory_space<vmem>>
      %dma_start3A_631 = tpu.memref_squeeze %dma_start3A_630 : memref<1x50x32xf32, #tpu.memory_space<vmem>> -> memref<50x32xf32, #tpu.memory_space<vmem>>
      %dma_start3A_632 = arith.constant 0 : i32
      %dma_start3A_633 = arith.constant 0 : i32
      %dma_start3A_634 = tpu.memref_slice %arg5[%dma_start3A_619, %dma_start3A_632, %dma_start3A_633] : memref<2x32x50xi32, #tpu.memory_space<vmem>> -> memref<1x32x50xi32, #tpu.memory_space<vmem>>
      %dma_start3A_635 = tpu.memref_squeeze %dma_start3A_634 : memref<1x32x50xi32, #tpu.memory_space<vmem>> -> memref<32x50xi32, #tpu.memory_space<vmem>>
      %dma_start3A_636 = arith.constant 0 : i32
      %dma_start3A_637 = tpu.memref_slice %dma_start3A_635[%dma_start3A_620, %dma_start3A_636] : memref<32x50xi32, #tpu.memory_space<vmem>> -> memref<1x50xi32, #tpu.memory_space<vmem>>
      %dma_start3A_638 = tpu.memref_squeeze %dma_start3A_637 : memref<1x50xi32, #tpu.memory_space<vmem>> -> memref<50xi32, #tpu.memory_space<vmem>>
      %dma_start3A_639 = arith.constant 0 : i32
      %dma_start3A_640 = arith.constant 0 : i32
      %dma_start3A_641 = tpu.memref_slice %arg3[%dma_start3A_639, %dma_start3A_640] : memref<1000000x32xf32, #tpu.memory_space<hbm>> -> memref<1000000x32xf32, #tpu.memory_space<hbm>>
      tpu.enqueue_indirect_dma source(%dma_start3A_641 : memref<1000000x32xf32, #tpu.memory_space<hbm>>) target(%dma_start3A_631 : memref<50x32xf32, #tpu.memory_space<vmem>>) offsets(%dma_start3A_638 : memref<50xi32, #tpu.memory_space<vmem>>) semaphore(%arg11 : memref<!tpu.dma_semaphore, #tpu.memory_space<semaphore_mem>>)
      %dma_start3A_642 = arith.constant 0 : i32
      %dma_start3A_643 = arith.constant 24 : i32
      %dma_start3A_644 = arith.constant 0 : i32
      %dma_start3A_645 = arith.constant 24 : i32
      %dma_start3A_646 = arith.constant 0 : i32
      %dma_start3A_647 = arith.constant 0 : i32
      %dma_start3A_648 = arith.constant 0 : i32
      %dma_start3A_649 = tpu.memref_slice %arg6[%dma_start3A_644, %dma_start3A_646, %dma_start3A_647, %dma_start3A_648] : memref<2x32x50x32xf32, #tpu.memory_space<vmem>> -> memref<1x32x50x32xf32, #tpu.memory_space<vmem>>
      %dma_start3A_650 = tpu.memref_squeeze %dma_start3A_649 : memref<1x32x50x32xf32, #tpu.memory_space<vmem>> -> memref<32x50x32xf32, #tpu.memory_space<vmem>>
      %dma_start3A_651 = arith.constant 0 : i32
      %dma_start3A_652 = arith.constant 0 : i32
      %dma_start3A_653 = tpu.memref_slice %dma_start3A_650[%dma_start3A_645, %dma_start3A_651, %dma_start3A_652] : memref<32x50x32xf32, #tpu.memory_space<vmem>> -> memref<1x50x32xf32, #tpu.memory_space<vmem>>
      %dma_start3A_654 = tpu.memref_squeeze %dma_start3A_653 : memref<1x50x32xf32, #tpu.memory_space<vmem>> -> memref<50x32xf32, #tpu.memory_space<vmem>>
      %dma_start3A_655 = arith.constant 0 : i32
      %dma_start3A_656 = arith.constant 0 : i32
      %dma_start3A_657 = tpu.memref_slice %arg5[%dma_start3A_642, %dma_start3A_655, %dma_start3A_656] : memref<2x32x50xi32, #tpu.memory_space<vmem>> -> memref<1x32x50xi32, #tpu.memory_space<vmem>>
      %dma_start3A_658 = tpu.memref_squeeze %dma_start3A_657 : memref<1x32x50xi32, #tpu.memory_space<vmem>> -> memref<32x50xi32, #tpu.memory_space<vmem>>
      %dma_start3A_659 = arith.constant 0 : i32
      %dma_start3A_660 = tpu.memref_slice %dma_start3A_658[%dma_start3A_643, %dma_start3A_659] : memref<32x50xi32, #tpu.memory_space<vmem>> -> memref<1x50xi32, #tpu.memory_space<vmem>>
      %dma_start3A_661 = tpu.memref_squeeze %dma_start3A_660 : memref<1x50xi32, #tpu.memory_space<vmem>> -> memref<50xi32, #tpu.memory_space<vmem>>
      %dma_start3A_662 = arith.constant 0 : i32
      %dma_start3A_663 = arith.constant 0 : i32
      %dma_start3A_664 = tpu.memref_slice %arg3[%dma_start3A_662, %dma_start3A_663] : memref<1000000x32xf32, #tpu.memory_space<hbm>> -> memref<1000000x32xf32, #tpu.memory_space<hbm>>
      tpu.enqueue_indirect_dma source(%dma_start3A_664 : memref<1000000x32xf32, #tpu.memory_space<hbm>>) target(%dma_start3A_654 : memref<50x32xf32, #tpu.memory_space<vmem>>) offsets(%dma_start3A_661 : memref<50xi32, #tpu.memory_space<vmem>>) semaphore(%arg11 : memref<!tpu.dma_semaphore, #tpu.memory_space<semaphore_mem>>)
      %dma_start3A_665 = arith.constant 0 : i32
      %dma_start3A_666 = arith.constant 25 : i32
      %dma_start3A_667 = arith.constant 0 : i32
      %dma_start3A_668 = arith.constant 25 : i32
      %dma_start3A_669 = arith.constant 0 : i32
      %dma_start3A_670 = arith.constant 0 : i32
      %dma_start3A_671 = arith.constant 0 : i32
      %dma_start3A_672 = tpu.memref_slice %arg6[%dma_start3A_667, %dma_start3A_669, %dma_start3A_670, %dma_start3A_671] : memref<2x32x50x32xf32, #tpu.memory_space<vmem>> -> memref<1x32x50x32xf32, #tpu.memory_space<vmem>>
      %dma_start3A_673 = tpu.memref_squeeze %dma_start3A_672 : memref<1x32x50x32xf32, #tpu.memory_space<vmem>> -> memref<32x50x32xf32, #tpu.memory_space<vmem>>
      %dma_start3A_674 = arith.constant 0 : i32
      %dma_start3A_675 = arith.constant 0 : i32
      %dma_start3A_676 = tpu.memref_slice %dma_start3A_673[%dma_start3A_668, %dma_start3A_674, %dma_start3A_675] : memref<32x50x32xf32, #tpu.memory_space<vmem>> -> memref<1x50x32xf32, #tpu.memory_space<vmem>>
      %dma_start3A_677 = tpu.memref_squeeze %dma_start3A_676 : memref<1x50x32xf32, #tpu.memory_space<vmem>> -> memref<50x32xf32, #tpu.memory_space<vmem>>
      %dma_start3A_678 = arith.constant 0 : i32
      %dma_start3A_679 = arith.constant 0 : i32
      %dma_start3A_680 = tpu.memref_slice %arg5[%dma_start3A_665, %dma_start3A_678, %dma_start3A_679] : memref<2x32x50xi32, #tpu.memory_space<vmem>> -> memref<1x32x50xi32, #tpu.memory_space<vmem>>
      %dma_start3A_681 = tpu.memref_squeeze %dma_start3A_680 : memref<1x32x50xi32, #tpu.memory_space<vmem>> -> memref<32x50xi32, #tpu.memory_space<vmem>>
      %dma_start3A_682 = arith.constant 0 : i32
      %dma_start3A_683 = tpu.memref_slice %dma_start3A_681[%dma_start3A_666, %dma_start3A_682] : memref<32x50xi32, #tpu.memory_space<vmem>> -> memref<1x50xi32, #tpu.memory_space<vmem>>
      %dma_start3A_684 = tpu.memref_squeeze %dma_start3A_683 : memref<1x50xi32, #tpu.memory_space<vmem>> -> memref<50xi32, #tpu.memory_space<vmem>>
      %dma_start3A_685 = arith.constant 0 : i32
      %dma_start3A_686 = arith.constant 0 : i32
      %dma_start3A_687 = tpu.memref_slice %arg3[%dma_start3A_685, %dma_start3A_686] : memref<1000000x32xf32, #tpu.memory_space<hbm>> -> memref<1000000x32xf32, #tpu.memory_space<hbm>>
      tpu.enqueue_indirect_dma source(%dma_start3A_687 : memref<1000000x32xf32, #tpu.memory_space<hbm>>) target(%dma_start3A_677 : memref<50x32xf32, #tpu.memory_space<vmem>>) offsets(%dma_start3A_684 : memref<50xi32, #tpu.memory_space<vmem>>) semaphore(%arg11 : memref<!tpu.dma_semaphore, #tpu.memory_space<semaphore_mem>>)
      %dma_start3A_688 = arith.constant 0 : i32
      %dma_start3A_689 = arith.constant 26 : i32
      %dma_start3A_690 = arith.constant 0 : i32
      %dma_start3A_691 = arith.constant 26 : i32
      %dma_start3A_692 = arith.constant 0 : i32
      %dma_start3A_693 = arith.constant 0 : i32
      %dma_start3A_694 = arith.constant 0 : i32
      %dma_start3A_695 = tpu.memref_slice %arg6[%dma_start3A_690, %dma_start3A_692, %dma_start3A_693, %dma_start3A_694] : memref<2x32x50x32xf32, #tpu.memory_space<vmem>> -> memref<1x32x50x32xf32, #tpu.memory_space<vmem>>
      %dma_start3A_696 = tpu.memref_squeeze %dma_start3A_695 : memref<1x32x50x32xf32, #tpu.memory_space<vmem>> -> memref<32x50x32xf32, #tpu.memory_space<vmem>>
      %dma_start3A_697 = arith.constant 0 : i32
      %dma_start3A_698 = arith.constant 0 : i32
      %dma_start3A_699 = tpu.memref_slice %dma_start3A_696[%dma_start3A_691, %dma_start3A_697, %dma_start3A_698] : memref<32x50x32xf32, #tpu.memory_space<vmem>> -> memref<1x50x32xf32, #tpu.memory_space<vmem>>
      %dma_start3A_700 = tpu.memref_squeeze %dma_start3A_699 : memref<1x50x32xf32, #tpu.memory_space<vmem>> -> memref<50x32xf32, #tpu.memory_space<vmem>>
      %dma_start3A_701 = arith.constant 0 : i32
      %dma_start3A_702 = arith.constant 0 : i32
      %dma_start3A_703 = tpu.memref_slice %arg5[%dma_start3A_688, %dma_start3A_701, %dma_start3A_702] : memref<2x32x50xi32, #tpu.memory_space<vmem>> -> memref<1x32x50xi32, #tpu.memory_space<vmem>>
      %dma_start3A_704 = tpu.memref_squeeze %dma_start3A_703 : memref<1x32x50xi32, #tpu.memory_space<vmem>> -> memref<32x50xi32, #tpu.memory_space<vmem>>
      %dma_start3A_705 = arith.constant 0 : i32
      %dma_start3A_706 = tpu.memref_slice %dma_start3A_704[%dma_start3A_689, %dma_start3A_705] : memref<32x50xi32, #tpu.memory_space<vmem>> -> memref<1x50xi32, #tpu.memory_space<vmem>>
      %dma_start3A_707 = tpu.memref_squeeze %dma_start3A_706 : memref<1x50xi32, #tpu.memory_space<vmem>> -> memref<50xi32, #tpu.memory_space<vmem>>
      %dma_start3A_708 = arith.constant 0 : i32
      %dma_start3A_709 = arith.constant 0 : i32
      %dma_start3A_710 = tpu.memref_slice %arg3[%dma_start3A_708, %dma_start3A_709] : memref<1000000x32xf32, #tpu.memory_space<hbm>> -> memref<1000000x32xf32, #tpu.memory_space<hbm>>
      tpu.enqueue_indirect_dma source(%dma_start3A_710 : memref<1000000x32xf32, #tpu.memory_space<hbm>>) target(%dma_start3A_700 : memref<50x32xf32, #tpu.memory_space<vmem>>) offsets(%dma_start3A_707 : memref<50xi32, #tpu.memory_space<vmem>>) semaphore(%arg11 : memref<!tpu.dma_semaphore, #tpu.memory_space<semaphore_mem>>)
      %dma_start3A_711 = arith.constant 0 : i32
      %dma_start3A_712 = arith.constant 27 : i32
      %dma_start3A_713 = arith.constant 0 : i32
      %dma_start3A_714 = arith.constant 27 : i32
      %dma_start3A_715 = arith.constant 0 : i32
      %dma_start3A_716 = arith.constant 0 : i32
      %dma_start3A_717 = arith.constant 0 : i32
      %dma_start3A_718 = tpu.memref_slice %arg6[%dma_start3A_713, %dma_start3A_715, %dma_start3A_716, %dma_start3A_717] : memref<2x32x50x32xf32, #tpu.memory_space<vmem>> -> memref<1x32x50x32xf32, #tpu.memory_space<vmem>>
      %dma_start3A_719 = tpu.memref_squeeze %dma_start3A_718 : memref<1x32x50x32xf32, #tpu.memory_space<vmem>> -> memref<32x50x32xf32, #tpu.memory_space<vmem>>
      %dma_start3A_720 = arith.constant 0 : i32
      %dma_start3A_721 = arith.constant 0 : i32
      %dma_start3A_722 = tpu.memref_slice %dma_start3A_719[%dma_start3A_714, %dma_start3A_720, %dma_start3A_721] : memref<32x50x32xf32, #tpu.memory_space<vmem>> -> memref<1x50x32xf32, #tpu.memory_space<vmem>>
      %dma_start3A_723 = tpu.memref_squeeze %dma_start3A_722 : memref<1x50x32xf32, #tpu.memory_space<vmem>> -> memref<50x32xf32, #tpu.memory_space<vmem>>
      %dma_start3A_724 = arith.constant 0 : i32
      %dma_start3A_725 = arith.constant 0 : i32
      %dma_start3A_726 = tpu.memref_slice %arg5[%dma_start3A_711, %dma_start3A_724, %dma_start3A_725] : memref<2x32x50xi32, #tpu.memory_space<vmem>> -> memref<1x32x50xi32, #tpu.memory_space<vmem>>
      %dma_start3A_727 = tpu.memref_squeeze %dma_start3A_726 : memref<1x32x50xi32, #tpu.memory_space<vmem>> -> memref<32x50xi32, #tpu.memory_space<vmem>>
      %dma_start3A_728 = arith.constant 0 : i32
      %dma_start3A_729 = tpu.memref_slice %dma_start3A_727[%dma_start3A_712, %dma_start3A_728] : memref<32x50xi32, #tpu.memory_space<vmem>> -> memref<1x50xi32, #tpu.memory_space<vmem>>
      %dma_start3A_730 = tpu.memref_squeeze %dma_start3A_729 : memref<1x50xi32, #tpu.memory_space<vmem>> -> memref<50xi32, #tpu.memory_space<vmem>>
      %dma_start3A_731 = arith.constant 0 : i32
      %dma_start3A_732 = arith.constant 0 : i32
      %dma_start3A_733 = tpu.memref_slice %arg3[%dma_start3A_731, %dma_start3A_732] : memref<1000000x32xf32, #tpu.memory_space<hbm>> -> memref<1000000x32xf32, #tpu.memory_space<hbm>>
      tpu.enqueue_indirect_dma source(%dma_start3A_733 : memref<1000000x32xf32, #tpu.memory_space<hbm>>) target(%dma_start3A_723 : memref<50x32xf32, #tpu.memory_space<vmem>>) offsets(%dma_start3A_730 : memref<50xi32, #tpu.memory_space<vmem>>) semaphore(%arg11 : memref<!tpu.dma_semaphore, #tpu.memory_space<semaphore_mem>>)
      %dma_start3A_734 = arith.constant 0 : i32
      %dma_start3A_735 = arith.constant 28 : i32
      %dma_start3A_736 = arith.constant 0 : i32
      %dma_start3A_737 = arith.constant 28 : i32
      %dma_start3A_738 = arith.constant 0 : i32
      %dma_start3A_739 = arith.constant 0 : i32
      %dma_start3A_740 = arith.constant 0 : i32
      %dma_start3A_741 = tpu.memref_slice %arg6[%dma_start3A_736, %dma_start3A_738, %dma_start3A_739, %dma_start3A_740] : memref<2x32x50x32xf32, #tpu.memory_space<vmem>> -> memref<1x32x50x32xf32, #tpu.memory_space<vmem>>
      %dma_start3A_742 = tpu.memref_squeeze %dma_start3A_741 : memref<1x32x50x32xf32, #tpu.memory_space<vmem>> -> memref<32x50x32xf32, #tpu.memory_space<vmem>>
      %dma_start3A_743 = arith.constant 0 : i32
      %dma_start3A_744 = arith.constant 0 : i32
      %dma_start3A_745 = tpu.memref_slice %dma_start3A_742[%dma_start3A_737, %dma_start3A_743, %dma_start3A_744] : memref<32x50x32xf32, #tpu.memory_space<vmem>> -> memref<1x50x32xf32, #tpu.memory_space<vmem>>
      %dma_start3A_746 = tpu.memref_squeeze %dma_start3A_745 : memref<1x50x32xf32, #tpu.memory_space<vmem>> -> memref<50x32xf32, #tpu.memory_space<vmem>>
      %dma_start3A_747 = arith.constant 0 : i32
      %dma_start3A_748 = arith.constant 0 : i32
      %dma_start3A_749 = tpu.memref_slice %arg5[%dma_start3A_734, %dma_start3A_747, %dma_start3A_748] : memref<2x32x50xi32, #tpu.memory_space<vmem>> -> memref<1x32x50xi32, #tpu.memory_space<vmem>>
      %dma_start3A_750 = tpu.memref_squeeze %dma_start3A_749 : memref<1x32x50xi32, #tpu.memory_space<vmem>> -> memref<32x50xi32, #tpu.memory_space<vmem>>
      %dma_start3A_751 = arith.constant 0 : i32
      %dma_start3A_752 = tpu.memref_slice %dma_start3A_750[%dma_start3A_735, %dma_start3A_751] : memref<32x50xi32, #tpu.memory_space<vmem>> -> memref<1x50xi32, #tpu.memory_space<vmem>>
      %dma_start3A_753 = tpu.memref_squeeze %dma_start3A_752 : memref<1x50xi32, #tpu.memory_space<vmem>> -> memref<50xi32, #tpu.memory_space<vmem>>
      %dma_start3A_754 = arith.constant 0 : i32
      %dma_start3A_755 = arith.constant 0 : i32
      %dma_start3A_756 = tpu.memref_slice %arg3[%dma_start3A_754, %dma_start3A_755] : memref<1000000x32xf32, #tpu.memory_space<hbm>> -> memref<1000000x32xf32, #tpu.memory_space<hbm>>
      tpu.enqueue_indirect_dma source(%dma_start3A_756 : memref<1000000x32xf32, #tpu.memory_space<hbm>>) target(%dma_start3A_746 : memref<50x32xf32, #tpu.memory_space<vmem>>) offsets(%dma_start3A_753 : memref<50xi32, #tpu.memory_space<vmem>>) semaphore(%arg11 : memref<!tpu.dma_semaphore, #tpu.memory_space<semaphore_mem>>)
      %dma_start3A_757 = arith.constant 0 : i32
      %dma_start3A_758 = arith.constant 29 : i32
      %dma_start3A_759 = arith.constant 0 : i32
      %dma_start3A_760 = arith.constant 29 : i32
      %dma_start3A_761 = arith.constant 0 : i32
      %dma_start3A_762 = arith.constant 0 : i32
      %dma_start3A_763 = arith.constant 0 : i32
      %dma_start3A_764 = tpu.memref_slice %arg6[%dma_start3A_759, %dma_start3A_761, %dma_start3A_762, %dma_start3A_763] : memref<2x32x50x32xf32, #tpu.memory_space<vmem>> -> memref<1x32x50x32xf32, #tpu.memory_space<vmem>>
      %dma_start3A_765 = tpu.memref_squeeze %dma_start3A_764 : memref<1x32x50x32xf32, #tpu.memory_space<vmem>> -> memref<32x50x32xf32, #tpu.memory_space<vmem>>
      %dma_start3A_766 = arith.constant 0 : i32
      %dma_start3A_767 = arith.constant 0 : i32
      %dma_start3A_768 = tpu.memref_slice %dma_start3A_765[%dma_start3A_760, %dma_start3A_766, %dma_start3A_767] : memref<32x50x32xf32, #tpu.memory_space<vmem>> -> memref<1x50x32xf32, #tpu.memory_space<vmem>>
      %dma_start3A_769 = tpu.memref_squeeze %dma_start3A_768 : memref<1x50x32xf32, #tpu.memory_space<vmem>> -> memref<50x32xf32, #tpu.memory_space<vmem>>
      %dma_start3A_770 = arith.constant 0 : i32
      %dma_start3A_771 = arith.constant 0 : i32
      %dma_start3A_772 = tpu.memref_slice %arg5[%dma_start3A_757, %dma_start3A_770, %dma_start3A_771] : memref<2x32x50xi32, #tpu.memory_space<vmem>> -> memref<1x32x50xi32, #tpu.memory_space<vmem>>
      %dma_start3A_773 = tpu.memref_squeeze %dma_start3A_772 : memref<1x32x50xi32, #tpu.memory_space<vmem>> -> memref<32x50xi32, #tpu.memory_space<vmem>>
      %dma_start3A_774 = arith.constant 0 : i32
      %dma_start3A_775 = tpu.memref_slice %dma_start3A_773[%dma_start3A_758, %dma_start3A_774] : memref<32x50xi32, #tpu.memory_space<vmem>> -> memref<1x50xi32, #tpu.memory_space<vmem>>
      %dma_start3A_776 = tpu.memref_squeeze %dma_start3A_775 : memref<1x50xi32, #tpu.memory_space<vmem>> -> memref<50xi32, #tpu.memory_space<vmem>>
      %dma_start3A_777 = arith.constant 0 : i32
      %dma_start3A_778 = arith.constant 0 : i32
      %dma_start3A_779 = tpu.memref_slice %arg3[%dma_start3A_777, %dma_start3A_778] : memref<1000000x32xf32, #tpu.memory_space<hbm>> -> memref<1000000x32xf32, #tpu.memory_space<hbm>>
      tpu.enqueue_indirect_dma source(%dma_start3A_779 : memref<1000000x32xf32, #tpu.memory_space<hbm>>) target(%dma_start3A_769 : memref<50x32xf32, #tpu.memory_space<vmem>>) offsets(%dma_start3A_776 : memref<50xi32, #tpu.memory_space<vmem>>) semaphore(%arg11 : memref<!tpu.dma_semaphore, #tpu.memory_space<semaphore_mem>>)
      %dma_start3A_780 = arith.constant 0 : i32
      %dma_start3A_781 = arith.constant 30 : i32
      %dma_start3A_782 = arith.constant 0 : i32
      %dma_start3A_783 = arith.constant 30 : i32
      %dma_start3A_784 = arith.constant 0 : i32
      %dma_start3A_785 = arith.constant 0 : i32
      %dma_start3A_786 = arith.constant 0 : i32
      %dma_start3A_787 = tpu.memref_slice %arg6[%dma_start3A_782, %dma_start3A_784, %dma_start3A_785, %dma_start3A_786] : memref<2x32x50x32xf32, #tpu.memory_space<vmem>> -> memref<1x32x50x32xf32, #tpu.memory_space<vmem>>
      %dma_start3A_788 = tpu.memref_squeeze %dma_start3A_787 : memref<1x32x50x32xf32, #tpu.memory_space<vmem>> -> memref<32x50x32xf32, #tpu.memory_space<vmem>>
      %dma_start3A_789 = arith.constant 0 : i32
      %dma_start3A_790 = arith.constant 0 : i32
      %dma_start3A_791 = tpu.memref_slice %dma_start3A_788[%dma_start3A_783, %dma_start3A_789, %dma_start3A_790] : memref<32x50x32xf32, #tpu.memory_space<vmem>> -> memref<1x50x32xf32, #tpu.memory_space<vmem>>
      %dma_start3A_792 = tpu.memref_squeeze %dma_start3A_791 : memref<1x50x32xf32, #tpu.memory_space<vmem>> -> memref<50x32xf32, #tpu.memory_space<vmem>>
      %dma_start3A_793 = arith.constant 0 : i32
      %dma_start3A_794 = arith.constant 0 : i32
      %dma_start3A_795 = tpu.memref_slice %arg5[%dma_start3A_780, %dma_start3A_793, %dma_start3A_794] : memref<2x32x50xi32, #tpu.memory_space<vmem>> -> memref<1x32x50xi32, #tpu.memory_space<vmem>>
      %dma_start3A_796 = tpu.memref_squeeze %dma_start3A_795 : memref<1x32x50xi32, #tpu.memory_space<vmem>> -> memref<32x50xi32, #tpu.memory_space<vmem>>
      %dma_start3A_797 = arith.constant 0 : i32
      %dma_start3A_798 = tpu.memref_slice %dma_start3A_796[%dma_start3A_781, %dma_start3A_797] : memref<32x50xi32, #tpu.memory_space<vmem>> -> memref<1x50xi32, #tpu.memory_space<vmem>>
      %dma_start3A_799 = tpu.memref_squeeze %dma_start3A_798 : memref<1x50xi32, #tpu.memory_space<vmem>> -> memref<50xi32, #tpu.memory_space<vmem>>
      %dma_start3A_800 = arith.constant 0 : i32
      %dma_start3A_801 = arith.constant 0 : i32
      %dma_start3A_802 = tpu.memref_slice %arg3[%dma_start3A_800, %dma_start3A_801] : memref<1000000x32xf32, #tpu.memory_space<hbm>> -> memref<1000000x32xf32, #tpu.memory_space<hbm>>
      tpu.enqueue_indirect_dma source(%dma_start3A_802 : memref<1000000x32xf32, #tpu.memory_space<hbm>>) target(%dma_start3A_792 : memref<50x32xf32, #tpu.memory_space<vmem>>) offsets(%dma_start3A_799 : memref<50xi32, #tpu.memory_space<vmem>>) semaphore(%arg11 : memref<!tpu.dma_semaphore, #tpu.memory_space<semaphore_mem>>)
      %dma_start3A_803 = arith.constant 0 : i32
      %dma_start3A_804 = arith.constant 31 : i32
      %dma_start3A_805 = arith.constant 0 : i32
      %dma_start3A_806 = arith.constant 31 : i32
      %dma_start3A_807 = arith.constant 0 : i32
      %dma_start3A_808 = arith.constant 0 : i32
      %dma_start3A_809 = arith.constant 0 : i32
      %dma_start3A_810 = tpu.memref_slice %arg6[%dma_start3A_805, %dma_start3A_807, %dma_start3A_808, %dma_start3A_809] : memref<2x32x50x32xf32, #tpu.memory_space<vmem>> -> memref<1x32x50x32xf32, #tpu.memory_space<vmem>>
      %dma_start3A_811 = tpu.memref_squeeze %dma_start3A_810 : memref<1x32x50x32xf32, #tpu.memory_space<vmem>> -> memref<32x50x32xf32, #tpu.memory_space<vmem>>
      %dma_start3A_812 = arith.constant 0 : i32
      %dma_start3A_813 = arith.constant 0 : i32
      %dma_start3A_814 = tpu.memref_slice %dma_start3A_811[%dma_start3A_806, %dma_start3A_812, %dma_start3A_813] : memref<32x50x32xf32, #tpu.memory_space<vmem>> -> memref<1x50x32xf32, #tpu.memory_space<vmem>>
      %dma_start3A_815 = tpu.memref_squeeze %dma_start3A_814 : memref<1x50x32xf32, #tpu.memory_space<vmem>> -> memref<50x32xf32, #tpu.memory_space<vmem>>
      %dma_start3A_816 = arith.constant 0 : i32
      %dma_start3A_817 = arith.constant 0 : i32
      %dma_start3A_818 = tpu.memref_slice %arg5[%dma_start3A_803, %dma_start3A_816, %dma_start3A_817] : memref<2x32x50xi32, #tpu.memory_space<vmem>> -> memref<1x32x50xi32, #tpu.memory_space<vmem>>
      %dma_start3A_819 = tpu.memref_squeeze %dma_start3A_818 : memref<1x32x50xi32, #tpu.memory_space<vmem>> -> memref<32x50xi32, #tpu.memory_space<vmem>>
      %dma_start3A_820 = arith.constant 0 : i32
      %dma_start3A_821 = tpu.memref_slice %dma_start3A_819[%dma_start3A_804, %dma_start3A_820] : memref<32x50xi32, #tpu.memory_space<vmem>> -> memref<1x50xi32, #tpu.memory_space<vmem>>
      %dma_start3A_822 = tpu.memref_squeeze %dma_start3A_821 : memref<1x50xi32, #tpu.memory_space<vmem>> -> memref<50xi32, #tpu.memory_space<vmem>>
      %dma_start3A_823 = arith.constant 0 : i32
      %dma_start3A_824 = arith.constant 0 : i32
      %dma_start3A_825 = tpu.memref_slice %arg3[%dma_start3A_823, %dma_start3A_824] : memref<1000000x32xf32, #tpu.memory_space<hbm>> -> memref<1000000x32xf32, #tpu.memory_space<hbm>>
      tpu.enqueue_indirect_dma source(%dma_start3A_825 : memref<1000000x32xf32, #tpu.memory_space<hbm>>) target(%dma_start3A_815 : memref<50x32xf32, #tpu.memory_space<vmem>>) offsets(%dma_start3A_822 : memref<50xi32, #tpu.memory_space<vmem>>) semaphore(%arg11 : memref<!tpu.dma_semaphore, #tpu.memory_space<semaphore_mem>>)
      %dma_wait3A_826 = arith.constant 0 : i32
      %dma_wait3A_827 = arith.constant 0 : i32
      %dma_wait3A_828 = arith.constant 0 : i32
      %dma_wait3A_829 = arith.constant 0 : i32
      %dma_wait3A_830 = arith.constant 0 : i32
      %dma_wait3A_831 = arith.constant 0 : i32
      %dma_wait3A_832 = arith.constant 0 : i32
      %dma_wait3A_833 = tpu.memref_slice %arg6[%dma_wait3A_828, %dma_wait3A_830, %dma_wait3A_831, %dma_wait3A_832] : memref<2x32x50x32xf32, #tpu.memory_space<vmem>> -> memref<1x32x50x32xf32, #tpu.memory_space<vmem>>
      %dma_wait3A_834 = tpu.memref_squeeze %dma_wait3A_833 : memref<1x32x50x32xf32, #tpu.memory_space<vmem>> -> memref<32x50x32xf32, #tpu.memory_space<vmem>>
      %dma_wait3A_835 = arith.constant 0 : i32
      %dma_wait3A_836 = arith.constant 0 : i32
      %dma_wait3A_837 = tpu.memref_slice %dma_wait3A_834[%dma_wait3A_829, %dma_wait3A_835, %dma_wait3A_836] : memref<32x50x32xf32, #tpu.memory_space<vmem>> -> memref<1x50x32xf32, #tpu.memory_space<vmem>>
      %dma_wait3A_838 = tpu.memref_squeeze %dma_wait3A_837 : memref<1x50x32xf32, #tpu.memory_space<vmem>> -> memref<50x32xf32, #tpu.memory_space<vmem>>
      %dma_wait3A_839 = arith.constant 0 : i32
      %dma_wait3A_840 = arith.constant 0 : i32
      %dma_wait3A_841 = tpu.memref_slice %arg5[%dma_wait3A_826, %dma_wait3A_839, %dma_wait3A_840] : memref<2x32x50xi32, #tpu.memory_space<vmem>> -> memref<1x32x50xi32, #tpu.memory_space<vmem>>
      %dma_wait3A_842 = tpu.memref_squeeze %dma_wait3A_841 : memref<1x32x50xi32, #tpu.memory_space<vmem>> -> memref<32x50xi32, #tpu.memory_space<vmem>>
      %dma_wait3A_843 = arith.constant 0 : i32
      %dma_wait3A_844 = tpu.memref_slice %dma_wait3A_842[%dma_wait3A_827, %dma_wait3A_843] : memref<32x50xi32, #tpu.memory_space<vmem>> -> memref<1x50xi32, #tpu.memory_space<vmem>>
      %dma_wait3A_845 = tpu.memref_squeeze %dma_wait3A_844 : memref<1x50xi32, #tpu.memory_space<vmem>> -> memref<50xi32, #tpu.memory_space<vmem>>
      %dma_wait3A_846 = arith.constant 0 : i32
      %dma_wait3A_847 = arith.constant 0 : i32
      %dma_wait3A_848 = tpu.memref_slice %arg3[%dma_wait3A_846, %dma_wait3A_847] : memref<1000000x32xf32, #tpu.memory_space<hbm>> -> memref<1000000x32xf32, #tpu.memory_space<hbm>>
      tpu.wait_indirect_dma semaphore(%arg11 : memref<!tpu.dma_semaphore, #tpu.memory_space<semaphore_mem>>) src(%dma_wait3A_848 : memref<1000000x32xf32, #tpu.memory_space<hbm>>) dst(%dma_wait3A_838 : memref<50x32xf32, #tpu.memory_space<vmem>>)
      %dma_wait3A_849 = arith.constant 0 : i32
      %dma_wait3A_850 = arith.constant 1 : i32
      %dma_wait3A_851 = arith.constant 0 : i32
      %dma_wait3A_852 = arith.constant 1 : i32
      %dma_wait3A_853 = arith.constant 0 : i32
      %dma_wait3A_854 = arith.constant 0 : i32
      %dma_wait3A_855 = arith.constant 0 : i32
      %dma_wait3A_856 = tpu.memref_slice %arg6[%dma_wait3A_851, %dma_wait3A_853, %dma_wait3A_854, %dma_wait3A_855] : memref<2x32x50x32xf32, #tpu.memory_space<vmem>> -> memref<1x32x50x32xf32, #tpu.memory_space<vmem>>
      %dma_wait3A_857 = tpu.memref_squeeze %dma_wait3A_856 : memref<1x32x50x32xf32, #tpu.memory_space<vmem>> -> memref<32x50x32xf32, #tpu.memory_space<vmem>>
      %dma_wait3A_858 = arith.constant 0 : i32
      %dma_wait3A_859 = arith.constant 0 : i32
      %dma_wait3A_860 = tpu.memref_slice %dma_wait3A_857[%dma_wait3A_852, %dma_wait3A_858, %dma_wait3A_859] : memref<32x50x32xf32, #tpu.memory_space<vmem>> -> memref<1x50x32xf32, #tpu.memory_space<vmem>>
      %dma_wait3A_861 = tpu.memref_squeeze %dma_wait3A_860 : memref<1x50x32xf32, #tpu.memory_space<vmem>> -> memref<50x32xf32, #tpu.memory_space<vmem>>
      %dma_wait3A_862 = arith.constant 0 : i32
      %dma_wait3A_863 = arith.constant 0 : i32
      %dma_wait3A_864 = tpu.memref_slice %arg5[%dma_wait3A_849, %dma_wait3A_862, %dma_wait3A_863] : memref<2x32x50xi32, #tpu.memory_space<vmem>> -> memref<1x32x50xi32, #tpu.memory_space<vmem>>
      %dma_wait3A_865 = tpu.memref_squeeze %dma_wait3A_864 : memref<1x32x50xi32, #tpu.memory_space<vmem>> -> memref<32x50xi32, #tpu.memory_space<vmem>>
      %dma_wait3A_866 = arith.constant 0 : i32
      %dma_wait3A_867 = tpu.memref_slice %dma_wait3A_865[%dma_wait3A_850, %dma_wait3A_866] : memref<32x50xi32, #tpu.memory_space<vmem>> -> memref<1x50xi32, #tpu.memory_space<vmem>>
      %dma_wait3A_868 = tpu.memref_squeeze %dma_wait3A_867 : memref<1x50xi32, #tpu.memory_space<vmem>> -> memref<50xi32, #tpu.memory_space<vmem>>
      %dma_wait3A_869 = arith.constant 0 : i32
      %dma_wait3A_870 = arith.constant 0 : i32
      %dma_wait3A_871 = tpu.memref_slice %arg3[%dma_wait3A_869, %dma_wait3A_870] : memref<1000000x32xf32, #tpu.memory_space<hbm>> -> memref<1000000x32xf32, #tpu.memory_space<hbm>>
      tpu.wait_indirect_dma semaphore(%arg11 : memref<!tpu.dma_semaphore, #tpu.memory_space<semaphore_mem>>) src(%dma_wait3A_871 : memref<1000000x32xf32, #tpu.memory_space<hbm>>) dst(%dma_wait3A_861 : memref<50x32xf32, #tpu.memory_space<vmem>>)
      %dma_wait3A_872 = arith.constant 0 : i32
      %dma_wait3A_873 = arith.constant 2 : i32
      %dma_wait3A_874 = arith.constant 0 : i32
      %dma_wait3A_875 = arith.constant 2 : i32
      %dma_wait3A_876 = arith.constant 0 : i32
      %dma_wait3A_877 = arith.constant 0 : i32
      %dma_wait3A_878 = arith.constant 0 : i32
      %dma_wait3A_879 = tpu.memref_slice %arg6[%dma_wait3A_874, %dma_wait3A_876, %dma_wait3A_877, %dma_wait3A_878] : memref<2x32x50x32xf32, #tpu.memory_space<vmem>> -> memref<1x32x50x32xf32, #tpu.memory_space<vmem>>
      %dma_wait3A_880 = tpu.memref_squeeze %dma_wait3A_879 : memref<1x32x50x32xf32, #tpu.memory_space<vmem>> -> memref<32x50x32xf32, #tpu.memory_space<vmem>>
      %dma_wait3A_881 = arith.constant 0 : i32
      %dma_wait3A_882 = arith.constant 0 : i32
      %dma_wait3A_883 = tpu.memref_slice %dma_wait3A_880[%dma_wait3A_875, %dma_wait3A_881, %dma_wait3A_882] : memref<32x50x32xf32, #tpu.memory_space<vmem>> -> memref<1x50x32xf32, #tpu.memory_space<vmem>>
      %dma_wait3A_884 = tpu.memref_squeeze %dma_wait3A_883 : memref<1x50x32xf32, #tpu.memory_space<vmem>> -> memref<50x32xf32, #tpu.memory_space<vmem>>
      %dma_wait3A_885 = arith.constant 0 : i32
      %dma_wait3A_886 = arith.constant 0 : i32
      %dma_wait3A_887 = tpu.memref_slice %arg5[%dma_wait3A_872, %dma_wait3A_885, %dma_wait3A_886] : memref<2x32x50xi32, #tpu.memory_space<vmem>> -> memref<1x32x50xi32, #tpu.memory_space<vmem>>
      %dma_wait3A_888 = tpu.memref_squeeze %dma_wait3A_887 : memref<1x32x50xi32, #tpu.memory_space<vmem>> -> memref<32x50xi32, #tpu.memory_space<vmem>>
      %dma_wait3A_889 = arith.constant 0 : i32
      %dma_wait3A_890 = tpu.memref_slice %dma_wait3A_888[%dma_wait3A_873, %dma_wait3A_889] : memref<32x50xi32, #tpu.memory_space<vmem>> -> memref<1x50xi32, #tpu.memory_space<vmem>>
      %dma_wait3A_891 = tpu.memref_squeeze %dma_wait3A_890 : memref<1x50xi32, #tpu.memory_space<vmem>> -> memref<50xi32, #tpu.memory_space<vmem>>
      %dma_wait3A_892 = arith.constant 0 : i32
      %dma_wait3A_893 = arith.constant 0 : i32
      %dma_wait3A_894 = tpu.memref_slice %arg3[%dma_wait3A_892, %dma_wait3A_893] : memref<1000000x32xf32, #tpu.memory_space<hbm>> -> memref<1000000x32xf32, #tpu.memory_space<hbm>>
      tpu.wait_indirect_dma semaphore(%arg11 : memref<!tpu.dma_semaphore, #tpu.memory_space<semaphore_mem>>) src(%dma_wait3A_894 : memref<1000000x32xf32, #tpu.memory_space<hbm>>) dst(%dma_wait3A_884 : memref<50x32xf32, #tpu.memory_space<vmem>>)
      %dma_wait3A_895 = arith.constant 0 : i32
      %dma_wait3A_896 = arith.constant 3 : i32
      %dma_wait3A_897 = arith.constant 0 : i32
      %dma_wait3A_898 = arith.constant 3 : i32
      %dma_wait3A_899 = arith.constant 0 : i32
      %dma_wait3A_900 = arith.constant 0 : i32
      %dma_wait3A_901 = arith.constant 0 : i32
      %dma_wait3A_902 = tpu.memref_slice %arg6[%dma_wait3A_897, %dma_wait3A_899, %dma_wait3A_900, %dma_wait3A_901] : memref<2x32x50x32xf32, #tpu.memory_space<vmem>> -> memref<1x32x50x32xf32, #tpu.memory_space<vmem>>
      %dma_wait3A_903 = tpu.memref_squeeze %dma_wait3A_902 : memref<1x32x50x32xf32, #tpu.memory_space<vmem>> -> memref<32x50x32xf32, #tpu.memory_space<vmem>>
      %dma_wait3A_904 = arith.constant 0 : i32
      %dma_wait3A_905 = arith.constant 0 : i32
      %dma_wait3A_906 = tpu.memref_slice %dma_wait3A_903[%dma_wait3A_898, %dma_wait3A_904, %dma_wait3A_905] : memref<32x50x32xf32, #tpu.memory_space<vmem>> -> memref<1x50x32xf32, #tpu.memory_space<vmem>>
      %dma_wait3A_907 = tpu.memref_squeeze %dma_wait3A_906 : memref<1x50x32xf32, #tpu.memory_space<vmem>> -> memref<50x32xf32, #tpu.memory_space<vmem>>
      %dma_wait3A_908 = arith.constant 0 : i32
      %dma_wait3A_909 = arith.constant 0 : i32
      %dma_wait3A_910 = tpu.memref_slice %arg5[%dma_wait3A_895, %dma_wait3A_908, %dma_wait3A_909] : memref<2x32x50xi32, #tpu.memory_space<vmem>> -> memref<1x32x50xi32, #tpu.memory_space<vmem>>
      %dma_wait3A_911 = tpu.memref_squeeze %dma_wait3A_910 : memref<1x32x50xi32, #tpu.memory_space<vmem>> -> memref<32x50xi32, #tpu.memory_space<vmem>>
      %dma_wait3A_912 = arith.constant 0 : i32
      %dma_wait3A_913 = tpu.memref_slice %dma_wait3A_911[%dma_wait3A_896, %dma_wait3A_912] : memref<32x50xi32, #tpu.memory_space<vmem>> -> memref<1x50xi32, #tpu.memory_space<vmem>>
      %dma_wait3A_914 = tpu.memref_squeeze %dma_wait3A_913 : memref<1x50xi32, #tpu.memory_space<vmem>> -> memref<50xi32, #tpu.memory_space<vmem>>
      %dma_wait3A_915 = arith.constant 0 : i32
      %dma_wait3A_916 = arith.constant 0 : i32
      %dma_wait3A_917 = tpu.memref_slice %arg3[%dma_wait3A_915, %dma_wait3A_916] : memref<1000000x32xf32, #tpu.memory_space<hbm>> -> memref<1000000x32xf32, #tpu.memory_space<hbm>>
      tpu.wait_indirect_dma semaphore(%arg11 : memref<!tpu.dma_semaphore, #tpu.memory_space<semaphore_mem>>) src(%dma_wait3A_917 : memref<1000000x32xf32, #tpu.memory_space<hbm>>) dst(%dma_wait3A_907 : memref<50x32xf32, #tpu.memory_space<vmem>>)
      %dma_wait3A_918 = arith.constant 0 : i32
      %dma_wait3A_919 = arith.constant 4 : i32
      %dma_wait3A_920 = arith.constant 0 : i32
      %dma_wait3A_921 = arith.constant 4 : i32
      %dma_wait3A_922 = arith.constant 0 : i32
      %dma_wait3A_923 = arith.constant 0 : i32
      %dma_wait3A_924 = arith.constant 0 : i32
      %dma_wait3A_925 = tpu.memref_slice %arg6[%dma_wait3A_920, %dma_wait3A_922, %dma_wait3A_923, %dma_wait3A_924] : memref<2x32x50x32xf32, #tpu.memory_space<vmem>> -> memref<1x32x50x32xf32, #tpu.memory_space<vmem>>
      %dma_wait3A_926 = tpu.memref_squeeze %dma_wait3A_925 : memref<1x32x50x32xf32, #tpu.memory_space<vmem>> -> memref<32x50x32xf32, #tpu.memory_space<vmem>>
      %dma_wait3A_927 = arith.constant 0 : i32
      %dma_wait3A_928 = arith.constant 0 : i32
      %dma_wait3A_929 = tpu.memref_slice %dma_wait3A_926[%dma_wait3A_921, %dma_wait3A_927, %dma_wait3A_928] : memref<32x50x32xf32, #tpu.memory_space<vmem>> -> memref<1x50x32xf32, #tpu.memory_space<vmem>>
      %dma_wait3A_930 = tpu.memref_squeeze %dma_wait3A_929 : memref<1x50x32xf32, #tpu.memory_space<vmem>> -> memref<50x32xf32, #tpu.memory_space<vmem>>
      %dma_wait3A_931 = arith.constant 0 : i32
      %dma_wait3A_932 = arith.constant 0 : i32
      %dma_wait3A_933 = tpu.memref_slice %arg5[%dma_wait3A_918, %dma_wait3A_931, %dma_wait3A_932] : memref<2x32x50xi32, #tpu.memory_space<vmem>> -> memref<1x32x50xi32, #tpu.memory_space<vmem>>
      %dma_wait3A_934 = tpu.memref_squeeze %dma_wait3A_933 : memref<1x32x50xi32, #tpu.memory_space<vmem>> -> memref<32x50xi32, #tpu.memory_space<vmem>>
      %dma_wait3A_935 = arith.constant 0 : i32
      %dma_wait3A_936 = tpu.memref_slice %dma_wait3A_934[%dma_wait3A_919, %dma_wait3A_935] : memref<32x50xi32, #tpu.memory_space<vmem>> -> memref<1x50xi32, #tpu.memory_space<vmem>>
      %dma_wait3A_937 = tpu.memref_squeeze %dma_wait3A_936 : memref<1x50xi32, #tpu.memory_space<vmem>> -> memref<50xi32, #tpu.memory_space<vmem>>
      %dma_wait3A_938 = arith.constant 0 : i32
      %dma_wait3A_939 = arith.constant 0 : i32
      %dma_wait3A_940 = tpu.memref_slice %arg3[%dma_wait3A_938, %dma_wait3A_939] : memref<1000000x32xf32, #tpu.memory_space<hbm>> -> memref<1000000x32xf32, #tpu.memory_space<hbm>>
      tpu.wait_indirect_dma semaphore(%arg11 : memref<!tpu.dma_semaphore, #tpu.memory_space<semaphore_mem>>) src(%dma_wait3A_940 : memref<1000000x32xf32, #tpu.memory_space<hbm>>) dst(%dma_wait3A_930 : memref<50x32xf32, #tpu.memory_space<vmem>>)
      %dma_wait3A_941 = arith.constant 0 : i32
      %dma_wait3A_942 = arith.constant 5 : i32
      %dma_wait3A_943 = arith.constant 0 : i32
      %dma_wait3A_944 = arith.constant 5 : i32
      %dma_wait3A_945 = arith.constant 0 : i32
      %dma_wait3A_946 = arith.constant 0 : i32
      %dma_wait3A_947 = arith.constant 0 : i32
      %dma_wait3A_948 = tpu.memref_slice %arg6[%dma_wait3A_943, %dma_wait3A_945, %dma_wait3A_946, %dma_wait3A_947] : memref<2x32x50x32xf32, #tpu.memory_space<vmem>> -> memref<1x32x50x32xf32, #tpu.memory_space<vmem>>
      %dma_wait3A_949 = tpu.memref_squeeze %dma_wait3A_948 : memref<1x32x50x32xf32, #tpu.memory_space<vmem>> -> memref<32x50x32xf32, #tpu.memory_space<vmem>>
      %dma_wait3A_950 = arith.constant 0 : i32
      %dma_wait3A_951 = arith.constant 0 : i32
      %dma_wait3A_952 = tpu.memref_slice %dma_wait3A_949[%dma_wait3A_944, %dma_wait3A_950, %dma_wait3A_951] : memref<32x50x32xf32, #tpu.memory_space<vmem>> -> memref<1x50x32xf32, #tpu.memory_space<vmem>>
      %dma_wait3A_953 = tpu.memref_squeeze %dma_wait3A_952 : memref<1x50x32xf32, #tpu.memory_space<vmem>> -> memref<50x32xf32, #tpu.memory_space<vmem>>
      %dma_wait3A_954 = arith.constant 0 : i32
      %dma_wait3A_955 = arith.constant 0 : i32
      %dma_wait3A_956 = tpu.memref_slice %arg5[%dma_wait3A_941, %dma_wait3A_954, %dma_wait3A_955] : memref<2x32x50xi32, #tpu.memory_space<vmem>> -> memref<1x32x50xi32, #tpu.memory_space<vmem>>
      %dma_wait3A_957 = tpu.memref_squeeze %dma_wait3A_956 : memref<1x32x50xi32, #tpu.memory_space<vmem>> -> memref<32x50xi32, #tpu.memory_space<vmem>>
      %dma_wait3A_958 = arith.constant 0 : i32
      %dma_wait3A_959 = tpu.memref_slice %dma_wait3A_957[%dma_wait3A_942, %dma_wait3A_958] : memref<32x50xi32, #tpu.memory_space<vmem>> -> memref<1x50xi32, #tpu.memory_space<vmem>>
      %dma_wait3A_960 = tpu.memref_squeeze %dma_wait3A_959 : memref<1x50xi32, #tpu.memory_space<vmem>> -> memref<50xi32, #tpu.memory_space<vmem>>
      %dma_wait3A_961 = arith.constant 0 : i32
      %dma_wait3A_962 = arith.constant 0 : i32
      %dma_wait3A_963 = tpu.memref_slice %arg3[%dma_wait3A_961, %dma_wait3A_962] : memref<1000000x32xf32, #tpu.memory_space<hbm>> -> memref<1000000x32xf32, #tpu.memory_space<hbm>>
      tpu.wait_indirect_dma semaphore(%arg11 : memref<!tpu.dma_semaphore, #tpu.memory_space<semaphore_mem>>) src(%dma_wait3A_963 : memref<1000000x32xf32, #tpu.memory_space<hbm>>) dst(%dma_wait3A_953 : memref<50x32xf32, #tpu.memory_space<vmem>>)
      %dma_wait3A_964 = arith.constant 0 : i32
      %dma_wait3A_965 = arith.constant 6 : i32
      %dma_wait3A_966 = arith.constant 0 : i32
      %dma_wait3A_967 = arith.constant 6 : i32
      %dma_wait3A_968 = arith.constant 0 : i32
      %dma_wait3A_969 = arith.constant 0 : i32
      %dma_wait3A_970 = arith.constant 0 : i32
      %dma_wait3A_971 = tpu.memref_slice %arg6[%dma_wait3A_966, %dma_wait3A_968, %dma_wait3A_969, %dma_wait3A_970] : memref<2x32x50x32xf32, #tpu.memory_space<vmem>> -> memref<1x32x50x32xf32, #tpu.memory_space<vmem>>
      %dma_wait3A_972 = tpu.memref_squeeze %dma_wait3A_971 : memref<1x32x50x32xf32, #tpu.memory_space<vmem>> -> memref<32x50x32xf32, #tpu.memory_space<vmem>>
      %dma_wait3A_973 = arith.constant 0 : i32
      %dma_wait3A_974 = arith.constant 0 : i32
      %dma_wait3A_975 = tpu.memref_slice %dma_wait3A_972[%dma_wait3A_967, %dma_wait3A_973, %dma_wait3A_974] : memref<32x50x32xf32, #tpu.memory_space<vmem>> -> memref<1x50x32xf32, #tpu.memory_space<vmem>>
      %dma_wait3A_976 = tpu.memref_squeeze %dma_wait3A_975 : memref<1x50x32xf32, #tpu.memory_space<vmem>> -> memref<50x32xf32, #tpu.memory_space<vmem>>
      %dma_wait3A_977 = arith.constant 0 : i32
      %dma_wait3A_978 = arith.constant 0 : i32
      %dma_wait3A_979 = tpu.memref_slice %arg5[%dma_wait3A_964, %dma_wait3A_977, %dma_wait3A_978] : memref<2x32x50xi32, #tpu.memory_space<vmem>> -> memref<1x32x50xi32, #tpu.memory_space<vmem>>
      %dma_wait3A_980 = tpu.memref_squeeze %dma_wait3A_979 : memref<1x32x50xi32, #tpu.memory_space<vmem>> -> memref<32x50xi32, #tpu.memory_space<vmem>>
      %dma_wait3A_981 = arith.constant 0 : i32
      %dma_wait3A_982 = tpu.memref_slice %dma_wait3A_980[%dma_wait3A_965, %dma_wait3A_981] : memref<32x50xi32, #tpu.memory_space<vmem>> -> memref<1x50xi32, #tpu.memory_space<vmem>>
      %dma_wait3A_983 = tpu.memref_squeeze %dma_wait3A_982 : memref<1x50xi32, #tpu.memory_space<vmem>> -> memref<50xi32, #tpu.memory_space<vmem>>
      %dma_wait3A_984 = arith.constant 0 : i32
      %dma_wait3A_985 = arith.constant 0 : i32
      %dma_wait3A_986 = tpu.memref_slice %arg3[%dma_wait3A_984, %dma_wait3A_985] : memref<1000000x32xf32, #tpu.memory_space<hbm>> -> memref<1000000x32xf32, #tpu.memory_space<hbm>>
      tpu.wait_indirect_dma semaphore(%arg11 : memref<!tpu.dma_semaphore, #tpu.memory_space<semaphore_mem>>) src(%dma_wait3A_986 : memref<1000000x32xf32, #tpu.memory_space<hbm>>) dst(%dma_wait3A_976 : memref<50x32xf32, #tpu.memory_space<vmem>>)
      %dma_wait3A_987 = arith.constant 0 : i32
      %dma_wait3A_988 = arith.constant 7 : i32
      %dma_wait3A_989 = arith.constant 0 : i32
      %dma_wait3A_990 = arith.constant 7 : i32
      %dma_wait3A_991 = arith.constant 0 : i32
      %dma_wait3A_992 = arith.constant 0 : i32
      %dma_wait3A_993 = arith.constant 0 : i32
      %dma_wait3A_994 = tpu.memref_slice %arg6[%dma_wait3A_989, %dma_wait3A_991, %dma_wait3A_992, %dma_wait3A_993] : memref<2x32x50x32xf32, #tpu.memory_space<vmem>> -> memref<1x32x50x32xf32, #tpu.memory_space<vmem>>
      %dma_wait3A_995 = tpu.memref_squeeze %dma_wait3A_994 : memref<1x32x50x32xf32, #tpu.memory_space<vmem>> -> memref<32x50x32xf32, #tpu.memory_space<vmem>>
      %dma_wait3A_996 = arith.constant 0 : i32
      %dma_wait3A_997 = arith.constant 0 : i32
      %dma_wait3A_998 = tpu.memref_slice %dma_wait3A_995[%dma_wait3A_990, %dma_wait3A_996, %dma_wait3A_997] : memref<32x50x32xf32, #tpu.memory_space<vmem>> -> memref<1x50x32xf32, #tpu.memory_space<vmem>>
      %dma_wait3A_999 = tpu.memref_squeeze %dma_wait3A_998 : memref<1x50x32xf32, #tpu.memory_space<vmem>> -> memref<50x32xf32, #tpu.memory_space<vmem>>
      %dma_wait3A_1000 = arith.constant 0 : i32
      %dma_wait3A_1001 = arith.constant 0 : i32
      %dma_wait3A_1002 = tpu.memref_slice %arg5[%dma_wait3A_987, %dma_wait3A_1000, %dma_wait3A_1001] : memref<2x32x50xi32, #tpu.memory_space<vmem>> -> memref<1x32x50xi32, #tpu.memory_space<vmem>>
      %dma_wait3A_1003 = tpu.memref_squeeze %dma_wait3A_1002 : memref<1x32x50xi32, #tpu.memory_space<vmem>> -> memref<32x50xi32, #tpu.memory_space<vmem>>
      %dma_wait3A_1004 = arith.constant 0 : i32
      %dma_wait3A_1005 = tpu.memref_slice %dma_wait3A_1003[%dma_wait3A_988, %dma_wait3A_1004] : memref<32x50xi32, #tpu.memory_space<vmem>> -> memref<1x50xi32, #tpu.memory_space<vmem>>
      %dma_wait3A_1006 = tpu.memref_squeeze %dma_wait3A_1005 : memref<1x50xi32, #tpu.memory_space<vmem>> -> memref<50xi32, #tpu.memory_space<vmem>>
      %dma_wait3A_1007 = arith.constant 0 : i32
      %dma_wait3A_1008 = arith.constant 0 : i32
      %dma_wait3A_1009 = tpu.memref_slice %arg3[%dma_wait3A_1007, %dma_wait3A_1008] : memref<1000000x32xf32, #tpu.memory_space<hbm>> -> memref<1000000x32xf32, #tpu.memory_space<hbm>>
      tpu.wait_indirect_dma semaphore(%arg11 : memref<!tpu.dma_semaphore, #tpu.memory_space<semaphore_mem>>) src(%dma_wait3A_1009 : memref<1000000x32xf32, #tpu.memory_space<hbm>>) dst(%dma_wait3A_999 : memref<50x32xf32, #tpu.memory_space<vmem>>)
      %dma_wait3A_1010 = arith.constant 0 : i32
      %dma_wait3A_1011 = arith.constant 8 : i32
      %dma_wait3A_1012 = arith.constant 0 : i32
      %dma_wait3A_1013 = arith.constant 8 : i32
      %dma_wait3A_1014 = arith.constant 0 : i32
      %dma_wait3A_1015 = arith.constant 0 : i32
      %dma_wait3A_1016 = arith.constant 0 : i32
      %dma_wait3A_1017 = tpu.memref_slice %arg6[%dma_wait3A_1012, %dma_wait3A_1014, %dma_wait3A_1015, %dma_wait3A_1016] : memref<2x32x50x32xf32, #tpu.memory_space<vmem>> -> memref<1x32x50x32xf32, #tpu.memory_space<vmem>>
      %dma_wait3A_1018 = tpu.memref_squeeze %dma_wait3A_1017 : memref<1x32x50x32xf32, #tpu.memory_space<vmem>> -> memref<32x50x32xf32, #tpu.memory_space<vmem>>
      %dma_wait3A_1019 = arith.constant 0 : i32
      %dma_wait3A_1020 = arith.constant 0 : i32
      %dma_wait3A_1021 = tpu.memref_slice %dma_wait3A_1018[%dma_wait3A_1013, %dma_wait3A_1019, %dma_wait3A_1020] : memref<32x50x32xf32, #tpu.memory_space<vmem>> -> memref<1x50x32xf32, #tpu.memory_space<vmem>>
      %dma_wait3A_1022 = tpu.memref_squeeze %dma_wait3A_1021 : memref<1x50x32xf32, #tpu.memory_space<vmem>> -> memref<50x32xf32, #tpu.memory_space<vmem>>
      %dma_wait3A_1023 = arith.constant 0 : i32
      %dma_wait3A_1024 = arith.constant 0 : i32
      %dma_wait3A_1025 = tpu.memref_slice %arg5[%dma_wait3A_1010, %dma_wait3A_1023, %dma_wait3A_1024] : memref<2x32x50xi32, #tpu.memory_space<vmem>> -> memref<1x32x50xi32, #tpu.memory_space<vmem>>
      %dma_wait3A_1026 = tpu.memref_squeeze %dma_wait3A_1025 : memref<1x32x50xi32, #tpu.memory_space<vmem>> -> memref<32x50xi32, #tpu.memory_space<vmem>>
      %dma_wait3A_1027 = arith.constant 0 : i32
      %dma_wait3A_1028 = tpu.memref_slice %dma_wait3A_1026[%dma_wait3A_1011, %dma_wait3A_1027] : memref<32x50xi32, #tpu.memory_space<vmem>> -> memref<1x50xi32, #tpu.memory_space<vmem>>
      %dma_wait3A_1029 = tpu.memref_squeeze %dma_wait3A_1028 : memref<1x50xi32, #tpu.memory_space<vmem>> -> memref<50xi32, #tpu.memory_space<vmem>>
      %dma_wait3A_1030 = arith.constant 0 : i32
      %dma_wait3A_1031 = arith.constant 0 : i32
      %dma_wait3A_1032 = tpu.memref_slice %arg3[%dma_wait3A_1030, %dma_wait3A_1031] : memref<1000000x32xf32, #tpu.memory_space<hbm>> -> memref<1000000x32xf32, #tpu.memory_space<hbm>>
      tpu.wait_indirect_dma semaphore(%arg11 : memref<!tpu.dma_semaphore, #tpu.memory_space<semaphore_mem>>) src(%dma_wait3A_1032 : memref<1000000x32xf32, #tpu.memory_space<hbm>>) dst(%dma_wait3A_1022 : memref<50x32xf32, #tpu.memory_space<vmem>>)
      %dma_wait3A_1033 = arith.constant 0 : i32
      %dma_wait3A_1034 = arith.constant 9 : i32
      %dma_wait3A_1035 = arith.constant 0 : i32
      %dma_wait3A_1036 = arith.constant 9 : i32
      %dma_wait3A_1037 = arith.constant 0 : i32
      %dma_wait3A_1038 = arith.constant 0 : i32
      %dma_wait3A_1039 = arith.constant 0 : i32
      %dma_wait3A_1040 = tpu.memref_slice %arg6[%dma_wait3A_1035, %dma_wait3A_1037, %dma_wait3A_1038, %dma_wait3A_1039] : memref<2x32x50x32xf32, #tpu.memory_space<vmem>> -> memref<1x32x50x32xf32, #tpu.memory_space<vmem>>
      %dma_wait3A_1041 = tpu.memref_squeeze %dma_wait3A_1040 : memref<1x32x50x32xf32, #tpu.memory_space<vmem>> -> memref<32x50x32xf32, #tpu.memory_space<vmem>>
      %dma_wait3A_1042 = arith.constant 0 : i32
      %dma_wait3A_1043 = arith.constant 0 : i32
      %dma_wait3A_1044 = tpu.memref_slice %dma_wait3A_1041[%dma_wait3A_1036, %dma_wait3A_1042, %dma_wait3A_1043] : memref<32x50x32xf32, #tpu.memory_space<vmem>> -> memref<1x50x32xf32, #tpu.memory_space<vmem>>
      %dma_wait3A_1045 = tpu.memref_squeeze %dma_wait3A_1044 : memref<1x50x32xf32, #tpu.memory_space<vmem>> -> memref<50x32xf32, #tpu.memory_space<vmem>>
      %dma_wait3A_1046 = arith.constant 0 : i32
      %dma_wait3A_1047 = arith.constant 0 : i32
      %dma_wait3A_1048 = tpu.memref_slice %arg5[%dma_wait3A_1033, %dma_wait3A_1046, %dma_wait3A_1047] : memref<2x32x50xi32, #tpu.memory_space<vmem>> -> memref<1x32x50xi32, #tpu.memory_space<vmem>>
      %dma_wait3A_1049 = tpu.memref_squeeze %dma_wait3A_1048 : memref<1x32x50xi32, #tpu.memory_space<vmem>> -> memref<32x50xi32, #tpu.memory_space<vmem>>
      %dma_wait3A_1050 = arith.constant 0 : i32
      %dma_wait3A_1051 = tpu.memref_slice %dma_wait3A_1049[%dma_wait3A_1034, %dma_wait3A_1050] : memref<32x50xi32, #tpu.memory_space<vmem>> -> memref<1x50xi32, #tpu.memory_space<vmem>>
      %dma_wait3A_1052 = tpu.memref_squeeze %dma_wait3A_1051 : memref<1x50xi32, #tpu.memory_space<vmem>> -> memref<50xi32, #tpu.memory_space<vmem>>
      %dma_wait3A_1053 = arith.constant 0 : i32
      %dma_wait3A_1054 = arith.constant 0 : i32
      %dma_wait3A_1055 = tpu.memref_slice %arg3[%dma_wait3A_1053, %dma_wait3A_1054] : memref<1000000x32xf32, #tpu.memory_space<hbm>> -> memref<1000000x32xf32, #tpu.memory_space<hbm>>
      tpu.wait_indirect_dma semaphore(%arg11 : memref<!tpu.dma_semaphore, #tpu.memory_space<semaphore_mem>>) src(%dma_wait3A_1055 : memref<1000000x32xf32, #tpu.memory_space<hbm>>) dst(%dma_wait3A_1045 : memref<50x32xf32, #tpu.memory_space<vmem>>)
      %dma_wait3A_1056 = arith.constant 0 : i32
      %dma_wait3A_1057 = arith.constant 10 : i32
      %dma_wait3A_1058 = arith.constant 0 : i32
      %dma_wait3A_1059 = arith.constant 10 : i32
      %dma_wait3A_1060 = arith.constant 0 : i32
      %dma_wait3A_1061 = arith.constant 0 : i32
      %dma_wait3A_1062 = arith.constant 0 : i32
      %dma_wait3A_1063 = tpu.memref_slice %arg6[%dma_wait3A_1058, %dma_wait3A_1060, %dma_wait3A_1061, %dma_wait3A_1062] : memref<2x32x50x32xf32, #tpu.memory_space<vmem>> -> memref<1x32x50x32xf32, #tpu.memory_space<vmem>>
      %dma_wait3A_1064 = tpu.memref_squeeze %dma_wait3A_1063 : memref<1x32x50x32xf32, #tpu.memory_space<vmem>> -> memref<32x50x32xf32, #tpu.memory_space<vmem>>
      %dma_wait3A_1065 = arith.constant 0 : i32
      %dma_wait3A_1066 = arith.constant 0 : i32
      %dma_wait3A_1067 = tpu.memref_slice %dma_wait3A_1064[%dma_wait3A_1059, %dma_wait3A_1065, %dma_wait3A_1066] : memref<32x50x32xf32, #tpu.memory_space<vmem>> -> memref<1x50x32xf32, #tpu.memory_space<vmem>>
      %dma_wait3A_1068 = tpu.memref_squeeze %dma_wait3A_1067 : memref<1x50x32xf32, #tpu.memory_space<vmem>> -> memref<50x32xf32, #tpu.memory_space<vmem>>
      %dma_wait3A_1069 = arith.constant 0 : i32
      %dma_wait3A_1070 = arith.constant 0 : i32
      %dma_wait3A_1071 = tpu.memref_slice %arg5[%dma_wait3A_1056, %dma_wait3A_1069, %dma_wait3A_1070] : memref<2x32x50xi32, #tpu.memory_space<vmem>> -> memref<1x32x50xi32, #tpu.memory_space<vmem>>
      %dma_wait3A_1072 = tpu.memref_squeeze %dma_wait3A_1071 : memref<1x32x50xi32, #tpu.memory_space<vmem>> -> memref<32x50xi32, #tpu.memory_space<vmem>>
      %dma_wait3A_1073 = arith.constant 0 : i32
      %dma_wait3A_1074 = tpu.memref_slice %dma_wait3A_1072[%dma_wait3A_1057, %dma_wait3A_1073] : memref<32x50xi32, #tpu.memory_space<vmem>> -> memref<1x50xi32, #tpu.memory_space<vmem>>
      %dma_wait3A_1075 = tpu.memref_squeeze %dma_wait3A_1074 : memref<1x50xi32, #tpu.memory_space<vmem>> -> memref<50xi32, #tpu.memory_space<vmem>>
      %dma_wait3A_1076 = arith.constant 0 : i32
      %dma_wait3A_1077 = arith.constant 0 : i32
      %dma_wait3A_1078 = tpu.memref_slice %arg3[%dma_wait3A_1076, %dma_wait3A_1077] : memref<1000000x32xf32, #tpu.memory_space<hbm>> -> memref<1000000x32xf32, #tpu.memory_space<hbm>>
      tpu.wait_indirect_dma semaphore(%arg11 : memref<!tpu.dma_semaphore, #tpu.memory_space<semaphore_mem>>) src(%dma_wait3A_1078 : memref<1000000x32xf32, #tpu.memory_space<hbm>>) dst(%dma_wait3A_1068 : memref<50x32xf32, #tpu.memory_space<vmem>>)
      %dma_wait3A_1079 = arith.constant 0 : i32
      %dma_wait3A_1080 = arith.constant 11 : i32
      %dma_wait3A_1081 = arith.constant 0 : i32
      %dma_wait3A_1082 = arith.constant 11 : i32
      %dma_wait3A_1083 = arith.constant 0 : i32
      %dma_wait3A_1084 = arith.constant 0 : i32
      %dma_wait3A_1085 = arith.constant 0 : i32
      %dma_wait3A_1086 = tpu.memref_slice %arg6[%dma_wait3A_1081, %dma_wait3A_1083, %dma_wait3A_1084, %dma_wait3A_1085] : memref<2x32x50x32xf32, #tpu.memory_space<vmem>> -> memref<1x32x50x32xf32, #tpu.memory_space<vmem>>
      %dma_wait3A_1087 = tpu.memref_squeeze %dma_wait3A_1086 : memref<1x32x50x32xf32, #tpu.memory_space<vmem>> -> memref<32x50x32xf32, #tpu.memory_space<vmem>>
      %dma_wait3A_1088 = arith.constant 0 : i32
      %dma_wait3A_1089 = arith.constant 0 : i32
      %dma_wait3A_1090 = tpu.memref_slice %dma_wait3A_1087[%dma_wait3A_1082, %dma_wait3A_1088, %dma_wait3A_1089] : memref<32x50x32xf32, #tpu.memory_space<vmem>> -> memref<1x50x32xf32, #tpu.memory_space<vmem>>
      %dma_wait3A_1091 = tpu.memref_squeeze %dma_wait3A_1090 : memref<1x50x32xf32, #tpu.memory_space<vmem>> -> memref<50x32xf32, #tpu.memory_space<vmem>>
      %dma_wait3A_1092 = arith.constant 0 : i32
      %dma_wait3A_1093 = arith.constant 0 : i32
      %dma_wait3A_1094 = tpu.memref_slice %arg5[%dma_wait3A_1079, %dma_wait3A_1092, %dma_wait3A_1093] : memref<2x32x50xi32, #tpu.memory_space<vmem>> -> memref<1x32x50xi32, #tpu.memory_space<vmem>>
      %dma_wait3A_1095 = tpu.memref_squeeze %dma_wait3A_1094 : memref<1x32x50xi32, #tpu.memory_space<vmem>> -> memref<32x50xi32, #tpu.memory_space<vmem>>
      %dma_wait3A_1096 = arith.constant 0 : i32
      %dma_wait3A_1097 = tpu.memref_slice %dma_wait3A_1095[%dma_wait3A_1080, %dma_wait3A_1096] : memref<32x50xi32, #tpu.memory_space<vmem>> -> memref<1x50xi32, #tpu.memory_space<vmem>>
      %dma_wait3A_1098 = tpu.memref_squeeze %dma_wait3A_1097 : memref<1x50xi32, #tpu.memory_space<vmem>> -> memref<50xi32, #tpu.memory_space<vmem>>
      %dma_wait3A_1099 = arith.constant 0 : i32
      %dma_wait3A_1100 = arith.constant 0 : i32
      %dma_wait3A_1101 = tpu.memref_slice %arg3[%dma_wait3A_1099, %dma_wait3A_1100] : memref<1000000x32xf32, #tpu.memory_space<hbm>> -> memref<1000000x32xf32, #tpu.memory_space<hbm>>
      tpu.wait_indirect_dma semaphore(%arg11 : memref<!tpu.dma_semaphore, #tpu.memory_space<semaphore_mem>>) src(%dma_wait3A_1101 : memref<1000000x32xf32, #tpu.memory_space<hbm>>) dst(%dma_wait3A_1091 : memref<50x32xf32, #tpu.memory_space<vmem>>)
      %dma_wait3A_1102 = arith.constant 0 : i32
      %dma_wait3A_1103 = arith.constant 12 : i32
      %dma_wait3A_1104 = arith.constant 0 : i32
      %dma_wait3A_1105 = arith.constant 12 : i32
      %dma_wait3A_1106 = arith.constant 0 : i32
      %dma_wait3A_1107 = arith.constant 0 : i32
      %dma_wait3A_1108 = arith.constant 0 : i32
      %dma_wait3A_1109 = tpu.memref_slice %arg6[%dma_wait3A_1104, %dma_wait3A_1106, %dma_wait3A_1107, %dma_wait3A_1108] : memref<2x32x50x32xf32, #tpu.memory_space<vmem>> -> memref<1x32x50x32xf32, #tpu.memory_space<vmem>>
      %dma_wait3A_1110 = tpu.memref_squeeze %dma_wait3A_1109 : memref<1x32x50x32xf32, #tpu.memory_space<vmem>> -> memref<32x50x32xf32, #tpu.memory_space<vmem>>
      %dma_wait3A_1111 = arith.constant 0 : i32
      %dma_wait3A_1112 = arith.constant 0 : i32
      %dma_wait3A_1113 = tpu.memref_slice %dma_wait3A_1110[%dma_wait3A_1105, %dma_wait3A_1111, %dma_wait3A_1112] : memref<32x50x32xf32, #tpu.memory_space<vmem>> -> memref<1x50x32xf32, #tpu.memory_space<vmem>>
      %dma_wait3A_1114 = tpu.memref_squeeze %dma_wait3A_1113 : memref<1x50x32xf32, #tpu.memory_space<vmem>> -> memref<50x32xf32, #tpu.memory_space<vmem>>
      %dma_wait3A_1115 = arith.constant 0 : i32
      %dma_wait3A_1116 = arith.constant 0 : i32
      %dma_wait3A_1117 = tpu.memref_slice %arg5[%dma_wait3A_1102, %dma_wait3A_1115, %dma_wait3A_1116] : memref<2x32x50xi32, #tpu.memory_space<vmem>> -> memref<1x32x50xi32, #tpu.memory_space<vmem>>
      %dma_wait3A_1118 = tpu.memref_squeeze %dma_wait3A_1117 : memref<1x32x50xi32, #tpu.memory_space<vmem>> -> memref<32x50xi32, #tpu.memory_space<vmem>>
      %dma_wait3A_1119 = arith.constant 0 : i32
      %dma_wait3A_1120 = tpu.memref_slice %dma_wait3A_1118[%dma_wait3A_1103, %dma_wait3A_1119] : memref<32x50xi32, #tpu.memory_space<vmem>> -> memref<1x50xi32, #tpu.memory_space<vmem>>
      %dma_wait3A_1121 = tpu.memref_squeeze %dma_wait3A_1120 : memref<1x50xi32, #tpu.memory_space<vmem>> -> memref<50xi32, #tpu.memory_space<vmem>>
      %dma_wait3A_1122 = arith.constant 0 : i32
      %dma_wait3A_1123 = arith.constant 0 : i32
      %dma_wait3A_1124 = tpu.memref_slice %arg3[%dma_wait3A_1122, %dma_wait3A_1123] : memref<1000000x32xf32, #tpu.memory_space<hbm>> -> memref<1000000x32xf32, #tpu.memory_space<hbm>>
      tpu.wait_indirect_dma semaphore(%arg11 : memref<!tpu.dma_semaphore, #tpu.memory_space<semaphore_mem>>) src(%dma_wait3A_1124 : memref<1000000x32xf32, #tpu.memory_space<hbm>>) dst(%dma_wait3A_1114 : memref<50x32xf32, #tpu.memory_space<vmem>>)
      %dma_wait3A_1125 = arith.constant 0 : i32
      %dma_wait3A_1126 = arith.constant 13 : i32
      %dma_wait3A_1127 = arith.constant 0 : i32
      %dma_wait3A_1128 = arith.constant 13 : i32
      %dma_wait3A_1129 = arith.constant 0 : i32
      %dma_wait3A_1130 = arith.constant 0 : i32
      %dma_wait3A_1131 = arith.constant 0 : i32
      %dma_wait3A_1132 = tpu.memref_slice %arg6[%dma_wait3A_1127, %dma_wait3A_1129, %dma_wait3A_1130, %dma_wait3A_1131] : memref<2x32x50x32xf32, #tpu.memory_space<vmem>> -> memref<1x32x50x32xf32, #tpu.memory_space<vmem>>
      %dma_wait3A_1133 = tpu.memref_squeeze %dma_wait3A_1132 : memref<1x32x50x32xf32, #tpu.memory_space<vmem>> -> memref<32x50x32xf32, #tpu.memory_space<vmem>>
      %dma_wait3A_1134 = arith.constant 0 : i32
      %dma_wait3A_1135 = arith.constant 0 : i32
      %dma_wait3A_1136 = tpu.memref_slice %dma_wait3A_1133[%dma_wait3A_1128, %dma_wait3A_1134, %dma_wait3A_1135] : memref<32x50x32xf32, #tpu.memory_space<vmem>> -> memref<1x50x32xf32, #tpu.memory_space<vmem>>
      %dma_wait3A_1137 = tpu.memref_squeeze %dma_wait3A_1136 : memref<1x50x32xf32, #tpu.memory_space<vmem>> -> memref<50x32xf32, #tpu.memory_space<vmem>>
      %dma_wait3A_1138 = arith.constant 0 : i32
      %dma_wait3A_1139 = arith.constant 0 : i32
      %dma_wait3A_1140 = tpu.memref_slice %arg5[%dma_wait3A_1125, %dma_wait3A_1138, %dma_wait3A_1139] : memref<2x32x50xi32, #tpu.memory_space<vmem>> -> memref<1x32x50xi32, #tpu.memory_space<vmem>>
      %dma_wait3A_1141 = tpu.memref_squeeze %dma_wait3A_1140 : memref<1x32x50xi32, #tpu.memory_space<vmem>> -> memref<32x50xi32, #tpu.memory_space<vmem>>
      %dma_wait3A_1142 = arith.constant 0 : i32
      %dma_wait3A_1143 = tpu.memref_slice %dma_wait3A_1141[%dma_wait3A_1126, %dma_wait3A_1142] : memref<32x50xi32, #tpu.memory_space<vmem>> -> memref<1x50xi32, #tpu.memory_space<vmem>>
      %dma_wait3A_1144 = tpu.memref_squeeze %dma_wait3A_1143 : memref<1x50xi32, #tpu.memory_space<vmem>> -> memref<50xi32, #tpu.memory_space<vmem>>
      %dma_wait3A_1145 = arith.constant 0 : i32
      %dma_wait3A_1146 = arith.constant 0 : i32
      %dma_wait3A_1147 = tpu.memref_slice %arg3[%dma_wait3A_1145, %dma_wait3A_1146] : memref<1000000x32xf32, #tpu.memory_space<hbm>> -> memref<1000000x32xf32, #tpu.memory_space<hbm>>
      tpu.wait_indirect_dma semaphore(%arg11 : memref<!tpu.dma_semaphore, #tpu.memory_space<semaphore_mem>>) src(%dma_wait3A_1147 : memref<1000000x32xf32, #tpu.memory_space<hbm>>) dst(%dma_wait3A_1137 : memref<50x32xf32, #tpu.memory_space<vmem>>)
      %dma_wait3A_1148 = arith.constant 0 : i32
      %dma_wait3A_1149 = arith.constant 14 : i32
      %dma_wait3A_1150 = arith.constant 0 : i32
      %dma_wait3A_1151 = arith.constant 14 : i32
      %dma_wait3A_1152 = arith.constant 0 : i32
      %dma_wait3A_1153 = arith.constant 0 : i32
      %dma_wait3A_1154 = arith.constant 0 : i32
      %dma_wait3A_1155 = tpu.memref_slice %arg6[%dma_wait3A_1150, %dma_wait3A_1152, %dma_wait3A_1153, %dma_wait3A_1154] : memref<2x32x50x32xf32, #tpu.memory_space<vmem>> -> memref<1x32x50x32xf32, #tpu.memory_space<vmem>>
      %dma_wait3A_1156 = tpu.memref_squeeze %dma_wait3A_1155 : memref<1x32x50x32xf32, #tpu.memory_space<vmem>> -> memref<32x50x32xf32, #tpu.memory_space<vmem>>
      %dma_wait3A_1157 = arith.constant 0 : i32
      %dma_wait3A_1158 = arith.constant 0 : i32
      %dma_wait3A_1159 = tpu.memref_slice %dma_wait3A_1156[%dma_wait3A_1151, %dma_wait3A_1157, %dma_wait3A_1158] : memref<32x50x32xf32, #tpu.memory_space<vmem>> -> memref<1x50x32xf32, #tpu.memory_space<vmem>>
      %dma_wait3A_1160 = tpu.memref_squeeze %dma_wait3A_1159 : memref<1x50x32xf32, #tpu.memory_space<vmem>> -> memref<50x32xf32, #tpu.memory_space<vmem>>
      %dma_wait3A_1161 = arith.constant 0 : i32
      %dma_wait3A_1162 = arith.constant 0 : i32
      %dma_wait3A_1163 = tpu.memref_slice %arg5[%dma_wait3A_1148, %dma_wait3A_1161, %dma_wait3A_1162] : memref<2x32x50xi32, #tpu.memory_space<vmem>> -> memref<1x32x50xi32, #tpu.memory_space<vmem>>
      %dma_wait3A_1164 = tpu.memref_squeeze %dma_wait3A_1163 : memref<1x32x50xi32, #tpu.memory_space<vmem>> -> memref<32x50xi32, #tpu.memory_space<vmem>>
      %dma_wait3A_1165 = arith.constant 0 : i32
      %dma_wait3A_1166 = tpu.memref_slice %dma_wait3A_1164[%dma_wait3A_1149, %dma_wait3A_1165] : memref<32x50xi32, #tpu.memory_space<vmem>> -> memref<1x50xi32, #tpu.memory_space<vmem>>
      %dma_wait3A_1167 = tpu.memref_squeeze %dma_wait3A_1166 : memref<1x50xi32, #tpu.memory_space<vmem>> -> memref<50xi32, #tpu.memory_space<vmem>>
      %dma_wait3A_1168 = arith.constant 0 : i32
      %dma_wait3A_1169 = arith.constant 0 : i32
      %dma_wait3A_1170 = tpu.memref_slice %arg3[%dma_wait3A_1168, %dma_wait3A_1169] : memref<1000000x32xf32, #tpu.memory_space<hbm>> -> memref<1000000x32xf32, #tpu.memory_space<hbm>>
      tpu.wait_indirect_dma semaphore(%arg11 : memref<!tpu.dma_semaphore, #tpu.memory_space<semaphore_mem>>) src(%dma_wait3A_1170 : memref<1000000x32xf32, #tpu.memory_space<hbm>>) dst(%dma_wait3A_1160 : memref<50x32xf32, #tpu.memory_space<vmem>>)
      %dma_wait3A_1171 = arith.constant 0 : i32
      %dma_wait3A_1172 = arith.constant 15 : i32
      %dma_wait3A_1173 = arith.constant 0 : i32
      %dma_wait3A_1174 = arith.constant 15 : i32
      %dma_wait3A_1175 = arith.constant 0 : i32
      %dma_wait3A_1176 = arith.constant 0 : i32
      %dma_wait3A_1177 = arith.constant 0 : i32
      %dma_wait3A_1178 = tpu.memref_slice %arg6[%dma_wait3A_1173, %dma_wait3A_1175, %dma_wait3A_1176, %dma_wait3A_1177] : memref<2x32x50x32xf32, #tpu.memory_space<vmem>> -> memref<1x32x50x32xf32, #tpu.memory_space<vmem>>
      %dma_wait3A_1179 = tpu.memref_squeeze %dma_wait3A_1178 : memref<1x32x50x32xf32, #tpu.memory_space<vmem>> -> memref<32x50x32xf32, #tpu.memory_space<vmem>>
      %dma_wait3A_1180 = arith.constant 0 : i32
      %dma_wait3A_1181 = arith.constant 0 : i32
      %dma_wait3A_1182 = tpu.memref_slice %dma_wait3A_1179[%dma_wait3A_1174, %dma_wait3A_1180, %dma_wait3A_1181] : memref<32x50x32xf32, #tpu.memory_space<vmem>> -> memref<1x50x32xf32, #tpu.memory_space<vmem>>
      %dma_wait3A_1183 = tpu.memref_squeeze %dma_wait3A_1182 : memref<1x50x32xf32, #tpu.memory_space<vmem>> -> memref<50x32xf32, #tpu.memory_space<vmem>>
      %dma_wait3A_1184 = arith.constant 0 : i32
      %dma_wait3A_1185 = arith.constant 0 : i32
      %dma_wait3A_1186 = tpu.memref_slice %arg5[%dma_wait3A_1171, %dma_wait3A_1184, %dma_wait3A_1185] : memref<2x32x50xi32, #tpu.memory_space<vmem>> -> memref<1x32x50xi32, #tpu.memory_space<vmem>>
      %dma_wait3A_1187 = tpu.memref_squeeze %dma_wait3A_1186 : memref<1x32x50xi32, #tpu.memory_space<vmem>> -> memref<32x50xi32, #tpu.memory_space<vmem>>
      %dma_wait3A_1188 = arith.constant 0 : i32
      %dma_wait3A_1189 = tpu.memref_slice %dma_wait3A_1187[%dma_wait3A_1172, %dma_wait3A_1188] : memref<32x50xi32, #tpu.memory_space<vmem>> -> memref<1x50xi32, #tpu.memory_space<vmem>>
      %dma_wait3A_1190 = tpu.memref_squeeze %dma_wait3A_1189 : memref<1x50xi32, #tpu.memory_space<vmem>> -> memref<50xi32, #tpu.memory_space<vmem>>
      %dma_wait3A_1191 = arith.constant 0 : i32
      %dma_wait3A_1192 = arith.constant 0 : i32
      %dma_wait3A_1193 = tpu.memref_slice %arg3[%dma_wait3A_1191, %dma_wait3A_1192] : memref<1000000x32xf32, #tpu.memory_space<hbm>> -> memref<1000000x32xf32, #tpu.memory_space<hbm>>
      tpu.wait_indirect_dma semaphore(%arg11 : memref<!tpu.dma_semaphore, #tpu.memory_space<semaphore_mem>>) src(%dma_wait3A_1193 : memref<1000000x32xf32, #tpu.memory_space<hbm>>) dst(%dma_wait3A_1183 : memref<50x32xf32, #tpu.memory_space<vmem>>)
      %dma_wait3A_1194 = arith.constant 0 : i32
      %dma_wait3A_1195 = arith.constant 16 : i32
      %dma_wait3A_1196 = arith.constant 0 : i32
      %dma_wait3A_1197 = arith.constant 16 : i32
      %dma_wait3A_1198 = arith.constant 0 : i32
      %dma_wait3A_1199 = arith.constant 0 : i32
      %dma_wait3A_1200 = arith.constant 0 : i32
      %dma_wait3A_1201 = tpu.memref_slice %arg6[%dma_wait3A_1196, %dma_wait3A_1198, %dma_wait3A_1199, %dma_wait3A_1200] : memref<2x32x50x32xf32, #tpu.memory_space<vmem>> -> memref<1x32x50x32xf32, #tpu.memory_space<vmem>>
      %dma_wait3A_1202 = tpu.memref_squeeze %dma_wait3A_1201 : memref<1x32x50x32xf32, #tpu.memory_space<vmem>> -> memref<32x50x32xf32, #tpu.memory_space<vmem>>
      %dma_wait3A_1203 = arith.constant 0 : i32
      %dma_wait3A_1204 = arith.constant 0 : i32
      %dma_wait3A_1205 = tpu.memref_slice %dma_wait3A_1202[%dma_wait3A_1197, %dma_wait3A_1203, %dma_wait3A_1204] : memref<32x50x32xf32, #tpu.memory_space<vmem>> -> memref<1x50x32xf32, #tpu.memory_space<vmem>>
      %dma_wait3A_1206 = tpu.memref_squeeze %dma_wait3A_1205 : memref<1x50x32xf32, #tpu.memory_space<vmem>> -> memref<50x32xf32, #tpu.memory_space<vmem>>
      %dma_wait3A_1207 = arith.constant 0 : i32
      %dma_wait3A_1208 = arith.constant 0 : i32
      %dma_wait3A_1209 = tpu.memref_slice %arg5[%dma_wait3A_1194, %dma_wait3A_1207, %dma_wait3A_1208] : memref<2x32x50xi32, #tpu.memory_space<vmem>> -> memref<1x32x50xi32, #tpu.memory_space<vmem>>
      %dma_wait3A_1210 = tpu.memref_squeeze %dma_wait3A_1209 : memref<1x32x50xi32, #tpu.memory_space<vmem>> -> memref<32x50xi32, #tpu.memory_space<vmem>>
      %dma_wait3A_1211 = arith.constant 0 : i32
      %dma_wait3A_1212 = tpu.memref_slice %dma_wait3A_1210[%dma_wait3A_1195, %dma_wait3A_1211] : memref<32x50xi32, #tpu.memory_space<vmem>> -> memref<1x50xi32, #tpu.memory_space<vmem>>
      %dma_wait3A_1213 = tpu.memref_squeeze %dma_wait3A_1212 : memref<1x50xi32, #tpu.memory_space<vmem>> -> memref<50xi32, #tpu.memory_space<vmem>>
      %dma_wait3A_1214 = arith.constant 0 : i32
      %dma_wait3A_1215 = arith.constant 0 : i32
      %dma_wait3A_1216 = tpu.memref_slice %arg3[%dma_wait3A_1214, %dma_wait3A_1215] : memref<1000000x32xf32, #tpu.memory_space<hbm>> -> memref<1000000x32xf32, #tpu.memory_space<hbm>>
      tpu.wait_indirect_dma semaphore(%arg11 : memref<!tpu.dma_semaphore, #tpu.memory_space<semaphore_mem>>) src(%dma_wait3A_1216 : memref<1000000x32xf32, #tpu.memory_space<hbm>>) dst(%dma_wait3A_1206 : memref<50x32xf32, #tpu.memory_space<vmem>>)
      %dma_wait3A_1217 = arith.constant 0 : i32
      %dma_wait3A_1218 = arith.constant 17 : i32
      %dma_wait3A_1219 = arith.constant 0 : i32
      %dma_wait3A_1220 = arith.constant 17 : i32
      %dma_wait3A_1221 = arith.constant 0 : i32
      %dma_wait3A_1222 = arith.constant 0 : i32
      %dma_wait3A_1223 = arith.constant 0 : i32
      %dma_wait3A_1224 = tpu.memref_slice %arg6[%dma_wait3A_1219, %dma_wait3A_1221, %dma_wait3A_1222, %dma_wait3A_1223] : memref<2x32x50x32xf32, #tpu.memory_space<vmem>> -> memref<1x32x50x32xf32, #tpu.memory_space<vmem>>
      %dma_wait3A_1225 = tpu.memref_squeeze %dma_wait3A_1224 : memref<1x32x50x32xf32, #tpu.memory_space<vmem>> -> memref<32x50x32xf32, #tpu.memory_space<vmem>>
      %dma_wait3A_1226 = arith.constant 0 : i32
      %dma_wait3A_1227 = arith.constant 0 : i32
      %dma_wait3A_1228 = tpu.memref_slice %dma_wait3A_1225[%dma_wait3A_1220, %dma_wait3A_1226, %dma_wait3A_1227] : memref<32x50x32xf32, #tpu.memory_space<vmem>> -> memref<1x50x32xf32, #tpu.memory_space<vmem>>
      %dma_wait3A_1229 = tpu.memref_squeeze %dma_wait3A_1228 : memref<1x50x32xf32, #tpu.memory_space<vmem>> -> memref<50x32xf32, #tpu.memory_space<vmem>>
      %dma_wait3A_1230 = arith.constant 0 : i32
      %dma_wait3A_1231 = arith.constant 0 : i32
      %dma_wait3A_1232 = tpu.memref_slice %arg5[%dma_wait3A_1217, %dma_wait3A_1230, %dma_wait3A_1231] : memref<2x32x50xi32, #tpu.memory_space<vmem>> -> memref<1x32x50xi32, #tpu.memory_space<vmem>>
      %dma_wait3A_1233 = tpu.memref_squeeze %dma_wait3A_1232 : memref<1x32x50xi32, #tpu.memory_space<vmem>> -> memref<32x50xi32, #tpu.memory_space<vmem>>
      %dma_wait3A_1234 = arith.constant 0 : i32
      %dma_wait3A_1235 = tpu.memref_slice %dma_wait3A_1233[%dma_wait3A_1218, %dma_wait3A_1234] : memref<32x50xi32, #tpu.memory_space<vmem>> -> memref<1x50xi32, #tpu.memory_space<vmem>>
      %dma_wait3A_1236 = tpu.memref_squeeze %dma_wait3A_1235 : memref<1x50xi32, #tpu.memory_space<vmem>> -> memref<50xi32, #tpu.memory_space<vmem>>
      %dma_wait3A_1237 = arith.constant 0 : i32
      %dma_wait3A_1238 = arith.constant 0 : i32
      %dma_wait3A_1239 = tpu.memref_slice %arg3[%dma_wait3A_1237, %dma_wait3A_1238] : memref<1000000x32xf32, #tpu.memory_space<hbm>> -> memref<1000000x32xf32, #tpu.memory_space<hbm>>
      tpu.wait_indirect_dma semaphore(%arg11 : memref<!tpu.dma_semaphore, #tpu.memory_space<semaphore_mem>>) src(%dma_wait3A_1239 : memref<1000000x32xf32, #tpu.memory_space<hbm>>) dst(%dma_wait3A_1229 : memref<50x32xf32, #tpu.memory_space<vmem>>)
      %dma_wait3A_1240 = arith.constant 0 : i32
      %dma_wait3A_1241 = arith.constant 18 : i32
      %dma_wait3A_1242 = arith.constant 0 : i32
      %dma_wait3A_1243 = arith.constant 18 : i32
      %dma_wait3A_1244 = arith.constant 0 : i32
      %dma_wait3A_1245 = arith.constant 0 : i32
      %dma_wait3A_1246 = arith.constant 0 : i32
      %dma_wait3A_1247 = tpu.memref_slice %arg6[%dma_wait3A_1242, %dma_wait3A_1244, %dma_wait3A_1245, %dma_wait3A_1246] : memref<2x32x50x32xf32, #tpu.memory_space<vmem>> -> memref<1x32x50x32xf32, #tpu.memory_space<vmem>>
      %dma_wait3A_1248 = tpu.memref_squeeze %dma_wait3A_1247 : memref<1x32x50x32xf32, #tpu.memory_space<vmem>> -> memref<32x50x32xf32, #tpu.memory_space<vmem>>
      %dma_wait3A_1249 = arith.constant 0 : i32
      %dma_wait3A_1250 = arith.constant 0 : i32
      %dma_wait3A_1251 = tpu.memref_slice %dma_wait3A_1248[%dma_wait3A_1243, %dma_wait3A_1249, %dma_wait3A_1250] : memref<32x50x32xf32, #tpu.memory_space<vmem>> -> memref<1x50x32xf32, #tpu.memory_space<vmem>>
      %dma_wait3A_1252 = tpu.memref_squeeze %dma_wait3A_1251 : memref<1x50x32xf32, #tpu.memory_space<vmem>> -> memref<50x32xf32, #tpu.memory_space<vmem>>
      %dma_wait3A_1253 = arith.constant 0 : i32
      %dma_wait3A_1254 = arith.constant 0 : i32
      %dma_wait3A_1255 = tpu.memref_slice %arg5[%dma_wait3A_1240, %dma_wait3A_1253, %dma_wait3A_1254] : memref<2x32x50xi32, #tpu.memory_space<vmem>> -> memref<1x32x50xi32, #tpu.memory_space<vmem>>
      %dma_wait3A_1256 = tpu.memref_squeeze %dma_wait3A_1255 : memref<1x32x50xi32, #tpu.memory_space<vmem>> -> memref<32x50xi32, #tpu.memory_space<vmem>>
      %dma_wait3A_1257 = arith.constant 0 : i32
      %dma_wait3A_1258 = tpu.memref_slice %dma_wait3A_1256[%dma_wait3A_1241, %dma_wait3A_1257] : memref<32x50xi32, #tpu.memory_space<vmem>> -> memref<1x50xi32, #tpu.memory_space<vmem>>
      %dma_wait3A_1259 = tpu.memref_squeeze %dma_wait3A_1258 : memref<1x50xi32, #tpu.memory_space<vmem>> -> memref<50xi32, #tpu.memory_space<vmem>>
      %dma_wait3A_1260 = arith.constant 0 : i32
      %dma_wait3A_1261 = arith.constant 0 : i32
      %dma_wait3A_1262 = tpu.memref_slice %arg3[%dma_wait3A_1260, %dma_wait3A_1261] : memref<1000000x32xf32, #tpu.memory_space<hbm>> -> memref<1000000x32xf32, #tpu.memory_space<hbm>>
      tpu.wait_indirect_dma semaphore(%arg11 : memref<!tpu.dma_semaphore, #tpu.memory_space<semaphore_mem>>) src(%dma_wait3A_1262 : memref<1000000x32xf32, #tpu.memory_space<hbm>>) dst(%dma_wait3A_1252 : memref<50x32xf32, #tpu.memory_space<vmem>>)
      %dma_wait3A_1263 = arith.constant 0 : i32
      %dma_wait3A_1264 = arith.constant 19 : i32
      %dma_wait3A_1265 = arith.constant 0 : i32
      %dma_wait3A_1266 = arith.constant 19 : i32
      %dma_wait3A_1267 = arith.constant 0 : i32
      %dma_wait3A_1268 = arith.constant 0 : i32
      %dma_wait3A_1269 = arith.constant 0 : i32
      %dma_wait3A_1270 = tpu.memref_slice %arg6[%dma_wait3A_1265, %dma_wait3A_1267, %dma_wait3A_1268, %dma_wait3A_1269] : memref<2x32x50x32xf32, #tpu.memory_space<vmem>> -> memref<1x32x50x32xf32, #tpu.memory_space<vmem>>
      %dma_wait3A_1271 = tpu.memref_squeeze %dma_wait3A_1270 : memref<1x32x50x32xf32, #tpu.memory_space<vmem>> -> memref<32x50x32xf32, #tpu.memory_space<vmem>>
      %dma_wait3A_1272 = arith.constant 0 : i32
      %dma_wait3A_1273 = arith.constant 0 : i32
      %dma_wait3A_1274 = tpu.memref_slice %dma_wait3A_1271[%dma_wait3A_1266, %dma_wait3A_1272, %dma_wait3A_1273] : memref<32x50x32xf32, #tpu.memory_space<vmem>> -> memref<1x50x32xf32, #tpu.memory_space<vmem>>
      %dma_wait3A_1275 = tpu.memref_squeeze %dma_wait3A_1274 : memref<1x50x32xf32, #tpu.memory_space<vmem>> -> memref<50x32xf32, #tpu.memory_space<vmem>>
      %dma_wait3A_1276 = arith.constant 0 : i32
      %dma_wait3A_1277 = arith.constant 0 : i32
      %dma_wait3A_1278 = tpu.memref_slice %arg5[%dma_wait3A_1263, %dma_wait3A_1276, %dma_wait3A_1277] : memref<2x32x50xi32, #tpu.memory_space<vmem>> -> memref<1x32x50xi32, #tpu.memory_space<vmem>>
      %dma_wait3A_1279 = tpu.memref_squeeze %dma_wait3A_1278 : memref<1x32x50xi32, #tpu.memory_space<vmem>> -> memref<32x50xi32, #tpu.memory_space<vmem>>
      %dma_wait3A_1280 = arith.constant 0 : i32
      %dma_wait3A_1281 = tpu.memref_slice %dma_wait3A_1279[%dma_wait3A_1264, %dma_wait3A_1280] : memref<32x50xi32, #tpu.memory_space<vmem>> -> memref<1x50xi32, #tpu.memory_space<vmem>>
      %dma_wait3A_1282 = tpu.memref_squeeze %dma_wait3A_1281 : memref<1x50xi32, #tpu.memory_space<vmem>> -> memref<50xi32, #tpu.memory_space<vmem>>
      %dma_wait3A_1283 = arith.constant 0 : i32
      %dma_wait3A_1284 = arith.constant 0 : i32
      %dma_wait3A_1285 = tpu.memref_slice %arg3[%dma_wait3A_1283, %dma_wait3A_1284] : memref<1000000x32xf32, #tpu.memory_space<hbm>> -> memref<1000000x32xf32, #tpu.memory_space<hbm>>
      tpu.wait_indirect_dma semaphore(%arg11 : memref<!tpu.dma_semaphore, #tpu.memory_space<semaphore_mem>>) src(%dma_wait3A_1285 : memref<1000000x32xf32, #tpu.memory_space<hbm>>) dst(%dma_wait3A_1275 : memref<50x32xf32, #tpu.memory_space<vmem>>)
      %dma_wait3A_1286 = arith.constant 0 : i32
      %dma_wait3A_1287 = arith.constant 20 : i32
      %dma_wait3A_1288 = arith.constant 0 : i32
      %dma_wait3A_1289 = arith.constant 20 : i32
      %dma_wait3A_1290 = arith.constant 0 : i32
      %dma_wait3A_1291 = arith.constant 0 : i32
      %dma_wait3A_1292 = arith.constant 0 : i32
      %dma_wait3A_1293 = tpu.memref_slice %arg6[%dma_wait3A_1288, %dma_wait3A_1290, %dma_wait3A_1291, %dma_wait3A_1292] : memref<2x32x50x32xf32, #tpu.memory_space<vmem>> -> memref<1x32x50x32xf32, #tpu.memory_space<vmem>>
      %dma_wait3A_1294 = tpu.memref_squeeze %dma_wait3A_1293 : memref<1x32x50x32xf32, #tpu.memory_space<vmem>> -> memref<32x50x32xf32, #tpu.memory_space<vmem>>
      %dma_wait3A_1295 = arith.constant 0 : i32
      %dma_wait3A_1296 = arith.constant 0 : i32
      %dma_wait3A_1297 = tpu.memref_slice %dma_wait3A_1294[%dma_wait3A_1289, %dma_wait3A_1295, %dma_wait3A_1296] : memref<32x50x32xf32, #tpu.memory_space<vmem>> -> memref<1x50x32xf32, #tpu.memory_space<vmem>>
      %dma_wait3A_1298 = tpu.memref_squeeze %dma_wait3A_1297 : memref<1x50x32xf32, #tpu.memory_space<vmem>> -> memref<50x32xf32, #tpu.memory_space<vmem>>
      %dma_wait3A_1299 = arith.constant 0 : i32
      %dma_wait3A_1300 = arith.constant 0 : i32
      %dma_wait3A_1301 = tpu.memref_slice %arg5[%dma_wait3A_1286, %dma_wait3A_1299, %dma_wait3A_1300] : memref<2x32x50xi32, #tpu.memory_space<vmem>> -> memref<1x32x50xi32, #tpu.memory_space<vmem>>
      %dma_wait3A_1302 = tpu.memref_squeeze %dma_wait3A_1301 : memref<1x32x50xi32, #tpu.memory_space<vmem>> -> memref<32x50xi32, #tpu.memory_space<vmem>>
      %dma_wait3A_1303 = arith.constant 0 : i32
      %dma_wait3A_1304 = tpu.memref_slice %dma_wait3A_1302[%dma_wait3A_1287, %dma_wait3A_1303] : memref<32x50xi32, #tpu.memory_space<vmem>> -> memref<1x50xi32, #tpu.memory_space<vmem>>
      %dma_wait3A_1305 = tpu.memref_squeeze %dma_wait3A_1304 : memref<1x50xi32, #tpu.memory_space<vmem>> -> memref<50xi32, #tpu.memory_space<vmem>>
      %dma_wait3A_1306 = arith.constant 0 : i32
      %dma_wait3A_1307 = arith.constant 0 : i32
      %dma_wait3A_1308 = tpu.memref_slice %arg3[%dma_wait3A_1306, %dma_wait3A_1307] : memref<1000000x32xf32, #tpu.memory_space<hbm>> -> memref<1000000x32xf32, #tpu.memory_space<hbm>>
      tpu.wait_indirect_dma semaphore(%arg11 : memref<!tpu.dma_semaphore, #tpu.memory_space<semaphore_mem>>) src(%dma_wait3A_1308 : memref<1000000x32xf32, #tpu.memory_space<hbm>>) dst(%dma_wait3A_1298 : memref<50x32xf32, #tpu.memory_space<vmem>>)
      %dma_wait3A_1309 = arith.constant 0 : i32
      %dma_wait3A_1310 = arith.constant 21 : i32
      %dma_wait3A_1311 = arith.constant 0 : i32
      %dma_wait3A_1312 = arith.constant 21 : i32
      %dma_wait3A_1313 = arith.constant 0 : i32
      %dma_wait3A_1314 = arith.constant 0 : i32
      %dma_wait3A_1315 = arith.constant 0 : i32
      %dma_wait3A_1316 = tpu.memref_slice %arg6[%dma_wait3A_1311, %dma_wait3A_1313, %dma_wait3A_1314, %dma_wait3A_1315] : memref<2x32x50x32xf32, #tpu.memory_space<vmem>> -> memref<1x32x50x32xf32, #tpu.memory_space<vmem>>
      %dma_wait3A_1317 = tpu.memref_squeeze %dma_wait3A_1316 : memref<1x32x50x32xf32, #tpu.memory_space<vmem>> -> memref<32x50x32xf32, #tpu.memory_space<vmem>>
      %dma_wait3A_1318 = arith.constant 0 : i32
      %dma_wait3A_1319 = arith.constant 0 : i32
      %dma_wait3A_1320 = tpu.memref_slice %dma_wait3A_1317[%dma_wait3A_1312, %dma_wait3A_1318, %dma_wait3A_1319] : memref<32x50x32xf32, #tpu.memory_space<vmem>> -> memref<1x50x32xf32, #tpu.memory_space<vmem>>
      %dma_wait3A_1321 = tpu.memref_squeeze %dma_wait3A_1320 : memref<1x50x32xf32, #tpu.memory_space<vmem>> -> memref<50x32xf32, #tpu.memory_space<vmem>>
      %dma_wait3A_1322 = arith.constant 0 : i32
      %dma_wait3A_1323 = arith.constant 0 : i32
      %dma_wait3A_1324 = tpu.memref_slice %arg5[%dma_wait3A_1309, %dma_wait3A_1322, %dma_wait3A_1323] : memref<2x32x50xi32, #tpu.memory_space<vmem>> -> memref<1x32x50xi32, #tpu.memory_space<vmem>>
      %dma_wait3A_1325 = tpu.memref_squeeze %dma_wait3A_1324 : memref<1x32x50xi32, #tpu.memory_space<vmem>> -> memref<32x50xi32, #tpu.memory_space<vmem>>
      %dma_wait3A_1326 = arith.constant 0 : i32
      %dma_wait3A_1327 = tpu.memref_slice %dma_wait3A_1325[%dma_wait3A_1310, %dma_wait3A_1326] : memref<32x50xi32, #tpu.memory_space<vmem>> -> memref<1x50xi32, #tpu.memory_space<vmem>>
      %dma_wait3A_1328 = tpu.memref_squeeze %dma_wait3A_1327 : memref<1x50xi32, #tpu.memory_space<vmem>> -> memref<50xi32, #tpu.memory_space<vmem>>
      %dma_wait3A_1329 = arith.constant 0 : i32
      %dma_wait3A_1330 = arith.constant 0 : i32
      %dma_wait3A_1331 = tpu.memref_slice %arg3[%dma_wait3A_1329, %dma_wait3A_1330] : memref<1000000x32xf32, #tpu.memory_space<hbm>> -> memref<1000000x32xf32, #tpu.memory_space<hbm>>
      tpu.wait_indirect_dma semaphore(%arg11 : memref<!tpu.dma_semaphore, #tpu.memory_space<semaphore_mem>>) src(%dma_wait3A_1331 : memref<1000000x32xf32, #tpu.memory_space<hbm>>) dst(%dma_wait3A_1321 : memref<50x32xf32, #tpu.memory_space<vmem>>)
      %dma_wait3A_1332 = arith.constant 0 : i32
      %dma_wait3A_1333 = arith.constant 22 : i32
      %dma_wait3A_1334 = arith.constant 0 : i32
      %dma_wait3A_1335 = arith.constant 22 : i32
      %dma_wait3A_1336 = arith.constant 0 : i32
      %dma_wait3A_1337 = arith.constant 0 : i32
      %dma_wait3A_1338 = arith.constant 0 : i32
      %dma_wait3A_1339 = tpu.memref_slice %arg6[%dma_wait3A_1334, %dma_wait3A_1336, %dma_wait3A_1337, %dma_wait3A_1338] : memref<2x32x50x32xf32, #tpu.memory_space<vmem>> -> memref<1x32x50x32xf32, #tpu.memory_space<vmem>>
      %dma_wait3A_1340 = tpu.memref_squeeze %dma_wait3A_1339 : memref<1x32x50x32xf32, #tpu.memory_space<vmem>> -> memref<32x50x32xf32, #tpu.memory_space<vmem>>
      %dma_wait3A_1341 = arith.constant 0 : i32
      %dma_wait3A_1342 = arith.constant 0 : i32
      %dma_wait3A_1343 = tpu.memref_slice %dma_wait3A_1340[%dma_wait3A_1335, %dma_wait3A_1341, %dma_wait3A_1342] : memref<32x50x32xf32, #tpu.memory_space<vmem>> -> memref<1x50x32xf32, #tpu.memory_space<vmem>>
      %dma_wait3A_1344 = tpu.memref_squeeze %dma_wait3A_1343 : memref<1x50x32xf32, #tpu.memory_space<vmem>> -> memref<50x32xf32, #tpu.memory_space<vmem>>
      %dma_wait3A_1345 = arith.constant 0 : i32
      %dma_wait3A_1346 = arith.constant 0 : i32
      %dma_wait3A_1347 = tpu.memref_slice %arg5[%dma_wait3A_1332, %dma_wait3A_1345, %dma_wait3A_1346] : memref<2x32x50xi32, #tpu.memory_space<vmem>> -> memref<1x32x50xi32, #tpu.memory_space<vmem>>
      %dma_wait3A_1348 = tpu.memref_squeeze %dma_wait3A_1347 : memref<1x32x50xi32, #tpu.memory_space<vmem>> -> memref<32x50xi32, #tpu.memory_space<vmem>>
      %dma_wait3A_1349 = arith.constant 0 : i32
      %dma_wait3A_1350 = tpu.memref_slice %dma_wait3A_1348[%dma_wait3A_1333, %dma_wait3A_1349] : memref<32x50xi32, #tpu.memory_space<vmem>> -> memref<1x50xi32, #tpu.memory_space<vmem>>
      %dma_wait3A_1351 = tpu.memref_squeeze %dma_wait3A_1350 : memref<1x50xi32, #tpu.memory_space<vmem>> -> memref<50xi32, #tpu.memory_space<vmem>>
      %dma_wait3A_1352 = arith.constant 0 : i32
      %dma_wait3A_1353 = arith.constant 0 : i32
      %dma_wait3A_1354 = tpu.memref_slice %arg3[%dma_wait3A_1352, %dma_wait3A_1353] : memref<1000000x32xf32, #tpu.memory_space<hbm>> -> memref<1000000x32xf32, #tpu.memory_space<hbm>>
      tpu.wait_indirect_dma semaphore(%arg11 : memref<!tpu.dma_semaphore, #tpu.memory_space<semaphore_mem>>) src(%dma_wait3A_1354 : memref<1000000x32xf32, #tpu.memory_space<hbm>>) dst(%dma_wait3A_1344 : memref<50x32xf32, #tpu.memory_space<vmem>>)
      %dma_wait3A_1355 = arith.constant 0 : i32
      %dma_wait3A_1356 = arith.constant 23 : i32
      %dma_wait3A_1357 = arith.constant 0 : i32
      %dma_wait3A_1358 = arith.constant 23 : i32
      %dma_wait3A_1359 = arith.constant 0 : i32
      %dma_wait3A_1360 = arith.constant 0 : i32
      %dma_wait3A_1361 = arith.constant 0 : i32
      %dma_wait3A_1362 = tpu.memref_slice %arg6[%dma_wait3A_1357, %dma_wait3A_1359, %dma_wait3A_1360, %dma_wait3A_1361] : memref<2x32x50x32xf32, #tpu.memory_space<vmem>> -> memref<1x32x50x32xf32, #tpu.memory_space<vmem>>
      %dma_wait3A_1363 = tpu.memref_squeeze %dma_wait3A_1362 : memref<1x32x50x32xf32, #tpu.memory_space<vmem>> -> memref<32x50x32xf32, #tpu.memory_space<vmem>>
      %dma_wait3A_1364 = arith.constant 0 : i32
      %dma_wait3A_1365 = arith.constant 0 : i32
      %dma_wait3A_1366 = tpu.memref_slice %dma_wait3A_1363[%dma_wait3A_1358, %dma_wait3A_1364, %dma_wait3A_1365] : memref<32x50x32xf32, #tpu.memory_space<vmem>> -> memref<1x50x32xf32, #tpu.memory_space<vmem>>
      %dma_wait3A_1367 = tpu.memref_squeeze %dma_wait3A_1366 : memref<1x50x32xf32, #tpu.memory_space<vmem>> -> memref<50x32xf32, #tpu.memory_space<vmem>>
      %dma_wait3A_1368 = arith.constant 0 : i32
      %dma_wait3A_1369 = arith.constant 0 : i32
      %dma_wait3A_1370 = tpu.memref_slice %arg5[%dma_wait3A_1355, %dma_wait3A_1368, %dma_wait3A_1369] : memref<2x32x50xi32, #tpu.memory_space<vmem>> -> memref<1x32x50xi32, #tpu.memory_space<vmem>>
      %dma_wait3A_1371 = tpu.memref_squeeze %dma_wait3A_1370 : memref<1x32x50xi32, #tpu.memory_space<vmem>> -> memref<32x50xi32, #tpu.memory_space<vmem>>
      %dma_wait3A_1372 = arith.constant 0 : i32
      %dma_wait3A_1373 = tpu.memref_slice %dma_wait3A_1371[%dma_wait3A_1356, %dma_wait3A_1372] : memref<32x50xi32, #tpu.memory_space<vmem>> -> memref<1x50xi32, #tpu.memory_space<vmem>>
      %dma_wait3A_1374 = tpu.memref_squeeze %dma_wait3A_1373 : memref<1x50xi32, #tpu.memory_space<vmem>> -> memref<50xi32, #tpu.memory_space<vmem>>
      %dma_wait3A_1375 = arith.constant 0 : i32
      %dma_wait3A_1376 = arith.constant 0 : i32
      %dma_wait3A_1377 = tpu.memref_slice %arg3[%dma_wait3A_1375, %dma_wait3A_1376] : memref<1000000x32xf32, #tpu.memory_space<hbm>> -> memref<1000000x32xf32, #tpu.memory_space<hbm>>
      tpu.wait_indirect_dma semaphore(%arg11 : memref<!tpu.dma_semaphore, #tpu.memory_space<semaphore_mem>>) src(%dma_wait3A_1377 : memref<1000000x32xf32, #tpu.memory_space<hbm>>) dst(%dma_wait3A_1367 : memref<50x32xf32, #tpu.memory_space<vmem>>)
      %dma_wait3A_1378 = arith.constant 0 : i32
      %dma_wait3A_1379 = arith.constant 24 : i32
      %dma_wait3A_1380 = arith.constant 0 : i32
      %dma_wait3A_1381 = arith.constant 24 : i32
      %dma_wait3A_1382 = arith.constant 0 : i32
      %dma_wait3A_1383 = arith.constant 0 : i32
      %dma_wait3A_1384 = arith.constant 0 : i32
      %dma_wait3A_1385 = tpu.memref_slice %arg6[%dma_wait3A_1380, %dma_wait3A_1382, %dma_wait3A_1383, %dma_wait3A_1384] : memref<2x32x50x32xf32, #tpu.memory_space<vmem>> -> memref<1x32x50x32xf32, #tpu.memory_space<vmem>>
      %dma_wait3A_1386 = tpu.memref_squeeze %dma_wait3A_1385 : memref<1x32x50x32xf32, #tpu.memory_space<vmem>> -> memref<32x50x32xf32, #tpu.memory_space<vmem>>
      %dma_wait3A_1387 = arith.constant 0 : i32
      %dma_wait3A_1388 = arith.constant 0 : i32
      %dma_wait3A_1389 = tpu.memref_slice %dma_wait3A_1386[%dma_wait3A_1381, %dma_wait3A_1387, %dma_wait3A_1388] : memref<32x50x32xf32, #tpu.memory_space<vmem>> -> memref<1x50x32xf32, #tpu.memory_space<vmem>>
      %dma_wait3A_1390 = tpu.memref_squeeze %dma_wait3A_1389 : memref<1x50x32xf32, #tpu.memory_space<vmem>> -> memref<50x32xf32, #tpu.memory_space<vmem>>
      %dma_wait3A_1391 = arith.constant 0 : i32
      %dma_wait3A_1392 = arith.constant 0 : i32
      %dma_wait3A_1393 = tpu.memref_slice %arg5[%dma_wait3A_1378, %dma_wait3A_1391, %dma_wait3A_1392] : memref<2x32x50xi32, #tpu.memory_space<vmem>> -> memref<1x32x50xi32, #tpu.memory_space<vmem>>
      %dma_wait3A_1394 = tpu.memref_squeeze %dma_wait3A_1393 : memref<1x32x50xi32, #tpu.memory_space<vmem>> -> memref<32x50xi32, #tpu.memory_space<vmem>>
      %dma_wait3A_1395 = arith.constant 0 : i32
      %dma_wait3A_1396 = tpu.memref_slice %dma_wait3A_1394[%dma_wait3A_1379, %dma_wait3A_1395] : memref<32x50xi32, #tpu.memory_space<vmem>> -> memref<1x50xi32, #tpu.memory_space<vmem>>
      %dma_wait3A_1397 = tpu.memref_squeeze %dma_wait3A_1396 : memref<1x50xi32, #tpu.memory_space<vmem>> -> memref<50xi32, #tpu.memory_space<vmem>>
      %dma_wait3A_1398 = arith.constant 0 : i32
      %dma_wait3A_1399 = arith.constant 0 : i32
      %dma_wait3A_1400 = tpu.memref_slice %arg3[%dma_wait3A_1398, %dma_wait3A_1399] : memref<1000000x32xf32, #tpu.memory_space<hbm>> -> memref<1000000x32xf32, #tpu.memory_space<hbm>>
      tpu.wait_indirect_dma semaphore(%arg11 : memref<!tpu.dma_semaphore, #tpu.memory_space<semaphore_mem>>) src(%dma_wait3A_1400 : memref<1000000x32xf32, #tpu.memory_space<hbm>>) dst(%dma_wait3A_1390 : memref<50x32xf32, #tpu.memory_space<vmem>>)
      %dma_wait3A_1401 = arith.constant 0 : i32
      %dma_wait3A_1402 = arith.constant 25 : i32
      %dma_wait3A_1403 = arith.constant 0 : i32
      %dma_wait3A_1404 = arith.constant 25 : i32
      %dma_wait3A_1405 = arith.constant 0 : i32
      %dma_wait3A_1406 = arith.constant 0 : i32
      %dma_wait3A_1407 = arith.constant 0 : i32
      %dma_wait3A_1408 = tpu.memref_slice %arg6[%dma_wait3A_1403, %dma_wait3A_1405, %dma_wait3A_1406, %dma_wait3A_1407] : memref<2x32x50x32xf32, #tpu.memory_space<vmem>> -> memref<1x32x50x32xf32, #tpu.memory_space<vmem>>
      %dma_wait3A_1409 = tpu.memref_squeeze %dma_wait3A_1408 : memref<1x32x50x32xf32, #tpu.memory_space<vmem>> -> memref<32x50x32xf32, #tpu.memory_space<vmem>>
      %dma_wait3A_1410 = arith.constant 0 : i32
      %dma_wait3A_1411 = arith.constant 0 : i32
      %dma_wait3A_1412 = tpu.memref_slice %dma_wait3A_1409[%dma_wait3A_1404, %dma_wait3A_1410, %dma_wait3A_1411] : memref<32x50x32xf32, #tpu.memory_space<vmem>> -> memref<1x50x32xf32, #tpu.memory_space<vmem>>
      %dma_wait3A_1413 = tpu.memref_squeeze %dma_wait3A_1412 : memref<1x50x32xf32, #tpu.memory_space<vmem>> -> memref<50x32xf32, #tpu.memory_space<vmem>>
      %dma_wait3A_1414 = arith.constant 0 : i32
      %dma_wait3A_1415 = arith.constant 0 : i32
      %dma_wait3A_1416 = tpu.memref_slice %arg5[%dma_wait3A_1401, %dma_wait3A_1414, %dma_wait3A_1415] : memref<2x32x50xi32, #tpu.memory_space<vmem>> -> memref<1x32x50xi32, #tpu.memory_space<vmem>>
      %dma_wait3A_1417 = tpu.memref_squeeze %dma_wait3A_1416 : memref<1x32x50xi32, #tpu.memory_space<vmem>> -> memref<32x50xi32, #tpu.memory_space<vmem>>
      %dma_wait3A_1418 = arith.constant 0 : i32
      %dma_wait3A_1419 = tpu.memref_slice %dma_wait3A_1417[%dma_wait3A_1402, %dma_wait3A_1418] : memref<32x50xi32, #tpu.memory_space<vmem>> -> memref<1x50xi32, #tpu.memory_space<vmem>>
      %dma_wait3A_1420 = tpu.memref_squeeze %dma_wait3A_1419 : memref<1x50xi32, #tpu.memory_space<vmem>> -> memref<50xi32, #tpu.memory_space<vmem>>
      %dma_wait3A_1421 = arith.constant 0 : i32
      %dma_wait3A_1422 = arith.constant 0 : i32
      %dma_wait3A_1423 = tpu.memref_slice %arg3[%dma_wait3A_1421, %dma_wait3A_1422] : memref<1000000x32xf32, #tpu.memory_space<hbm>> -> memref<1000000x32xf32, #tpu.memory_space<hbm>>
      tpu.wait_indirect_dma semaphore(%arg11 : memref<!tpu.dma_semaphore, #tpu.memory_space<semaphore_mem>>) src(%dma_wait3A_1423 : memref<1000000x32xf32, #tpu.memory_space<hbm>>) dst(%dma_wait3A_1413 : memref<50x32xf32, #tpu.memory_space<vmem>>)
      %dma_wait3A_1424 = arith.constant 0 : i32
      %dma_wait3A_1425 = arith.constant 26 : i32
      %dma_wait3A_1426 = arith.constant 0 : i32
      %dma_wait3A_1427 = arith.constant 26 : i32
      %dma_wait3A_1428 = arith.constant 0 : i32
      %dma_wait3A_1429 = arith.constant 0 : i32
      %dma_wait3A_1430 = arith.constant 0 : i32
      %dma_wait3A_1431 = tpu.memref_slice %arg6[%dma_wait3A_1426, %dma_wait3A_1428, %dma_wait3A_1429, %dma_wait3A_1430] : memref<2x32x50x32xf32, #tpu.memory_space<vmem>> -> memref<1x32x50x32xf32, #tpu.memory_space<vmem>>
      %dma_wait3A_1432 = tpu.memref_squeeze %dma_wait3A_1431 : memref<1x32x50x32xf32, #tpu.memory_space<vmem>> -> memref<32x50x32xf32, #tpu.memory_space<vmem>>
      %dma_wait3A_1433 = arith.constant 0 : i32
      %dma_wait3A_1434 = arith.constant 0 : i32
      %dma_wait3A_1435 = tpu.memref_slice %dma_wait3A_1432[%dma_wait3A_1427, %dma_wait3A_1433, %dma_wait3A_1434] : memref<32x50x32xf32, #tpu.memory_space<vmem>> -> memref<1x50x32xf32, #tpu.memory_space<vmem>>
      %dma_wait3A_1436 = tpu.memref_squeeze %dma_wait3A_1435 : memref<1x50x32xf32, #tpu.memory_space<vmem>> -> memref<50x32xf32, #tpu.memory_space<vmem>>
      %dma_wait3A_1437 = arith.constant 0 : i32
      %dma_wait3A_1438 = arith.constant 0 : i32
      %dma_wait3A_1439 = tpu.memref_slice %arg5[%dma_wait3A_1424, %dma_wait3A_1437, %dma_wait3A_1438] : memref<2x32x50xi32, #tpu.memory_space<vmem>> -> memref<1x32x50xi32, #tpu.memory_space<vmem>>
      %dma_wait3A_1440 = tpu.memref_squeeze %dma_wait3A_1439 : memref<1x32x50xi32, #tpu.memory_space<vmem>> -> memref<32x50xi32, #tpu.memory_space<vmem>>
      %dma_wait3A_1441 = arith.constant 0 : i32
      %dma_wait3A_1442 = tpu.memref_slice %dma_wait3A_1440[%dma_wait3A_1425, %dma_wait3A_1441] : memref<32x50xi32, #tpu.memory_space<vmem>> -> memref<1x50xi32, #tpu.memory_space<vmem>>
      %dma_wait3A_1443 = tpu.memref_squeeze %dma_wait3A_1442 : memref<1x50xi32, #tpu.memory_space<vmem>> -> memref<50xi32, #tpu.memory_space<vmem>>
      %dma_wait3A_1444 = arith.constant 0 : i32
      %dma_wait3A_1445 = arith.constant 0 : i32
      %dma_wait3A_1446 = tpu.memref_slice %arg3[%dma_wait3A_1444, %dma_wait3A_1445] : memref<1000000x32xf32, #tpu.memory_space<hbm>> -> memref<1000000x32xf32, #tpu.memory_space<hbm>>
      tpu.wait_indirect_dma semaphore(%arg11 : memref<!tpu.dma_semaphore, #tpu.memory_space<semaphore_mem>>) src(%dma_wait3A_1446 : memref<1000000x32xf32, #tpu.memory_space<hbm>>) dst(%dma_wait3A_1436 : memref<50x32xf32, #tpu.memory_space<vmem>>)
      %dma_wait3A_1447 = arith.constant 0 : i32
      %dma_wait3A_1448 = arith.constant 27 : i32
      %dma_wait3A_1449 = arith.constant 0 : i32
      %dma_wait3A_1450 = arith.constant 27 : i32
      %dma_wait3A_1451 = arith.constant 0 : i32
      %dma_wait3A_1452 = arith.constant 0 : i32
      %dma_wait3A_1453 = arith.constant 0 : i32
      %dma_wait3A_1454 = tpu.memref_slice %arg6[%dma_wait3A_1449, %dma_wait3A_1451, %dma_wait3A_1452, %dma_wait3A_1453] : memref<2x32x50x32xf32, #tpu.memory_space<vmem>> -> memref<1x32x50x32xf32, #tpu.memory_space<vmem>>
      %dma_wait3A_1455 = tpu.memref_squeeze %dma_wait3A_1454 : memref<1x32x50x32xf32, #tpu.memory_space<vmem>> -> memref<32x50x32xf32, #tpu.memory_space<vmem>>
      %dma_wait3A_1456 = arith.constant 0 : i32
      %dma_wait3A_1457 = arith.constant 0 : i32
      %dma_wait3A_1458 = tpu.memref_slice %dma_wait3A_1455[%dma_wait3A_1450, %dma_wait3A_1456, %dma_wait3A_1457] : memref<32x50x32xf32, #tpu.memory_space<vmem>> -> memref<1x50x32xf32, #tpu.memory_space<vmem>>
      %dma_wait3A_1459 = tpu.memref_squeeze %dma_wait3A_1458 : memref<1x50x32xf32, #tpu.memory_space<vmem>> -> memref<50x32xf32, #tpu.memory_space<vmem>>
      %dma_wait3A_1460 = arith.constant 0 : i32
      %dma_wait3A_1461 = arith.constant 0 : i32
      %dma_wait3A_1462 = tpu.memref_slice %arg5[%dma_wait3A_1447, %dma_wait3A_1460, %dma_wait3A_1461] : memref<2x32x50xi32, #tpu.memory_space<vmem>> -> memref<1x32x50xi32, #tpu.memory_space<vmem>>
      %dma_wait3A_1463 = tpu.memref_squeeze %dma_wait3A_1462 : memref<1x32x50xi32, #tpu.memory_space<vmem>> -> memref<32x50xi32, #tpu.memory_space<vmem>>
      %dma_wait3A_1464 = arith.constant 0 : i32
      %dma_wait3A_1465 = tpu.memref_slice %dma_wait3A_1463[%dma_wait3A_1448, %dma_wait3A_1464] : memref<32x50xi32, #tpu.memory_space<vmem>> -> memref<1x50xi32, #tpu.memory_space<vmem>>
      %dma_wait3A_1466 = tpu.memref_squeeze %dma_wait3A_1465 : memref<1x50xi32, #tpu.memory_space<vmem>> -> memref<50xi32, #tpu.memory_space<vmem>>
      %dma_wait3A_1467 = arith.constant 0 : i32
      %dma_wait3A_1468 = arith.constant 0 : i32
      %dma_wait3A_1469 = tpu.memref_slice %arg3[%dma_wait3A_1467, %dma_wait3A_1468] : memref<1000000x32xf32, #tpu.memory_space<hbm>> -> memref<1000000x32xf32, #tpu.memory_space<hbm>>
      tpu.wait_indirect_dma semaphore(%arg11 : memref<!tpu.dma_semaphore, #tpu.memory_space<semaphore_mem>>) src(%dma_wait3A_1469 : memref<1000000x32xf32, #tpu.memory_space<hbm>>) dst(%dma_wait3A_1459 : memref<50x32xf32, #tpu.memory_space<vmem>>)
      %dma_wait3A_1470 = arith.constant 0 : i32
      %dma_wait3A_1471 = arith.constant 28 : i32
      %dma_wait3A_1472 = arith.constant 0 : i32
      %dma_wait3A_1473 = arith.constant 28 : i32
      %dma_wait3A_1474 = arith.constant 0 : i32
      %dma_wait3A_1475 = arith.constant 0 : i32
      %dma_wait3A_1476 = arith.constant 0 : i32
      %dma_wait3A_1477 = tpu.memref_slice %arg6[%dma_wait3A_1472, %dma_wait3A_1474, %dma_wait3A_1475, %dma_wait3A_1476] : memref<2x32x50x32xf32, #tpu.memory_space<vmem>> -> memref<1x32x50x32xf32, #tpu.memory_space<vmem>>
      %dma_wait3A_1478 = tpu.memref_squeeze %dma_wait3A_1477 : memref<1x32x50x32xf32, #tpu.memory_space<vmem>> -> memref<32x50x32xf32, #tpu.memory_space<vmem>>
      %dma_wait3A_1479 = arith.constant 0 : i32
      %dma_wait3A_1480 = arith.constant 0 : i32
      %dma_wait3A_1481 = tpu.memref_slice %dma_wait3A_1478[%dma_wait3A_1473, %dma_wait3A_1479, %dma_wait3A_1480] : memref<32x50x32xf32, #tpu.memory_space<vmem>> -> memref<1x50x32xf32, #tpu.memory_space<vmem>>
      %dma_wait3A_1482 = tpu.memref_squeeze %dma_wait3A_1481 : memref<1x50x32xf32, #tpu.memory_space<vmem>> -> memref<50x32xf32, #tpu.memory_space<vmem>>
      %dma_wait3A_1483 = arith.constant 0 : i32
      %dma_wait3A_1484 = arith.constant 0 : i32
      %dma_wait3A_1485 = tpu.memref_slice %arg5[%dma_wait3A_1470, %dma_wait3A_1483, %dma_wait3A_1484] : memref<2x32x50xi32, #tpu.memory_space<vmem>> -> memref<1x32x50xi32, #tpu.memory_space<vmem>>
      %dma_wait3A_1486 = tpu.memref_squeeze %dma_wait3A_1485 : memref<1x32x50xi32, #tpu.memory_space<vmem>> -> memref<32x50xi32, #tpu.memory_space<vmem>>
      %dma_wait3A_1487 = arith.constant 0 : i32
      %dma_wait3A_1488 = tpu.memref_slice %dma_wait3A_1486[%dma_wait3A_1471, %dma_wait3A_1487] : memref<32x50xi32, #tpu.memory_space<vmem>> -> memref<1x50xi32, #tpu.memory_space<vmem>>
      %dma_wait3A_1489 = tpu.memref_squeeze %dma_wait3A_1488 : memref<1x50xi32, #tpu.memory_space<vmem>> -> memref<50xi32, #tpu.memory_space<vmem>>
      %dma_wait3A_1490 = arith.constant 0 : i32
      %dma_wait3A_1491 = arith.constant 0 : i32
      %dma_wait3A_1492 = tpu.memref_slice %arg3[%dma_wait3A_1490, %dma_wait3A_1491] : memref<1000000x32xf32, #tpu.memory_space<hbm>> -> memref<1000000x32xf32, #tpu.memory_space<hbm>>
      tpu.wait_indirect_dma semaphore(%arg11 : memref<!tpu.dma_semaphore, #tpu.memory_space<semaphore_mem>>) src(%dma_wait3A_1492 : memref<1000000x32xf32, #tpu.memory_space<hbm>>) dst(%dma_wait3A_1482 : memref<50x32xf32, #tpu.memory_space<vmem>>)
      %dma_wait3A_1493 = arith.constant 0 : i32
      %dma_wait3A_1494 = arith.constant 29 : i32
      %dma_wait3A_1495 = arith.constant 0 : i32
      %dma_wait3A_1496 = arith.constant 29 : i32
      %dma_wait3A_1497 = arith.constant 0 : i32
      %dma_wait3A_1498 = arith.constant 0 : i32
      %dma_wait3A_1499 = arith.constant 0 : i32
      %dma_wait3A_1500 = tpu.memref_slice %arg6[%dma_wait3A_1495, %dma_wait3A_1497, %dma_wait3A_1498, %dma_wait3A_1499] : memref<2x32x50x32xf32, #tpu.memory_space<vmem>> -> memref<1x32x50x32xf32, #tpu.memory_space<vmem>>
      %dma_wait3A_1501 = tpu.memref_squeeze %dma_wait3A_1500 : memref<1x32x50x32xf32, #tpu.memory_space<vmem>> -> memref<32x50x32xf32, #tpu.memory_space<vmem>>
      %dma_wait3A_1502 = arith.constant 0 : i32
      %dma_wait3A_1503 = arith.constant 0 : i32
      %dma_wait3A_1504 = tpu.memref_slice %dma_wait3A_1501[%dma_wait3A_1496, %dma_wait3A_1502, %dma_wait3A_1503] : memref<32x50x32xf32, #tpu.memory_space<vmem>> -> memref<1x50x32xf32, #tpu.memory_space<vmem>>
      %dma_wait3A_1505 = tpu.memref_squeeze %dma_wait3A_1504 : memref<1x50x32xf32, #tpu.memory_space<vmem>> -> memref<50x32xf32, #tpu.memory_space<vmem>>
      %dma_wait3A_1506 = arith.constant 0 : i32
      %dma_wait3A_1507 = arith.constant 0 : i32
      %dma_wait3A_1508 = tpu.memref_slice %arg5[%dma_wait3A_1493, %dma_wait3A_1506, %dma_wait3A_1507] : memref<2x32x50xi32, #tpu.memory_space<vmem>> -> memref<1x32x50xi32, #tpu.memory_space<vmem>>
      %dma_wait3A_1509 = tpu.memref_squeeze %dma_wait3A_1508 : memref<1x32x50xi32, #tpu.memory_space<vmem>> -> memref<32x50xi32, #tpu.memory_space<vmem>>
      %dma_wait3A_1510 = arith.constant 0 : i32
      %dma_wait3A_1511 = tpu.memref_slice %dma_wait3A_1509[%dma_wait3A_1494, %dma_wait3A_1510] : memref<32x50xi32, #tpu.memory_space<vmem>> -> memref<1x50xi32, #tpu.memory_space<vmem>>
      %dma_wait3A_1512 = tpu.memref_squeeze %dma_wait3A_1511 : memref<1x50xi32, #tpu.memory_space<vmem>> -> memref<50xi32, #tpu.memory_space<vmem>>
      %dma_wait3A_1513 = arith.constant 0 : i32
      %dma_wait3A_1514 = arith.constant 0 : i32
      %dma_wait3A_1515 = tpu.memref_slice %arg3[%dma_wait3A_1513, %dma_wait3A_1514] : memref<1000000x32xf32, #tpu.memory_space<hbm>> -> memref<1000000x32xf32, #tpu.memory_space<hbm>>
      tpu.wait_indirect_dma semaphore(%arg11 : memref<!tpu.dma_semaphore, #tpu.memory_space<semaphore_mem>>) src(%dma_wait3A_1515 : memref<1000000x32xf32, #tpu.memory_space<hbm>>) dst(%dma_wait3A_1505 : memref<50x32xf32, #tpu.memory_space<vmem>>)
      %dma_wait3A_1516 = arith.constant 0 : i32
      %dma_wait3A_1517 = arith.constant 30 : i32
      %dma_wait3A_1518 = arith.constant 0 : i32
      %dma_wait3A_1519 = arith.constant 30 : i32
      %dma_wait3A_1520 = arith.constant 0 : i32
      %dma_wait3A_1521 = arith.constant 0 : i32
      %dma_wait3A_1522 = arith.constant 0 : i32
      %dma_wait3A_1523 = tpu.memref_slice %arg6[%dma_wait3A_1518, %dma_wait3A_1520, %dma_wait3A_1521, %dma_wait3A_1522] : memref<2x32x50x32xf32, #tpu.memory_space<vmem>> -> memref<1x32x50x32xf32, #tpu.memory_space<vmem>>
      %dma_wait3A_1524 = tpu.memref_squeeze %dma_wait3A_1523 : memref<1x32x50x32xf32, #tpu.memory_space<vmem>> -> memref<32x50x32xf32, #tpu.memory_space<vmem>>
      %dma_wait3A_1525 = arith.constant 0 : i32
      %dma_wait3A_1526 = arith.constant 0 : i32
      %dma_wait3A_1527 = tpu.memref_slice %dma_wait3A_1524[%dma_wait3A_1519, %dma_wait3A_1525, %dma_wait3A_1526] : memref<32x50x32xf32, #tpu.memory_space<vmem>> -> memref<1x50x32xf32, #tpu.memory_space<vmem>>
      %dma_wait3A_1528 = tpu.memref_squeeze %dma_wait3A_1527 : memref<1x50x32xf32, #tpu.memory_space<vmem>> -> memref<50x32xf32, #tpu.memory_space<vmem>>
      %dma_wait3A_1529 = arith.constant 0 : i32
      %dma_wait3A_1530 = arith.constant 0 : i32
      %dma_wait3A_1531 = tpu.memref_slice %arg5[%dma_wait3A_1516, %dma_wait3A_1529, %dma_wait3A_1530] : memref<2x32x50xi32, #tpu.memory_space<vmem>> -> memref<1x32x50xi32, #tpu.memory_space<vmem>>
      %dma_wait3A_1532 = tpu.memref_squeeze %dma_wait3A_1531 : memref<1x32x50xi32, #tpu.memory_space<vmem>> -> memref<32x50xi32, #tpu.memory_space<vmem>>
      %dma_wait3A_1533 = arith.constant 0 : i32
      %dma_wait3A_1534 = tpu.memref_slice %dma_wait3A_1532[%dma_wait3A_1517, %dma_wait3A_1533] : memref<32x50xi32, #tpu.memory_space<vmem>> -> memref<1x50xi32, #tpu.memory_space<vmem>>
      %dma_wait3A_1535 = tpu.memref_squeeze %dma_wait3A_1534 : memref<1x50xi32, #tpu.memory_space<vmem>> -> memref<50xi32, #tpu.memory_space<vmem>>
      %dma_wait3A_1536 = arith.constant 0 : i32
      %dma_wait3A_1537 = arith.constant 0 : i32
      %dma_wait3A_1538 = tpu.memref_slice %arg3[%dma_wait3A_1536, %dma_wait3A_1537] : memref<1000000x32xf32, #tpu.memory_space<hbm>> -> memref<1000000x32xf32, #tpu.memory_space<hbm>>
      tpu.wait_indirect_dma semaphore(%arg11 : memref<!tpu.dma_semaphore, #tpu.memory_space<semaphore_mem>>) src(%dma_wait3A_1538 : memref<1000000x32xf32, #tpu.memory_space<hbm>>) dst(%dma_wait3A_1528 : memref<50x32xf32, #tpu.memory_space<vmem>>)
      %dma_wait3A_1539 = arith.constant 0 : i32
      %dma_wait3A_1540 = arith.constant 31 : i32
      %dma_wait3A_1541 = arith.constant 0 : i32
      %dma_wait3A_1542 = arith.constant 31 : i32
      %dma_wait3A_1543 = arith.constant 0 : i32
      %dma_wait3A_1544 = arith.constant 0 : i32
      %dma_wait3A_1545 = arith.constant 0 : i32
      %dma_wait3A_1546 = tpu.memref_slice %arg6[%dma_wait3A_1541, %dma_wait3A_1543, %dma_wait3A_1544, %dma_wait3A_1545] : memref<2x32x50x32xf32, #tpu.memory_space<vmem>> -> memref<1x32x50x32xf32, #tpu.memory_space<vmem>>
      %dma_wait3A_1547 = tpu.memref_squeeze %dma_wait3A_1546 : memref<1x32x50x32xf32, #tpu.memory_space<vmem>> -> memref<32x50x32xf32, #tpu.memory_space<vmem>>
      %dma_wait3A_1548 = arith.constant 0 : i32
      %dma_wait3A_1549 = arith.constant 0 : i32
      %dma_wait3A_1550 = tpu.memref_slice %dma_wait3A_1547[%dma_wait3A_1542, %dma_wait3A_1548, %dma_wait3A_1549] : memref<32x50x32xf32, #tpu.memory_space<vmem>> -> memref<1x50x32xf32, #tpu.memory_space<vmem>>
      %dma_wait3A_1551 = tpu.memref_squeeze %dma_wait3A_1550 : memref<1x50x32xf32, #tpu.memory_space<vmem>> -> memref<50x32xf32, #tpu.memory_space<vmem>>
      %dma_wait3A_1552 = arith.constant 0 : i32
      %dma_wait3A_1553 = arith.constant 0 : i32
      %dma_wait3A_1554 = tpu.memref_slice %arg5[%dma_wait3A_1539, %dma_wait3A_1552, %dma_wait3A_1553] : memref<2x32x50xi32, #tpu.memory_space<vmem>> -> memref<1x32x50xi32, #tpu.memory_space<vmem>>
      %dma_wait3A_1555 = tpu.memref_squeeze %dma_wait3A_1554 : memref<1x32x50xi32, #tpu.memory_space<vmem>> -> memref<32x50xi32, #tpu.memory_space<vmem>>
      %dma_wait3A_1556 = arith.constant 0 : i32
      %dma_wait3A_1557 = tpu.memref_slice %dma_wait3A_1555[%dma_wait3A_1540, %dma_wait3A_1556] : memref<32x50xi32, #tpu.memory_space<vmem>> -> memref<1x50xi32, #tpu.memory_space<vmem>>
      %dma_wait3A_1558 = tpu.memref_squeeze %dma_wait3A_1557 : memref<1x50xi32, #tpu.memory_space<vmem>> -> memref<50xi32, #tpu.memory_space<vmem>>
      %dma_wait3A_1559 = arith.constant 0 : i32
      %dma_wait3A_1560 = arith.constant 0 : i32
      %dma_wait3A_1561 = tpu.memref_slice %arg3[%dma_wait3A_1559, %dma_wait3A_1560] : memref<1000000x32xf32, #tpu.memory_space<hbm>> -> memref<1000000x32xf32, #tpu.memory_space<hbm>>
      tpu.wait_indirect_dma semaphore(%arg11 : memref<!tpu.dma_semaphore, #tpu.memory_space<semaphore_mem>>) src(%dma_wait3A_1561 : memref<1000000x32xf32, #tpu.memory_space<hbm>>) dst(%dma_wait3A_1551 : memref<50x32xf32, #tpu.memory_space<vmem>>)
      %add3A_1562 = arith.constant 2 : i32
      %add3A_1563 = arith.addi %add3A_74, %add3A_1562 : i32
      %lt3A = arith.constant 16 : i32
      %lt3A_1564 = arith.cmpi slt, %add3A_1563, %lt3A : i32
      %convert_element_type3A_1565 = arith.extui %lt3A_1564 : i1 to i32
      %cond3A_1566 = arith.constant 0 : i32
      %cond3A_1567 = arith.cmpi ne, %convert_element_type3A_1565, %cond3A_1566 : i32
      scf.if %cond3A_1567 {
        %add3A_3109 = arith.constant 2 : i32
        %add3A_3110 = arith.addi %add3A_74, %add3A_3109 : i32
        %mul3A_3111 = arith.constant 32 : i32
        %mul3A_3112 = arith.muli %add3A_3110, %mul3A_3111 : i32
        %add3A_3113 = arith.addi %mul3A_2, %mul3A_3112 : i32
        %dma_start3A_3114 = arith.constant 0 : i32
        %dma_start3A_3115 = arith.constant 0 : i32
        %dma_start3A_3116 = arith.constant 0 : i32
        %dma_start3A_3117 = tpu.memref_slice %arg5[%dma_start3A_3114, %dma_start3A_3115, %dma_start3A_3116] : memref<2x32x50xi32, #tpu.memory_space<vmem>> -> memref<1x32x50xi32, #tpu.memory_space<vmem>>
        %dma_start3A_3118 = tpu.memref_squeeze %dma_start3A_3117 : memref<1x32x50xi32, #tpu.memory_space<vmem>> -> memref<32x50xi32, #tpu.memory_space<vmem>>
        %dma_start3A_3119 = arith.constant 0 : i32
        %dma_start3A_3120 = tpu.memref_slice %arg2[%add3A_3113, %dma_start3A_3119] : memref<16384x50xi32, #tpu.memory_space<hbm>> -> memref<32x50xi32, #tpu.memory_space<hbm>>
        %dma_start3A_3121 = arith.constant 0 : i32
        %dma_start3A_3122 = arith.constant 0 : i32
        %dma_start3A_3123 = tpu.memref_slice %arg5[%dma_start3A_3114, %dma_start3A_3121, %dma_start3A_3122] : memref<2x32x50xi32, #tpu.memory_space<vmem>> -> memref<1x32x50xi32, #tpu.memory_space<vmem>>
        %dma_start3A_3124 = tpu.memref_squeeze %dma_start3A_3123 : memref<1x32x50xi32, #tpu.memory_space<vmem>> -> memref<32x50xi32, #tpu.memory_space<vmem>>
        %dma_start3A_3125 = arith.constant 0 : i32
        %dma_start3A_3126 = tpu.memref_slice %arg2[%add3A_3113, %dma_start3A_3125] : memref<16384x50xi32, #tpu.memory_space<hbm>> -> memref<32x50xi32, #tpu.memory_space<hbm>>
        tpu.enqueue_dma source(%dma_start3A_3126 : memref<32x50xi32, #tpu.memory_space<hbm>>) target(%dma_start3A_3124 : memref<32x50xi32, #tpu.memory_space<vmem>>) target_semaphore(%arg7 : memref<!tpu.dma_semaphore, #tpu.memory_space<semaphore_mem>>)
      } else {
      }
      %mul3A_1568 = arith.constant 32 : i32
      %mul3A_1569 = arith.muli %add3A_74, %mul3A_1568 : i32
      %add3A_1570 = arith.addi %mul3A_2, %mul3A_1569 : i32
      %dma_start3A_1571 = arith.constant 0 : i32
      %dma_start3A_1572 = arith.constant 0 : i32
      %dma_start3A_1573 = arith.constant 0 : i32
      %dma_start3A_1574 = arith.constant 0 : i32
      %dma_start3A_1575 = tpu.memref_slice %arg6[%dma_start3A_1571, %dma_start3A_1572, %dma_start3A_1573, %dma_start3A_1574] : memref<2x32x50x32xf32, #tpu.memory_space<vmem>> -> memref<1x32x50x32xf32, #tpu.memory_space<vmem>>
      %dma_start3A_1576 = tpu.memref_squeeze %dma_start3A_1575 : memref<1x32x50x32xf32, #tpu.memory_space<vmem>> -> memref<32x50x32xf32, #tpu.memory_space<vmem>>
      %dma_start3A_1577 = arith.constant 0 : i32
      %dma_start3A_1578 = arith.constant 0 : i32
      %dma_start3A_1579 = tpu.memref_slice %arg4[%add3A_1570, %dma_start3A_1577, %dma_start3A_1578] : memref<16384x50x32xf32, #tpu.memory_space<hbm>> -> memref<32x50x32xf32, #tpu.memory_space<hbm>>
      %dma_start3A_1580 = arith.constant 0 : i32
      %dma_start3A_1581 = arith.constant 0 : i32
      %dma_start3A_1582 = tpu.memref_slice %arg4[%add3A_1570, %dma_start3A_1580, %dma_start3A_1581] : memref<16384x50x32xf32, #tpu.memory_space<hbm>> -> memref<32x50x32xf32, #tpu.memory_space<hbm>>
      %dma_start3A_1583 = arith.constant 0 : i32
      %dma_start3A_1584 = arith.constant 0 : i32
      %dma_start3A_1585 = arith.constant 0 : i32
      %dma_start3A_1586 = tpu.memref_slice %arg6[%dma_start3A_1571, %dma_start3A_1583, %dma_start3A_1584, %dma_start3A_1585] : memref<2x32x50x32xf32, #tpu.memory_space<vmem>> -> memref<1x32x50x32xf32, #tpu.memory_space<vmem>>
      %dma_start3A_1587 = tpu.memref_squeeze %dma_start3A_1586 : memref<1x32x50x32xf32, #tpu.memory_space<vmem>> -> memref<32x50x32xf32, #tpu.memory_space<vmem>>
      tpu.enqueue_dma source(%dma_start3A_1587 : memref<32x50x32xf32, #tpu.memory_space<vmem>>) target(%dma_start3A_1582 : memref<32x50x32xf32, #tpu.memory_space<hbm>>) target_semaphore(%arg9 : memref<!tpu.dma_semaphore, #tpu.memory_space<semaphore_mem>>)
      %mul3A_1588 = arith.constant 2 : i32
      %mul3A_1589 = arith.muli %mul3A_1588, %scan3A_70 : i32
      %add3A_1590 = arith.constant 1 : i32
      %add3A_1591 = arith.addi %mul3A_1589, %add3A_1590 : i32
      %dma_wait3A_1592 = arith.constant 1 : i32
      %dma_wait3A_1593 = arith.constant 0 : i32
      %dma_wait3A_1594 = arith.constant 0 : i32
      %dma_wait3A_1595 = tpu.memref_slice %arg5[%dma_wait3A_1592, %dma_wait3A_1593, %dma_wait3A_1594] : memref<2x32x50xi32, #tpu.memory_space<vmem>> -> memref<1x32x50xi32, #tpu.memory_space<vmem>>
      %dma_wait3A_1596 = tpu.memref_squeeze %dma_wait3A_1595 : memref<1x32x50xi32, #tpu.memory_space<vmem>> -> memref<32x50xi32, #tpu.memory_space<vmem>>
      %dma_wait3A_1597 = arith.constant 0 : i32
      %dma_wait3A_1598 = tpu.memref_slice %arg2[%mul3A_2, %dma_wait3A_1597] : memref<16384x50xi32, #tpu.memory_space<hbm>> -> memref<32x50xi32, #tpu.memory_space<hbm>>
      %dma_wait3A_1599 = arith.constant 0 : i32
      %dma_wait3A_1600 = arith.constant 0 : i32
      %dma_wait3A_1601 = tpu.memref_slice %arg5[%dma_wait3A_1592, %dma_wait3A_1599, %dma_wait3A_1600] : memref<2x32x50xi32, #tpu.memory_space<vmem>> -> memref<1x32x50xi32, #tpu.memory_space<vmem>>
      %dma_wait3A_1602 = tpu.memref_squeeze %dma_wait3A_1601 : memref<1x32x50xi32, #tpu.memory_space<vmem>> -> memref<32x50xi32, #tpu.memory_space<vmem>>
      %dma_wait3A_1603 = arith.constant 0 : i32
      %dma_wait3A_1604 = tpu.memref_slice %arg2[%mul3A_2, %dma_wait3A_1603] : memref<16384x50xi32, #tpu.memory_space<hbm>> -> memref<32x50xi32, #tpu.memory_space<hbm>>
      tpu.wait_dma2 semaphore(%arg8 : memref<!tpu.dma_semaphore, #tpu.memory_space<semaphore_mem>>) src(%dma_wait3A_1604 : memref<32x50xi32, #tpu.memory_space<hbm>>) dst(%dma_wait3A_1602 : memref<32x50xi32, #tpu.memory_space<vmem>>)
      %ge3A_1605 = arith.constant 2 : i32
      %ge3A_1606 = arith.cmpi sge, %add3A_1591, %ge3A_1605 : i32
      %convert_element_type3A_1607 = arith.extui %ge3A_1606 : i1 to i32
      %cond3A_1608 = arith.constant 0 : i32
      %cond3A_1609 = arith.cmpi ne, %convert_element_type3A_1607, %cond3A_1608 : i32
      scf.if %cond3A_1609 {
        %dma_wait3A_3109 = arith.constant 1 : i32
        %dma_wait3A_3110 = arith.constant 0 : i32
        %dma_wait3A_3111 = arith.constant 0 : i32
        %dma_wait3A_3112 = arith.constant 0 : i32
        %dma_wait3A_3113 = tpu.memref_slice %arg6[%dma_wait3A_3109, %dma_wait3A_3110, %dma_wait3A_3111, %dma_wait3A_3112] : memref<2x32x50x32xf32, #tpu.memory_space<vmem>> -> memref<1x32x50x32xf32, #tpu.memory_space<vmem>>
        %dma_wait3A_3114 = tpu.memref_squeeze %dma_wait3A_3113 : memref<1x32x50x32xf32, #tpu.memory_space<vmem>> -> memref<32x50x32xf32, #tpu.memory_space<vmem>>
        %dma_wait3A_3115 = arith.constant 0 : i32
        %dma_wait3A_3116 = arith.constant 0 : i32
        %dma_wait3A_3117 = tpu.memref_slice %arg4[%mul3A_2, %dma_wait3A_3115, %dma_wait3A_3116] : memref<16384x50x32xf32, #tpu.memory_space<hbm>> -> memref<32x50x32xf32, #tpu.memory_space<hbm>>
        %dma_wait3A_3118 = arith.constant 0 : i32
        %dma_wait3A_3119 = arith.constant 0 : i32
        %dma_wait3A_3120 = tpu.memref_slice %arg4[%mul3A_2, %dma_wait3A_3118, %dma_wait3A_3119] : memref<16384x50x32xf32, #tpu.memory_space<hbm>> -> memref<32x50x32xf32, #tpu.memory_space<hbm>>
        %dma_wait3A_3121 = arith.constant 0 : i32
        %dma_wait3A_3122 = arith.constant 0 : i32
        %dma_wait3A_3123 = arith.constant 0 : i32
        %dma_wait3A_3124 = tpu.memref_slice %arg6[%dma_wait3A_3109, %dma_wait3A_3121, %dma_wait3A_3122, %dma_wait3A_3123] : memref<2x32x50x32xf32, #tpu.memory_space<vmem>> -> memref<1x32x50x32xf32, #tpu.memory_space<vmem>>
        %dma_wait3A_3125 = tpu.memref_squeeze %dma_wait3A_3124 : memref<1x32x50x32xf32, #tpu.memory_space<vmem>> -> memref<32x50x32xf32, #tpu.memory_space<vmem>>
        tpu.wait_dma2 semaphore(%arg10 : memref<!tpu.dma_semaphore, #tpu.memory_space<semaphore_mem>>) src(%dma_wait3A_3125 : memref<32x50x32xf32, #tpu.memory_space<vmem>>) dst(%dma_wait3A_3120 : memref<32x50x32xf32, #tpu.memory_space<hbm>>)
      } else {
      }
      %dma_start3A_1610 = arith.constant 1 : i32
      %dma_start3A_1611 = arith.constant 0 : i32
      %dma_start3A_1612 = arith.constant 1 : i32
      %dma_start3A_1613 = arith.constant 0 : i32
      %dma_start3A_1614 = arith.constant 0 : i32
      %dma_start3A_1615 = arith.constant 0 : i32
      %dma_start3A_1616 = arith.constant 0 : i32
      %dma_start3A_1617 = tpu.memref_slice %arg6[%dma_start3A_1612, %dma_start3A_1614, %dma_start3A_1615, %dma_start3A_1616] : memref<2x32x50x32xf32, #tpu.memory_space<vmem>> -> memref<1x32x50x32xf32, #tpu.memory_space<vmem>>
      %dma_start3A_1618 = tpu.memref_squeeze %dma_start3A_1617 : memref<1x32x50x32xf32, #tpu.memory_space<vmem>> -> memref<32x50x32xf32, #tpu.memory_space<vmem>>
      %dma_start3A_1619 = arith.constant 0 : i32
      %dma_start3A_1620 = arith.constant 0 : i32
      %dma_start3A_1621 = tpu.memref_slice %dma_start3A_1618[%dma_start3A_1613, %dma_start3A_1619, %dma_start3A_1620] : memref<32x50x32xf32, #tpu.memory_space<vmem>> -> memref<1x50x32xf32, #tpu.memory_space<vmem>>
      %dma_start3A_1622 = tpu.memref_squeeze %dma_start3A_1621 : memref<1x50x32xf32, #tpu.memory_space<vmem>> -> memref<50x32xf32, #tpu.memory_space<vmem>>
      %dma_start3A_1623 = arith.constant 0 : i32
      %dma_start3A_1624 = arith.constant 0 : i32
      %dma_start3A_1625 = tpu.memref_slice %arg5[%dma_start3A_1610, %dma_start3A_1623, %dma_start3A_1624] : memref<2x32x50xi32, #tpu.memory_space<vmem>> -> memref<1x32x50xi32, #tpu.memory_space<vmem>>
      %dma_start3A_1626 = tpu.memref_squeeze %dma_start3A_1625 : memref<1x32x50xi32, #tpu.memory_space<vmem>> -> memref<32x50xi32, #tpu.memory_space<vmem>>
      %dma_start3A_1627 = arith.constant 0 : i32
      %dma_start3A_1628 = tpu.memref_slice %dma_start3A_1626[%dma_start3A_1611, %dma_start3A_1627] : memref<32x50xi32, #tpu.memory_space<vmem>> -> memref<1x50xi32, #tpu.memory_space<vmem>>
      %dma_start3A_1629 = tpu.memref_squeeze %dma_start3A_1628 : memref<1x50xi32, #tpu.memory_space<vmem>> -> memref<50xi32, #tpu.memory_space<vmem>>
      %dma_start3A_1630 = arith.constant 0 : i32
      %dma_start3A_1631 = arith.constant 0 : i32
      %dma_start3A_1632 = tpu.memref_slice %arg3[%dma_start3A_1630, %dma_start3A_1631] : memref<1000000x32xf32, #tpu.memory_space<hbm>> -> memref<1000000x32xf32, #tpu.memory_space<hbm>>
      tpu.enqueue_indirect_dma source(%dma_start3A_1632 : memref<1000000x32xf32, #tpu.memory_space<hbm>>) target(%dma_start3A_1622 : memref<50x32xf32, #tpu.memory_space<vmem>>) offsets(%dma_start3A_1629 : memref<50xi32, #tpu.memory_space<vmem>>) semaphore(%arg11 : memref<!tpu.dma_semaphore, #tpu.memory_space<semaphore_mem>>)
      %dma_start3A_1633 = arith.constant 1 : i32
      %dma_start3A_1634 = arith.constant 1 : i32
      %dma_start3A_1635 = arith.constant 1 : i32
      %dma_start3A_1636 = arith.constant 1 : i32
      %dma_start3A_1637 = arith.constant 0 : i32
      %dma_start3A_1638 = arith.constant 0 : i32
      %dma_start3A_1639 = arith.constant 0 : i32
      %dma_start3A_1640 = tpu.memref_slice %arg6[%dma_start3A_1635, %dma_start3A_1637, %dma_start3A_1638, %dma_start3A_1639] : memref<2x32x50x32xf32, #tpu.memory_space<vmem>> -> memref<1x32x50x32xf32, #tpu.memory_space<vmem>>
      %dma_start3A_1641 = tpu.memref_squeeze %dma_start3A_1640 : memref<1x32x50x32xf32, #tpu.memory_space<vmem>> -> memref<32x50x32xf32, #tpu.memory_space<vmem>>
      %dma_start3A_1642 = arith.constant 0 : i32
      %dma_start3A_1643 = arith.constant 0 : i32
      %dma_start3A_1644 = tpu.memref_slice %dma_start3A_1641[%dma_start3A_1636, %dma_start3A_1642, %dma_start3A_1643] : memref<32x50x32xf32, #tpu.memory_space<vmem>> -> memref<1x50x32xf32, #tpu.memory_space<vmem>>
      %dma_start3A_1645 = tpu.memref_squeeze %dma_start3A_1644 : memref<1x50x32xf32, #tpu.memory_space<vmem>> -> memref<50x32xf32, #tpu.memory_space<vmem>>
      %dma_start3A_1646 = arith.constant 0 : i32
      %dma_start3A_1647 = arith.constant 0 : i32
      %dma_start3A_1648 = tpu.memref_slice %arg5[%dma_start3A_1633, %dma_start3A_1646, %dma_start3A_1647] : memref<2x32x50xi32, #tpu.memory_space<vmem>> -> memref<1x32x50xi32, #tpu.memory_space<vmem>>
      %dma_start3A_1649 = tpu.memref_squeeze %dma_start3A_1648 : memref<1x32x50xi32, #tpu.memory_space<vmem>> -> memref<32x50xi32, #tpu.memory_space<vmem>>
      %dma_start3A_1650 = arith.constant 0 : i32
      %dma_start3A_1651 = tpu.memref_slice %dma_start3A_1649[%dma_start3A_1634, %dma_start3A_1650] : memref<32x50xi32, #tpu.memory_space<vmem>> -> memref<1x50xi32, #tpu.memory_space<vmem>>
      %dma_start3A_1652 = tpu.memref_squeeze %dma_start3A_1651 : memref<1x50xi32, #tpu.memory_space<vmem>> -> memref<50xi32, #tpu.memory_space<vmem>>
      %dma_start3A_1653 = arith.constant 0 : i32
      %dma_start3A_1654 = arith.constant 0 : i32
      %dma_start3A_1655 = tpu.memref_slice %arg3[%dma_start3A_1653, %dma_start3A_1654] : memref<1000000x32xf32, #tpu.memory_space<hbm>> -> memref<1000000x32xf32, #tpu.memory_space<hbm>>
      tpu.enqueue_indirect_dma source(%dma_start3A_1655 : memref<1000000x32xf32, #tpu.memory_space<hbm>>) target(%dma_start3A_1645 : memref<50x32xf32, #tpu.memory_space<vmem>>) offsets(%dma_start3A_1652 : memref<50xi32, #tpu.memory_space<vmem>>) semaphore(%arg11 : memref<!tpu.dma_semaphore, #tpu.memory_space<semaphore_mem>>)
      %dma_start3A_1656 = arith.constant 1 : i32
      %dma_start3A_1657 = arith.constant 2 : i32
      %dma_start3A_1658 = arith.constant 1 : i32
      %dma_start3A_1659 = arith.constant 2 : i32
      %dma_start3A_1660 = arith.constant 0 : i32
      %dma_start3A_1661 = arith.constant 0 : i32
      %dma_start3A_1662 = arith.constant 0 : i32
      %dma_start3A_1663 = tpu.memref_slice %arg6[%dma_start3A_1658, %dma_start3A_1660, %dma_start3A_1661, %dma_start3A_1662] : memref<2x32x50x32xf32, #tpu.memory_space<vmem>> -> memref<1x32x50x32xf32, #tpu.memory_space<vmem>>
      %dma_start3A_1664 = tpu.memref_squeeze %dma_start3A_1663 : memref<1x32x50x32xf32, #tpu.memory_space<vmem>> -> memref<32x50x32xf32, #tpu.memory_space<vmem>>
      %dma_start3A_1665 = arith.constant 0 : i32
      %dma_start3A_1666 = arith.constant 0 : i32
      %dma_start3A_1667 = tpu.memref_slice %dma_start3A_1664[%dma_start3A_1659, %dma_start3A_1665, %dma_start3A_1666] : memref<32x50x32xf32, #tpu.memory_space<vmem>> -> memref<1x50x32xf32, #tpu.memory_space<vmem>>
      %dma_start3A_1668 = tpu.memref_squeeze %dma_start3A_1667 : memref<1x50x32xf32, #tpu.memory_space<vmem>> -> memref<50x32xf32, #tpu.memory_space<vmem>>
      %dma_start3A_1669 = arith.constant 0 : i32
      %dma_start3A_1670 = arith.constant 0 : i32
      %dma_start3A_1671 = tpu.memref_slice %arg5[%dma_start3A_1656, %dma_start3A_1669, %dma_start3A_1670] : memref<2x32x50xi32, #tpu.memory_space<vmem>> -> memref<1x32x50xi32, #tpu.memory_space<vmem>>
      %dma_start3A_1672 = tpu.memref_squeeze %dma_start3A_1671 : memref<1x32x50xi32, #tpu.memory_space<vmem>> -> memref<32x50xi32, #tpu.memory_space<vmem>>
      %dma_start3A_1673 = arith.constant 0 : i32
      %dma_start3A_1674 = tpu.memref_slice %dma_start3A_1672[%dma_start3A_1657, %dma_start3A_1673] : memref<32x50xi32, #tpu.memory_space<vmem>> -> memref<1x50xi32, #tpu.memory_space<vmem>>
      %dma_start3A_1675 = tpu.memref_squeeze %dma_start3A_1674 : memref<1x50xi32, #tpu.memory_space<vmem>> -> memref<50xi32, #tpu.memory_space<vmem>>
      %dma_start3A_1676 = arith.constant 0 : i32
      %dma_start3A_1677 = arith.constant 0 : i32
      %dma_start3A_1678 = tpu.memref_slice %arg3[%dma_start3A_1676, %dma_start3A_1677] : memref<1000000x32xf32, #tpu.memory_space<hbm>> -> memref<1000000x32xf32, #tpu.memory_space<hbm>>
      tpu.enqueue_indirect_dma source(%dma_start3A_1678 : memref<1000000x32xf32, #tpu.memory_space<hbm>>) target(%dma_start3A_1668 : memref<50x32xf32, #tpu.memory_space<vmem>>) offsets(%dma_start3A_1675 : memref<50xi32, #tpu.memory_space<vmem>>) semaphore(%arg11 : memref<!tpu.dma_semaphore, #tpu.memory_space<semaphore_mem>>)
      %dma_start3A_1679 = arith.constant 1 : i32
      %dma_start3A_1680 = arith.constant 3 : i32
      %dma_start3A_1681 = arith.constant 1 : i32
      %dma_start3A_1682 = arith.constant 3 : i32
      %dma_start3A_1683 = arith.constant 0 : i32
      %dma_start3A_1684 = arith.constant 0 : i32
      %dma_start3A_1685 = arith.constant 0 : i32
      %dma_start3A_1686 = tpu.memref_slice %arg6[%dma_start3A_1681, %dma_start3A_1683, %dma_start3A_1684, %dma_start3A_1685] : memref<2x32x50x32xf32, #tpu.memory_space<vmem>> -> memref<1x32x50x32xf32, #tpu.memory_space<vmem>>
      %dma_start3A_1687 = tpu.memref_squeeze %dma_start3A_1686 : memref<1x32x50x32xf32, #tpu.memory_space<vmem>> -> memref<32x50x32xf32, #tpu.memory_space<vmem>>
      %dma_start3A_1688 = arith.constant 0 : i32
      %dma_start3A_1689 = arith.constant 0 : i32
      %dma_start3A_1690 = tpu.memref_slice %dma_start3A_1687[%dma_start3A_1682, %dma_start3A_1688, %dma_start3A_1689] : memref<32x50x32xf32, #tpu.memory_space<vmem>> -> memref<1x50x32xf32, #tpu.memory_space<vmem>>
      %dma_start3A_1691 = tpu.memref_squeeze %dma_start3A_1690 : memref<1x50x32xf32, #tpu.memory_space<vmem>> -> memref<50x32xf32, #tpu.memory_space<vmem>>
      %dma_start3A_1692 = arith.constant 0 : i32
      %dma_start3A_1693 = arith.constant 0 : i32
      %dma_start3A_1694 = tpu.memref_slice %arg5[%dma_start3A_1679, %dma_start3A_1692, %dma_start3A_1693] : memref<2x32x50xi32, #tpu.memory_space<vmem>> -> memref<1x32x50xi32, #tpu.memory_space<vmem>>
      %dma_start3A_1695 = tpu.memref_squeeze %dma_start3A_1694 : memref<1x32x50xi32, #tpu.memory_space<vmem>> -> memref<32x50xi32, #tpu.memory_space<vmem>>
      %dma_start3A_1696 = arith.constant 0 : i32
      %dma_start3A_1697 = tpu.memref_slice %dma_start3A_1695[%dma_start3A_1680, %dma_start3A_1696] : memref<32x50xi32, #tpu.memory_space<vmem>> -> memref<1x50xi32, #tpu.memory_space<vmem>>
      %dma_start3A_1698 = tpu.memref_squeeze %dma_start3A_1697 : memref<1x50xi32, #tpu.memory_space<vmem>> -> memref<50xi32, #tpu.memory_space<vmem>>
      %dma_start3A_1699 = arith.constant 0 : i32
      %dma_start3A_1700 = arith.constant 0 : i32
      %dma_start3A_1701 = tpu.memref_slice %arg3[%dma_start3A_1699, %dma_start3A_1700] : memref<1000000x32xf32, #tpu.memory_space<hbm>> -> memref<1000000x32xf32, #tpu.memory_space<hbm>>
      tpu.enqueue_indirect_dma source(%dma_start3A_1701 : memref<1000000x32xf32, #tpu.memory_space<hbm>>) target(%dma_start3A_1691 : memref<50x32xf32, #tpu.memory_space<vmem>>) offsets(%dma_start3A_1698 : memref<50xi32, #tpu.memory_space<vmem>>) semaphore(%arg11 : memref<!tpu.dma_semaphore, #tpu.memory_space<semaphore_mem>>)
      %dma_start3A_1702 = arith.constant 1 : i32
      %dma_start3A_1703 = arith.constant 4 : i32
      %dma_start3A_1704 = arith.constant 1 : i32
      %dma_start3A_1705 = arith.constant 4 : i32
      %dma_start3A_1706 = arith.constant 0 : i32
      %dma_start3A_1707 = arith.constant 0 : i32
      %dma_start3A_1708 = arith.constant 0 : i32
      %dma_start3A_1709 = tpu.memref_slice %arg6[%dma_start3A_1704, %dma_start3A_1706, %dma_start3A_1707, %dma_start3A_1708] : memref<2x32x50x32xf32, #tpu.memory_space<vmem>> -> memref<1x32x50x32xf32, #tpu.memory_space<vmem>>
      %dma_start3A_1710 = tpu.memref_squeeze %dma_start3A_1709 : memref<1x32x50x32xf32, #tpu.memory_space<vmem>> -> memref<32x50x32xf32, #tpu.memory_space<vmem>>
      %dma_start3A_1711 = arith.constant 0 : i32
      %dma_start3A_1712 = arith.constant 0 : i32
      %dma_start3A_1713 = tpu.memref_slice %dma_start3A_1710[%dma_start3A_1705, %dma_start3A_1711, %dma_start3A_1712] : memref<32x50x32xf32, #tpu.memory_space<vmem>> -> memref<1x50x32xf32, #tpu.memory_space<vmem>>
      %dma_start3A_1714 = tpu.memref_squeeze %dma_start3A_1713 : memref<1x50x32xf32, #tpu.memory_space<vmem>> -> memref<50x32xf32, #tpu.memory_space<vmem>>
      %dma_start3A_1715 = arith.constant 0 : i32
      %dma_start3A_1716 = arith.constant 0 : i32
      %dma_start3A_1717 = tpu.memref_slice %arg5[%dma_start3A_1702, %dma_start3A_1715, %dma_start3A_1716] : memref<2x32x50xi32, #tpu.memory_space<vmem>> -> memref<1x32x50xi32, #tpu.memory_space<vmem>>
      %dma_start3A_1718 = tpu.memref_squeeze %dma_start3A_1717 : memref<1x32x50xi32, #tpu.memory_space<vmem>> -> memref<32x50xi32, #tpu.memory_space<vmem>>
      %dma_start3A_1719 = arith.constant 0 : i32
      %dma_start3A_1720 = tpu.memref_slice %dma_start3A_1718[%dma_start3A_1703, %dma_start3A_1719] : memref<32x50xi32, #tpu.memory_space<vmem>> -> memref<1x50xi32, #tpu.memory_space<vmem>>
      %dma_start3A_1721 = tpu.memref_squeeze %dma_start3A_1720 : memref<1x50xi32, #tpu.memory_space<vmem>> -> memref<50xi32, #tpu.memory_space<vmem>>
      %dma_start3A_1722 = arith.constant 0 : i32
      %dma_start3A_1723 = arith.constant 0 : i32
      %dma_start3A_1724 = tpu.memref_slice %arg3[%dma_start3A_1722, %dma_start3A_1723] : memref<1000000x32xf32, #tpu.memory_space<hbm>> -> memref<1000000x32xf32, #tpu.memory_space<hbm>>
      tpu.enqueue_indirect_dma source(%dma_start3A_1724 : memref<1000000x32xf32, #tpu.memory_space<hbm>>) target(%dma_start3A_1714 : memref<50x32xf32, #tpu.memory_space<vmem>>) offsets(%dma_start3A_1721 : memref<50xi32, #tpu.memory_space<vmem>>) semaphore(%arg11 : memref<!tpu.dma_semaphore, #tpu.memory_space<semaphore_mem>>)
      %dma_start3A_1725 = arith.constant 1 : i32
      %dma_start3A_1726 = arith.constant 5 : i32
      %dma_start3A_1727 = arith.constant 1 : i32
      %dma_start3A_1728 = arith.constant 5 : i32
      %dma_start3A_1729 = arith.constant 0 : i32
      %dma_start3A_1730 = arith.constant 0 : i32
      %dma_start3A_1731 = arith.constant 0 : i32
      %dma_start3A_1732 = tpu.memref_slice %arg6[%dma_start3A_1727, %dma_start3A_1729, %dma_start3A_1730, %dma_start3A_1731] : memref<2x32x50x32xf32, #tpu.memory_space<vmem>> -> memref<1x32x50x32xf32, #tpu.memory_space<vmem>>
      %dma_start3A_1733 = tpu.memref_squeeze %dma_start3A_1732 : memref<1x32x50x32xf32, #tpu.memory_space<vmem>> -> memref<32x50x32xf32, #tpu.memory_space<vmem>>
      %dma_start3A_1734 = arith.constant 0 : i32
      %dma_start3A_1735 = arith.constant 0 : i32
      %dma_start3A_1736 = tpu.memref_slice %dma_start3A_1733[%dma_start3A_1728, %dma_start3A_1734, %dma_start3A_1735] : memref<32x50x32xf32, #tpu.memory_space<vmem>> -> memref<1x50x32xf32, #tpu.memory_space<vmem>>
      %dma_start3A_1737 = tpu.memref_squeeze %dma_start3A_1736 : memref<1x50x32xf32, #tpu.memory_space<vmem>> -> memref<50x32xf32, #tpu.memory_space<vmem>>
      %dma_start3A_1738 = arith.constant 0 : i32
      %dma_start3A_1739 = arith.constant 0 : i32
      %dma_start3A_1740 = tpu.memref_slice %arg5[%dma_start3A_1725, %dma_start3A_1738, %dma_start3A_1739] : memref<2x32x50xi32, #tpu.memory_space<vmem>> -> memref<1x32x50xi32, #tpu.memory_space<vmem>>
      %dma_start3A_1741 = tpu.memref_squeeze %dma_start3A_1740 : memref<1x32x50xi32, #tpu.memory_space<vmem>> -> memref<32x50xi32, #tpu.memory_space<vmem>>
      %dma_start3A_1742 = arith.constant 0 : i32
      %dma_start3A_1743 = tpu.memref_slice %dma_start3A_1741[%dma_start3A_1726, %dma_start3A_1742] : memref<32x50xi32, #tpu.memory_space<vmem>> -> memref<1x50xi32, #tpu.memory_space<vmem>>
      %dma_start3A_1744 = tpu.memref_squeeze %dma_start3A_1743 : memref<1x50xi32, #tpu.memory_space<vmem>> -> memref<50xi32, #tpu.memory_space<vmem>>
      %dma_start3A_1745 = arith.constant 0 : i32
      %dma_start3A_1746 = arith.constant 0 : i32
      %dma_start3A_1747 = tpu.memref_slice %arg3[%dma_start3A_1745, %dma_start3A_1746] : memref<1000000x32xf32, #tpu.memory_space<hbm>> -> memref<1000000x32xf32, #tpu.memory_space<hbm>>
      tpu.enqueue_indirect_dma source(%dma_start3A_1747 : memref<1000000x32xf32, #tpu.memory_space<hbm>>) target(%dma_start3A_1737 : memref<50x32xf32, #tpu.memory_space<vmem>>) offsets(%dma_start3A_1744 : memref<50xi32, #tpu.memory_space<vmem>>) semaphore(%arg11 : memref<!tpu.dma_semaphore, #tpu.memory_space<semaphore_mem>>)
      %dma_start3A_1748 = arith.constant 1 : i32
      %dma_start3A_1749 = arith.constant 6 : i32
      %dma_start3A_1750 = arith.constant 1 : i32
      %dma_start3A_1751 = arith.constant 6 : i32
      %dma_start3A_1752 = arith.constant 0 : i32
      %dma_start3A_1753 = arith.constant 0 : i32
      %dma_start3A_1754 = arith.constant 0 : i32
      %dma_start3A_1755 = tpu.memref_slice %arg6[%dma_start3A_1750, %dma_start3A_1752, %dma_start3A_1753, %dma_start3A_1754] : memref<2x32x50x32xf32, #tpu.memory_space<vmem>> -> memref<1x32x50x32xf32, #tpu.memory_space<vmem>>
      %dma_start3A_1756 = tpu.memref_squeeze %dma_start3A_1755 : memref<1x32x50x32xf32, #tpu.memory_space<vmem>> -> memref<32x50x32xf32, #tpu.memory_space<vmem>>
      %dma_start3A_1757 = arith.constant 0 : i32
      %dma_start3A_1758 = arith.constant 0 : i32
      %dma_start3A_1759 = tpu.memref_slice %dma_start3A_1756[%dma_start3A_1751, %dma_start3A_1757, %dma_start3A_1758] : memref<32x50x32xf32, #tpu.memory_space<vmem>> -> memref<1x50x32xf32, #tpu.memory_space<vmem>>
      %dma_start3A_1760 = tpu.memref_squeeze %dma_start3A_1759 : memref<1x50x32xf32, #tpu.memory_space<vmem>> -> memref<50x32xf32, #tpu.memory_space<vmem>>
      %dma_start3A_1761 = arith.constant 0 : i32
      %dma_start3A_1762 = arith.constant 0 : i32
      %dma_start3A_1763 = tpu.memref_slice %arg5[%dma_start3A_1748, %dma_start3A_1761, %dma_start3A_1762] : memref<2x32x50xi32, #tpu.memory_space<vmem>> -> memref<1x32x50xi32, #tpu.memory_space<vmem>>
      %dma_start3A_1764 = tpu.memref_squeeze %dma_start3A_1763 : memref<1x32x50xi32, #tpu.memory_space<vmem>> -> memref<32x50xi32, #tpu.memory_space<vmem>>
      %dma_start3A_1765 = arith.constant 0 : i32
      %dma_start3A_1766 = tpu.memref_slice %dma_start3A_1764[%dma_start3A_1749, %dma_start3A_1765] : memref<32x50xi32, #tpu.memory_space<vmem>> -> memref<1x50xi32, #tpu.memory_space<vmem>>
      %dma_start3A_1767 = tpu.memref_squeeze %dma_start3A_1766 : memref<1x50xi32, #tpu.memory_space<vmem>> -> memref<50xi32, #tpu.memory_space<vmem>>
      %dma_start3A_1768 = arith.constant 0 : i32
      %dma_start3A_1769 = arith.constant 0 : i32
      %dma_start3A_1770 = tpu.memref_slice %arg3[%dma_start3A_1768, %dma_start3A_1769] : memref<1000000x32xf32, #tpu.memory_space<hbm>> -> memref<1000000x32xf32, #tpu.memory_space<hbm>>
      tpu.enqueue_indirect_dma source(%dma_start3A_1770 : memref<1000000x32xf32, #tpu.memory_space<hbm>>) target(%dma_start3A_1760 : memref<50x32xf32, #tpu.memory_space<vmem>>) offsets(%dma_start3A_1767 : memref<50xi32, #tpu.memory_space<vmem>>) semaphore(%arg11 : memref<!tpu.dma_semaphore, #tpu.memory_space<semaphore_mem>>)
      %dma_start3A_1771 = arith.constant 1 : i32
      %dma_start3A_1772 = arith.constant 7 : i32
      %dma_start3A_1773 = arith.constant 1 : i32
      %dma_start3A_1774 = arith.constant 7 : i32
      %dma_start3A_1775 = arith.constant 0 : i32
      %dma_start3A_1776 = arith.constant 0 : i32
      %dma_start3A_1777 = arith.constant 0 : i32
      %dma_start3A_1778 = tpu.memref_slice %arg6[%dma_start3A_1773, %dma_start3A_1775, %dma_start3A_1776, %dma_start3A_1777] : memref<2x32x50x32xf32, #tpu.memory_space<vmem>> -> memref<1x32x50x32xf32, #tpu.memory_space<vmem>>
      %dma_start3A_1779 = tpu.memref_squeeze %dma_start3A_1778 : memref<1x32x50x32xf32, #tpu.memory_space<vmem>> -> memref<32x50x32xf32, #tpu.memory_space<vmem>>
      %dma_start3A_1780 = arith.constant 0 : i32
      %dma_start3A_1781 = arith.constant 0 : i32
      %dma_start3A_1782 = tpu.memref_slice %dma_start3A_1779[%dma_start3A_1774, %dma_start3A_1780, %dma_start3A_1781] : memref<32x50x32xf32, #tpu.memory_space<vmem>> -> memref<1x50x32xf32, #tpu.memory_space<vmem>>
      %dma_start3A_1783 = tpu.memref_squeeze %dma_start3A_1782 : memref<1x50x32xf32, #tpu.memory_space<vmem>> -> memref<50x32xf32, #tpu.memory_space<vmem>>
      %dma_start3A_1784 = arith.constant 0 : i32
      %dma_start3A_1785 = arith.constant 0 : i32
      %dma_start3A_1786 = tpu.memref_slice %arg5[%dma_start3A_1771, %dma_start3A_1784, %dma_start3A_1785] : memref<2x32x50xi32, #tpu.memory_space<vmem>> -> memref<1x32x50xi32, #tpu.memory_space<vmem>>
      %dma_start3A_1787 = tpu.memref_squeeze %dma_start3A_1786 : memref<1x32x50xi32, #tpu.memory_space<vmem>> -> memref<32x50xi32, #tpu.memory_space<vmem>>
      %dma_start3A_1788 = arith.constant 0 : i32
      %dma_start3A_1789 = tpu.memref_slice %dma_start3A_1787[%dma_start3A_1772, %dma_start3A_1788] : memref<32x50xi32, #tpu.memory_space<vmem>> -> memref<1x50xi32, #tpu.memory_space<vmem>>
      %dma_start3A_1790 = tpu.memref_squeeze %dma_start3A_1789 : memref<1x50xi32, #tpu.memory_space<vmem>> -> memref<50xi32, #tpu.memory_space<vmem>>
      %dma_start3A_1791 = arith.constant 0 : i32
      %dma_start3A_1792 = arith.constant 0 : i32
      %dma_start3A_1793 = tpu.memref_slice %arg3[%dma_start3A_1791, %dma_start3A_1792] : memref<1000000x32xf32, #tpu.memory_space<hbm>> -> memref<1000000x32xf32, #tpu.memory_space<hbm>>
      tpu.enqueue_indirect_dma source(%dma_start3A_1793 : memref<1000000x32xf32, #tpu.memory_space<hbm>>) target(%dma_start3A_1783 : memref<50x32xf32, #tpu.memory_space<vmem>>) offsets(%dma_start3A_1790 : memref<50xi32, #tpu.memory_space<vmem>>) semaphore(%arg11 : memref<!tpu.dma_semaphore, #tpu.memory_space<semaphore_mem>>)
      %dma_start3A_1794 = arith.constant 1 : i32
      %dma_start3A_1795 = arith.constant 8 : i32
      %dma_start3A_1796 = arith.constant 1 : i32
      %dma_start3A_1797 = arith.constant 8 : i32
      %dma_start3A_1798 = arith.constant 0 : i32
      %dma_start3A_1799 = arith.constant 0 : i32
      %dma_start3A_1800 = arith.constant 0 : i32
      %dma_start3A_1801 = tpu.memref_slice %arg6[%dma_start3A_1796, %dma_start3A_1798, %dma_start3A_1799, %dma_start3A_1800] : memref<2x32x50x32xf32, #tpu.memory_space<vmem>> -> memref<1x32x50x32xf32, #tpu.memory_space<vmem>>
      %dma_start3A_1802 = tpu.memref_squeeze %dma_start3A_1801 : memref<1x32x50x32xf32, #tpu.memory_space<vmem>> -> memref<32x50x32xf32, #tpu.memory_space<vmem>>
      %dma_start3A_1803 = arith.constant 0 : i32
      %dma_start3A_1804 = arith.constant 0 : i32
      %dma_start3A_1805 = tpu.memref_slice %dma_start3A_1802[%dma_start3A_1797, %dma_start3A_1803, %dma_start3A_1804] : memref<32x50x32xf32, #tpu.memory_space<vmem>> -> memref<1x50x32xf32, #tpu.memory_space<vmem>>
      %dma_start3A_1806 = tpu.memref_squeeze %dma_start3A_1805 : memref<1x50x32xf32, #tpu.memory_space<vmem>> -> memref<50x32xf32, #tpu.memory_space<vmem>>
      %dma_start3A_1807 = arith.constant 0 : i32
      %dma_start3A_1808 = arith.constant 0 : i32
      %dma_start3A_1809 = tpu.memref_slice %arg5[%dma_start3A_1794, %dma_start3A_1807, %dma_start3A_1808] : memref<2x32x50xi32, #tpu.memory_space<vmem>> -> memref<1x32x50xi32, #tpu.memory_space<vmem>>
      %dma_start3A_1810 = tpu.memref_squeeze %dma_start3A_1809 : memref<1x32x50xi32, #tpu.memory_space<vmem>> -> memref<32x50xi32, #tpu.memory_space<vmem>>
      %dma_start3A_1811 = arith.constant 0 : i32
      %dma_start3A_1812 = tpu.memref_slice %dma_start3A_1810[%dma_start3A_1795, %dma_start3A_1811] : memref<32x50xi32, #tpu.memory_space<vmem>> -> memref<1x50xi32, #tpu.memory_space<vmem>>
      %dma_start3A_1813 = tpu.memref_squeeze %dma_start3A_1812 : memref<1x50xi32, #tpu.memory_space<vmem>> -> memref<50xi32, #tpu.memory_space<vmem>>
      %dma_start3A_1814 = arith.constant 0 : i32
      %dma_start3A_1815 = arith.constant 0 : i32
      %dma_start3A_1816 = tpu.memref_slice %arg3[%dma_start3A_1814, %dma_start3A_1815] : memref<1000000x32xf32, #tpu.memory_space<hbm>> -> memref<1000000x32xf32, #tpu.memory_space<hbm>>
      tpu.enqueue_indirect_dma source(%dma_start3A_1816 : memref<1000000x32xf32, #tpu.memory_space<hbm>>) target(%dma_start3A_1806 : memref<50x32xf32, #tpu.memory_space<vmem>>) offsets(%dma_start3A_1813 : memref<50xi32, #tpu.memory_space<vmem>>) semaphore(%arg11 : memref<!tpu.dma_semaphore, #tpu.memory_space<semaphore_mem>>)
      %dma_start3A_1817 = arith.constant 1 : i32
      %dma_start3A_1818 = arith.constant 9 : i32
      %dma_start3A_1819 = arith.constant 1 : i32
      %dma_start3A_1820 = arith.constant 9 : i32
      %dma_start3A_1821 = arith.constant 0 : i32
      %dma_start3A_1822 = arith.constant 0 : i32
      %dma_start3A_1823 = arith.constant 0 : i32
      %dma_start3A_1824 = tpu.memref_slice %arg6[%dma_start3A_1819, %dma_start3A_1821, %dma_start3A_1822, %dma_start3A_1823] : memref<2x32x50x32xf32, #tpu.memory_space<vmem>> -> memref<1x32x50x32xf32, #tpu.memory_space<vmem>>
      %dma_start3A_1825 = tpu.memref_squeeze %dma_start3A_1824 : memref<1x32x50x32xf32, #tpu.memory_space<vmem>> -> memref<32x50x32xf32, #tpu.memory_space<vmem>>
      %dma_start3A_1826 = arith.constant 0 : i32
      %dma_start3A_1827 = arith.constant 0 : i32
      %dma_start3A_1828 = tpu.memref_slice %dma_start3A_1825[%dma_start3A_1820, %dma_start3A_1826, %dma_start3A_1827] : memref<32x50x32xf32, #tpu.memory_space<vmem>> -> memref<1x50x32xf32, #tpu.memory_space<vmem>>
      %dma_start3A_1829 = tpu.memref_squeeze %dma_start3A_1828 : memref<1x50x32xf32, #tpu.memory_space<vmem>> -> memref<50x32xf32, #tpu.memory_space<vmem>>
      %dma_start3A_1830 = arith.constant 0 : i32
      %dma_start3A_1831 = arith.constant 0 : i32
      %dma_start3A_1832 = tpu.memref_slice %arg5[%dma_start3A_1817, %dma_start3A_1830, %dma_start3A_1831] : memref<2x32x50xi32, #tpu.memory_space<vmem>> -> memref<1x32x50xi32, #tpu.memory_space<vmem>>
      %dma_start3A_1833 = tpu.memref_squeeze %dma_start3A_1832 : memref<1x32x50xi32, #tpu.memory_space<vmem>> -> memref<32x50xi32, #tpu.memory_space<vmem>>
      %dma_start3A_1834 = arith.constant 0 : i32
      %dma_start3A_1835 = tpu.memref_slice %dma_start3A_1833[%dma_start3A_1818, %dma_start3A_1834] : memref<32x50xi32, #tpu.memory_space<vmem>> -> memref<1x50xi32, #tpu.memory_space<vmem>>
      %dma_start3A_1836 = tpu.memref_squeeze %dma_start3A_1835 : memref<1x50xi32, #tpu.memory_space<vmem>> -> memref<50xi32, #tpu.memory_space<vmem>>
      %dma_start3A_1837 = arith.constant 0 : i32
      %dma_start3A_1838 = arith.constant 0 : i32
      %dma_start3A_1839 = tpu.memref_slice %arg3[%dma_start3A_1837, %dma_start3A_1838] : memref<1000000x32xf32, #tpu.memory_space<hbm>> -> memref<1000000x32xf32, #tpu.memory_space<hbm>>
      tpu.enqueue_indirect_dma source(%dma_start3A_1839 : memref<1000000x32xf32, #tpu.memory_space<hbm>>) target(%dma_start3A_1829 : memref<50x32xf32, #tpu.memory_space<vmem>>) offsets(%dma_start3A_1836 : memref<50xi32, #tpu.memory_space<vmem>>) semaphore(%arg11 : memref<!tpu.dma_semaphore, #tpu.memory_space<semaphore_mem>>)
      %dma_start3A_1840 = arith.constant 1 : i32
      %dma_start3A_1841 = arith.constant 10 : i32
      %dma_start3A_1842 = arith.constant 1 : i32
      %dma_start3A_1843 = arith.constant 10 : i32
      %dma_start3A_1844 = arith.constant 0 : i32
      %dma_start3A_1845 = arith.constant 0 : i32
      %dma_start3A_1846 = arith.constant 0 : i32
      %dma_start3A_1847 = tpu.memref_slice %arg6[%dma_start3A_1842, %dma_start3A_1844, %dma_start3A_1845, %dma_start3A_1846] : memref<2x32x50x32xf32, #tpu.memory_space<vmem>> -> memref<1x32x50x32xf32, #tpu.memory_space<vmem>>
      %dma_start3A_1848 = tpu.memref_squeeze %dma_start3A_1847 : memref<1x32x50x32xf32, #tpu.memory_space<vmem>> -> memref<32x50x32xf32, #tpu.memory_space<vmem>>
      %dma_start3A_1849 = arith.constant 0 : i32
      %dma_start3A_1850 = arith.constant 0 : i32
      %dma_start3A_1851 = tpu.memref_slice %dma_start3A_1848[%dma_start3A_1843, %dma_start3A_1849, %dma_start3A_1850] : memref<32x50x32xf32, #tpu.memory_space<vmem>> -> memref<1x50x32xf32, #tpu.memory_space<vmem>>
      %dma_start3A_1852 = tpu.memref_squeeze %dma_start3A_1851 : memref<1x50x32xf32, #tpu.memory_space<vmem>> -> memref<50x32xf32, #tpu.memory_space<vmem>>
      %dma_start3A_1853 = arith.constant 0 : i32
      %dma_start3A_1854 = arith.constant 0 : i32
      %dma_start3A_1855 = tpu.memref_slice %arg5[%dma_start3A_1840, %dma_start3A_1853, %dma_start3A_1854] : memref<2x32x50xi32, #tpu.memory_space<vmem>> -> memref<1x32x50xi32, #tpu.memory_space<vmem>>
      %dma_start3A_1856 = tpu.memref_squeeze %dma_start3A_1855 : memref<1x32x50xi32, #tpu.memory_space<vmem>> -> memref<32x50xi32, #tpu.memory_space<vmem>>
      %dma_start3A_1857 = arith.constant 0 : i32
      %dma_start3A_1858 = tpu.memref_slice %dma_start3A_1856[%dma_start3A_1841, %dma_start3A_1857] : memref<32x50xi32, #tpu.memory_space<vmem>> -> memref<1x50xi32, #tpu.memory_space<vmem>>
      %dma_start3A_1859 = tpu.memref_squeeze %dma_start3A_1858 : memref<1x50xi32, #tpu.memory_space<vmem>> -> memref<50xi32, #tpu.memory_space<vmem>>
      %dma_start3A_1860 = arith.constant 0 : i32
      %dma_start3A_1861 = arith.constant 0 : i32
      %dma_start3A_1862 = tpu.memref_slice %arg3[%dma_start3A_1860, %dma_start3A_1861] : memref<1000000x32xf32, #tpu.memory_space<hbm>> -> memref<1000000x32xf32, #tpu.memory_space<hbm>>
      tpu.enqueue_indirect_dma source(%dma_start3A_1862 : memref<1000000x32xf32, #tpu.memory_space<hbm>>) target(%dma_start3A_1852 : memref<50x32xf32, #tpu.memory_space<vmem>>) offsets(%dma_start3A_1859 : memref<50xi32, #tpu.memory_space<vmem>>) semaphore(%arg11 : memref<!tpu.dma_semaphore, #tpu.memory_space<semaphore_mem>>)
      %dma_start3A_1863 = arith.constant 1 : i32
      %dma_start3A_1864 = arith.constant 11 : i32
      %dma_start3A_1865 = arith.constant 1 : i32
      %dma_start3A_1866 = arith.constant 11 : i32
      %dma_start3A_1867 = arith.constant 0 : i32
      %dma_start3A_1868 = arith.constant 0 : i32
      %dma_start3A_1869 = arith.constant 0 : i32
      %dma_start3A_1870 = tpu.memref_slice %arg6[%dma_start3A_1865, %dma_start3A_1867, %dma_start3A_1868, %dma_start3A_1869] : memref<2x32x50x32xf32, #tpu.memory_space<vmem>> -> memref<1x32x50x32xf32, #tpu.memory_space<vmem>>
      %dma_start3A_1871 = tpu.memref_squeeze %dma_start3A_1870 : memref<1x32x50x32xf32, #tpu.memory_space<vmem>> -> memref<32x50x32xf32, #tpu.memory_space<vmem>>
      %dma_start3A_1872 = arith.constant 0 : i32
      %dma_start3A_1873 = arith.constant 0 : i32
      %dma_start3A_1874 = tpu.memref_slice %dma_start3A_1871[%dma_start3A_1866, %dma_start3A_1872, %dma_start3A_1873] : memref<32x50x32xf32, #tpu.memory_space<vmem>> -> memref<1x50x32xf32, #tpu.memory_space<vmem>>
      %dma_start3A_1875 = tpu.memref_squeeze %dma_start3A_1874 : memref<1x50x32xf32, #tpu.memory_space<vmem>> -> memref<50x32xf32, #tpu.memory_space<vmem>>
      %dma_start3A_1876 = arith.constant 0 : i32
      %dma_start3A_1877 = arith.constant 0 : i32
      %dma_start3A_1878 = tpu.memref_slice %arg5[%dma_start3A_1863, %dma_start3A_1876, %dma_start3A_1877] : memref<2x32x50xi32, #tpu.memory_space<vmem>> -> memref<1x32x50xi32, #tpu.memory_space<vmem>>
      %dma_start3A_1879 = tpu.memref_squeeze %dma_start3A_1878 : memref<1x32x50xi32, #tpu.memory_space<vmem>> -> memref<32x50xi32, #tpu.memory_space<vmem>>
      %dma_start3A_1880 = arith.constant 0 : i32
      %dma_start3A_1881 = tpu.memref_slice %dma_start3A_1879[%dma_start3A_1864, %dma_start3A_1880] : memref<32x50xi32, #tpu.memory_space<vmem>> -> memref<1x50xi32, #tpu.memory_space<vmem>>
      %dma_start3A_1882 = tpu.memref_squeeze %dma_start3A_1881 : memref<1x50xi32, #tpu.memory_space<vmem>> -> memref<50xi32, #tpu.memory_space<vmem>>
      %dma_start3A_1883 = arith.constant 0 : i32
      %dma_start3A_1884 = arith.constant 0 : i32
      %dma_start3A_1885 = tpu.memref_slice %arg3[%dma_start3A_1883, %dma_start3A_1884] : memref<1000000x32xf32, #tpu.memory_space<hbm>> -> memref<1000000x32xf32, #tpu.memory_space<hbm>>
      tpu.enqueue_indirect_dma source(%dma_start3A_1885 : memref<1000000x32xf32, #tpu.memory_space<hbm>>) target(%dma_start3A_1875 : memref<50x32xf32, #tpu.memory_space<vmem>>) offsets(%dma_start3A_1882 : memref<50xi32, #tpu.memory_space<vmem>>) semaphore(%arg11 : memref<!tpu.dma_semaphore, #tpu.memory_space<semaphore_mem>>)
      %dma_start3A_1886 = arith.constant 1 : i32
      %dma_start3A_1887 = arith.constant 12 : i32
      %dma_start3A_1888 = arith.constant 1 : i32
      %dma_start3A_1889 = arith.constant 12 : i32
      %dma_start3A_1890 = arith.constant 0 : i32
      %dma_start3A_1891 = arith.constant 0 : i32
      %dma_start3A_1892 = arith.constant 0 : i32
      %dma_start3A_1893 = tpu.memref_slice %arg6[%dma_start3A_1888, %dma_start3A_1890, %dma_start3A_1891, %dma_start3A_1892] : memref<2x32x50x32xf32, #tpu.memory_space<vmem>> -> memref<1x32x50x32xf32, #tpu.memory_space<vmem>>
      %dma_start3A_1894 = tpu.memref_squeeze %dma_start3A_1893 : memref<1x32x50x32xf32, #tpu.memory_space<vmem>> -> memref<32x50x32xf32, #tpu.memory_space<vmem>>
      %dma_start3A_1895 = arith.constant 0 : i32
      %dma_start3A_1896 = arith.constant 0 : i32
      %dma_start3A_1897 = tpu.memref_slice %dma_start3A_1894[%dma_start3A_1889, %dma_start3A_1895, %dma_start3A_1896] : memref<32x50x32xf32, #tpu.memory_space<vmem>> -> memref<1x50x32xf32, #tpu.memory_space<vmem>>
      %dma_start3A_1898 = tpu.memref_squeeze %dma_start3A_1897 : memref<1x50x32xf32, #tpu.memory_space<vmem>> -> memref<50x32xf32, #tpu.memory_space<vmem>>
      %dma_start3A_1899 = arith.constant 0 : i32
      %dma_start3A_1900 = arith.constant 0 : i32
      %dma_start3A_1901 = tpu.memref_slice %arg5[%dma_start3A_1886, %dma_start3A_1899, %dma_start3A_1900] : memref<2x32x50xi32, #tpu.memory_space<vmem>> -> memref<1x32x50xi32, #tpu.memory_space<vmem>>
      %dma_start3A_1902 = tpu.memref_squeeze %dma_start3A_1901 : memref<1x32x50xi32, #tpu.memory_space<vmem>> -> memref<32x50xi32, #tpu.memory_space<vmem>>
      %dma_start3A_1903 = arith.constant 0 : i32
      %dma_start3A_1904 = tpu.memref_slice %dma_start3A_1902[%dma_start3A_1887, %dma_start3A_1903] : memref<32x50xi32, #tpu.memory_space<vmem>> -> memref<1x50xi32, #tpu.memory_space<vmem>>
      %dma_start3A_1905 = tpu.memref_squeeze %dma_start3A_1904 : memref<1x50xi32, #tpu.memory_space<vmem>> -> memref<50xi32, #tpu.memory_space<vmem>>
      %dma_start3A_1906 = arith.constant 0 : i32
      %dma_start3A_1907 = arith.constant 0 : i32
      %dma_start3A_1908 = tpu.memref_slice %arg3[%dma_start3A_1906, %dma_start3A_1907] : memref<1000000x32xf32, #tpu.memory_space<hbm>> -> memref<1000000x32xf32, #tpu.memory_space<hbm>>
      tpu.enqueue_indirect_dma source(%dma_start3A_1908 : memref<1000000x32xf32, #tpu.memory_space<hbm>>) target(%dma_start3A_1898 : memref<50x32xf32, #tpu.memory_space<vmem>>) offsets(%dma_start3A_1905 : memref<50xi32, #tpu.memory_space<vmem>>) semaphore(%arg11 : memref<!tpu.dma_semaphore, #tpu.memory_space<semaphore_mem>>)
      %dma_start3A_1909 = arith.constant 1 : i32
      %dma_start3A_1910 = arith.constant 13 : i32
      %dma_start3A_1911 = arith.constant 1 : i32
      %dma_start3A_1912 = arith.constant 13 : i32
      %dma_start3A_1913 = arith.constant 0 : i32
      %dma_start3A_1914 = arith.constant 0 : i32
      %dma_start3A_1915 = arith.constant 0 : i32
      %dma_start3A_1916 = tpu.memref_slice %arg6[%dma_start3A_1911, %dma_start3A_1913, %dma_start3A_1914, %dma_start3A_1915] : memref<2x32x50x32xf32, #tpu.memory_space<vmem>> -> memref<1x32x50x32xf32, #tpu.memory_space<vmem>>
      %dma_start3A_1917 = tpu.memref_squeeze %dma_start3A_1916 : memref<1x32x50x32xf32, #tpu.memory_space<vmem>> -> memref<32x50x32xf32, #tpu.memory_space<vmem>>
      %dma_start3A_1918 = arith.constant 0 : i32
      %dma_start3A_1919 = arith.constant 0 : i32
      %dma_start3A_1920 = tpu.memref_slice %dma_start3A_1917[%dma_start3A_1912, %dma_start3A_1918, %dma_start3A_1919] : memref<32x50x32xf32, #tpu.memory_space<vmem>> -> memref<1x50x32xf32, #tpu.memory_space<vmem>>
      %dma_start3A_1921 = tpu.memref_squeeze %dma_start3A_1920 : memref<1x50x32xf32, #tpu.memory_space<vmem>> -> memref<50x32xf32, #tpu.memory_space<vmem>>
      %dma_start3A_1922 = arith.constant 0 : i32
      %dma_start3A_1923 = arith.constant 0 : i32
      %dma_start3A_1924 = tpu.memref_slice %arg5[%dma_start3A_1909, %dma_start3A_1922, %dma_start3A_1923] : memref<2x32x50xi32, #tpu.memory_space<vmem>> -> memref<1x32x50xi32, #tpu.memory_space<vmem>>
      %dma_start3A_1925 = tpu.memref_squeeze %dma_start3A_1924 : memref<1x32x50xi32, #tpu.memory_space<vmem>> -> memref<32x50xi32, #tpu.memory_space<vmem>>
      %dma_start3A_1926 = arith.constant 0 : i32
      %dma_start3A_1927 = tpu.memref_slice %dma_start3A_1925[%dma_start3A_1910, %dma_start3A_1926] : memref<32x50xi32, #tpu.memory_space<vmem>> -> memref<1x50xi32, #tpu.memory_space<vmem>>
      %dma_start3A_1928 = tpu.memref_squeeze %dma_start3A_1927 : memref<1x50xi32, #tpu.memory_space<vmem>> -> memref<50xi32, #tpu.memory_space<vmem>>
      %dma_start3A_1929 = arith.constant 0 : i32
      %dma_start3A_1930 = arith.constant 0 : i32
      %dma_start3A_1931 = tpu.memref_slice %arg3[%dma_start3A_1929, %dma_start3A_1930] : memref<1000000x32xf32, #tpu.memory_space<hbm>> -> memref<1000000x32xf32, #tpu.memory_space<hbm>>
      tpu.enqueue_indirect_dma source(%dma_start3A_1931 : memref<1000000x32xf32, #tpu.memory_space<hbm>>) target(%dma_start3A_1921 : memref<50x32xf32, #tpu.memory_space<vmem>>) offsets(%dma_start3A_1928 : memref<50xi32, #tpu.memory_space<vmem>>) semaphore(%arg11 : memref<!tpu.dma_semaphore, #tpu.memory_space<semaphore_mem>>)
      %dma_start3A_1932 = arith.constant 1 : i32
      %dma_start3A_1933 = arith.constant 14 : i32
      %dma_start3A_1934 = arith.constant 1 : i32
      %dma_start3A_1935 = arith.constant 14 : i32
      %dma_start3A_1936 = arith.constant 0 : i32
      %dma_start3A_1937 = arith.constant 0 : i32
      %dma_start3A_1938 = arith.constant 0 : i32
      %dma_start3A_1939 = tpu.memref_slice %arg6[%dma_start3A_1934, %dma_start3A_1936, %dma_start3A_1937, %dma_start3A_1938] : memref<2x32x50x32xf32, #tpu.memory_space<vmem>> -> memref<1x32x50x32xf32, #tpu.memory_space<vmem>>
      %dma_start3A_1940 = tpu.memref_squeeze %dma_start3A_1939 : memref<1x32x50x32xf32, #tpu.memory_space<vmem>> -> memref<32x50x32xf32, #tpu.memory_space<vmem>>
      %dma_start3A_1941 = arith.constant 0 : i32
      %dma_start3A_1942 = arith.constant 0 : i32
      %dma_start3A_1943 = tpu.memref_slice %dma_start3A_1940[%dma_start3A_1935, %dma_start3A_1941, %dma_start3A_1942] : memref<32x50x32xf32, #tpu.memory_space<vmem>> -> memref<1x50x32xf32, #tpu.memory_space<vmem>>
      %dma_start3A_1944 = tpu.memref_squeeze %dma_start3A_1943 : memref<1x50x32xf32, #tpu.memory_space<vmem>> -> memref<50x32xf32, #tpu.memory_space<vmem>>
      %dma_start3A_1945 = arith.constant 0 : i32
      %dma_start3A_1946 = arith.constant 0 : i32
      %dma_start3A_1947 = tpu.memref_slice %arg5[%dma_start3A_1932, %dma_start3A_1945, %dma_start3A_1946] : memref<2x32x50xi32, #tpu.memory_space<vmem>> -> memref<1x32x50xi32, #tpu.memory_space<vmem>>
      %dma_start3A_1948 = tpu.memref_squeeze %dma_start3A_1947 : memref<1x32x50xi32, #tpu.memory_space<vmem>> -> memref<32x50xi32, #tpu.memory_space<vmem>>
      %dma_start3A_1949 = arith.constant 0 : i32
      %dma_start3A_1950 = tpu.memref_slice %dma_start3A_1948[%dma_start3A_1933, %dma_start3A_1949] : memref<32x50xi32, #tpu.memory_space<vmem>> -> memref<1x50xi32, #tpu.memory_space<vmem>>
      %dma_start3A_1951 = tpu.memref_squeeze %dma_start3A_1950 : memref<1x50xi32, #tpu.memory_space<vmem>> -> memref<50xi32, #tpu.memory_space<vmem>>
      %dma_start3A_1952 = arith.constant 0 : i32
      %dma_start3A_1953 = arith.constant 0 : i32
      %dma_start3A_1954 = tpu.memref_slice %arg3[%dma_start3A_1952, %dma_start3A_1953] : memref<1000000x32xf32, #tpu.memory_space<hbm>> -> memref<1000000x32xf32, #tpu.memory_space<hbm>>
      tpu.enqueue_indirect_dma source(%dma_start3A_1954 : memref<1000000x32xf32, #tpu.memory_space<hbm>>) target(%dma_start3A_1944 : memref<50x32xf32, #tpu.memory_space<vmem>>) offsets(%dma_start3A_1951 : memref<50xi32, #tpu.memory_space<vmem>>) semaphore(%arg11 : memref<!tpu.dma_semaphore, #tpu.memory_space<semaphore_mem>>)
      %dma_start3A_1955 = arith.constant 1 : i32
      %dma_start3A_1956 = arith.constant 15 : i32
      %dma_start3A_1957 = arith.constant 1 : i32
      %dma_start3A_1958 = arith.constant 15 : i32
      %dma_start3A_1959 = arith.constant 0 : i32
      %dma_start3A_1960 = arith.constant 0 : i32
      %dma_start3A_1961 = arith.constant 0 : i32
      %dma_start3A_1962 = tpu.memref_slice %arg6[%dma_start3A_1957, %dma_start3A_1959, %dma_start3A_1960, %dma_start3A_1961] : memref<2x32x50x32xf32, #tpu.memory_space<vmem>> -> memref<1x32x50x32xf32, #tpu.memory_space<vmem>>
      %dma_start3A_1963 = tpu.memref_squeeze %dma_start3A_1962 : memref<1x32x50x32xf32, #tpu.memory_space<vmem>> -> memref<32x50x32xf32, #tpu.memory_space<vmem>>
      %dma_start3A_1964 = arith.constant 0 : i32
      %dma_start3A_1965 = arith.constant 0 : i32
      %dma_start3A_1966 = tpu.memref_slice %dma_start3A_1963[%dma_start3A_1958, %dma_start3A_1964, %dma_start3A_1965] : memref<32x50x32xf32, #tpu.memory_space<vmem>> -> memref<1x50x32xf32, #tpu.memory_space<vmem>>
      %dma_start3A_1967 = tpu.memref_squeeze %dma_start3A_1966 : memref<1x50x32xf32, #tpu.memory_space<vmem>> -> memref<50x32xf32, #tpu.memory_space<vmem>>
      %dma_start3A_1968 = arith.constant 0 : i32
      %dma_start3A_1969 = arith.constant 0 : i32
      %dma_start3A_1970 = tpu.memref_slice %arg5[%dma_start3A_1955, %dma_start3A_1968, %dma_start3A_1969] : memref<2x32x50xi32, #tpu.memory_space<vmem>> -> memref<1x32x50xi32, #tpu.memory_space<vmem>>
      %dma_start3A_1971 = tpu.memref_squeeze %dma_start3A_1970 : memref<1x32x50xi32, #tpu.memory_space<vmem>> -> memref<32x50xi32, #tpu.memory_space<vmem>>
      %dma_start3A_1972 = arith.constant 0 : i32
      %dma_start3A_1973 = tpu.memref_slice %dma_start3A_1971[%dma_start3A_1956, %dma_start3A_1972] : memref<32x50xi32, #tpu.memory_space<vmem>> -> memref<1x50xi32, #tpu.memory_space<vmem>>
      %dma_start3A_1974 = tpu.memref_squeeze %dma_start3A_1973 : memref<1x50xi32, #tpu.memory_space<vmem>> -> memref<50xi32, #tpu.memory_space<vmem>>
      %dma_start3A_1975 = arith.constant 0 : i32
      %dma_start3A_1976 = arith.constant 0 : i32
      %dma_start3A_1977 = tpu.memref_slice %arg3[%dma_start3A_1975, %dma_start3A_1976] : memref<1000000x32xf32, #tpu.memory_space<hbm>> -> memref<1000000x32xf32, #tpu.memory_space<hbm>>
      tpu.enqueue_indirect_dma source(%dma_start3A_1977 : memref<1000000x32xf32, #tpu.memory_space<hbm>>) target(%dma_start3A_1967 : memref<50x32xf32, #tpu.memory_space<vmem>>) offsets(%dma_start3A_1974 : memref<50xi32, #tpu.memory_space<vmem>>) semaphore(%arg11 : memref<!tpu.dma_semaphore, #tpu.memory_space<semaphore_mem>>)
      %dma_start3A_1978 = arith.constant 1 : i32
      %dma_start3A_1979 = arith.constant 16 : i32
      %dma_start3A_1980 = arith.constant 1 : i32
      %dma_start3A_1981 = arith.constant 16 : i32
      %dma_start3A_1982 = arith.constant 0 : i32
      %dma_start3A_1983 = arith.constant 0 : i32
      %dma_start3A_1984 = arith.constant 0 : i32
      %dma_start3A_1985 = tpu.memref_slice %arg6[%dma_start3A_1980, %dma_start3A_1982, %dma_start3A_1983, %dma_start3A_1984] : memref<2x32x50x32xf32, #tpu.memory_space<vmem>> -> memref<1x32x50x32xf32, #tpu.memory_space<vmem>>
      %dma_start3A_1986 = tpu.memref_squeeze %dma_start3A_1985 : memref<1x32x50x32xf32, #tpu.memory_space<vmem>> -> memref<32x50x32xf32, #tpu.memory_space<vmem>>
      %dma_start3A_1987 = arith.constant 0 : i32
      %dma_start3A_1988 = arith.constant 0 : i32
      %dma_start3A_1989 = tpu.memref_slice %dma_start3A_1986[%dma_start3A_1981, %dma_start3A_1987, %dma_start3A_1988] : memref<32x50x32xf32, #tpu.memory_space<vmem>> -> memref<1x50x32xf32, #tpu.memory_space<vmem>>
      %dma_start3A_1990 = tpu.memref_squeeze %dma_start3A_1989 : memref<1x50x32xf32, #tpu.memory_space<vmem>> -> memref<50x32xf32, #tpu.memory_space<vmem>>
      %dma_start3A_1991 = arith.constant 0 : i32
      %dma_start3A_1992 = arith.constant 0 : i32
      %dma_start3A_1993 = tpu.memref_slice %arg5[%dma_start3A_1978, %dma_start3A_1991, %dma_start3A_1992] : memref<2x32x50xi32, #tpu.memory_space<vmem>> -> memref<1x32x50xi32, #tpu.memory_space<vmem>>
      %dma_start3A_1994 = tpu.memref_squeeze %dma_start3A_1993 : memref<1x32x50xi32, #tpu.memory_space<vmem>> -> memref<32x50xi32, #tpu.memory_space<vmem>>
      %dma_start3A_1995 = arith.constant 0 : i32
      %dma_start3A_1996 = tpu.memref_slice %dma_start3A_1994[%dma_start3A_1979, %dma_start3A_1995] : memref<32x50xi32, #tpu.memory_space<vmem>> -> memref<1x50xi32, #tpu.memory_space<vmem>>
      %dma_start3A_1997 = tpu.memref_squeeze %dma_start3A_1996 : memref<1x50xi32, #tpu.memory_space<vmem>> -> memref<50xi32, #tpu.memory_space<vmem>>
      %dma_start3A_1998 = arith.constant 0 : i32
      %dma_start3A_1999 = arith.constant 0 : i32
      %dma_start3A_2000 = tpu.memref_slice %arg3[%dma_start3A_1998, %dma_start3A_1999] : memref<1000000x32xf32, #tpu.memory_space<hbm>> -> memref<1000000x32xf32, #tpu.memory_space<hbm>>
      tpu.enqueue_indirect_dma source(%dma_start3A_2000 : memref<1000000x32xf32, #tpu.memory_space<hbm>>) target(%dma_start3A_1990 : memref<50x32xf32, #tpu.memory_space<vmem>>) offsets(%dma_start3A_1997 : memref<50xi32, #tpu.memory_space<vmem>>) semaphore(%arg11 : memref<!tpu.dma_semaphore, #tpu.memory_space<semaphore_mem>>)
      %dma_start3A_2001 = arith.constant 1 : i32
      %dma_start3A_2002 = arith.constant 17 : i32
      %dma_start3A_2003 = arith.constant 1 : i32
      %dma_start3A_2004 = arith.constant 17 : i32
      %dma_start3A_2005 = arith.constant 0 : i32
      %dma_start3A_2006 = arith.constant 0 : i32
      %dma_start3A_2007 = arith.constant 0 : i32
      %dma_start3A_2008 = tpu.memref_slice %arg6[%dma_start3A_2003, %dma_start3A_2005, %dma_start3A_2006, %dma_start3A_2007] : memref<2x32x50x32xf32, #tpu.memory_space<vmem>> -> memref<1x32x50x32xf32, #tpu.memory_space<vmem>>
      %dma_start3A_2009 = tpu.memref_squeeze %dma_start3A_2008 : memref<1x32x50x32xf32, #tpu.memory_space<vmem>> -> memref<32x50x32xf32, #tpu.memory_space<vmem>>
      %dma_start3A_2010 = arith.constant 0 : i32
      %dma_start3A_2011 = arith.constant 0 : i32
      %dma_start3A_2012 = tpu.memref_slice %dma_start3A_2009[%dma_start3A_2004, %dma_start3A_2010, %dma_start3A_2011] : memref<32x50x32xf32, #tpu.memory_space<vmem>> -> memref<1x50x32xf32, #tpu.memory_space<vmem>>
      %dma_start3A_2013 = tpu.memref_squeeze %dma_start3A_2012 : memref<1x50x32xf32, #tpu.memory_space<vmem>> -> memref<50x32xf32, #tpu.memory_space<vmem>>
      %dma_start3A_2014 = arith.constant 0 : i32
      %dma_start3A_2015 = arith.constant 0 : i32
      %dma_start3A_2016 = tpu.memref_slice %arg5[%dma_start3A_2001, %dma_start3A_2014, %dma_start3A_2015] : memref<2x32x50xi32, #tpu.memory_space<vmem>> -> memref<1x32x50xi32, #tpu.memory_space<vmem>>
      %dma_start3A_2017 = tpu.memref_squeeze %dma_start3A_2016 : memref<1x32x50xi32, #tpu.memory_space<vmem>> -> memref<32x50xi32, #tpu.memory_space<vmem>>
      %dma_start3A_2018 = arith.constant 0 : i32
      %dma_start3A_2019 = tpu.memref_slice %dma_start3A_2017[%dma_start3A_2002, %dma_start3A_2018] : memref<32x50xi32, #tpu.memory_space<vmem>> -> memref<1x50xi32, #tpu.memory_space<vmem>>
      %dma_start3A_2020 = tpu.memref_squeeze %dma_start3A_2019 : memref<1x50xi32, #tpu.memory_space<vmem>> -> memref<50xi32, #tpu.memory_space<vmem>>
      %dma_start3A_2021 = arith.constant 0 : i32
      %dma_start3A_2022 = arith.constant 0 : i32
      %dma_start3A_2023 = tpu.memref_slice %arg3[%dma_start3A_2021, %dma_start3A_2022] : memref<1000000x32xf32, #tpu.memory_space<hbm>> -> memref<1000000x32xf32, #tpu.memory_space<hbm>>
      tpu.enqueue_indirect_dma source(%dma_start3A_2023 : memref<1000000x32xf32, #tpu.memory_space<hbm>>) target(%dma_start3A_2013 : memref<50x32xf32, #tpu.memory_space<vmem>>) offsets(%dma_start3A_2020 : memref<50xi32, #tpu.memory_space<vmem>>) semaphore(%arg11 : memref<!tpu.dma_semaphore, #tpu.memory_space<semaphore_mem>>)
      %dma_start3A_2024 = arith.constant 1 : i32
      %dma_start3A_2025 = arith.constant 18 : i32
      %dma_start3A_2026 = arith.constant 1 : i32
      %dma_start3A_2027 = arith.constant 18 : i32
      %dma_start3A_2028 = arith.constant 0 : i32
      %dma_start3A_2029 = arith.constant 0 : i32
      %dma_start3A_2030 = arith.constant 0 : i32
      %dma_start3A_2031 = tpu.memref_slice %arg6[%dma_start3A_2026, %dma_start3A_2028, %dma_start3A_2029, %dma_start3A_2030] : memref<2x32x50x32xf32, #tpu.memory_space<vmem>> -> memref<1x32x50x32xf32, #tpu.memory_space<vmem>>
      %dma_start3A_2032 = tpu.memref_squeeze %dma_start3A_2031 : memref<1x32x50x32xf32, #tpu.memory_space<vmem>> -> memref<32x50x32xf32, #tpu.memory_space<vmem>>
      %dma_start3A_2033 = arith.constant 0 : i32
      %dma_start3A_2034 = arith.constant 0 : i32
      %dma_start3A_2035 = tpu.memref_slice %dma_start3A_2032[%dma_start3A_2027, %dma_start3A_2033, %dma_start3A_2034] : memref<32x50x32xf32, #tpu.memory_space<vmem>> -> memref<1x50x32xf32, #tpu.memory_space<vmem>>
      %dma_start3A_2036 = tpu.memref_squeeze %dma_start3A_2035 : memref<1x50x32xf32, #tpu.memory_space<vmem>> -> memref<50x32xf32, #tpu.memory_space<vmem>>
      %dma_start3A_2037 = arith.constant 0 : i32
      %dma_start3A_2038 = arith.constant 0 : i32
      %dma_start3A_2039 = tpu.memref_slice %arg5[%dma_start3A_2024, %dma_start3A_2037, %dma_start3A_2038] : memref<2x32x50xi32, #tpu.memory_space<vmem>> -> memref<1x32x50xi32, #tpu.memory_space<vmem>>
      %dma_start3A_2040 = tpu.memref_squeeze %dma_start3A_2039 : memref<1x32x50xi32, #tpu.memory_space<vmem>> -> memref<32x50xi32, #tpu.memory_space<vmem>>
      %dma_start3A_2041 = arith.constant 0 : i32
      %dma_start3A_2042 = tpu.memref_slice %dma_start3A_2040[%dma_start3A_2025, %dma_start3A_2041] : memref<32x50xi32, #tpu.memory_space<vmem>> -> memref<1x50xi32, #tpu.memory_space<vmem>>
      %dma_start3A_2043 = tpu.memref_squeeze %dma_start3A_2042 : memref<1x50xi32, #tpu.memory_space<vmem>> -> memref<50xi32, #tpu.memory_space<vmem>>
      %dma_start3A_2044 = arith.constant 0 : i32
      %dma_start3A_2045 = arith.constant 0 : i32
      %dma_start3A_2046 = tpu.memref_slice %arg3[%dma_start3A_2044, %dma_start3A_2045] : memref<1000000x32xf32, #tpu.memory_space<hbm>> -> memref<1000000x32xf32, #tpu.memory_space<hbm>>
      tpu.enqueue_indirect_dma source(%dma_start3A_2046 : memref<1000000x32xf32, #tpu.memory_space<hbm>>) target(%dma_start3A_2036 : memref<50x32xf32, #tpu.memory_space<vmem>>) offsets(%dma_start3A_2043 : memref<50xi32, #tpu.memory_space<vmem>>) semaphore(%arg11 : memref<!tpu.dma_semaphore, #tpu.memory_space<semaphore_mem>>)
      %dma_start3A_2047 = arith.constant 1 : i32
      %dma_start3A_2048 = arith.constant 19 : i32
      %dma_start3A_2049 = arith.constant 1 : i32
      %dma_start3A_2050 = arith.constant 19 : i32
      %dma_start3A_2051 = arith.constant 0 : i32
      %dma_start3A_2052 = arith.constant 0 : i32
      %dma_start3A_2053 = arith.constant 0 : i32
      %dma_start3A_2054 = tpu.memref_slice %arg6[%dma_start3A_2049, %dma_start3A_2051, %dma_start3A_2052, %dma_start3A_2053] : memref<2x32x50x32xf32, #tpu.memory_space<vmem>> -> memref<1x32x50x32xf32, #tpu.memory_space<vmem>>
      %dma_start3A_2055 = tpu.memref_squeeze %dma_start3A_2054 : memref<1x32x50x32xf32, #tpu.memory_space<vmem>> -> memref<32x50x32xf32, #tpu.memory_space<vmem>>
      %dma_start3A_2056 = arith.constant 0 : i32
      %dma_start3A_2057 = arith.constant 0 : i32
      %dma_start3A_2058 = tpu.memref_slice %dma_start3A_2055[%dma_start3A_2050, %dma_start3A_2056, %dma_start3A_2057] : memref<32x50x32xf32, #tpu.memory_space<vmem>> -> memref<1x50x32xf32, #tpu.memory_space<vmem>>
      %dma_start3A_2059 = tpu.memref_squeeze %dma_start3A_2058 : memref<1x50x32xf32, #tpu.memory_space<vmem>> -> memref<50x32xf32, #tpu.memory_space<vmem>>
      %dma_start3A_2060 = arith.constant 0 : i32
      %dma_start3A_2061 = arith.constant 0 : i32
      %dma_start3A_2062 = tpu.memref_slice %arg5[%dma_start3A_2047, %dma_start3A_2060, %dma_start3A_2061] : memref<2x32x50xi32, #tpu.memory_space<vmem>> -> memref<1x32x50xi32, #tpu.memory_space<vmem>>
      %dma_start3A_2063 = tpu.memref_squeeze %dma_start3A_2062 : memref<1x32x50xi32, #tpu.memory_space<vmem>> -> memref<32x50xi32, #tpu.memory_space<vmem>>
      %dma_start3A_2064 = arith.constant 0 : i32
      %dma_start3A_2065 = tpu.memref_slice %dma_start3A_2063[%dma_start3A_2048, %dma_start3A_2064] : memref<32x50xi32, #tpu.memory_space<vmem>> -> memref<1x50xi32, #tpu.memory_space<vmem>>
      %dma_start3A_2066 = tpu.memref_squeeze %dma_start3A_2065 : memref<1x50xi32, #tpu.memory_space<vmem>> -> memref<50xi32, #tpu.memory_space<vmem>>
      %dma_start3A_2067 = arith.constant 0 : i32
      %dma_start3A_2068 = arith.constant 0 : i32
      %dma_start3A_2069 = tpu.memref_slice %arg3[%dma_start3A_2067, %dma_start3A_2068] : memref<1000000x32xf32, #tpu.memory_space<hbm>> -> memref<1000000x32xf32, #tpu.memory_space<hbm>>
      tpu.enqueue_indirect_dma source(%dma_start3A_2069 : memref<1000000x32xf32, #tpu.memory_space<hbm>>) target(%dma_start3A_2059 : memref<50x32xf32, #tpu.memory_space<vmem>>) offsets(%dma_start3A_2066 : memref<50xi32, #tpu.memory_space<vmem>>) semaphore(%arg11 : memref<!tpu.dma_semaphore, #tpu.memory_space<semaphore_mem>>)
      %dma_start3A_2070 = arith.constant 1 : i32
      %dma_start3A_2071 = arith.constant 20 : i32
      %dma_start3A_2072 = arith.constant 1 : i32
      %dma_start3A_2073 = arith.constant 20 : i32
      %dma_start3A_2074 = arith.constant 0 : i32
      %dma_start3A_2075 = arith.constant 0 : i32
      %dma_start3A_2076 = arith.constant 0 : i32
      %dma_start3A_2077 = tpu.memref_slice %arg6[%dma_start3A_2072, %dma_start3A_2074, %dma_start3A_2075, %dma_start3A_2076] : memref<2x32x50x32xf32, #tpu.memory_space<vmem>> -> memref<1x32x50x32xf32, #tpu.memory_space<vmem>>
      %dma_start3A_2078 = tpu.memref_squeeze %dma_start3A_2077 : memref<1x32x50x32xf32, #tpu.memory_space<vmem>> -> memref<32x50x32xf32, #tpu.memory_space<vmem>>
      %dma_start3A_2079 = arith.constant 0 : i32
      %dma_start3A_2080 = arith.constant 0 : i32
      %dma_start3A_2081 = tpu.memref_slice %dma_start3A_2078[%dma_start3A_2073, %dma_start3A_2079, %dma_start3A_2080] : memref<32x50x32xf32, #tpu.memory_space<vmem>> -> memref<1x50x32xf32, #tpu.memory_space<vmem>>
      %dma_start3A_2082 = tpu.memref_squeeze %dma_start3A_2081 : memref<1x50x32xf32, #tpu.memory_space<vmem>> -> memref<50x32xf32, #tpu.memory_space<vmem>>
      %dma_start3A_2083 = arith.constant 0 : i32
      %dma_start3A_2084 = arith.constant 0 : i32
      %dma_start3A_2085 = tpu.memref_slice %arg5[%dma_start3A_2070, %dma_start3A_2083, %dma_start3A_2084] : memref<2x32x50xi32, #tpu.memory_space<vmem>> -> memref<1x32x50xi32, #tpu.memory_space<vmem>>
      %dma_start3A_2086 = tpu.memref_squeeze %dma_start3A_2085 : memref<1x32x50xi32, #tpu.memory_space<vmem>> -> memref<32x50xi32, #tpu.memory_space<vmem>>
      %dma_start3A_2087 = arith.constant 0 : i32
      %dma_start3A_2088 = tpu.memref_slice %dma_start3A_2086[%dma_start3A_2071, %dma_start3A_2087] : memref<32x50xi32, #tpu.memory_space<vmem>> -> memref<1x50xi32, #tpu.memory_space<vmem>>
      %dma_start3A_2089 = tpu.memref_squeeze %dma_start3A_2088 : memref<1x50xi32, #tpu.memory_space<vmem>> -> memref<50xi32, #tpu.memory_space<vmem>>
      %dma_start3A_2090 = arith.constant 0 : i32
      %dma_start3A_2091 = arith.constant 0 : i32
      %dma_start3A_2092 = tpu.memref_slice %arg3[%dma_start3A_2090, %dma_start3A_2091] : memref<1000000x32xf32, #tpu.memory_space<hbm>> -> memref<1000000x32xf32, #tpu.memory_space<hbm>>
      tpu.enqueue_indirect_dma source(%dma_start3A_2092 : memref<1000000x32xf32, #tpu.memory_space<hbm>>) target(%dma_start3A_2082 : memref<50x32xf32, #tpu.memory_space<vmem>>) offsets(%dma_start3A_2089 : memref<50xi32, #tpu.memory_space<vmem>>) semaphore(%arg11 : memref<!tpu.dma_semaphore, #tpu.memory_space<semaphore_mem>>)
      %dma_start3A_2093 = arith.constant 1 : i32
      %dma_start3A_2094 = arith.constant 21 : i32
      %dma_start3A_2095 = arith.constant 1 : i32
      %dma_start3A_2096 = arith.constant 21 : i32
      %dma_start3A_2097 = arith.constant 0 : i32
      %dma_start3A_2098 = arith.constant 0 : i32
      %dma_start3A_2099 = arith.constant 0 : i32
      %dma_start3A_2100 = tpu.memref_slice %arg6[%dma_start3A_2095, %dma_start3A_2097, %dma_start3A_2098, %dma_start3A_2099] : memref<2x32x50x32xf32, #tpu.memory_space<vmem>> -> memref<1x32x50x32xf32, #tpu.memory_space<vmem>>
      %dma_start3A_2101 = tpu.memref_squeeze %dma_start3A_2100 : memref<1x32x50x32xf32, #tpu.memory_space<vmem>> -> memref<32x50x32xf32, #tpu.memory_space<vmem>>
      %dma_start3A_2102 = arith.constant 0 : i32
      %dma_start3A_2103 = arith.constant 0 : i32
      %dma_start3A_2104 = tpu.memref_slice %dma_start3A_2101[%dma_start3A_2096, %dma_start3A_2102, %dma_start3A_2103] : memref<32x50x32xf32, #tpu.memory_space<vmem>> -> memref<1x50x32xf32, #tpu.memory_space<vmem>>
      %dma_start3A_2105 = tpu.memref_squeeze %dma_start3A_2104 : memref<1x50x32xf32, #tpu.memory_space<vmem>> -> memref<50x32xf32, #tpu.memory_space<vmem>>
      %dma_start3A_2106 = arith.constant 0 : i32
      %dma_start3A_2107 = arith.constant 0 : i32
      %dma_start3A_2108 = tpu.memref_slice %arg5[%dma_start3A_2093, %dma_start3A_2106, %dma_start3A_2107] : memref<2x32x50xi32, #tpu.memory_space<vmem>> -> memref<1x32x50xi32, #tpu.memory_space<vmem>>
      %dma_start3A_2109 = tpu.memref_squeeze %dma_start3A_2108 : memref<1x32x50xi32, #tpu.memory_space<vmem>> -> memref<32x50xi32, #tpu.memory_space<vmem>>
      %dma_start3A_2110 = arith.constant 0 : i32
      %dma_start3A_2111 = tpu.memref_slice %dma_start3A_2109[%dma_start3A_2094, %dma_start3A_2110] : memref<32x50xi32, #tpu.memory_space<vmem>> -> memref<1x50xi32, #tpu.memory_space<vmem>>
      %dma_start3A_2112 = tpu.memref_squeeze %dma_start3A_2111 : memref<1x50xi32, #tpu.memory_space<vmem>> -> memref<50xi32, #tpu.memory_space<vmem>>
      %dma_start3A_2113 = arith.constant 0 : i32
      %dma_start3A_2114 = arith.constant 0 : i32
      %dma_start3A_2115 = tpu.memref_slice %arg3[%dma_start3A_2113, %dma_start3A_2114] : memref<1000000x32xf32, #tpu.memory_space<hbm>> -> memref<1000000x32xf32, #tpu.memory_space<hbm>>
      tpu.enqueue_indirect_dma source(%dma_start3A_2115 : memref<1000000x32xf32, #tpu.memory_space<hbm>>) target(%dma_start3A_2105 : memref<50x32xf32, #tpu.memory_space<vmem>>) offsets(%dma_start3A_2112 : memref<50xi32, #tpu.memory_space<vmem>>) semaphore(%arg11 : memref<!tpu.dma_semaphore, #tpu.memory_space<semaphore_mem>>)
      %dma_start3A_2116 = arith.constant 1 : i32
      %dma_start3A_2117 = arith.constant 22 : i32
      %dma_start3A_2118 = arith.constant 1 : i32
      %dma_start3A_2119 = arith.constant 22 : i32
      %dma_start3A_2120 = arith.constant 0 : i32
      %dma_start3A_2121 = arith.constant 0 : i32
      %dma_start3A_2122 = arith.constant 0 : i32
      %dma_start3A_2123 = tpu.memref_slice %arg6[%dma_start3A_2118, %dma_start3A_2120, %dma_start3A_2121, %dma_start3A_2122] : memref<2x32x50x32xf32, #tpu.memory_space<vmem>> -> memref<1x32x50x32xf32, #tpu.memory_space<vmem>>
      %dma_start3A_2124 = tpu.memref_squeeze %dma_start3A_2123 : memref<1x32x50x32xf32, #tpu.memory_space<vmem>> -> memref<32x50x32xf32, #tpu.memory_space<vmem>>
      %dma_start3A_2125 = arith.constant 0 : i32
      %dma_start3A_2126 = arith.constant 0 : i32
      %dma_start3A_2127 = tpu.memref_slice %dma_start3A_2124[%dma_start3A_2119, %dma_start3A_2125, %dma_start3A_2126] : memref<32x50x32xf32, #tpu.memory_space<vmem>> -> memref<1x50x32xf32, #tpu.memory_space<vmem>>
      %dma_start3A_2128 = tpu.memref_squeeze %dma_start3A_2127 : memref<1x50x32xf32, #tpu.memory_space<vmem>> -> memref<50x32xf32, #tpu.memory_space<vmem>>
      %dma_start3A_2129 = arith.constant 0 : i32
      %dma_start3A_2130 = arith.constant 0 : i32
      %dma_start3A_2131 = tpu.memref_slice %arg5[%dma_start3A_2116, %dma_start3A_2129, %dma_start3A_2130] : memref<2x32x50xi32, #tpu.memory_space<vmem>> -> memref<1x32x50xi32, #tpu.memory_space<vmem>>
      %dma_start3A_2132 = tpu.memref_squeeze %dma_start3A_2131 : memref<1x32x50xi32, #tpu.memory_space<vmem>> -> memref<32x50xi32, #tpu.memory_space<vmem>>
      %dma_start3A_2133 = arith.constant 0 : i32
      %dma_start3A_2134 = tpu.memref_slice %dma_start3A_2132[%dma_start3A_2117, %dma_start3A_2133] : memref<32x50xi32, #tpu.memory_space<vmem>> -> memref<1x50xi32, #tpu.memory_space<vmem>>
      %dma_start3A_2135 = tpu.memref_squeeze %dma_start3A_2134 : memref<1x50xi32, #tpu.memory_space<vmem>> -> memref<50xi32, #tpu.memory_space<vmem>>
      %dma_start3A_2136 = arith.constant 0 : i32
      %dma_start3A_2137 = arith.constant 0 : i32
      %dma_start3A_2138 = tpu.memref_slice %arg3[%dma_start3A_2136, %dma_start3A_2137] : memref<1000000x32xf32, #tpu.memory_space<hbm>> -> memref<1000000x32xf32, #tpu.memory_space<hbm>>
      tpu.enqueue_indirect_dma source(%dma_start3A_2138 : memref<1000000x32xf32, #tpu.memory_space<hbm>>) target(%dma_start3A_2128 : memref<50x32xf32, #tpu.memory_space<vmem>>) offsets(%dma_start3A_2135 : memref<50xi32, #tpu.memory_space<vmem>>) semaphore(%arg11 : memref<!tpu.dma_semaphore, #tpu.memory_space<semaphore_mem>>)
      %dma_start3A_2139 = arith.constant 1 : i32
      %dma_start3A_2140 = arith.constant 23 : i32
      %dma_start3A_2141 = arith.constant 1 : i32
      %dma_start3A_2142 = arith.constant 23 : i32
      %dma_start3A_2143 = arith.constant 0 : i32
      %dma_start3A_2144 = arith.constant 0 : i32
      %dma_start3A_2145 = arith.constant 0 : i32
      %dma_start3A_2146 = tpu.memref_slice %arg6[%dma_start3A_2141, %dma_start3A_2143, %dma_start3A_2144, %dma_start3A_2145] : memref<2x32x50x32xf32, #tpu.memory_space<vmem>> -> memref<1x32x50x32xf32, #tpu.memory_space<vmem>>
      %dma_start3A_2147 = tpu.memref_squeeze %dma_start3A_2146 : memref<1x32x50x32xf32, #tpu.memory_space<vmem>> -> memref<32x50x32xf32, #tpu.memory_space<vmem>>
      %dma_start3A_2148 = arith.constant 0 : i32
      %dma_start3A_2149 = arith.constant 0 : i32
      %dma_start3A_2150 = tpu.memref_slice %dma_start3A_2147[%dma_start3A_2142, %dma_start3A_2148, %dma_start3A_2149] : memref<32x50x32xf32, #tpu.memory_space<vmem>> -> memref<1x50x32xf32, #tpu.memory_space<vmem>>
      %dma_start3A_2151 = tpu.memref_squeeze %dma_start3A_2150 : memref<1x50x32xf32, #tpu.memory_space<vmem>> -> memref<50x32xf32, #tpu.memory_space<vmem>>
      %dma_start3A_2152 = arith.constant 0 : i32
      %dma_start3A_2153 = arith.constant 0 : i32
      %dma_start3A_2154 = tpu.memref_slice %arg5[%dma_start3A_2139, %dma_start3A_2152, %dma_start3A_2153] : memref<2x32x50xi32, #tpu.memory_space<vmem>> -> memref<1x32x50xi32, #tpu.memory_space<vmem>>
      %dma_start3A_2155 = tpu.memref_squeeze %dma_start3A_2154 : memref<1x32x50xi32, #tpu.memory_space<vmem>> -> memref<32x50xi32, #tpu.memory_space<vmem>>
      %dma_start3A_2156 = arith.constant 0 : i32
      %dma_start3A_2157 = tpu.memref_slice %dma_start3A_2155[%dma_start3A_2140, %dma_start3A_2156] : memref<32x50xi32, #tpu.memory_space<vmem>> -> memref<1x50xi32, #tpu.memory_space<vmem>>
      %dma_start3A_2158 = tpu.memref_squeeze %dma_start3A_2157 : memref<1x50xi32, #tpu.memory_space<vmem>> -> memref<50xi32, #tpu.memory_space<vmem>>
      %dma_start3A_2159 = arith.constant 0 : i32
      %dma_start3A_2160 = arith.constant 0 : i32
      %dma_start3A_2161 = tpu.memref_slice %arg3[%dma_start3A_2159, %dma_start3A_2160] : memref<1000000x32xf32, #tpu.memory_space<hbm>> -> memref<1000000x32xf32, #tpu.memory_space<hbm>>
      tpu.enqueue_indirect_dma source(%dma_start3A_2161 : memref<1000000x32xf32, #tpu.memory_space<hbm>>) target(%dma_start3A_2151 : memref<50x32xf32, #tpu.memory_space<vmem>>) offsets(%dma_start3A_2158 : memref<50xi32, #tpu.memory_space<vmem>>) semaphore(%arg11 : memref<!tpu.dma_semaphore, #tpu.memory_space<semaphore_mem>>)
      %dma_start3A_2162 = arith.constant 1 : i32
      %dma_start3A_2163 = arith.constant 24 : i32
      %dma_start3A_2164 = arith.constant 1 : i32
      %dma_start3A_2165 = arith.constant 24 : i32
      %dma_start3A_2166 = arith.constant 0 : i32
      %dma_start3A_2167 = arith.constant 0 : i32
      %dma_start3A_2168 = arith.constant 0 : i32
      %dma_start3A_2169 = tpu.memref_slice %arg6[%dma_start3A_2164, %dma_start3A_2166, %dma_start3A_2167, %dma_start3A_2168] : memref<2x32x50x32xf32, #tpu.memory_space<vmem>> -> memref<1x32x50x32xf32, #tpu.memory_space<vmem>>
      %dma_start3A_2170 = tpu.memref_squeeze %dma_start3A_2169 : memref<1x32x50x32xf32, #tpu.memory_space<vmem>> -> memref<32x50x32xf32, #tpu.memory_space<vmem>>
      %dma_start3A_2171 = arith.constant 0 : i32
      %dma_start3A_2172 = arith.constant 0 : i32
      %dma_start3A_2173 = tpu.memref_slice %dma_start3A_2170[%dma_start3A_2165, %dma_start3A_2171, %dma_start3A_2172] : memref<32x50x32xf32, #tpu.memory_space<vmem>> -> memref<1x50x32xf32, #tpu.memory_space<vmem>>
      %dma_start3A_2174 = tpu.memref_squeeze %dma_start3A_2173 : memref<1x50x32xf32, #tpu.memory_space<vmem>> -> memref<50x32xf32, #tpu.memory_space<vmem>>
      %dma_start3A_2175 = arith.constant 0 : i32
      %dma_start3A_2176 = arith.constant 0 : i32
      %dma_start3A_2177 = tpu.memref_slice %arg5[%dma_start3A_2162, %dma_start3A_2175, %dma_start3A_2176] : memref<2x32x50xi32, #tpu.memory_space<vmem>> -> memref<1x32x50xi32, #tpu.memory_space<vmem>>
      %dma_start3A_2178 = tpu.memref_squeeze %dma_start3A_2177 : memref<1x32x50xi32, #tpu.memory_space<vmem>> -> memref<32x50xi32, #tpu.memory_space<vmem>>
      %dma_start3A_2179 = arith.constant 0 : i32
      %dma_start3A_2180 = tpu.memref_slice %dma_start3A_2178[%dma_start3A_2163, %dma_start3A_2179] : memref<32x50xi32, #tpu.memory_space<vmem>> -> memref<1x50xi32, #tpu.memory_space<vmem>>
      %dma_start3A_2181 = tpu.memref_squeeze %dma_start3A_2180 : memref<1x50xi32, #tpu.memory_space<vmem>> -> memref<50xi32, #tpu.memory_space<vmem>>
      %dma_start3A_2182 = arith.constant 0 : i32
      %dma_start3A_2183 = arith.constant 0 : i32
      %dma_start3A_2184 = tpu.memref_slice %arg3[%dma_start3A_2182, %dma_start3A_2183] : memref<1000000x32xf32, #tpu.memory_space<hbm>> -> memref<1000000x32xf32, #tpu.memory_space<hbm>>
      tpu.enqueue_indirect_dma source(%dma_start3A_2184 : memref<1000000x32xf32, #tpu.memory_space<hbm>>) target(%dma_start3A_2174 : memref<50x32xf32, #tpu.memory_space<vmem>>) offsets(%dma_start3A_2181 : memref<50xi32, #tpu.memory_space<vmem>>) semaphore(%arg11 : memref<!tpu.dma_semaphore, #tpu.memory_space<semaphore_mem>>)
      %dma_start3A_2185 = arith.constant 1 : i32
      %dma_start3A_2186 = arith.constant 25 : i32
      %dma_start3A_2187 = arith.constant 1 : i32
      %dma_start3A_2188 = arith.constant 25 : i32
      %dma_start3A_2189 = arith.constant 0 : i32
      %dma_start3A_2190 = arith.constant 0 : i32
      %dma_start3A_2191 = arith.constant 0 : i32
      %dma_start3A_2192 = tpu.memref_slice %arg6[%dma_start3A_2187, %dma_start3A_2189, %dma_start3A_2190, %dma_start3A_2191] : memref<2x32x50x32xf32, #tpu.memory_space<vmem>> -> memref<1x32x50x32xf32, #tpu.memory_space<vmem>>
      %dma_start3A_2193 = tpu.memref_squeeze %dma_start3A_2192 : memref<1x32x50x32xf32, #tpu.memory_space<vmem>> -> memref<32x50x32xf32, #tpu.memory_space<vmem>>
      %dma_start3A_2194 = arith.constant 0 : i32
      %dma_start3A_2195 = arith.constant 0 : i32
      %dma_start3A_2196 = tpu.memref_slice %dma_start3A_2193[%dma_start3A_2188, %dma_start3A_2194, %dma_start3A_2195] : memref<32x50x32xf32, #tpu.memory_space<vmem>> -> memref<1x50x32xf32, #tpu.memory_space<vmem>>
      %dma_start3A_2197 = tpu.memref_squeeze %dma_start3A_2196 : memref<1x50x32xf32, #tpu.memory_space<vmem>> -> memref<50x32xf32, #tpu.memory_space<vmem>>
      %dma_start3A_2198 = arith.constant 0 : i32
      %dma_start3A_2199 = arith.constant 0 : i32
      %dma_start3A_2200 = tpu.memref_slice %arg5[%dma_start3A_2185, %dma_start3A_2198, %dma_start3A_2199] : memref<2x32x50xi32, #tpu.memory_space<vmem>> -> memref<1x32x50xi32, #tpu.memory_space<vmem>>
      %dma_start3A_2201 = tpu.memref_squeeze %dma_start3A_2200 : memref<1x32x50xi32, #tpu.memory_space<vmem>> -> memref<32x50xi32, #tpu.memory_space<vmem>>
      %dma_start3A_2202 = arith.constant 0 : i32
      %dma_start3A_2203 = tpu.memref_slice %dma_start3A_2201[%dma_start3A_2186, %dma_start3A_2202] : memref<32x50xi32, #tpu.memory_space<vmem>> -> memref<1x50xi32, #tpu.memory_space<vmem>>
      %dma_start3A_2204 = tpu.memref_squeeze %dma_start3A_2203 : memref<1x50xi32, #tpu.memory_space<vmem>> -> memref<50xi32, #tpu.memory_space<vmem>>
      %dma_start3A_2205 = arith.constant 0 : i32
      %dma_start3A_2206 = arith.constant 0 : i32
      %dma_start3A_2207 = tpu.memref_slice %arg3[%dma_start3A_2205, %dma_start3A_2206] : memref<1000000x32xf32, #tpu.memory_space<hbm>> -> memref<1000000x32xf32, #tpu.memory_space<hbm>>
      tpu.enqueue_indirect_dma source(%dma_start3A_2207 : memref<1000000x32xf32, #tpu.memory_space<hbm>>) target(%dma_start3A_2197 : memref<50x32xf32, #tpu.memory_space<vmem>>) offsets(%dma_start3A_2204 : memref<50xi32, #tpu.memory_space<vmem>>) semaphore(%arg11 : memref<!tpu.dma_semaphore, #tpu.memory_space<semaphore_mem>>)
      %dma_start3A_2208 = arith.constant 1 : i32
      %dma_start3A_2209 = arith.constant 26 : i32
      %dma_start3A_2210 = arith.constant 1 : i32
      %dma_start3A_2211 = arith.constant 26 : i32
      %dma_start3A_2212 = arith.constant 0 : i32
      %dma_start3A_2213 = arith.constant 0 : i32
      %dma_start3A_2214 = arith.constant 0 : i32
      %dma_start3A_2215 = tpu.memref_slice %arg6[%dma_start3A_2210, %dma_start3A_2212, %dma_start3A_2213, %dma_start3A_2214] : memref<2x32x50x32xf32, #tpu.memory_space<vmem>> -> memref<1x32x50x32xf32, #tpu.memory_space<vmem>>
      %dma_start3A_2216 = tpu.memref_squeeze %dma_start3A_2215 : memref<1x32x50x32xf32, #tpu.memory_space<vmem>> -> memref<32x50x32xf32, #tpu.memory_space<vmem>>
      %dma_start3A_2217 = arith.constant 0 : i32
      %dma_start3A_2218 = arith.constant 0 : i32
      %dma_start3A_2219 = tpu.memref_slice %dma_start3A_2216[%dma_start3A_2211, %dma_start3A_2217, %dma_start3A_2218] : memref<32x50x32xf32, #tpu.memory_space<vmem>> -> memref<1x50x32xf32, #tpu.memory_space<vmem>>
      %dma_start3A_2220 = tpu.memref_squeeze %dma_start3A_2219 : memref<1x50x32xf32, #tpu.memory_space<vmem>> -> memref<50x32xf32, #tpu.memory_space<vmem>>
      %dma_start3A_2221 = arith.constant 0 : i32
      %dma_start3A_2222 = arith.constant 0 : i32
      %dma_start3A_2223 = tpu.memref_slice %arg5[%dma_start3A_2208, %dma_start3A_2221, %dma_start3A_2222] : memref<2x32x50xi32, #tpu.memory_space<vmem>> -> memref<1x32x50xi32, #tpu.memory_space<vmem>>
      %dma_start3A_2224 = tpu.memref_squeeze %dma_start3A_2223 : memref<1x32x50xi32, #tpu.memory_space<vmem>> -> memref<32x50xi32, #tpu.memory_space<vmem>>
      %dma_start3A_2225 = arith.constant 0 : i32
      %dma_start3A_2226 = tpu.memref_slice %dma_start3A_2224[%dma_start3A_2209, %dma_start3A_2225] : memref<32x50xi32, #tpu.memory_space<vmem>> -> memref<1x50xi32, #tpu.memory_space<vmem>>
      %dma_start3A_2227 = tpu.memref_squeeze %dma_start3A_2226 : memref<1x50xi32, #tpu.memory_space<vmem>> -> memref<50xi32, #tpu.memory_space<vmem>>
      %dma_start3A_2228 = arith.constant 0 : i32
      %dma_start3A_2229 = arith.constant 0 : i32
      %dma_start3A_2230 = tpu.memref_slice %arg3[%dma_start3A_2228, %dma_start3A_2229] : memref<1000000x32xf32, #tpu.memory_space<hbm>> -> memref<1000000x32xf32, #tpu.memory_space<hbm>>
      tpu.enqueue_indirect_dma source(%dma_start3A_2230 : memref<1000000x32xf32, #tpu.memory_space<hbm>>) target(%dma_start3A_2220 : memref<50x32xf32, #tpu.memory_space<vmem>>) offsets(%dma_start3A_2227 : memref<50xi32, #tpu.memory_space<vmem>>) semaphore(%arg11 : memref<!tpu.dma_semaphore, #tpu.memory_space<semaphore_mem>>)
      %dma_start3A_2231 = arith.constant 1 : i32
      %dma_start3A_2232 = arith.constant 27 : i32
      %dma_start3A_2233 = arith.constant 1 : i32
      %dma_start3A_2234 = arith.constant 27 : i32
      %dma_start3A_2235 = arith.constant 0 : i32
      %dma_start3A_2236 = arith.constant 0 : i32
      %dma_start3A_2237 = arith.constant 0 : i32
      %dma_start3A_2238 = tpu.memref_slice %arg6[%dma_start3A_2233, %dma_start3A_2235, %dma_start3A_2236, %dma_start3A_2237] : memref<2x32x50x32xf32, #tpu.memory_space<vmem>> -> memref<1x32x50x32xf32, #tpu.memory_space<vmem>>
      %dma_start3A_2239 = tpu.memref_squeeze %dma_start3A_2238 : memref<1x32x50x32xf32, #tpu.memory_space<vmem>> -> memref<32x50x32xf32, #tpu.memory_space<vmem>>
      %dma_start3A_2240 = arith.constant 0 : i32
      %dma_start3A_2241 = arith.constant 0 : i32
      %dma_start3A_2242 = tpu.memref_slice %dma_start3A_2239[%dma_start3A_2234, %dma_start3A_2240, %dma_start3A_2241] : memref<32x50x32xf32, #tpu.memory_space<vmem>> -> memref<1x50x32xf32, #tpu.memory_space<vmem>>
      %dma_start3A_2243 = tpu.memref_squeeze %dma_start3A_2242 : memref<1x50x32xf32, #tpu.memory_space<vmem>> -> memref<50x32xf32, #tpu.memory_space<vmem>>
      %dma_start3A_2244 = arith.constant 0 : i32
      %dma_start3A_2245 = arith.constant 0 : i32
      %dma_start3A_2246 = tpu.memref_slice %arg5[%dma_start3A_2231, %dma_start3A_2244, %dma_start3A_2245] : memref<2x32x50xi32, #tpu.memory_space<vmem>> -> memref<1x32x50xi32, #tpu.memory_space<vmem>>
      %dma_start3A_2247 = tpu.memref_squeeze %dma_start3A_2246 : memref<1x32x50xi32, #tpu.memory_space<vmem>> -> memref<32x50xi32, #tpu.memory_space<vmem>>
      %dma_start3A_2248 = arith.constant 0 : i32
      %dma_start3A_2249 = tpu.memref_slice %dma_start3A_2247[%dma_start3A_2232, %dma_start3A_2248] : memref<32x50xi32, #tpu.memory_space<vmem>> -> memref<1x50xi32, #tpu.memory_space<vmem>>
      %dma_start3A_2250 = tpu.memref_squeeze %dma_start3A_2249 : memref<1x50xi32, #tpu.memory_space<vmem>> -> memref<50xi32, #tpu.memory_space<vmem>>
      %dma_start3A_2251 = arith.constant 0 : i32
      %dma_start3A_2252 = arith.constant 0 : i32
      %dma_start3A_2253 = tpu.memref_slice %arg3[%dma_start3A_2251, %dma_start3A_2252] : memref<1000000x32xf32, #tpu.memory_space<hbm>> -> memref<1000000x32xf32, #tpu.memory_space<hbm>>
      tpu.enqueue_indirect_dma source(%dma_start3A_2253 : memref<1000000x32xf32, #tpu.memory_space<hbm>>) target(%dma_start3A_2243 : memref<50x32xf32, #tpu.memory_space<vmem>>) offsets(%dma_start3A_2250 : memref<50xi32, #tpu.memory_space<vmem>>) semaphore(%arg11 : memref<!tpu.dma_semaphore, #tpu.memory_space<semaphore_mem>>)
      %dma_start3A_2254 = arith.constant 1 : i32
      %dma_start3A_2255 = arith.constant 28 : i32
      %dma_start3A_2256 = arith.constant 1 : i32
      %dma_start3A_2257 = arith.constant 28 : i32
      %dma_start3A_2258 = arith.constant 0 : i32
      %dma_start3A_2259 = arith.constant 0 : i32
      %dma_start3A_2260 = arith.constant 0 : i32
      %dma_start3A_2261 = tpu.memref_slice %arg6[%dma_start3A_2256, %dma_start3A_2258, %dma_start3A_2259, %dma_start3A_2260] : memref<2x32x50x32xf32, #tpu.memory_space<vmem>> -> memref<1x32x50x32xf32, #tpu.memory_space<vmem>>
      %dma_start3A_2262 = tpu.memref_squeeze %dma_start3A_2261 : memref<1x32x50x32xf32, #tpu.memory_space<vmem>> -> memref<32x50x32xf32, #tpu.memory_space<vmem>>
      %dma_start3A_2263 = arith.constant 0 : i32
      %dma_start3A_2264 = arith.constant 0 : i32
      %dma_start3A_2265 = tpu.memref_slice %dma_start3A_2262[%dma_start3A_2257, %dma_start3A_2263, %dma_start3A_2264] : memref<32x50x32xf32, #tpu.memory_space<vmem>> -> memref<1x50x32xf32, #tpu.memory_space<vmem>>
      %dma_start3A_2266 = tpu.memref_squeeze %dma_start3A_2265 : memref<1x50x32xf32, #tpu.memory_space<vmem>> -> memref<50x32xf32, #tpu.memory_space<vmem>>
      %dma_start3A_2267 = arith.constant 0 : i32
      %dma_start3A_2268 = arith.constant 0 : i32
      %dma_start3A_2269 = tpu.memref_slice %arg5[%dma_start3A_2254, %dma_start3A_2267, %dma_start3A_2268] : memref<2x32x50xi32, #tpu.memory_space<vmem>> -> memref<1x32x50xi32, #tpu.memory_space<vmem>>
      %dma_start3A_2270 = tpu.memref_squeeze %dma_start3A_2269 : memref<1x32x50xi32, #tpu.memory_space<vmem>> -> memref<32x50xi32, #tpu.memory_space<vmem>>
      %dma_start3A_2271 = arith.constant 0 : i32
      %dma_start3A_2272 = tpu.memref_slice %dma_start3A_2270[%dma_start3A_2255, %dma_start3A_2271] : memref<32x50xi32, #tpu.memory_space<vmem>> -> memref<1x50xi32, #tpu.memory_space<vmem>>
      %dma_start3A_2273 = tpu.memref_squeeze %dma_start3A_2272 : memref<1x50xi32, #tpu.memory_space<vmem>> -> memref<50xi32, #tpu.memory_space<vmem>>
      %dma_start3A_2274 = arith.constant 0 : i32
      %dma_start3A_2275 = arith.constant 0 : i32
      %dma_start3A_2276 = tpu.memref_slice %arg3[%dma_start3A_2274, %dma_start3A_2275] : memref<1000000x32xf32, #tpu.memory_space<hbm>> -> memref<1000000x32xf32, #tpu.memory_space<hbm>>
      tpu.enqueue_indirect_dma source(%dma_start3A_2276 : memref<1000000x32xf32, #tpu.memory_space<hbm>>) target(%dma_start3A_2266 : memref<50x32xf32, #tpu.memory_space<vmem>>) offsets(%dma_start3A_2273 : memref<50xi32, #tpu.memory_space<vmem>>) semaphore(%arg11 : memref<!tpu.dma_semaphore, #tpu.memory_space<semaphore_mem>>)
      %dma_start3A_2277 = arith.constant 1 : i32
      %dma_start3A_2278 = arith.constant 29 : i32
      %dma_start3A_2279 = arith.constant 1 : i32
      %dma_start3A_2280 = arith.constant 29 : i32
      %dma_start3A_2281 = arith.constant 0 : i32
      %dma_start3A_2282 = arith.constant 0 : i32
      %dma_start3A_2283 = arith.constant 0 : i32
      %dma_start3A_2284 = tpu.memref_slice %arg6[%dma_start3A_2279, %dma_start3A_2281, %dma_start3A_2282, %dma_start3A_2283] : memref<2x32x50x32xf32, #tpu.memory_space<vmem>> -> memref<1x32x50x32xf32, #tpu.memory_space<vmem>>
      %dma_start3A_2285 = tpu.memref_squeeze %dma_start3A_2284 : memref<1x32x50x32xf32, #tpu.memory_space<vmem>> -> memref<32x50x32xf32, #tpu.memory_space<vmem>>
      %dma_start3A_2286 = arith.constant 0 : i32
      %dma_start3A_2287 = arith.constant 0 : i32
      %dma_start3A_2288 = tpu.memref_slice %dma_start3A_2285[%dma_start3A_2280, %dma_start3A_2286, %dma_start3A_2287] : memref<32x50x32xf32, #tpu.memory_space<vmem>> -> memref<1x50x32xf32, #tpu.memory_space<vmem>>
      %dma_start3A_2289 = tpu.memref_squeeze %dma_start3A_2288 : memref<1x50x32xf32, #tpu.memory_space<vmem>> -> memref<50x32xf32, #tpu.memory_space<vmem>>
      %dma_start3A_2290 = arith.constant 0 : i32
      %dma_start3A_2291 = arith.constant 0 : i32
      %dma_start3A_2292 = tpu.memref_slice %arg5[%dma_start3A_2277, %dma_start3A_2290, %dma_start3A_2291] : memref<2x32x50xi32, #tpu.memory_space<vmem>> -> memref<1x32x50xi32, #tpu.memory_space<vmem>>
      %dma_start3A_2293 = tpu.memref_squeeze %dma_start3A_2292 : memref<1x32x50xi32, #tpu.memory_space<vmem>> -> memref<32x50xi32, #tpu.memory_space<vmem>>
      %dma_start3A_2294 = arith.constant 0 : i32
      %dma_start3A_2295 = tpu.memref_slice %dma_start3A_2293[%dma_start3A_2278, %dma_start3A_2294] : memref<32x50xi32, #tpu.memory_space<vmem>> -> memref<1x50xi32, #tpu.memory_space<vmem>>
      %dma_start3A_2296 = tpu.memref_squeeze %dma_start3A_2295 : memref<1x50xi32, #tpu.memory_space<vmem>> -> memref<50xi32, #tpu.memory_space<vmem>>
      %dma_start3A_2297 = arith.constant 0 : i32
      %dma_start3A_2298 = arith.constant 0 : i32
      %dma_start3A_2299 = tpu.memref_slice %arg3[%dma_start3A_2297, %dma_start3A_2298] : memref<1000000x32xf32, #tpu.memory_space<hbm>> -> memref<1000000x32xf32, #tpu.memory_space<hbm>>
      tpu.enqueue_indirect_dma source(%dma_start3A_2299 : memref<1000000x32xf32, #tpu.memory_space<hbm>>) target(%dma_start3A_2289 : memref<50x32xf32, #tpu.memory_space<vmem>>) offsets(%dma_start3A_2296 : memref<50xi32, #tpu.memory_space<vmem>>) semaphore(%arg11 : memref<!tpu.dma_semaphore, #tpu.memory_space<semaphore_mem>>)
      %dma_start3A_2300 = arith.constant 1 : i32
      %dma_start3A_2301 = arith.constant 30 : i32
      %dma_start3A_2302 = arith.constant 1 : i32
      %dma_start3A_2303 = arith.constant 30 : i32
      %dma_start3A_2304 = arith.constant 0 : i32
      %dma_start3A_2305 = arith.constant 0 : i32
      %dma_start3A_2306 = arith.constant 0 : i32
      %dma_start3A_2307 = tpu.memref_slice %arg6[%dma_start3A_2302, %dma_start3A_2304, %dma_start3A_2305, %dma_start3A_2306] : memref<2x32x50x32xf32, #tpu.memory_space<vmem>> -> memref<1x32x50x32xf32, #tpu.memory_space<vmem>>
      %dma_start3A_2308 = tpu.memref_squeeze %dma_start3A_2307 : memref<1x32x50x32xf32, #tpu.memory_space<vmem>> -> memref<32x50x32xf32, #tpu.memory_space<vmem>>
      %dma_start3A_2309 = arith.constant 0 : i32
      %dma_start3A_2310 = arith.constant 0 : i32
      %dma_start3A_2311 = tpu.memref_slice %dma_start3A_2308[%dma_start3A_2303, %dma_start3A_2309, %dma_start3A_2310] : memref<32x50x32xf32, #tpu.memory_space<vmem>> -> memref<1x50x32xf32, #tpu.memory_space<vmem>>
      %dma_start3A_2312 = tpu.memref_squeeze %dma_start3A_2311 : memref<1x50x32xf32, #tpu.memory_space<vmem>> -> memref<50x32xf32, #tpu.memory_space<vmem>>
      %dma_start3A_2313 = arith.constant 0 : i32
      %dma_start3A_2314 = arith.constant 0 : i32
      %dma_start3A_2315 = tpu.memref_slice %arg5[%dma_start3A_2300, %dma_start3A_2313, %dma_start3A_2314] : memref<2x32x50xi32, #tpu.memory_space<vmem>> -> memref<1x32x50xi32, #tpu.memory_space<vmem>>
      %dma_start3A_2316 = tpu.memref_squeeze %dma_start3A_2315 : memref<1x32x50xi32, #tpu.memory_space<vmem>> -> memref<32x50xi32, #tpu.memory_space<vmem>>
      %dma_start3A_2317 = arith.constant 0 : i32
      %dma_start3A_2318 = tpu.memref_slice %dma_start3A_2316[%dma_start3A_2301, %dma_start3A_2317] : memref<32x50xi32, #tpu.memory_space<vmem>> -> memref<1x50xi32, #tpu.memory_space<vmem>>
      %dma_start3A_2319 = tpu.memref_squeeze %dma_start3A_2318 : memref<1x50xi32, #tpu.memory_space<vmem>> -> memref<50xi32, #tpu.memory_space<vmem>>
      %dma_start3A_2320 = arith.constant 0 : i32
      %dma_start3A_2321 = arith.constant 0 : i32
      %dma_start3A_2322 = tpu.memref_slice %arg3[%dma_start3A_2320, %dma_start3A_2321] : memref<1000000x32xf32, #tpu.memory_space<hbm>> -> memref<1000000x32xf32, #tpu.memory_space<hbm>>
      tpu.enqueue_indirect_dma source(%dma_start3A_2322 : memref<1000000x32xf32, #tpu.memory_space<hbm>>) target(%dma_start3A_2312 : memref<50x32xf32, #tpu.memory_space<vmem>>) offsets(%dma_start3A_2319 : memref<50xi32, #tpu.memory_space<vmem>>) semaphore(%arg11 : memref<!tpu.dma_semaphore, #tpu.memory_space<semaphore_mem>>)
      %dma_start3A_2323 = arith.constant 1 : i32
      %dma_start3A_2324 = arith.constant 31 : i32
      %dma_start3A_2325 = arith.constant 1 : i32
      %dma_start3A_2326 = arith.constant 31 : i32
      %dma_start3A_2327 = arith.constant 0 : i32
      %dma_start3A_2328 = arith.constant 0 : i32
      %dma_start3A_2329 = arith.constant 0 : i32
      %dma_start3A_2330 = tpu.memref_slice %arg6[%dma_start3A_2325, %dma_start3A_2327, %dma_start3A_2328, %dma_start3A_2329] : memref<2x32x50x32xf32, #tpu.memory_space<vmem>> -> memref<1x32x50x32xf32, #tpu.memory_space<vmem>>
      %dma_start3A_2331 = tpu.memref_squeeze %dma_start3A_2330 : memref<1x32x50x32xf32, #tpu.memory_space<vmem>> -> memref<32x50x32xf32, #tpu.memory_space<vmem>>
      %dma_start3A_2332 = arith.constant 0 : i32
      %dma_start3A_2333 = arith.constant 0 : i32
      %dma_start3A_2334 = tpu.memref_slice %dma_start3A_2331[%dma_start3A_2326, %dma_start3A_2332, %dma_start3A_2333] : memref<32x50x32xf32, #tpu.memory_space<vmem>> -> memref<1x50x32xf32, #tpu.memory_space<vmem>>
      %dma_start3A_2335 = tpu.memref_squeeze %dma_start3A_2334 : memref<1x50x32xf32, #tpu.memory_space<vmem>> -> memref<50x32xf32, #tpu.memory_space<vmem>>
      %dma_start3A_2336 = arith.constant 0 : i32
      %dma_start3A_2337 = arith.constant 0 : i32
      %dma_start3A_2338 = tpu.memref_slice %arg5[%dma_start3A_2323, %dma_start3A_2336, %dma_start3A_2337] : memref<2x32x50xi32, #tpu.memory_space<vmem>> -> memref<1x32x50xi32, #tpu.memory_space<vmem>>
      %dma_start3A_2339 = tpu.memref_squeeze %dma_start3A_2338 : memref<1x32x50xi32, #tpu.memory_space<vmem>> -> memref<32x50xi32, #tpu.memory_space<vmem>>
      %dma_start3A_2340 = arith.constant 0 : i32
      %dma_start3A_2341 = tpu.memref_slice %dma_start3A_2339[%dma_start3A_2324, %dma_start3A_2340] : memref<32x50xi32, #tpu.memory_space<vmem>> -> memref<1x50xi32, #tpu.memory_space<vmem>>
      %dma_start3A_2342 = tpu.memref_squeeze %dma_start3A_2341 : memref<1x50xi32, #tpu.memory_space<vmem>> -> memref<50xi32, #tpu.memory_space<vmem>>
      %dma_start3A_2343 = arith.constant 0 : i32
      %dma_start3A_2344 = arith.constant 0 : i32
      %dma_start3A_2345 = tpu.memref_slice %arg3[%dma_start3A_2343, %dma_start3A_2344] : memref<1000000x32xf32, #tpu.memory_space<hbm>> -> memref<1000000x32xf32, #tpu.memory_space<hbm>>
      tpu.enqueue_indirect_dma source(%dma_start3A_2345 : memref<1000000x32xf32, #tpu.memory_space<hbm>>) target(%dma_start3A_2335 : memref<50x32xf32, #tpu.memory_space<vmem>>) offsets(%dma_start3A_2342 : memref<50xi32, #tpu.memory_space<vmem>>) semaphore(%arg11 : memref<!tpu.dma_semaphore, #tpu.memory_space<semaphore_mem>>)
      %dma_wait3A_2346 = arith.constant 1 : i32
      %dma_wait3A_2347 = arith.constant 0 : i32
      %dma_wait3A_2348 = arith.constant 1 : i32
      %dma_wait3A_2349 = arith.constant 0 : i32
      %dma_wait3A_2350 = arith.constant 0 : i32
      %dma_wait3A_2351 = arith.constant 0 : i32
      %dma_wait3A_2352 = arith.constant 0 : i32
      %dma_wait3A_2353 = tpu.memref_slice %arg6[%dma_wait3A_2348, %dma_wait3A_2350, %dma_wait3A_2351, %dma_wait3A_2352] : memref<2x32x50x32xf32, #tpu.memory_space<vmem>> -> memref<1x32x50x32xf32, #tpu.memory_space<vmem>>
      %dma_wait3A_2354 = tpu.memref_squeeze %dma_wait3A_2353 : memref<1x32x50x32xf32, #tpu.memory_space<vmem>> -> memref<32x50x32xf32, #tpu.memory_space<vmem>>
      %dma_wait3A_2355 = arith.constant 0 : i32
      %dma_wait3A_2356 = arith.constant 0 : i32
      %dma_wait3A_2357 = tpu.memref_slice %dma_wait3A_2354[%dma_wait3A_2349, %dma_wait3A_2355, %dma_wait3A_2356] : memref<32x50x32xf32, #tpu.memory_space<vmem>> -> memref<1x50x32xf32, #tpu.memory_space<vmem>>
      %dma_wait3A_2358 = tpu.memref_squeeze %dma_wait3A_2357 : memref<1x50x32xf32, #tpu.memory_space<vmem>> -> memref<50x32xf32, #tpu.memory_space<vmem>>
      %dma_wait3A_2359 = arith.constant 0 : i32
      %dma_wait3A_2360 = arith.constant 0 : i32
      %dma_wait3A_2361 = tpu.memref_slice %arg5[%dma_wait3A_2346, %dma_wait3A_2359, %dma_wait3A_2360] : memref<2x32x50xi32, #tpu.memory_space<vmem>> -> memref<1x32x50xi32, #tpu.memory_space<vmem>>
      %dma_wait3A_2362 = tpu.memref_squeeze %dma_wait3A_2361 : memref<1x32x50xi32, #tpu.memory_space<vmem>> -> memref<32x50xi32, #tpu.memory_space<vmem>>
      %dma_wait3A_2363 = arith.constant 0 : i32
      %dma_wait3A_2364 = tpu.memref_slice %dma_wait3A_2362[%dma_wait3A_2347, %dma_wait3A_2363] : memref<32x50xi32, #tpu.memory_space<vmem>> -> memref<1x50xi32, #tpu.memory_space<vmem>>
      %dma_wait3A_2365 = tpu.memref_squeeze %dma_wait3A_2364 : memref<1x50xi32, #tpu.memory_space<vmem>> -> memref<50xi32, #tpu.memory_space<vmem>>
      %dma_wait3A_2366 = arith.constant 0 : i32
      %dma_wait3A_2367 = arith.constant 0 : i32
      %dma_wait3A_2368 = tpu.memref_slice %arg3[%dma_wait3A_2366, %dma_wait3A_2367] : memref<1000000x32xf32, #tpu.memory_space<hbm>> -> memref<1000000x32xf32, #tpu.memory_space<hbm>>
      tpu.wait_indirect_dma semaphore(%arg11 : memref<!tpu.dma_semaphore, #tpu.memory_space<semaphore_mem>>) src(%dma_wait3A_2368 : memref<1000000x32xf32, #tpu.memory_space<hbm>>) dst(%dma_wait3A_2358 : memref<50x32xf32, #tpu.memory_space<vmem>>)
      %dma_wait3A_2369 = arith.constant 1 : i32
      %dma_wait3A_2370 = arith.constant 1 : i32
      %dma_wait3A_2371 = arith.constant 1 : i32
      %dma_wait3A_2372 = arith.constant 1 : i32
      %dma_wait3A_2373 = arith.constant 0 : i32
      %dma_wait3A_2374 = arith.constant 0 : i32
      %dma_wait3A_2375 = arith.constant 0 : i32
      %dma_wait3A_2376 = tpu.memref_slice %arg6[%dma_wait3A_2371, %dma_wait3A_2373, %dma_wait3A_2374, %dma_wait3A_2375] : memref<2x32x50x32xf32, #tpu.memory_space<vmem>> -> memref<1x32x50x32xf32, #tpu.memory_space<vmem>>
      %dma_wait3A_2377 = tpu.memref_squeeze %dma_wait3A_2376 : memref<1x32x50x32xf32, #tpu.memory_space<vmem>> -> memref<32x50x32xf32, #tpu.memory_space<vmem>>
      %dma_wait3A_2378 = arith.constant 0 : i32
      %dma_wait3A_2379 = arith.constant 0 : i32
      %dma_wait3A_2380 = tpu.memref_slice %dma_wait3A_2377[%dma_wait3A_2372, %dma_wait3A_2378, %dma_wait3A_2379] : memref<32x50x32xf32, #tpu.memory_space<vmem>> -> memref<1x50x32xf32, #tpu.memory_space<vmem>>
      %dma_wait3A_2381 = tpu.memref_squeeze %dma_wait3A_2380 : memref<1x50x32xf32, #tpu.memory_space<vmem>> -> memref<50x32xf32, #tpu.memory_space<vmem>>
      %dma_wait3A_2382 = arith.constant 0 : i32
      %dma_wait3A_2383 = arith.constant 0 : i32
      %dma_wait3A_2384 = tpu.memref_slice %arg5[%dma_wait3A_2369, %dma_wait3A_2382, %dma_wait3A_2383] : memref<2x32x50xi32, #tpu.memory_space<vmem>> -> memref<1x32x50xi32, #tpu.memory_space<vmem>>
      %dma_wait3A_2385 = tpu.memref_squeeze %dma_wait3A_2384 : memref<1x32x50xi32, #tpu.memory_space<vmem>> -> memref<32x50xi32, #tpu.memory_space<vmem>>
      %dma_wait3A_2386 = arith.constant 0 : i32
      %dma_wait3A_2387 = tpu.memref_slice %dma_wait3A_2385[%dma_wait3A_2370, %dma_wait3A_2386] : memref<32x50xi32, #tpu.memory_space<vmem>> -> memref<1x50xi32, #tpu.memory_space<vmem>>
      %dma_wait3A_2388 = tpu.memref_squeeze %dma_wait3A_2387 : memref<1x50xi32, #tpu.memory_space<vmem>> -> memref<50xi32, #tpu.memory_space<vmem>>
      %dma_wait3A_2389 = arith.constant 0 : i32
      %dma_wait3A_2390 = arith.constant 0 : i32
      %dma_wait3A_2391 = tpu.memref_slice %arg3[%dma_wait3A_2389, %dma_wait3A_2390] : memref<1000000x32xf32, #tpu.memory_space<hbm>> -> memref<1000000x32xf32, #tpu.memory_space<hbm>>
      tpu.wait_indirect_dma semaphore(%arg11 : memref<!tpu.dma_semaphore, #tpu.memory_space<semaphore_mem>>) src(%dma_wait3A_2391 : memref<1000000x32xf32, #tpu.memory_space<hbm>>) dst(%dma_wait3A_2381 : memref<50x32xf32, #tpu.memory_space<vmem>>)
      %dma_wait3A_2392 = arith.constant 1 : i32
      %dma_wait3A_2393 = arith.constant 2 : i32
      %dma_wait3A_2394 = arith.constant 1 : i32
      %dma_wait3A_2395 = arith.constant 2 : i32
      %dma_wait3A_2396 = arith.constant 0 : i32
      %dma_wait3A_2397 = arith.constant 0 : i32
      %dma_wait3A_2398 = arith.constant 0 : i32
      %dma_wait3A_2399 = tpu.memref_slice %arg6[%dma_wait3A_2394, %dma_wait3A_2396, %dma_wait3A_2397, %dma_wait3A_2398] : memref<2x32x50x32xf32, #tpu.memory_space<vmem>> -> memref<1x32x50x32xf32, #tpu.memory_space<vmem>>
      %dma_wait3A_2400 = tpu.memref_squeeze %dma_wait3A_2399 : memref<1x32x50x32xf32, #tpu.memory_space<vmem>> -> memref<32x50x32xf32, #tpu.memory_space<vmem>>
      %dma_wait3A_2401 = arith.constant 0 : i32
      %dma_wait3A_2402 = arith.constant 0 : i32
      %dma_wait3A_2403 = tpu.memref_slice %dma_wait3A_2400[%dma_wait3A_2395, %dma_wait3A_2401, %dma_wait3A_2402] : memref<32x50x32xf32, #tpu.memory_space<vmem>> -> memref<1x50x32xf32, #tpu.memory_space<vmem>>
      %dma_wait3A_2404 = tpu.memref_squeeze %dma_wait3A_2403 : memref<1x50x32xf32, #tpu.memory_space<vmem>> -> memref<50x32xf32, #tpu.memory_space<vmem>>
      %dma_wait3A_2405 = arith.constant 0 : i32
      %dma_wait3A_2406 = arith.constant 0 : i32
      %dma_wait3A_2407 = tpu.memref_slice %arg5[%dma_wait3A_2392, %dma_wait3A_2405, %dma_wait3A_2406] : memref<2x32x50xi32, #tpu.memory_space<vmem>> -> memref<1x32x50xi32, #tpu.memory_space<vmem>>
      %dma_wait3A_2408 = tpu.memref_squeeze %dma_wait3A_2407 : memref<1x32x50xi32, #tpu.memory_space<vmem>> -> memref<32x50xi32, #tpu.memory_space<vmem>>
      %dma_wait3A_2409 = arith.constant 0 : i32
      %dma_wait3A_2410 = tpu.memref_slice %dma_wait3A_2408[%dma_wait3A_2393, %dma_wait3A_2409] : memref<32x50xi32, #tpu.memory_space<vmem>> -> memref<1x50xi32, #tpu.memory_space<vmem>>
      %dma_wait3A_2411 = tpu.memref_squeeze %dma_wait3A_2410 : memref<1x50xi32, #tpu.memory_space<vmem>> -> memref<50xi32, #tpu.memory_space<vmem>>
      %dma_wait3A_2412 = arith.constant 0 : i32
      %dma_wait3A_2413 = arith.constant 0 : i32
      %dma_wait3A_2414 = tpu.memref_slice %arg3[%dma_wait3A_2412, %dma_wait3A_2413] : memref<1000000x32xf32, #tpu.memory_space<hbm>> -> memref<1000000x32xf32, #tpu.memory_space<hbm>>
      tpu.wait_indirect_dma semaphore(%arg11 : memref<!tpu.dma_semaphore, #tpu.memory_space<semaphore_mem>>) src(%dma_wait3A_2414 : memref<1000000x32xf32, #tpu.memory_space<hbm>>) dst(%dma_wait3A_2404 : memref<50x32xf32, #tpu.memory_space<vmem>>)
      %dma_wait3A_2415 = arith.constant 1 : i32
      %dma_wait3A_2416 = arith.constant 3 : i32
      %dma_wait3A_2417 = arith.constant 1 : i32
      %dma_wait3A_2418 = arith.constant 3 : i32
      %dma_wait3A_2419 = arith.constant 0 : i32
      %dma_wait3A_2420 = arith.constant 0 : i32
      %dma_wait3A_2421 = arith.constant 0 : i32
      %dma_wait3A_2422 = tpu.memref_slice %arg6[%dma_wait3A_2417, %dma_wait3A_2419, %dma_wait3A_2420, %dma_wait3A_2421] : memref<2x32x50x32xf32, #tpu.memory_space<vmem>> -> memref<1x32x50x32xf32, #tpu.memory_space<vmem>>
      %dma_wait3A_2423 = tpu.memref_squeeze %dma_wait3A_2422 : memref<1x32x50x32xf32, #tpu.memory_space<vmem>> -> memref<32x50x32xf32, #tpu.memory_space<vmem>>
      %dma_wait3A_2424 = arith.constant 0 : i32
      %dma_wait3A_2425 = arith.constant 0 : i32
      %dma_wait3A_2426 = tpu.memref_slice %dma_wait3A_2423[%dma_wait3A_2418, %dma_wait3A_2424, %dma_wait3A_2425] : memref<32x50x32xf32, #tpu.memory_space<vmem>> -> memref<1x50x32xf32, #tpu.memory_space<vmem>>
      %dma_wait3A_2427 = tpu.memref_squeeze %dma_wait3A_2426 : memref<1x50x32xf32, #tpu.memory_space<vmem>> -> memref<50x32xf32, #tpu.memory_space<vmem>>
      %dma_wait3A_2428 = arith.constant 0 : i32
      %dma_wait3A_2429 = arith.constant 0 : i32
      %dma_wait3A_2430 = tpu.memref_slice %arg5[%dma_wait3A_2415, %dma_wait3A_2428, %dma_wait3A_2429] : memref<2x32x50xi32, #tpu.memory_space<vmem>> -> memref<1x32x50xi32, #tpu.memory_space<vmem>>
      %dma_wait3A_2431 = tpu.memref_squeeze %dma_wait3A_2430 : memref<1x32x50xi32, #tpu.memory_space<vmem>> -> memref<32x50xi32, #tpu.memory_space<vmem>>
      %dma_wait3A_2432 = arith.constant 0 : i32
      %dma_wait3A_2433 = tpu.memref_slice %dma_wait3A_2431[%dma_wait3A_2416, %dma_wait3A_2432] : memref<32x50xi32, #tpu.memory_space<vmem>> -> memref<1x50xi32, #tpu.memory_space<vmem>>
      %dma_wait3A_2434 = tpu.memref_squeeze %dma_wait3A_2433 : memref<1x50xi32, #tpu.memory_space<vmem>> -> memref<50xi32, #tpu.memory_space<vmem>>
      %dma_wait3A_2435 = arith.constant 0 : i32
      %dma_wait3A_2436 = arith.constant 0 : i32
      %dma_wait3A_2437 = tpu.memref_slice %arg3[%dma_wait3A_2435, %dma_wait3A_2436] : memref<1000000x32xf32, #tpu.memory_space<hbm>> -> memref<1000000x32xf32, #tpu.memory_space<hbm>>
      tpu.wait_indirect_dma semaphore(%arg11 : memref<!tpu.dma_semaphore, #tpu.memory_space<semaphore_mem>>) src(%dma_wait3A_2437 : memref<1000000x32xf32, #tpu.memory_space<hbm>>) dst(%dma_wait3A_2427 : memref<50x32xf32, #tpu.memory_space<vmem>>)
      %dma_wait3A_2438 = arith.constant 1 : i32
      %dma_wait3A_2439 = arith.constant 4 : i32
      %dma_wait3A_2440 = arith.constant 1 : i32
      %dma_wait3A_2441 = arith.constant 4 : i32
      %dma_wait3A_2442 = arith.constant 0 : i32
      %dma_wait3A_2443 = arith.constant 0 : i32
      %dma_wait3A_2444 = arith.constant 0 : i32
      %dma_wait3A_2445 = tpu.memref_slice %arg6[%dma_wait3A_2440, %dma_wait3A_2442, %dma_wait3A_2443, %dma_wait3A_2444] : memref<2x32x50x32xf32, #tpu.memory_space<vmem>> -> memref<1x32x50x32xf32, #tpu.memory_space<vmem>>
      %dma_wait3A_2446 = tpu.memref_squeeze %dma_wait3A_2445 : memref<1x32x50x32xf32, #tpu.memory_space<vmem>> -> memref<32x50x32xf32, #tpu.memory_space<vmem>>
      %dma_wait3A_2447 = arith.constant 0 : i32
      %dma_wait3A_2448 = arith.constant 0 : i32
      %dma_wait3A_2449 = tpu.memref_slice %dma_wait3A_2446[%dma_wait3A_2441, %dma_wait3A_2447, %dma_wait3A_2448] : memref<32x50x32xf32, #tpu.memory_space<vmem>> -> memref<1x50x32xf32, #tpu.memory_space<vmem>>
      %dma_wait3A_2450 = tpu.memref_squeeze %dma_wait3A_2449 : memref<1x50x32xf32, #tpu.memory_space<vmem>> -> memref<50x32xf32, #tpu.memory_space<vmem>>
      %dma_wait3A_2451 = arith.constant 0 : i32
      %dma_wait3A_2452 = arith.constant 0 : i32
      %dma_wait3A_2453 = tpu.memref_slice %arg5[%dma_wait3A_2438, %dma_wait3A_2451, %dma_wait3A_2452] : memref<2x32x50xi32, #tpu.memory_space<vmem>> -> memref<1x32x50xi32, #tpu.memory_space<vmem>>
      %dma_wait3A_2454 = tpu.memref_squeeze %dma_wait3A_2453 : memref<1x32x50xi32, #tpu.memory_space<vmem>> -> memref<32x50xi32, #tpu.memory_space<vmem>>
      %dma_wait3A_2455 = arith.constant 0 : i32
      %dma_wait3A_2456 = tpu.memref_slice %dma_wait3A_2454[%dma_wait3A_2439, %dma_wait3A_2455] : memref<32x50xi32, #tpu.memory_space<vmem>> -> memref<1x50xi32, #tpu.memory_space<vmem>>
      %dma_wait3A_2457 = tpu.memref_squeeze %dma_wait3A_2456 : memref<1x50xi32, #tpu.memory_space<vmem>> -> memref<50xi32, #tpu.memory_space<vmem>>
      %dma_wait3A_2458 = arith.constant 0 : i32
      %dma_wait3A_2459 = arith.constant 0 : i32
      %dma_wait3A_2460 = tpu.memref_slice %arg3[%dma_wait3A_2458, %dma_wait3A_2459] : memref<1000000x32xf32, #tpu.memory_space<hbm>> -> memref<1000000x32xf32, #tpu.memory_space<hbm>>
      tpu.wait_indirect_dma semaphore(%arg11 : memref<!tpu.dma_semaphore, #tpu.memory_space<semaphore_mem>>) src(%dma_wait3A_2460 : memref<1000000x32xf32, #tpu.memory_space<hbm>>) dst(%dma_wait3A_2450 : memref<50x32xf32, #tpu.memory_space<vmem>>)
      %dma_wait3A_2461 = arith.constant 1 : i32
      %dma_wait3A_2462 = arith.constant 5 : i32
      %dma_wait3A_2463 = arith.constant 1 : i32
      %dma_wait3A_2464 = arith.constant 5 : i32
      %dma_wait3A_2465 = arith.constant 0 : i32
      %dma_wait3A_2466 = arith.constant 0 : i32
      %dma_wait3A_2467 = arith.constant 0 : i32
      %dma_wait3A_2468 = tpu.memref_slice %arg6[%dma_wait3A_2463, %dma_wait3A_2465, %dma_wait3A_2466, %dma_wait3A_2467] : memref<2x32x50x32xf32, #tpu.memory_space<vmem>> -> memref<1x32x50x32xf32, #tpu.memory_space<vmem>>
      %dma_wait3A_2469 = tpu.memref_squeeze %dma_wait3A_2468 : memref<1x32x50x32xf32, #tpu.memory_space<vmem>> -> memref<32x50x32xf32, #tpu.memory_space<vmem>>
      %dma_wait3A_2470 = arith.constant 0 : i32
      %dma_wait3A_2471 = arith.constant 0 : i32
      %dma_wait3A_2472 = tpu.memref_slice %dma_wait3A_2469[%dma_wait3A_2464, %dma_wait3A_2470, %dma_wait3A_2471] : memref<32x50x32xf32, #tpu.memory_space<vmem>> -> memref<1x50x32xf32, #tpu.memory_space<vmem>>
      %dma_wait3A_2473 = tpu.memref_squeeze %dma_wait3A_2472 : memref<1x50x32xf32, #tpu.memory_space<vmem>> -> memref<50x32xf32, #tpu.memory_space<vmem>>
      %dma_wait3A_2474 = arith.constant 0 : i32
      %dma_wait3A_2475 = arith.constant 0 : i32
      %dma_wait3A_2476 = tpu.memref_slice %arg5[%dma_wait3A_2461, %dma_wait3A_2474, %dma_wait3A_2475] : memref<2x32x50xi32, #tpu.memory_space<vmem>> -> memref<1x32x50xi32, #tpu.memory_space<vmem>>
      %dma_wait3A_2477 = tpu.memref_squeeze %dma_wait3A_2476 : memref<1x32x50xi32, #tpu.memory_space<vmem>> -> memref<32x50xi32, #tpu.memory_space<vmem>>
      %dma_wait3A_2478 = arith.constant 0 : i32
      %dma_wait3A_2479 = tpu.memref_slice %dma_wait3A_2477[%dma_wait3A_2462, %dma_wait3A_2478] : memref<32x50xi32, #tpu.memory_space<vmem>> -> memref<1x50xi32, #tpu.memory_space<vmem>>
      %dma_wait3A_2480 = tpu.memref_squeeze %dma_wait3A_2479 : memref<1x50xi32, #tpu.memory_space<vmem>> -> memref<50xi32, #tpu.memory_space<vmem>>
      %dma_wait3A_2481 = arith.constant 0 : i32
      %dma_wait3A_2482 = arith.constant 0 : i32
      %dma_wait3A_2483 = tpu.memref_slice %arg3[%dma_wait3A_2481, %dma_wait3A_2482] : memref<1000000x32xf32, #tpu.memory_space<hbm>> -> memref<1000000x32xf32, #tpu.memory_space<hbm>>
      tpu.wait_indirect_dma semaphore(%arg11 : memref<!tpu.dma_semaphore, #tpu.memory_space<semaphore_mem>>) src(%dma_wait3A_2483 : memref<1000000x32xf32, #tpu.memory_space<hbm>>) dst(%dma_wait3A_2473 : memref<50x32xf32, #tpu.memory_space<vmem>>)
      %dma_wait3A_2484 = arith.constant 1 : i32
      %dma_wait3A_2485 = arith.constant 6 : i32
      %dma_wait3A_2486 = arith.constant 1 : i32
      %dma_wait3A_2487 = arith.constant 6 : i32
      %dma_wait3A_2488 = arith.constant 0 : i32
      %dma_wait3A_2489 = arith.constant 0 : i32
      %dma_wait3A_2490 = arith.constant 0 : i32
      %dma_wait3A_2491 = tpu.memref_slice %arg6[%dma_wait3A_2486, %dma_wait3A_2488, %dma_wait3A_2489, %dma_wait3A_2490] : memref<2x32x50x32xf32, #tpu.memory_space<vmem>> -> memref<1x32x50x32xf32, #tpu.memory_space<vmem>>
      %dma_wait3A_2492 = tpu.memref_squeeze %dma_wait3A_2491 : memref<1x32x50x32xf32, #tpu.memory_space<vmem>> -> memref<32x50x32xf32, #tpu.memory_space<vmem>>
      %dma_wait3A_2493 = arith.constant 0 : i32
      %dma_wait3A_2494 = arith.constant 0 : i32
      %dma_wait3A_2495 = tpu.memref_slice %dma_wait3A_2492[%dma_wait3A_2487, %dma_wait3A_2493, %dma_wait3A_2494] : memref<32x50x32xf32, #tpu.memory_space<vmem>> -> memref<1x50x32xf32, #tpu.memory_space<vmem>>
      %dma_wait3A_2496 = tpu.memref_squeeze %dma_wait3A_2495 : memref<1x50x32xf32, #tpu.memory_space<vmem>> -> memref<50x32xf32, #tpu.memory_space<vmem>>
      %dma_wait3A_2497 = arith.constant 0 : i32
      %dma_wait3A_2498 = arith.constant 0 : i32
      %dma_wait3A_2499 = tpu.memref_slice %arg5[%dma_wait3A_2484, %dma_wait3A_2497, %dma_wait3A_2498] : memref<2x32x50xi32, #tpu.memory_space<vmem>> -> memref<1x32x50xi32, #tpu.memory_space<vmem>>
      %dma_wait3A_2500 = tpu.memref_squeeze %dma_wait3A_2499 : memref<1x32x50xi32, #tpu.memory_space<vmem>> -> memref<32x50xi32, #tpu.memory_space<vmem>>
      %dma_wait3A_2501 = arith.constant 0 : i32
      %dma_wait3A_2502 = tpu.memref_slice %dma_wait3A_2500[%dma_wait3A_2485, %dma_wait3A_2501] : memref<32x50xi32, #tpu.memory_space<vmem>> -> memref<1x50xi32, #tpu.memory_space<vmem>>
      %dma_wait3A_2503 = tpu.memref_squeeze %dma_wait3A_2502 : memref<1x50xi32, #tpu.memory_space<vmem>> -> memref<50xi32, #tpu.memory_space<vmem>>
      %dma_wait3A_2504 = arith.constant 0 : i32
      %dma_wait3A_2505 = arith.constant 0 : i32
      %dma_wait3A_2506 = tpu.memref_slice %arg3[%dma_wait3A_2504, %dma_wait3A_2505] : memref<1000000x32xf32, #tpu.memory_space<hbm>> -> memref<1000000x32xf32, #tpu.memory_space<hbm>>
      tpu.wait_indirect_dma semaphore(%arg11 : memref<!tpu.dma_semaphore, #tpu.memory_space<semaphore_mem>>) src(%dma_wait3A_2506 : memref<1000000x32xf32, #tpu.memory_space<hbm>>) dst(%dma_wait3A_2496 : memref<50x32xf32, #tpu.memory_space<vmem>>)
      %dma_wait3A_2507 = arith.constant 1 : i32
      %dma_wait3A_2508 = arith.constant 7 : i32
      %dma_wait3A_2509 = arith.constant 1 : i32
      %dma_wait3A_2510 = arith.constant 7 : i32
      %dma_wait3A_2511 = arith.constant 0 : i32
      %dma_wait3A_2512 = arith.constant 0 : i32
      %dma_wait3A_2513 = arith.constant 0 : i32
      %dma_wait3A_2514 = tpu.memref_slice %arg6[%dma_wait3A_2509, %dma_wait3A_2511, %dma_wait3A_2512, %dma_wait3A_2513] : memref<2x32x50x32xf32, #tpu.memory_space<vmem>> -> memref<1x32x50x32xf32, #tpu.memory_space<vmem>>
      %dma_wait3A_2515 = tpu.memref_squeeze %dma_wait3A_2514 : memref<1x32x50x32xf32, #tpu.memory_space<vmem>> -> memref<32x50x32xf32, #tpu.memory_space<vmem>>
      %dma_wait3A_2516 = arith.constant 0 : i32
      %dma_wait3A_2517 = arith.constant 0 : i32
      %dma_wait3A_2518 = tpu.memref_slice %dma_wait3A_2515[%dma_wait3A_2510, %dma_wait3A_2516, %dma_wait3A_2517] : memref<32x50x32xf32, #tpu.memory_space<vmem>> -> memref<1x50x32xf32, #tpu.memory_space<vmem>>
      %dma_wait3A_2519 = tpu.memref_squeeze %dma_wait3A_2518 : memref<1x50x32xf32, #tpu.memory_space<vmem>> -> memref<50x32xf32, #tpu.memory_space<vmem>>
      %dma_wait3A_2520 = arith.constant 0 : i32
      %dma_wait3A_2521 = arith.constant 0 : i32
      %dma_wait3A_2522 = tpu.memref_slice %arg5[%dma_wait3A_2507, %dma_wait3A_2520, %dma_wait3A_2521] : memref<2x32x50xi32, #tpu.memory_space<vmem>> -> memref<1x32x50xi32, #tpu.memory_space<vmem>>
      %dma_wait3A_2523 = tpu.memref_squeeze %dma_wait3A_2522 : memref<1x32x50xi32, #tpu.memory_space<vmem>> -> memref<32x50xi32, #tpu.memory_space<vmem>>
      %dma_wait3A_2524 = arith.constant 0 : i32
      %dma_wait3A_2525 = tpu.memref_slice %dma_wait3A_2523[%dma_wait3A_2508, %dma_wait3A_2524] : memref<32x50xi32, #tpu.memory_space<vmem>> -> memref<1x50xi32, #tpu.memory_space<vmem>>
      %dma_wait3A_2526 = tpu.memref_squeeze %dma_wait3A_2525 : memref<1x50xi32, #tpu.memory_space<vmem>> -> memref<50xi32, #tpu.memory_space<vmem>>
      %dma_wait3A_2527 = arith.constant 0 : i32
      %dma_wait3A_2528 = arith.constant 0 : i32
      %dma_wait3A_2529 = tpu.memref_slice %arg3[%dma_wait3A_2527, %dma_wait3A_2528] : memref<1000000x32xf32, #tpu.memory_space<hbm>> -> memref<1000000x32xf32, #tpu.memory_space<hbm>>
      tpu.wait_indirect_dma semaphore(%arg11 : memref<!tpu.dma_semaphore, #tpu.memory_space<semaphore_mem>>) src(%dma_wait3A_2529 : memref<1000000x32xf32, #tpu.memory_space<hbm>>) dst(%dma_wait3A_2519 : memref<50x32xf32, #tpu.memory_space<vmem>>)
      %dma_wait3A_2530 = arith.constant 1 : i32
      %dma_wait3A_2531 = arith.constant 8 : i32
      %dma_wait3A_2532 = arith.constant 1 : i32
      %dma_wait3A_2533 = arith.constant 8 : i32
      %dma_wait3A_2534 = arith.constant 0 : i32
      %dma_wait3A_2535 = arith.constant 0 : i32
      %dma_wait3A_2536 = arith.constant 0 : i32
      %dma_wait3A_2537 = tpu.memref_slice %arg6[%dma_wait3A_2532, %dma_wait3A_2534, %dma_wait3A_2535, %dma_wait3A_2536] : memref<2x32x50x32xf32, #tpu.memory_space<vmem>> -> memref<1x32x50x32xf32, #tpu.memory_space<vmem>>
      %dma_wait3A_2538 = tpu.memref_squeeze %dma_wait3A_2537 : memref<1x32x50x32xf32, #tpu.memory_space<vmem>> -> memref<32x50x32xf32, #tpu.memory_space<vmem>>
      %dma_wait3A_2539 = arith.constant 0 : i32
      %dma_wait3A_2540 = arith.constant 0 : i32
      %dma_wait3A_2541 = tpu.memref_slice %dma_wait3A_2538[%dma_wait3A_2533, %dma_wait3A_2539, %dma_wait3A_2540] : memref<32x50x32xf32, #tpu.memory_space<vmem>> -> memref<1x50x32xf32, #tpu.memory_space<vmem>>
      %dma_wait3A_2542 = tpu.memref_squeeze %dma_wait3A_2541 : memref<1x50x32xf32, #tpu.memory_space<vmem>> -> memref<50x32xf32, #tpu.memory_space<vmem>>
      %dma_wait3A_2543 = arith.constant 0 : i32
      %dma_wait3A_2544 = arith.constant 0 : i32
      %dma_wait3A_2545 = tpu.memref_slice %arg5[%dma_wait3A_2530, %dma_wait3A_2543, %dma_wait3A_2544] : memref<2x32x50xi32, #tpu.memory_space<vmem>> -> memref<1x32x50xi32, #tpu.memory_space<vmem>>
      %dma_wait3A_2546 = tpu.memref_squeeze %dma_wait3A_2545 : memref<1x32x50xi32, #tpu.memory_space<vmem>> -> memref<32x50xi32, #tpu.memory_space<vmem>>
      %dma_wait3A_2547 = arith.constant 0 : i32
      %dma_wait3A_2548 = tpu.memref_slice %dma_wait3A_2546[%dma_wait3A_2531, %dma_wait3A_2547] : memref<32x50xi32, #tpu.memory_space<vmem>> -> memref<1x50xi32, #tpu.memory_space<vmem>>
      %dma_wait3A_2549 = tpu.memref_squeeze %dma_wait3A_2548 : memref<1x50xi32, #tpu.memory_space<vmem>> -> memref<50xi32, #tpu.memory_space<vmem>>
      %dma_wait3A_2550 = arith.constant 0 : i32
      %dma_wait3A_2551 = arith.constant 0 : i32
      %dma_wait3A_2552 = tpu.memref_slice %arg3[%dma_wait3A_2550, %dma_wait3A_2551] : memref<1000000x32xf32, #tpu.memory_space<hbm>> -> memref<1000000x32xf32, #tpu.memory_space<hbm>>
      tpu.wait_indirect_dma semaphore(%arg11 : memref<!tpu.dma_semaphore, #tpu.memory_space<semaphore_mem>>) src(%dma_wait3A_2552 : memref<1000000x32xf32, #tpu.memory_space<hbm>>) dst(%dma_wait3A_2542 : memref<50x32xf32, #tpu.memory_space<vmem>>)
      %dma_wait3A_2553 = arith.constant 1 : i32
      %dma_wait3A_2554 = arith.constant 9 : i32
      %dma_wait3A_2555 = arith.constant 1 : i32
      %dma_wait3A_2556 = arith.constant 9 : i32
      %dma_wait3A_2557 = arith.constant 0 : i32
      %dma_wait3A_2558 = arith.constant 0 : i32
      %dma_wait3A_2559 = arith.constant 0 : i32
      %dma_wait3A_2560 = tpu.memref_slice %arg6[%dma_wait3A_2555, %dma_wait3A_2557, %dma_wait3A_2558, %dma_wait3A_2559] : memref<2x32x50x32xf32, #tpu.memory_space<vmem>> -> memref<1x32x50x32xf32, #tpu.memory_space<vmem>>
      %dma_wait3A_2561 = tpu.memref_squeeze %dma_wait3A_2560 : memref<1x32x50x32xf32, #tpu.memory_space<vmem>> -> memref<32x50x32xf32, #tpu.memory_space<vmem>>
      %dma_wait3A_2562 = arith.constant 0 : i32
      %dma_wait3A_2563 = arith.constant 0 : i32
      %dma_wait3A_2564 = tpu.memref_slice %dma_wait3A_2561[%dma_wait3A_2556, %dma_wait3A_2562, %dma_wait3A_2563] : memref<32x50x32xf32, #tpu.memory_space<vmem>> -> memref<1x50x32xf32, #tpu.memory_space<vmem>>
      %dma_wait3A_2565 = tpu.memref_squeeze %dma_wait3A_2564 : memref<1x50x32xf32, #tpu.memory_space<vmem>> -> memref<50x32xf32, #tpu.memory_space<vmem>>
      %dma_wait3A_2566 = arith.constant 0 : i32
      %dma_wait3A_2567 = arith.constant 0 : i32
      %dma_wait3A_2568 = tpu.memref_slice %arg5[%dma_wait3A_2553, %dma_wait3A_2566, %dma_wait3A_2567] : memref<2x32x50xi32, #tpu.memory_space<vmem>> -> memref<1x32x50xi32, #tpu.memory_space<vmem>>
      %dma_wait3A_2569 = tpu.memref_squeeze %dma_wait3A_2568 : memref<1x32x50xi32, #tpu.memory_space<vmem>> -> memref<32x50xi32, #tpu.memory_space<vmem>>
      %dma_wait3A_2570 = arith.constant 0 : i32
      %dma_wait3A_2571 = tpu.memref_slice %dma_wait3A_2569[%dma_wait3A_2554, %dma_wait3A_2570] : memref<32x50xi32, #tpu.memory_space<vmem>> -> memref<1x50xi32, #tpu.memory_space<vmem>>
      %dma_wait3A_2572 = tpu.memref_squeeze %dma_wait3A_2571 : memref<1x50xi32, #tpu.memory_space<vmem>> -> memref<50xi32, #tpu.memory_space<vmem>>
      %dma_wait3A_2573 = arith.constant 0 : i32
      %dma_wait3A_2574 = arith.constant 0 : i32
      %dma_wait3A_2575 = tpu.memref_slice %arg3[%dma_wait3A_2573, %dma_wait3A_2574] : memref<1000000x32xf32, #tpu.memory_space<hbm>> -> memref<1000000x32xf32, #tpu.memory_space<hbm>>
      tpu.wait_indirect_dma semaphore(%arg11 : memref<!tpu.dma_semaphore, #tpu.memory_space<semaphore_mem>>) src(%dma_wait3A_2575 : memref<1000000x32xf32, #tpu.memory_space<hbm>>) dst(%dma_wait3A_2565 : memref<50x32xf32, #tpu.memory_space<vmem>>)
      %dma_wait3A_2576 = arith.constant 1 : i32
      %dma_wait3A_2577 = arith.constant 10 : i32
      %dma_wait3A_2578 = arith.constant 1 : i32
      %dma_wait3A_2579 = arith.constant 10 : i32
      %dma_wait3A_2580 = arith.constant 0 : i32
      %dma_wait3A_2581 = arith.constant 0 : i32
      %dma_wait3A_2582 = arith.constant 0 : i32
      %dma_wait3A_2583 = tpu.memref_slice %arg6[%dma_wait3A_2578, %dma_wait3A_2580, %dma_wait3A_2581, %dma_wait3A_2582] : memref<2x32x50x32xf32, #tpu.memory_space<vmem>> -> memref<1x32x50x32xf32, #tpu.memory_space<vmem>>
      %dma_wait3A_2584 = tpu.memref_squeeze %dma_wait3A_2583 : memref<1x32x50x32xf32, #tpu.memory_space<vmem>> -> memref<32x50x32xf32, #tpu.memory_space<vmem>>
      %dma_wait3A_2585 = arith.constant 0 : i32
      %dma_wait3A_2586 = arith.constant 0 : i32
      %dma_wait3A_2587 = tpu.memref_slice %dma_wait3A_2584[%dma_wait3A_2579, %dma_wait3A_2585, %dma_wait3A_2586] : memref<32x50x32xf32, #tpu.memory_space<vmem>> -> memref<1x50x32xf32, #tpu.memory_space<vmem>>
      %dma_wait3A_2588 = tpu.memref_squeeze %dma_wait3A_2587 : memref<1x50x32xf32, #tpu.memory_space<vmem>> -> memref<50x32xf32, #tpu.memory_space<vmem>>
      %dma_wait3A_2589 = arith.constant 0 : i32
      %dma_wait3A_2590 = arith.constant 0 : i32
      %dma_wait3A_2591 = tpu.memref_slice %arg5[%dma_wait3A_2576, %dma_wait3A_2589, %dma_wait3A_2590] : memref<2x32x50xi32, #tpu.memory_space<vmem>> -> memref<1x32x50xi32, #tpu.memory_space<vmem>>
      %dma_wait3A_2592 = tpu.memref_squeeze %dma_wait3A_2591 : memref<1x32x50xi32, #tpu.memory_space<vmem>> -> memref<32x50xi32, #tpu.memory_space<vmem>>
      %dma_wait3A_2593 = arith.constant 0 : i32
      %dma_wait3A_2594 = tpu.memref_slice %dma_wait3A_2592[%dma_wait3A_2577, %dma_wait3A_2593] : memref<32x50xi32, #tpu.memory_space<vmem>> -> memref<1x50xi32, #tpu.memory_space<vmem>>
      %dma_wait3A_2595 = tpu.memref_squeeze %dma_wait3A_2594 : memref<1x50xi32, #tpu.memory_space<vmem>> -> memref<50xi32, #tpu.memory_space<vmem>>
      %dma_wait3A_2596 = arith.constant 0 : i32
      %dma_wait3A_2597 = arith.constant 0 : i32
      %dma_wait3A_2598 = tpu.memref_slice %arg3[%dma_wait3A_2596, %dma_wait3A_2597] : memref<1000000x32xf32, #tpu.memory_space<hbm>> -> memref<1000000x32xf32, #tpu.memory_space<hbm>>
      tpu.wait_indirect_dma semaphore(%arg11 : memref<!tpu.dma_semaphore, #tpu.memory_space<semaphore_mem>>) src(%dma_wait3A_2598 : memref<1000000x32xf32, #tpu.memory_space<hbm>>) dst(%dma_wait3A_2588 : memref<50x32xf32, #tpu.memory_space<vmem>>)
      %dma_wait3A_2599 = arith.constant 1 : i32
      %dma_wait3A_2600 = arith.constant 11 : i32
      %dma_wait3A_2601 = arith.constant 1 : i32
      %dma_wait3A_2602 = arith.constant 11 : i32
      %dma_wait3A_2603 = arith.constant 0 : i32
      %dma_wait3A_2604 = arith.constant 0 : i32
      %dma_wait3A_2605 = arith.constant 0 : i32
      %dma_wait3A_2606 = tpu.memref_slice %arg6[%dma_wait3A_2601, %dma_wait3A_2603, %dma_wait3A_2604, %dma_wait3A_2605] : memref<2x32x50x32xf32, #tpu.memory_space<vmem>> -> memref<1x32x50x32xf32, #tpu.memory_space<vmem>>
      %dma_wait3A_2607 = tpu.memref_squeeze %dma_wait3A_2606 : memref<1x32x50x32xf32, #tpu.memory_space<vmem>> -> memref<32x50x32xf32, #tpu.memory_space<vmem>>
      %dma_wait3A_2608 = arith.constant 0 : i32
      %dma_wait3A_2609 = arith.constant 0 : i32
      %dma_wait3A_2610 = tpu.memref_slice %dma_wait3A_2607[%dma_wait3A_2602, %dma_wait3A_2608, %dma_wait3A_2609] : memref<32x50x32xf32, #tpu.memory_space<vmem>> -> memref<1x50x32xf32, #tpu.memory_space<vmem>>
      %dma_wait3A_2611 = tpu.memref_squeeze %dma_wait3A_2610 : memref<1x50x32xf32, #tpu.memory_space<vmem>> -> memref<50x32xf32, #tpu.memory_space<vmem>>
      %dma_wait3A_2612 = arith.constant 0 : i32
      %dma_wait3A_2613 = arith.constant 0 : i32
      %dma_wait3A_2614 = tpu.memref_slice %arg5[%dma_wait3A_2599, %dma_wait3A_2612, %dma_wait3A_2613] : memref<2x32x50xi32, #tpu.memory_space<vmem>> -> memref<1x32x50xi32, #tpu.memory_space<vmem>>
      %dma_wait3A_2615 = tpu.memref_squeeze %dma_wait3A_2614 : memref<1x32x50xi32, #tpu.memory_space<vmem>> -> memref<32x50xi32, #tpu.memory_space<vmem>>
      %dma_wait3A_2616 = arith.constant 0 : i32
      %dma_wait3A_2617 = tpu.memref_slice %dma_wait3A_2615[%dma_wait3A_2600, %dma_wait3A_2616] : memref<32x50xi32, #tpu.memory_space<vmem>> -> memref<1x50xi32, #tpu.memory_space<vmem>>
      %dma_wait3A_2618 = tpu.memref_squeeze %dma_wait3A_2617 : memref<1x50xi32, #tpu.memory_space<vmem>> -> memref<50xi32, #tpu.memory_space<vmem>>
      %dma_wait3A_2619 = arith.constant 0 : i32
      %dma_wait3A_2620 = arith.constant 0 : i32
      %dma_wait3A_2621 = tpu.memref_slice %arg3[%dma_wait3A_2619, %dma_wait3A_2620] : memref<1000000x32xf32, #tpu.memory_space<hbm>> -> memref<1000000x32xf32, #tpu.memory_space<hbm>>
      tpu.wait_indirect_dma semaphore(%arg11 : memref<!tpu.dma_semaphore, #tpu.memory_space<semaphore_mem>>) src(%dma_wait3A_2621 : memref<1000000x32xf32, #tpu.memory_space<hbm>>) dst(%dma_wait3A_2611 : memref<50x32xf32, #tpu.memory_space<vmem>>)
      %dma_wait3A_2622 = arith.constant 1 : i32
      %dma_wait3A_2623 = arith.constant 12 : i32
      %dma_wait3A_2624 = arith.constant 1 : i32
      %dma_wait3A_2625 = arith.constant 12 : i32
      %dma_wait3A_2626 = arith.constant 0 : i32
      %dma_wait3A_2627 = arith.constant 0 : i32
      %dma_wait3A_2628 = arith.constant 0 : i32
      %dma_wait3A_2629 = tpu.memref_slice %arg6[%dma_wait3A_2624, %dma_wait3A_2626, %dma_wait3A_2627, %dma_wait3A_2628] : memref<2x32x50x32xf32, #tpu.memory_space<vmem>> -> memref<1x32x50x32xf32, #tpu.memory_space<vmem>>
      %dma_wait3A_2630 = tpu.memref_squeeze %dma_wait3A_2629 : memref<1x32x50x32xf32, #tpu.memory_space<vmem>> -> memref<32x50x32xf32, #tpu.memory_space<vmem>>
      %dma_wait3A_2631 = arith.constant 0 : i32
      %dma_wait3A_2632 = arith.constant 0 : i32
      %dma_wait3A_2633 = tpu.memref_slice %dma_wait3A_2630[%dma_wait3A_2625, %dma_wait3A_2631, %dma_wait3A_2632] : memref<32x50x32xf32, #tpu.memory_space<vmem>> -> memref<1x50x32xf32, #tpu.memory_space<vmem>>
      %dma_wait3A_2634 = tpu.memref_squeeze %dma_wait3A_2633 : memref<1x50x32xf32, #tpu.memory_space<vmem>> -> memref<50x32xf32, #tpu.memory_space<vmem>>
      %dma_wait3A_2635 = arith.constant 0 : i32
      %dma_wait3A_2636 = arith.constant 0 : i32
      %dma_wait3A_2637 = tpu.memref_slice %arg5[%dma_wait3A_2622, %dma_wait3A_2635, %dma_wait3A_2636] : memref<2x32x50xi32, #tpu.memory_space<vmem>> -> memref<1x32x50xi32, #tpu.memory_space<vmem>>
      %dma_wait3A_2638 = tpu.memref_squeeze %dma_wait3A_2637 : memref<1x32x50xi32, #tpu.memory_space<vmem>> -> memref<32x50xi32, #tpu.memory_space<vmem>>
      %dma_wait3A_2639 = arith.constant 0 : i32
      %dma_wait3A_2640 = tpu.memref_slice %dma_wait3A_2638[%dma_wait3A_2623, %dma_wait3A_2639] : memref<32x50xi32, #tpu.memory_space<vmem>> -> memref<1x50xi32, #tpu.memory_space<vmem>>
      %dma_wait3A_2641 = tpu.memref_squeeze %dma_wait3A_2640 : memref<1x50xi32, #tpu.memory_space<vmem>> -> memref<50xi32, #tpu.memory_space<vmem>>
      %dma_wait3A_2642 = arith.constant 0 : i32
      %dma_wait3A_2643 = arith.constant 0 : i32
      %dma_wait3A_2644 = tpu.memref_slice %arg3[%dma_wait3A_2642, %dma_wait3A_2643] : memref<1000000x32xf32, #tpu.memory_space<hbm>> -> memref<1000000x32xf32, #tpu.memory_space<hbm>>
      tpu.wait_indirect_dma semaphore(%arg11 : memref<!tpu.dma_semaphore, #tpu.memory_space<semaphore_mem>>) src(%dma_wait3A_2644 : memref<1000000x32xf32, #tpu.memory_space<hbm>>) dst(%dma_wait3A_2634 : memref<50x32xf32, #tpu.memory_space<vmem>>)
      %dma_wait3A_2645 = arith.constant 1 : i32
      %dma_wait3A_2646 = arith.constant 13 : i32
      %dma_wait3A_2647 = arith.constant 1 : i32
      %dma_wait3A_2648 = arith.constant 13 : i32
      %dma_wait3A_2649 = arith.constant 0 : i32
      %dma_wait3A_2650 = arith.constant 0 : i32
      %dma_wait3A_2651 = arith.constant 0 : i32
      %dma_wait3A_2652 = tpu.memref_slice %arg6[%dma_wait3A_2647, %dma_wait3A_2649, %dma_wait3A_2650, %dma_wait3A_2651] : memref<2x32x50x32xf32, #tpu.memory_space<vmem>> -> memref<1x32x50x32xf32, #tpu.memory_space<vmem>>
      %dma_wait3A_2653 = tpu.memref_squeeze %dma_wait3A_2652 : memref<1x32x50x32xf32, #tpu.memory_space<vmem>> -> memref<32x50x32xf32, #tpu.memory_space<vmem>>
      %dma_wait3A_2654 = arith.constant 0 : i32
      %dma_wait3A_2655 = arith.constant 0 : i32
      %dma_wait3A_2656 = tpu.memref_slice %dma_wait3A_2653[%dma_wait3A_2648, %dma_wait3A_2654, %dma_wait3A_2655] : memref<32x50x32xf32, #tpu.memory_space<vmem>> -> memref<1x50x32xf32, #tpu.memory_space<vmem>>
      %dma_wait3A_2657 = tpu.memref_squeeze %dma_wait3A_2656 : memref<1x50x32xf32, #tpu.memory_space<vmem>> -> memref<50x32xf32, #tpu.memory_space<vmem>>
      %dma_wait3A_2658 = arith.constant 0 : i32
      %dma_wait3A_2659 = arith.constant 0 : i32
      %dma_wait3A_2660 = tpu.memref_slice %arg5[%dma_wait3A_2645, %dma_wait3A_2658, %dma_wait3A_2659] : memref<2x32x50xi32, #tpu.memory_space<vmem>> -> memref<1x32x50xi32, #tpu.memory_space<vmem>>
      %dma_wait3A_2661 = tpu.memref_squeeze %dma_wait3A_2660 : memref<1x32x50xi32, #tpu.memory_space<vmem>> -> memref<32x50xi32, #tpu.memory_space<vmem>>
      %dma_wait3A_2662 = arith.constant 0 : i32
      %dma_wait3A_2663 = tpu.memref_slice %dma_wait3A_2661[%dma_wait3A_2646, %dma_wait3A_2662] : memref<32x50xi32, #tpu.memory_space<vmem>> -> memref<1x50xi32, #tpu.memory_space<vmem>>
      %dma_wait3A_2664 = tpu.memref_squeeze %dma_wait3A_2663 : memref<1x50xi32, #tpu.memory_space<vmem>> -> memref<50xi32, #tpu.memory_space<vmem>>
      %dma_wait3A_2665 = arith.constant 0 : i32
      %dma_wait3A_2666 = arith.constant 0 : i32
      %dma_wait3A_2667 = tpu.memref_slice %arg3[%dma_wait3A_2665, %dma_wait3A_2666] : memref<1000000x32xf32, #tpu.memory_space<hbm>> -> memref<1000000x32xf32, #tpu.memory_space<hbm>>
      tpu.wait_indirect_dma semaphore(%arg11 : memref<!tpu.dma_semaphore, #tpu.memory_space<semaphore_mem>>) src(%dma_wait3A_2667 : memref<1000000x32xf32, #tpu.memory_space<hbm>>) dst(%dma_wait3A_2657 : memref<50x32xf32, #tpu.memory_space<vmem>>)
      %dma_wait3A_2668 = arith.constant 1 : i32
      %dma_wait3A_2669 = arith.constant 14 : i32
      %dma_wait3A_2670 = arith.constant 1 : i32
      %dma_wait3A_2671 = arith.constant 14 : i32
      %dma_wait3A_2672 = arith.constant 0 : i32
      %dma_wait3A_2673 = arith.constant 0 : i32
      %dma_wait3A_2674 = arith.constant 0 : i32
      %dma_wait3A_2675 = tpu.memref_slice %arg6[%dma_wait3A_2670, %dma_wait3A_2672, %dma_wait3A_2673, %dma_wait3A_2674] : memref<2x32x50x32xf32, #tpu.memory_space<vmem>> -> memref<1x32x50x32xf32, #tpu.memory_space<vmem>>
      %dma_wait3A_2676 = tpu.memref_squeeze %dma_wait3A_2675 : memref<1x32x50x32xf32, #tpu.memory_space<vmem>> -> memref<32x50x32xf32, #tpu.memory_space<vmem>>
      %dma_wait3A_2677 = arith.constant 0 : i32
      %dma_wait3A_2678 = arith.constant 0 : i32
      %dma_wait3A_2679 = tpu.memref_slice %dma_wait3A_2676[%dma_wait3A_2671, %dma_wait3A_2677, %dma_wait3A_2678] : memref<32x50x32xf32, #tpu.memory_space<vmem>> -> memref<1x50x32xf32, #tpu.memory_space<vmem>>
      %dma_wait3A_2680 = tpu.memref_squeeze %dma_wait3A_2679 : memref<1x50x32xf32, #tpu.memory_space<vmem>> -> memref<50x32xf32, #tpu.memory_space<vmem>>
      %dma_wait3A_2681 = arith.constant 0 : i32
      %dma_wait3A_2682 = arith.constant 0 : i32
      %dma_wait3A_2683 = tpu.memref_slice %arg5[%dma_wait3A_2668, %dma_wait3A_2681, %dma_wait3A_2682] : memref<2x32x50xi32, #tpu.memory_space<vmem>> -> memref<1x32x50xi32, #tpu.memory_space<vmem>>
      %dma_wait3A_2684 = tpu.memref_squeeze %dma_wait3A_2683 : memref<1x32x50xi32, #tpu.memory_space<vmem>> -> memref<32x50xi32, #tpu.memory_space<vmem>>
      %dma_wait3A_2685 = arith.constant 0 : i32
      %dma_wait3A_2686 = tpu.memref_slice %dma_wait3A_2684[%dma_wait3A_2669, %dma_wait3A_2685] : memref<32x50xi32, #tpu.memory_space<vmem>> -> memref<1x50xi32, #tpu.memory_space<vmem>>
      %dma_wait3A_2687 = tpu.memref_squeeze %dma_wait3A_2686 : memref<1x50xi32, #tpu.memory_space<vmem>> -> memref<50xi32, #tpu.memory_space<vmem>>
      %dma_wait3A_2688 = arith.constant 0 : i32
      %dma_wait3A_2689 = arith.constant 0 : i32
      %dma_wait3A_2690 = tpu.memref_slice %arg3[%dma_wait3A_2688, %dma_wait3A_2689] : memref<1000000x32xf32, #tpu.memory_space<hbm>> -> memref<1000000x32xf32, #tpu.memory_space<hbm>>
      tpu.wait_indirect_dma semaphore(%arg11 : memref<!tpu.dma_semaphore, #tpu.memory_space<semaphore_mem>>) src(%dma_wait3A_2690 : memref<1000000x32xf32, #tpu.memory_space<hbm>>) dst(%dma_wait3A_2680 : memref<50x32xf32, #tpu.memory_space<vmem>>)
      %dma_wait3A_2691 = arith.constant 1 : i32
      %dma_wait3A_2692 = arith.constant 15 : i32
      %dma_wait3A_2693 = arith.constant 1 : i32
      %dma_wait3A_2694 = arith.constant 15 : i32
      %dma_wait3A_2695 = arith.constant 0 : i32
      %dma_wait3A_2696 = arith.constant 0 : i32
      %dma_wait3A_2697 = arith.constant 0 : i32
      %dma_wait3A_2698 = tpu.memref_slice %arg6[%dma_wait3A_2693, %dma_wait3A_2695, %dma_wait3A_2696, %dma_wait3A_2697] : memref<2x32x50x32xf32, #tpu.memory_space<vmem>> -> memref<1x32x50x32xf32, #tpu.memory_space<vmem>>
      %dma_wait3A_2699 = tpu.memref_squeeze %dma_wait3A_2698 : memref<1x32x50x32xf32, #tpu.memory_space<vmem>> -> memref<32x50x32xf32, #tpu.memory_space<vmem>>
      %dma_wait3A_2700 = arith.constant 0 : i32
      %dma_wait3A_2701 = arith.constant 0 : i32
      %dma_wait3A_2702 = tpu.memref_slice %dma_wait3A_2699[%dma_wait3A_2694, %dma_wait3A_2700, %dma_wait3A_2701] : memref<32x50x32xf32, #tpu.memory_space<vmem>> -> memref<1x50x32xf32, #tpu.memory_space<vmem>>
      %dma_wait3A_2703 = tpu.memref_squeeze %dma_wait3A_2702 : memref<1x50x32xf32, #tpu.memory_space<vmem>> -> memref<50x32xf32, #tpu.memory_space<vmem>>
      %dma_wait3A_2704 = arith.constant 0 : i32
      %dma_wait3A_2705 = arith.constant 0 : i32
      %dma_wait3A_2706 = tpu.memref_slice %arg5[%dma_wait3A_2691, %dma_wait3A_2704, %dma_wait3A_2705] : memref<2x32x50xi32, #tpu.memory_space<vmem>> -> memref<1x32x50xi32, #tpu.memory_space<vmem>>
      %dma_wait3A_2707 = tpu.memref_squeeze %dma_wait3A_2706 : memref<1x32x50xi32, #tpu.memory_space<vmem>> -> memref<32x50xi32, #tpu.memory_space<vmem>>
      %dma_wait3A_2708 = arith.constant 0 : i32
      %dma_wait3A_2709 = tpu.memref_slice %dma_wait3A_2707[%dma_wait3A_2692, %dma_wait3A_2708] : memref<32x50xi32, #tpu.memory_space<vmem>> -> memref<1x50xi32, #tpu.memory_space<vmem>>
      %dma_wait3A_2710 = tpu.memref_squeeze %dma_wait3A_2709 : memref<1x50xi32, #tpu.memory_space<vmem>> -> memref<50xi32, #tpu.memory_space<vmem>>
      %dma_wait3A_2711 = arith.constant 0 : i32
      %dma_wait3A_2712 = arith.constant 0 : i32
      %dma_wait3A_2713 = tpu.memref_slice %arg3[%dma_wait3A_2711, %dma_wait3A_2712] : memref<1000000x32xf32, #tpu.memory_space<hbm>> -> memref<1000000x32xf32, #tpu.memory_space<hbm>>
      tpu.wait_indirect_dma semaphore(%arg11 : memref<!tpu.dma_semaphore, #tpu.memory_space<semaphore_mem>>) src(%dma_wait3A_2713 : memref<1000000x32xf32, #tpu.memory_space<hbm>>) dst(%dma_wait3A_2703 : memref<50x32xf32, #tpu.memory_space<vmem>>)
      %dma_wait3A_2714 = arith.constant 1 : i32
      %dma_wait3A_2715 = arith.constant 16 : i32
      %dma_wait3A_2716 = arith.constant 1 : i32
      %dma_wait3A_2717 = arith.constant 16 : i32
      %dma_wait3A_2718 = arith.constant 0 : i32
      %dma_wait3A_2719 = arith.constant 0 : i32
      %dma_wait3A_2720 = arith.constant 0 : i32
      %dma_wait3A_2721 = tpu.memref_slice %arg6[%dma_wait3A_2716, %dma_wait3A_2718, %dma_wait3A_2719, %dma_wait3A_2720] : memref<2x32x50x32xf32, #tpu.memory_space<vmem>> -> memref<1x32x50x32xf32, #tpu.memory_space<vmem>>
      %dma_wait3A_2722 = tpu.memref_squeeze %dma_wait3A_2721 : memref<1x32x50x32xf32, #tpu.memory_space<vmem>> -> memref<32x50x32xf32, #tpu.memory_space<vmem>>
      %dma_wait3A_2723 = arith.constant 0 : i32
      %dma_wait3A_2724 = arith.constant 0 : i32
      %dma_wait3A_2725 = tpu.memref_slice %dma_wait3A_2722[%dma_wait3A_2717, %dma_wait3A_2723, %dma_wait3A_2724] : memref<32x50x32xf32, #tpu.memory_space<vmem>> -> memref<1x50x32xf32, #tpu.memory_space<vmem>>
      %dma_wait3A_2726 = tpu.memref_squeeze %dma_wait3A_2725 : memref<1x50x32xf32, #tpu.memory_space<vmem>> -> memref<50x32xf32, #tpu.memory_space<vmem>>
      %dma_wait3A_2727 = arith.constant 0 : i32
      %dma_wait3A_2728 = arith.constant 0 : i32
      %dma_wait3A_2729 = tpu.memref_slice %arg5[%dma_wait3A_2714, %dma_wait3A_2727, %dma_wait3A_2728] : memref<2x32x50xi32, #tpu.memory_space<vmem>> -> memref<1x32x50xi32, #tpu.memory_space<vmem>>
      %dma_wait3A_2730 = tpu.memref_squeeze %dma_wait3A_2729 : memref<1x32x50xi32, #tpu.memory_space<vmem>> -> memref<32x50xi32, #tpu.memory_space<vmem>>
      %dma_wait3A_2731 = arith.constant 0 : i32
      %dma_wait3A_2732 = tpu.memref_slice %dma_wait3A_2730[%dma_wait3A_2715, %dma_wait3A_2731] : memref<32x50xi32, #tpu.memory_space<vmem>> -> memref<1x50xi32, #tpu.memory_space<vmem>>
      %dma_wait3A_2733 = tpu.memref_squeeze %dma_wait3A_2732 : memref<1x50xi32, #tpu.memory_space<vmem>> -> memref<50xi32, #tpu.memory_space<vmem>>
      %dma_wait3A_2734 = arith.constant 0 : i32
      %dma_wait3A_2735 = arith.constant 0 : i32
      %dma_wait3A_2736 = tpu.memref_slice %arg3[%dma_wait3A_2734, %dma_wait3A_2735] : memref<1000000x32xf32, #tpu.memory_space<hbm>> -> memref<1000000x32xf32, #tpu.memory_space<hbm>>
      tpu.wait_indirect_dma semaphore(%arg11 : memref<!tpu.dma_semaphore, #tpu.memory_space<semaphore_mem>>) src(%dma_wait3A_2736 : memref<1000000x32xf32, #tpu.memory_space<hbm>>) dst(%dma_wait3A_2726 : memref<50x32xf32, #tpu.memory_space<vmem>>)
      %dma_wait3A_2737 = arith.constant 1 : i32
      %dma_wait3A_2738 = arith.constant 17 : i32
      %dma_wait3A_2739 = arith.constant 1 : i32
      %dma_wait3A_2740 = arith.constant 17 : i32
      %dma_wait3A_2741 = arith.constant 0 : i32
      %dma_wait3A_2742 = arith.constant 0 : i32
      %dma_wait3A_2743 = arith.constant 0 : i32
      %dma_wait3A_2744 = tpu.memref_slice %arg6[%dma_wait3A_2739, %dma_wait3A_2741, %dma_wait3A_2742, %dma_wait3A_2743] : memref<2x32x50x32xf32, #tpu.memory_space<vmem>> -> memref<1x32x50x32xf32, #tpu.memory_space<vmem>>
      %dma_wait3A_2745 = tpu.memref_squeeze %dma_wait3A_2744 : memref<1x32x50x32xf32, #tpu.memory_space<vmem>> -> memref<32x50x32xf32, #tpu.memory_space<vmem>>
      %dma_wait3A_2746 = arith.constant 0 : i32
      %dma_wait3A_2747 = arith.constant 0 : i32
      %dma_wait3A_2748 = tpu.memref_slice %dma_wait3A_2745[%dma_wait3A_2740, %dma_wait3A_2746, %dma_wait3A_2747] : memref<32x50x32xf32, #tpu.memory_space<vmem>> -> memref<1x50x32xf32, #tpu.memory_space<vmem>>
      %dma_wait3A_2749 = tpu.memref_squeeze %dma_wait3A_2748 : memref<1x50x32xf32, #tpu.memory_space<vmem>> -> memref<50x32xf32, #tpu.memory_space<vmem>>
      %dma_wait3A_2750 = arith.constant 0 : i32
      %dma_wait3A_2751 = arith.constant 0 : i32
      %dma_wait3A_2752 = tpu.memref_slice %arg5[%dma_wait3A_2737, %dma_wait3A_2750, %dma_wait3A_2751] : memref<2x32x50xi32, #tpu.memory_space<vmem>> -> memref<1x32x50xi32, #tpu.memory_space<vmem>>
      %dma_wait3A_2753 = tpu.memref_squeeze %dma_wait3A_2752 : memref<1x32x50xi32, #tpu.memory_space<vmem>> -> memref<32x50xi32, #tpu.memory_space<vmem>>
      %dma_wait3A_2754 = arith.constant 0 : i32
      %dma_wait3A_2755 = tpu.memref_slice %dma_wait3A_2753[%dma_wait3A_2738, %dma_wait3A_2754] : memref<32x50xi32, #tpu.memory_space<vmem>> -> memref<1x50xi32, #tpu.memory_space<vmem>>
      %dma_wait3A_2756 = tpu.memref_squeeze %dma_wait3A_2755 : memref<1x50xi32, #tpu.memory_space<vmem>> -> memref<50xi32, #tpu.memory_space<vmem>>
      %dma_wait3A_2757 = arith.constant 0 : i32
      %dma_wait3A_2758 = arith.constant 0 : i32
      %dma_wait3A_2759 = tpu.memref_slice %arg3[%dma_wait3A_2757, %dma_wait3A_2758] : memref<1000000x32xf32, #tpu.memory_space<hbm>> -> memref<1000000x32xf32, #tpu.memory_space<hbm>>
      tpu.wait_indirect_dma semaphore(%arg11 : memref<!tpu.dma_semaphore, #tpu.memory_space<semaphore_mem>>) src(%dma_wait3A_2759 : memref<1000000x32xf32, #tpu.memory_space<hbm>>) dst(%dma_wait3A_2749 : memref<50x32xf32, #tpu.memory_space<vmem>>)
      %dma_wait3A_2760 = arith.constant 1 : i32
      %dma_wait3A_2761 = arith.constant 18 : i32
      %dma_wait3A_2762 = arith.constant 1 : i32
      %dma_wait3A_2763 = arith.constant 18 : i32
      %dma_wait3A_2764 = arith.constant 0 : i32
      %dma_wait3A_2765 = arith.constant 0 : i32
      %dma_wait3A_2766 = arith.constant 0 : i32
      %dma_wait3A_2767 = tpu.memref_slice %arg6[%dma_wait3A_2762, %dma_wait3A_2764, %dma_wait3A_2765, %dma_wait3A_2766] : memref<2x32x50x32xf32, #tpu.memory_space<vmem>> -> memref<1x32x50x32xf32, #tpu.memory_space<vmem>>
      %dma_wait3A_2768 = tpu.memref_squeeze %dma_wait3A_2767 : memref<1x32x50x32xf32, #tpu.memory_space<vmem>> -> memref<32x50x32xf32, #tpu.memory_space<vmem>>
      %dma_wait3A_2769 = arith.constant 0 : i32
      %dma_wait3A_2770 = arith.constant 0 : i32
      %dma_wait3A_2771 = tpu.memref_slice %dma_wait3A_2768[%dma_wait3A_2763, %dma_wait3A_2769, %dma_wait3A_2770] : memref<32x50x32xf32, #tpu.memory_space<vmem>> -> memref<1x50x32xf32, #tpu.memory_space<vmem>>
      %dma_wait3A_2772 = tpu.memref_squeeze %dma_wait3A_2771 : memref<1x50x32xf32, #tpu.memory_space<vmem>> -> memref<50x32xf32, #tpu.memory_space<vmem>>
      %dma_wait3A_2773 = arith.constant 0 : i32
      %dma_wait3A_2774 = arith.constant 0 : i32
      %dma_wait3A_2775 = tpu.memref_slice %arg5[%dma_wait3A_2760, %dma_wait3A_2773, %dma_wait3A_2774] : memref<2x32x50xi32, #tpu.memory_space<vmem>> -> memref<1x32x50xi32, #tpu.memory_space<vmem>>
      %dma_wait3A_2776 = tpu.memref_squeeze %dma_wait3A_2775 : memref<1x32x50xi32, #tpu.memory_space<vmem>> -> memref<32x50xi32, #tpu.memory_space<vmem>>
      %dma_wait3A_2777 = arith.constant 0 : i32
      %dma_wait3A_2778 = tpu.memref_slice %dma_wait3A_2776[%dma_wait3A_2761, %dma_wait3A_2777] : memref<32x50xi32, #tpu.memory_space<vmem>> -> memref<1x50xi32, #tpu.memory_space<vmem>>
      %dma_wait3A_2779 = tpu.memref_squeeze %dma_wait3A_2778 : memref<1x50xi32, #tpu.memory_space<vmem>> -> memref<50xi32, #tpu.memory_space<vmem>>
      %dma_wait3A_2780 = arith.constant 0 : i32
      %dma_wait3A_2781 = arith.constant 0 : i32
      %dma_wait3A_2782 = tpu.memref_slice %arg3[%dma_wait3A_2780, %dma_wait3A_2781] : memref<1000000x32xf32, #tpu.memory_space<hbm>> -> memref<1000000x32xf32, #tpu.memory_space<hbm>>
      tpu.wait_indirect_dma semaphore(%arg11 : memref<!tpu.dma_semaphore, #tpu.memory_space<semaphore_mem>>) src(%dma_wait3A_2782 : memref<1000000x32xf32, #tpu.memory_space<hbm>>) dst(%dma_wait3A_2772 : memref<50x32xf32, #tpu.memory_space<vmem>>)
      %dma_wait3A_2783 = arith.constant 1 : i32
      %dma_wait3A_2784 = arith.constant 19 : i32
      %dma_wait3A_2785 = arith.constant 1 : i32
      %dma_wait3A_2786 = arith.constant 19 : i32
      %dma_wait3A_2787 = arith.constant 0 : i32
      %dma_wait3A_2788 = arith.constant 0 : i32
      %dma_wait3A_2789 = arith.constant 0 : i32
      %dma_wait3A_2790 = tpu.memref_slice %arg6[%dma_wait3A_2785, %dma_wait3A_2787, %dma_wait3A_2788, %dma_wait3A_2789] : memref<2x32x50x32xf32, #tpu.memory_space<vmem>> -> memref<1x32x50x32xf32, #tpu.memory_space<vmem>>
      %dma_wait3A_2791 = tpu.memref_squeeze %dma_wait3A_2790 : memref<1x32x50x32xf32, #tpu.memory_space<vmem>> -> memref<32x50x32xf32, #tpu.memory_space<vmem>>
      %dma_wait3A_2792 = arith.constant 0 : i32
      %dma_wait3A_2793 = arith.constant 0 : i32
      %dma_wait3A_2794 = tpu.memref_slice %dma_wait3A_2791[%dma_wait3A_2786, %dma_wait3A_2792, %dma_wait3A_2793] : memref<32x50x32xf32, #tpu.memory_space<vmem>> -> memref<1x50x32xf32, #tpu.memory_space<vmem>>
      %dma_wait3A_2795 = tpu.memref_squeeze %dma_wait3A_2794 : memref<1x50x32xf32, #tpu.memory_space<vmem>> -> memref<50x32xf32, #tpu.memory_space<vmem>>
      %dma_wait3A_2796 = arith.constant 0 : i32
      %dma_wait3A_2797 = arith.constant 0 : i32
      %dma_wait3A_2798 = tpu.memref_slice %arg5[%dma_wait3A_2783, %dma_wait3A_2796, %dma_wait3A_2797] : memref<2x32x50xi32, #tpu.memory_space<vmem>> -> memref<1x32x50xi32, #tpu.memory_space<vmem>>
      %dma_wait3A_2799 = tpu.memref_squeeze %dma_wait3A_2798 : memref<1x32x50xi32, #tpu.memory_space<vmem>> -> memref<32x50xi32, #tpu.memory_space<vmem>>
      %dma_wait3A_2800 = arith.constant 0 : i32
      %dma_wait3A_2801 = tpu.memref_slice %dma_wait3A_2799[%dma_wait3A_2784, %dma_wait3A_2800] : memref<32x50xi32, #tpu.memory_space<vmem>> -> memref<1x50xi32, #tpu.memory_space<vmem>>
      %dma_wait3A_2802 = tpu.memref_squeeze %dma_wait3A_2801 : memref<1x50xi32, #tpu.memory_space<vmem>> -> memref<50xi32, #tpu.memory_space<vmem>>
      %dma_wait3A_2803 = arith.constant 0 : i32
      %dma_wait3A_2804 = arith.constant 0 : i32
      %dma_wait3A_2805 = tpu.memref_slice %arg3[%dma_wait3A_2803, %dma_wait3A_2804] : memref<1000000x32xf32, #tpu.memory_space<hbm>> -> memref<1000000x32xf32, #tpu.memory_space<hbm>>
      tpu.wait_indirect_dma semaphore(%arg11 : memref<!tpu.dma_semaphore, #tpu.memory_space<semaphore_mem>>) src(%dma_wait3A_2805 : memref<1000000x32xf32, #tpu.memory_space<hbm>>) dst(%dma_wait3A_2795 : memref<50x32xf32, #tpu.memory_space<vmem>>)
      %dma_wait3A_2806 = arith.constant 1 : i32
      %dma_wait3A_2807 = arith.constant 20 : i32
      %dma_wait3A_2808 = arith.constant 1 : i32
      %dma_wait3A_2809 = arith.constant 20 : i32
      %dma_wait3A_2810 = arith.constant 0 : i32
      %dma_wait3A_2811 = arith.constant 0 : i32
      %dma_wait3A_2812 = arith.constant 0 : i32
      %dma_wait3A_2813 = tpu.memref_slice %arg6[%dma_wait3A_2808, %dma_wait3A_2810, %dma_wait3A_2811, %dma_wait3A_2812] : memref<2x32x50x32xf32, #tpu.memory_space<vmem>> -> memref<1x32x50x32xf32, #tpu.memory_space<vmem>>
      %dma_wait3A_2814 = tpu.memref_squeeze %dma_wait3A_2813 : memref<1x32x50x32xf32, #tpu.memory_space<vmem>> -> memref<32x50x32xf32, #tpu.memory_space<vmem>>
      %dma_wait3A_2815 = arith.constant 0 : i32
      %dma_wait3A_2816 = arith.constant 0 : i32
      %dma_wait3A_2817 = tpu.memref_slice %dma_wait3A_2814[%dma_wait3A_2809, %dma_wait3A_2815, %dma_wait3A_2816] : memref<32x50x32xf32, #tpu.memory_space<vmem>> -> memref<1x50x32xf32, #tpu.memory_space<vmem>>
      %dma_wait3A_2818 = tpu.memref_squeeze %dma_wait3A_2817 : memref<1x50x32xf32, #tpu.memory_space<vmem>> -> memref<50x32xf32, #tpu.memory_space<vmem>>
      %dma_wait3A_2819 = arith.constant 0 : i32
      %dma_wait3A_2820 = arith.constant 0 : i32
      %dma_wait3A_2821 = tpu.memref_slice %arg5[%dma_wait3A_2806, %dma_wait3A_2819, %dma_wait3A_2820] : memref<2x32x50xi32, #tpu.memory_space<vmem>> -> memref<1x32x50xi32, #tpu.memory_space<vmem>>
      %dma_wait3A_2822 = tpu.memref_squeeze %dma_wait3A_2821 : memref<1x32x50xi32, #tpu.memory_space<vmem>> -> memref<32x50xi32, #tpu.memory_space<vmem>>
      %dma_wait3A_2823 = arith.constant 0 : i32
      %dma_wait3A_2824 = tpu.memref_slice %dma_wait3A_2822[%dma_wait3A_2807, %dma_wait3A_2823] : memref<32x50xi32, #tpu.memory_space<vmem>> -> memref<1x50xi32, #tpu.memory_space<vmem>>
      %dma_wait3A_2825 = tpu.memref_squeeze %dma_wait3A_2824 : memref<1x50xi32, #tpu.memory_space<vmem>> -> memref<50xi32, #tpu.memory_space<vmem>>
      %dma_wait3A_2826 = arith.constant 0 : i32
      %dma_wait3A_2827 = arith.constant 0 : i32
      %dma_wait3A_2828 = tpu.memref_slice %arg3[%dma_wait3A_2826, %dma_wait3A_2827] : memref<1000000x32xf32, #tpu.memory_space<hbm>> -> memref<1000000x32xf32, #tpu.memory_space<hbm>>
      tpu.wait_indirect_dma semaphore(%arg11 : memref<!tpu.dma_semaphore, #tpu.memory_space<semaphore_mem>>) src(%dma_wait3A_2828 : memref<1000000x32xf32, #tpu.memory_space<hbm>>) dst(%dma_wait3A_2818 : memref<50x32xf32, #tpu.memory_space<vmem>>)
      %dma_wait3A_2829 = arith.constant 1 : i32
      %dma_wait3A_2830 = arith.constant 21 : i32
      %dma_wait3A_2831 = arith.constant 1 : i32
      %dma_wait3A_2832 = arith.constant 21 : i32
      %dma_wait3A_2833 = arith.constant 0 : i32
      %dma_wait3A_2834 = arith.constant 0 : i32
      %dma_wait3A_2835 = arith.constant 0 : i32
      %dma_wait3A_2836 = tpu.memref_slice %arg6[%dma_wait3A_2831, %dma_wait3A_2833, %dma_wait3A_2834, %dma_wait3A_2835] : memref<2x32x50x32xf32, #tpu.memory_space<vmem>> -> memref<1x32x50x32xf32, #tpu.memory_space<vmem>>
      %dma_wait3A_2837 = tpu.memref_squeeze %dma_wait3A_2836 : memref<1x32x50x32xf32, #tpu.memory_space<vmem>> -> memref<32x50x32xf32, #tpu.memory_space<vmem>>
      %dma_wait3A_2838 = arith.constant 0 : i32
      %dma_wait3A_2839 = arith.constant 0 : i32
      %dma_wait3A_2840 = tpu.memref_slice %dma_wait3A_2837[%dma_wait3A_2832, %dma_wait3A_2838, %dma_wait3A_2839] : memref<32x50x32xf32, #tpu.memory_space<vmem>> -> memref<1x50x32xf32, #tpu.memory_space<vmem>>
      %dma_wait3A_2841 = tpu.memref_squeeze %dma_wait3A_2840 : memref<1x50x32xf32, #tpu.memory_space<vmem>> -> memref<50x32xf32, #tpu.memory_space<vmem>>
      %dma_wait3A_2842 = arith.constant 0 : i32
      %dma_wait3A_2843 = arith.constant 0 : i32
      %dma_wait3A_2844 = tpu.memref_slice %arg5[%dma_wait3A_2829, %dma_wait3A_2842, %dma_wait3A_2843] : memref<2x32x50xi32, #tpu.memory_space<vmem>> -> memref<1x32x50xi32, #tpu.memory_space<vmem>>
      %dma_wait3A_2845 = tpu.memref_squeeze %dma_wait3A_2844 : memref<1x32x50xi32, #tpu.memory_space<vmem>> -> memref<32x50xi32, #tpu.memory_space<vmem>>
      %dma_wait3A_2846 = arith.constant 0 : i32
      %dma_wait3A_2847 = tpu.memref_slice %dma_wait3A_2845[%dma_wait3A_2830, %dma_wait3A_2846] : memref<32x50xi32, #tpu.memory_space<vmem>> -> memref<1x50xi32, #tpu.memory_space<vmem>>
      %dma_wait3A_2848 = tpu.memref_squeeze %dma_wait3A_2847 : memref<1x50xi32, #tpu.memory_space<vmem>> -> memref<50xi32, #tpu.memory_space<vmem>>
      %dma_wait3A_2849 = arith.constant 0 : i32
      %dma_wait3A_2850 = arith.constant 0 : i32
      %dma_wait3A_2851 = tpu.memref_slice %arg3[%dma_wait3A_2849, %dma_wait3A_2850] : memref<1000000x32xf32, #tpu.memory_space<hbm>> -> memref<1000000x32xf32, #tpu.memory_space<hbm>>
      tpu.wait_indirect_dma semaphore(%arg11 : memref<!tpu.dma_semaphore, #tpu.memory_space<semaphore_mem>>) src(%dma_wait3A_2851 : memref<1000000x32xf32, #tpu.memory_space<hbm>>) dst(%dma_wait3A_2841 : memref<50x32xf32, #tpu.memory_space<vmem>>)
      %dma_wait3A_2852 = arith.constant 1 : i32
      %dma_wait3A_2853 = arith.constant 22 : i32
      %dma_wait3A_2854 = arith.constant 1 : i32
      %dma_wait3A_2855 = arith.constant 22 : i32
      %dma_wait3A_2856 = arith.constant 0 : i32
      %dma_wait3A_2857 = arith.constant 0 : i32
      %dma_wait3A_2858 = arith.constant 0 : i32
      %dma_wait3A_2859 = tpu.memref_slice %arg6[%dma_wait3A_2854, %dma_wait3A_2856, %dma_wait3A_2857, %dma_wait3A_2858] : memref<2x32x50x32xf32, #tpu.memory_space<vmem>> -> memref<1x32x50x32xf32, #tpu.memory_space<vmem>>
      %dma_wait3A_2860 = tpu.memref_squeeze %dma_wait3A_2859 : memref<1x32x50x32xf32, #tpu.memory_space<vmem>> -> memref<32x50x32xf32, #tpu.memory_space<vmem>>
      %dma_wait3A_2861 = arith.constant 0 : i32
      %dma_wait3A_2862 = arith.constant 0 : i32
      %dma_wait3A_2863 = tpu.memref_slice %dma_wait3A_2860[%dma_wait3A_2855, %dma_wait3A_2861, %dma_wait3A_2862] : memref<32x50x32xf32, #tpu.memory_space<vmem>> -> memref<1x50x32xf32, #tpu.memory_space<vmem>>
      %dma_wait3A_2864 = tpu.memref_squeeze %dma_wait3A_2863 : memref<1x50x32xf32, #tpu.memory_space<vmem>> -> memref<50x32xf32, #tpu.memory_space<vmem>>
      %dma_wait3A_2865 = arith.constant 0 : i32
      %dma_wait3A_2866 = arith.constant 0 : i32
      %dma_wait3A_2867 = tpu.memref_slice %arg5[%dma_wait3A_2852, %dma_wait3A_2865, %dma_wait3A_2866] : memref<2x32x50xi32, #tpu.memory_space<vmem>> -> memref<1x32x50xi32, #tpu.memory_space<vmem>>
      %dma_wait3A_2868 = tpu.memref_squeeze %dma_wait3A_2867 : memref<1x32x50xi32, #tpu.memory_space<vmem>> -> memref<32x50xi32, #tpu.memory_space<vmem>>
      %dma_wait3A_2869 = arith.constant 0 : i32
      %dma_wait3A_2870 = tpu.memref_slice %dma_wait3A_2868[%dma_wait3A_2853, %dma_wait3A_2869] : memref<32x50xi32, #tpu.memory_space<vmem>> -> memref<1x50xi32, #tpu.memory_space<vmem>>
      %dma_wait3A_2871 = tpu.memref_squeeze %dma_wait3A_2870 : memref<1x50xi32, #tpu.memory_space<vmem>> -> memref<50xi32, #tpu.memory_space<vmem>>
      %dma_wait3A_2872 = arith.constant 0 : i32
      %dma_wait3A_2873 = arith.constant 0 : i32
      %dma_wait3A_2874 = tpu.memref_slice %arg3[%dma_wait3A_2872, %dma_wait3A_2873] : memref<1000000x32xf32, #tpu.memory_space<hbm>> -> memref<1000000x32xf32, #tpu.memory_space<hbm>>
      tpu.wait_indirect_dma semaphore(%arg11 : memref<!tpu.dma_semaphore, #tpu.memory_space<semaphore_mem>>) src(%dma_wait3A_2874 : memref<1000000x32xf32, #tpu.memory_space<hbm>>) dst(%dma_wait3A_2864 : memref<50x32xf32, #tpu.memory_space<vmem>>)
      %dma_wait3A_2875 = arith.constant 1 : i32
      %dma_wait3A_2876 = arith.constant 23 : i32
      %dma_wait3A_2877 = arith.constant 1 : i32
      %dma_wait3A_2878 = arith.constant 23 : i32
      %dma_wait3A_2879 = arith.constant 0 : i32
      %dma_wait3A_2880 = arith.constant 0 : i32
      %dma_wait3A_2881 = arith.constant 0 : i32
      %dma_wait3A_2882 = tpu.memref_slice %arg6[%dma_wait3A_2877, %dma_wait3A_2879, %dma_wait3A_2880, %dma_wait3A_2881] : memref<2x32x50x32xf32, #tpu.memory_space<vmem>> -> memref<1x32x50x32xf32, #tpu.memory_space<vmem>>
      %dma_wait3A_2883 = tpu.memref_squeeze %dma_wait3A_2882 : memref<1x32x50x32xf32, #tpu.memory_space<vmem>> -> memref<32x50x32xf32, #tpu.memory_space<vmem>>
      %dma_wait3A_2884 = arith.constant 0 : i32
      %dma_wait3A_2885 = arith.constant 0 : i32
      %dma_wait3A_2886 = tpu.memref_slice %dma_wait3A_2883[%dma_wait3A_2878, %dma_wait3A_2884, %dma_wait3A_2885] : memref<32x50x32xf32, #tpu.memory_space<vmem>> -> memref<1x50x32xf32, #tpu.memory_space<vmem>>
      %dma_wait3A_2887 = tpu.memref_squeeze %dma_wait3A_2886 : memref<1x50x32xf32, #tpu.memory_space<vmem>> -> memref<50x32xf32, #tpu.memory_space<vmem>>
      %dma_wait3A_2888 = arith.constant 0 : i32
      %dma_wait3A_2889 = arith.constant 0 : i32
      %dma_wait3A_2890 = tpu.memref_slice %arg5[%dma_wait3A_2875, %dma_wait3A_2888, %dma_wait3A_2889] : memref<2x32x50xi32, #tpu.memory_space<vmem>> -> memref<1x32x50xi32, #tpu.memory_space<vmem>>
      %dma_wait3A_2891 = tpu.memref_squeeze %dma_wait3A_2890 : memref<1x32x50xi32, #tpu.memory_space<vmem>> -> memref<32x50xi32, #tpu.memory_space<vmem>>
      %dma_wait3A_2892 = arith.constant 0 : i32
      %dma_wait3A_2893 = tpu.memref_slice %dma_wait3A_2891[%dma_wait3A_2876, %dma_wait3A_2892] : memref<32x50xi32, #tpu.memory_space<vmem>> -> memref<1x50xi32, #tpu.memory_space<vmem>>
      %dma_wait3A_2894 = tpu.memref_squeeze %dma_wait3A_2893 : memref<1x50xi32, #tpu.memory_space<vmem>> -> memref<50xi32, #tpu.memory_space<vmem>>
      %dma_wait3A_2895 = arith.constant 0 : i32
      %dma_wait3A_2896 = arith.constant 0 : i32
      %dma_wait3A_2897 = tpu.memref_slice %arg3[%dma_wait3A_2895, %dma_wait3A_2896] : memref<1000000x32xf32, #tpu.memory_space<hbm>> -> memref<1000000x32xf32, #tpu.memory_space<hbm>>
      tpu.wait_indirect_dma semaphore(%arg11 : memref<!tpu.dma_semaphore, #tpu.memory_space<semaphore_mem>>) src(%dma_wait3A_2897 : memref<1000000x32xf32, #tpu.memory_space<hbm>>) dst(%dma_wait3A_2887 : memref<50x32xf32, #tpu.memory_space<vmem>>)
      %dma_wait3A_2898 = arith.constant 1 : i32
      %dma_wait3A_2899 = arith.constant 24 : i32
      %dma_wait3A_2900 = arith.constant 1 : i32
      %dma_wait3A_2901 = arith.constant 24 : i32
      %dma_wait3A_2902 = arith.constant 0 : i32
      %dma_wait3A_2903 = arith.constant 0 : i32
      %dma_wait3A_2904 = arith.constant 0 : i32
      %dma_wait3A_2905 = tpu.memref_slice %arg6[%dma_wait3A_2900, %dma_wait3A_2902, %dma_wait3A_2903, %dma_wait3A_2904] : memref<2x32x50x32xf32, #tpu.memory_space<vmem>> -> memref<1x32x50x32xf32, #tpu.memory_space<vmem>>
      %dma_wait3A_2906 = tpu.memref_squeeze %dma_wait3A_2905 : memref<1x32x50x32xf32, #tpu.memory_space<vmem>> -> memref<32x50x32xf32, #tpu.memory_space<vmem>>
      %dma_wait3A_2907 = arith.constant 0 : i32
      %dma_wait3A_2908 = arith.constant 0 : i32
      %dma_wait3A_2909 = tpu.memref_slice %dma_wait3A_2906[%dma_wait3A_2901, %dma_wait3A_2907, %dma_wait3A_2908] : memref<32x50x32xf32, #tpu.memory_space<vmem>> -> memref<1x50x32xf32, #tpu.memory_space<vmem>>
      %dma_wait3A_2910 = tpu.memref_squeeze %dma_wait3A_2909 : memref<1x50x32xf32, #tpu.memory_space<vmem>> -> memref<50x32xf32, #tpu.memory_space<vmem>>
      %dma_wait3A_2911 = arith.constant 0 : i32
      %dma_wait3A_2912 = arith.constant 0 : i32
      %dma_wait3A_2913 = tpu.memref_slice %arg5[%dma_wait3A_2898, %dma_wait3A_2911, %dma_wait3A_2912] : memref<2x32x50xi32, #tpu.memory_space<vmem>> -> memref<1x32x50xi32, #tpu.memory_space<vmem>>
      %dma_wait3A_2914 = tpu.memref_squeeze %dma_wait3A_2913 : memref<1x32x50xi32, #tpu.memory_space<vmem>> -> memref<32x50xi32, #tpu.memory_space<vmem>>
      %dma_wait3A_2915 = arith.constant 0 : i32
      %dma_wait3A_2916 = tpu.memref_slice %dma_wait3A_2914[%dma_wait3A_2899, %dma_wait3A_2915] : memref<32x50xi32, #tpu.memory_space<vmem>> -> memref<1x50xi32, #tpu.memory_space<vmem>>
      %dma_wait3A_2917 = tpu.memref_squeeze %dma_wait3A_2916 : memref<1x50xi32, #tpu.memory_space<vmem>> -> memref<50xi32, #tpu.memory_space<vmem>>
      %dma_wait3A_2918 = arith.constant 0 : i32
      %dma_wait3A_2919 = arith.constant 0 : i32
      %dma_wait3A_2920 = tpu.memref_slice %arg3[%dma_wait3A_2918, %dma_wait3A_2919] : memref<1000000x32xf32, #tpu.memory_space<hbm>> -> memref<1000000x32xf32, #tpu.memory_space<hbm>>
      tpu.wait_indirect_dma semaphore(%arg11 : memref<!tpu.dma_semaphore, #tpu.memory_space<semaphore_mem>>) src(%dma_wait3A_2920 : memref<1000000x32xf32, #tpu.memory_space<hbm>>) dst(%dma_wait3A_2910 : memref<50x32xf32, #tpu.memory_space<vmem>>)
      %dma_wait3A_2921 = arith.constant 1 : i32
      %dma_wait3A_2922 = arith.constant 25 : i32
      %dma_wait3A_2923 = arith.constant 1 : i32
      %dma_wait3A_2924 = arith.constant 25 : i32
      %dma_wait3A_2925 = arith.constant 0 : i32
      %dma_wait3A_2926 = arith.constant 0 : i32
      %dma_wait3A_2927 = arith.constant 0 : i32
      %dma_wait3A_2928 = tpu.memref_slice %arg6[%dma_wait3A_2923, %dma_wait3A_2925, %dma_wait3A_2926, %dma_wait3A_2927] : memref<2x32x50x32xf32, #tpu.memory_space<vmem>> -> memref<1x32x50x32xf32, #tpu.memory_space<vmem>>
      %dma_wait3A_2929 = tpu.memref_squeeze %dma_wait3A_2928 : memref<1x32x50x32xf32, #tpu.memory_space<vmem>> -> memref<32x50x32xf32, #tpu.memory_space<vmem>>
      %dma_wait3A_2930 = arith.constant 0 : i32
      %dma_wait3A_2931 = arith.constant 0 : i32
      %dma_wait3A_2932 = tpu.memref_slice %dma_wait3A_2929[%dma_wait3A_2924, %dma_wait3A_2930, %dma_wait3A_2931] : memref<32x50x32xf32, #tpu.memory_space<vmem>> -> memref<1x50x32xf32, #tpu.memory_space<vmem>>
      %dma_wait3A_2933 = tpu.memref_squeeze %dma_wait3A_2932 : memref<1x50x32xf32, #tpu.memory_space<vmem>> -> memref<50x32xf32, #tpu.memory_space<vmem>>
      %dma_wait3A_2934 = arith.constant 0 : i32
      %dma_wait3A_2935 = arith.constant 0 : i32
      %dma_wait3A_2936 = tpu.memref_slice %arg5[%dma_wait3A_2921, %dma_wait3A_2934, %dma_wait3A_2935] : memref<2x32x50xi32, #tpu.memory_space<vmem>> -> memref<1x32x50xi32, #tpu.memory_space<vmem>>
      %dma_wait3A_2937 = tpu.memref_squeeze %dma_wait3A_2936 : memref<1x32x50xi32, #tpu.memory_space<vmem>> -> memref<32x50xi32, #tpu.memory_space<vmem>>
      %dma_wait3A_2938 = arith.constant 0 : i32
      %dma_wait3A_2939 = tpu.memref_slice %dma_wait3A_2937[%dma_wait3A_2922, %dma_wait3A_2938] : memref<32x50xi32, #tpu.memory_space<vmem>> -> memref<1x50xi32, #tpu.memory_space<vmem>>
      %dma_wait3A_2940 = tpu.memref_squeeze %dma_wait3A_2939 : memref<1x50xi32, #tpu.memory_space<vmem>> -> memref<50xi32, #tpu.memory_space<vmem>>
      %dma_wait3A_2941 = arith.constant 0 : i32
      %dma_wait3A_2942 = arith.constant 0 : i32
      %dma_wait3A_2943 = tpu.memref_slice %arg3[%dma_wait3A_2941, %dma_wait3A_2942] : memref<1000000x32xf32, #tpu.memory_space<hbm>> -> memref<1000000x32xf32, #tpu.memory_space<hbm>>
      tpu.wait_indirect_dma semaphore(%arg11 : memref<!tpu.dma_semaphore, #tpu.memory_space<semaphore_mem>>) src(%dma_wait3A_2943 : memref<1000000x32xf32, #tpu.memory_space<hbm>>) dst(%dma_wait3A_2933 : memref<50x32xf32, #tpu.memory_space<vmem>>)
      %dma_wait3A_2944 = arith.constant 1 : i32
      %dma_wait3A_2945 = arith.constant 26 : i32
      %dma_wait3A_2946 = arith.constant 1 : i32
      %dma_wait3A_2947 = arith.constant 26 : i32
      %dma_wait3A_2948 = arith.constant 0 : i32
      %dma_wait3A_2949 = arith.constant 0 : i32
      %dma_wait3A_2950 = arith.constant 0 : i32
      %dma_wait3A_2951 = tpu.memref_slice %arg6[%dma_wait3A_2946, %dma_wait3A_2948, %dma_wait3A_2949, %dma_wait3A_2950] : memref<2x32x50x32xf32, #tpu.memory_space<vmem>> -> memref<1x32x50x32xf32, #tpu.memory_space<vmem>>
      %dma_wait3A_2952 = tpu.memref_squeeze %dma_wait3A_2951 : memref<1x32x50x32xf32, #tpu.memory_space<vmem>> -> memref<32x50x32xf32, #tpu.memory_space<vmem>>
      %dma_wait3A_2953 = arith.constant 0 : i32
      %dma_wait3A_2954 = arith.constant 0 : i32
      %dma_wait3A_2955 = tpu.memref_slice %dma_wait3A_2952[%dma_wait3A_2947, %dma_wait3A_2953, %dma_wait3A_2954] : memref<32x50x32xf32, #tpu.memory_space<vmem>> -> memref<1x50x32xf32, #tpu.memory_space<vmem>>
      %dma_wait3A_2956 = tpu.memref_squeeze %dma_wait3A_2955 : memref<1x50x32xf32, #tpu.memory_space<vmem>> -> memref<50x32xf32, #tpu.memory_space<vmem>>
      %dma_wait3A_2957 = arith.constant 0 : i32
      %dma_wait3A_2958 = arith.constant 0 : i32
      %dma_wait3A_2959 = tpu.memref_slice %arg5[%dma_wait3A_2944, %dma_wait3A_2957, %dma_wait3A_2958] : memref<2x32x50xi32, #tpu.memory_space<vmem>> -> memref<1x32x50xi32, #tpu.memory_space<vmem>>
      %dma_wait3A_2960 = tpu.memref_squeeze %dma_wait3A_2959 : memref<1x32x50xi32, #tpu.memory_space<vmem>> -> memref<32x50xi32, #tpu.memory_space<vmem>>
      %dma_wait3A_2961 = arith.constant 0 : i32
      %dma_wait3A_2962 = tpu.memref_slice %dma_wait3A_2960[%dma_wait3A_2945, %dma_wait3A_2961] : memref<32x50xi32, #tpu.memory_space<vmem>> -> memref<1x50xi32, #tpu.memory_space<vmem>>
      %dma_wait3A_2963 = tpu.memref_squeeze %dma_wait3A_2962 : memref<1x50xi32, #tpu.memory_space<vmem>> -> memref<50xi32, #tpu.memory_space<vmem>>
      %dma_wait3A_2964 = arith.constant 0 : i32
      %dma_wait3A_2965 = arith.constant 0 : i32
      %dma_wait3A_2966 = tpu.memref_slice %arg3[%dma_wait3A_2964, %dma_wait3A_2965] : memref<1000000x32xf32, #tpu.memory_space<hbm>> -> memref<1000000x32xf32, #tpu.memory_space<hbm>>
      tpu.wait_indirect_dma semaphore(%arg11 : memref<!tpu.dma_semaphore, #tpu.memory_space<semaphore_mem>>) src(%dma_wait3A_2966 : memref<1000000x32xf32, #tpu.memory_space<hbm>>) dst(%dma_wait3A_2956 : memref<50x32xf32, #tpu.memory_space<vmem>>)
      %dma_wait3A_2967 = arith.constant 1 : i32
      %dma_wait3A_2968 = arith.constant 27 : i32
      %dma_wait3A_2969 = arith.constant 1 : i32
      %dma_wait3A_2970 = arith.constant 27 : i32
      %dma_wait3A_2971 = arith.constant 0 : i32
      %dma_wait3A_2972 = arith.constant 0 : i32
      %dma_wait3A_2973 = arith.constant 0 : i32
      %dma_wait3A_2974 = tpu.memref_slice %arg6[%dma_wait3A_2969, %dma_wait3A_2971, %dma_wait3A_2972, %dma_wait3A_2973] : memref<2x32x50x32xf32, #tpu.memory_space<vmem>> -> memref<1x32x50x32xf32, #tpu.memory_space<vmem>>
      %dma_wait3A_2975 = tpu.memref_squeeze %dma_wait3A_2974 : memref<1x32x50x32xf32, #tpu.memory_space<vmem>> -> memref<32x50x32xf32, #tpu.memory_space<vmem>>
      %dma_wait3A_2976 = arith.constant 0 : i32
      %dma_wait3A_2977 = arith.constant 0 : i32
      %dma_wait3A_2978 = tpu.memref_slice %dma_wait3A_2975[%dma_wait3A_2970, %dma_wait3A_2976, %dma_wait3A_2977] : memref<32x50x32xf32, #tpu.memory_space<vmem>> -> memref<1x50x32xf32, #tpu.memory_space<vmem>>
      %dma_wait3A_2979 = tpu.memref_squeeze %dma_wait3A_2978 : memref<1x50x32xf32, #tpu.memory_space<vmem>> -> memref<50x32xf32, #tpu.memory_space<vmem>>
      %dma_wait3A_2980 = arith.constant 0 : i32
      %dma_wait3A_2981 = arith.constant 0 : i32
      %dma_wait3A_2982 = tpu.memref_slice %arg5[%dma_wait3A_2967, %dma_wait3A_2980, %dma_wait3A_2981] : memref<2x32x50xi32, #tpu.memory_space<vmem>> -> memref<1x32x50xi32, #tpu.memory_space<vmem>>
      %dma_wait3A_2983 = tpu.memref_squeeze %dma_wait3A_2982 : memref<1x32x50xi32, #tpu.memory_space<vmem>> -> memref<32x50xi32, #tpu.memory_space<vmem>>
      %dma_wait3A_2984 = arith.constant 0 : i32
      %dma_wait3A_2985 = tpu.memref_slice %dma_wait3A_2983[%dma_wait3A_2968, %dma_wait3A_2984] : memref<32x50xi32, #tpu.memory_space<vmem>> -> memref<1x50xi32, #tpu.memory_space<vmem>>
      %dma_wait3A_2986 = tpu.memref_squeeze %dma_wait3A_2985 : memref<1x50xi32, #tpu.memory_space<vmem>> -> memref<50xi32, #tpu.memory_space<vmem>>
      %dma_wait3A_2987 = arith.constant 0 : i32
      %dma_wait3A_2988 = arith.constant 0 : i32
      %dma_wait3A_2989 = tpu.memref_slice %arg3[%dma_wait3A_2987, %dma_wait3A_2988] : memref<1000000x32xf32, #tpu.memory_space<hbm>> -> memref<1000000x32xf32, #tpu.memory_space<hbm>>
      tpu.wait_indirect_dma semaphore(%arg11 : memref<!tpu.dma_semaphore, #tpu.memory_space<semaphore_mem>>) src(%dma_wait3A_2989 : memref<1000000x32xf32, #tpu.memory_space<hbm>>) dst(%dma_wait3A_2979 : memref<50x32xf32, #tpu.memory_space<vmem>>)
      %dma_wait3A_2990 = arith.constant 1 : i32
      %dma_wait3A_2991 = arith.constant 28 : i32
      %dma_wait3A_2992 = arith.constant 1 : i32
      %dma_wait3A_2993 = arith.constant 28 : i32
      %dma_wait3A_2994 = arith.constant 0 : i32
      %dma_wait3A_2995 = arith.constant 0 : i32
      %dma_wait3A_2996 = arith.constant 0 : i32
      %dma_wait3A_2997 = tpu.memref_slice %arg6[%dma_wait3A_2992, %dma_wait3A_2994, %dma_wait3A_2995, %dma_wait3A_2996] : memref<2x32x50x32xf32, #tpu.memory_space<vmem>> -> memref<1x32x50x32xf32, #tpu.memory_space<vmem>>
      %dma_wait3A_2998 = tpu.memref_squeeze %dma_wait3A_2997 : memref<1x32x50x32xf32, #tpu.memory_space<vmem>> -> memref<32x50x32xf32, #tpu.memory_space<vmem>>
      %dma_wait3A_2999 = arith.constant 0 : i32
      %dma_wait3A_3000 = arith.constant 0 : i32
      %dma_wait3A_3001 = tpu.memref_slice %dma_wait3A_2998[%dma_wait3A_2993, %dma_wait3A_2999, %dma_wait3A_3000] : memref<32x50x32xf32, #tpu.memory_space<vmem>> -> memref<1x50x32xf32, #tpu.memory_space<vmem>>
      %dma_wait3A_3002 = tpu.memref_squeeze %dma_wait3A_3001 : memref<1x50x32xf32, #tpu.memory_space<vmem>> -> memref<50x32xf32, #tpu.memory_space<vmem>>
      %dma_wait3A_3003 = arith.constant 0 : i32
      %dma_wait3A_3004 = arith.constant 0 : i32
      %dma_wait3A_3005 = tpu.memref_slice %arg5[%dma_wait3A_2990, %dma_wait3A_3003, %dma_wait3A_3004] : memref<2x32x50xi32, #tpu.memory_space<vmem>> -> memref<1x32x50xi32, #tpu.memory_space<vmem>>
      %dma_wait3A_3006 = tpu.memref_squeeze %dma_wait3A_3005 : memref<1x32x50xi32, #tpu.memory_space<vmem>> -> memref<32x50xi32, #tpu.memory_space<vmem>>
      %dma_wait3A_3007 = arith.constant 0 : i32
      %dma_wait3A_3008 = tpu.memref_slice %dma_wait3A_3006[%dma_wait3A_2991, %dma_wait3A_3007] : memref<32x50xi32, #tpu.memory_space<vmem>> -> memref<1x50xi32, #tpu.memory_space<vmem>>
      %dma_wait3A_3009 = tpu.memref_squeeze %dma_wait3A_3008 : memref<1x50xi32, #tpu.memory_space<vmem>> -> memref<50xi32, #tpu.memory_space<vmem>>
      %dma_wait3A_3010 = arith.constant 0 : i32
      %dma_wait3A_3011 = arith.constant 0 : i32
      %dma_wait3A_3012 = tpu.memref_slice %arg3[%dma_wait3A_3010, %dma_wait3A_3011] : memref<1000000x32xf32, #tpu.memory_space<hbm>> -> memref<1000000x32xf32, #tpu.memory_space<hbm>>
      tpu.wait_indirect_dma semaphore(%arg11 : memref<!tpu.dma_semaphore, #tpu.memory_space<semaphore_mem>>) src(%dma_wait3A_3012 : memref<1000000x32xf32, #tpu.memory_space<hbm>>) dst(%dma_wait3A_3002 : memref<50x32xf32, #tpu.memory_space<vmem>>)
      %dma_wait3A_3013 = arith.constant 1 : i32
      %dma_wait3A_3014 = arith.constant 29 : i32
      %dma_wait3A_3015 = arith.constant 1 : i32
      %dma_wait3A_3016 = arith.constant 29 : i32
      %dma_wait3A_3017 = arith.constant 0 : i32
      %dma_wait3A_3018 = arith.constant 0 : i32
      %dma_wait3A_3019 = arith.constant 0 : i32
      %dma_wait3A_3020 = tpu.memref_slice %arg6[%dma_wait3A_3015, %dma_wait3A_3017, %dma_wait3A_3018, %dma_wait3A_3019] : memref<2x32x50x32xf32, #tpu.memory_space<vmem>> -> memref<1x32x50x32xf32, #tpu.memory_space<vmem>>
      %dma_wait3A_3021 = tpu.memref_squeeze %dma_wait3A_3020 : memref<1x32x50x32xf32, #tpu.memory_space<vmem>> -> memref<32x50x32xf32, #tpu.memory_space<vmem>>
      %dma_wait3A_3022 = arith.constant 0 : i32
      %dma_wait3A_3023 = arith.constant 0 : i32
      %dma_wait3A_3024 = tpu.memref_slice %dma_wait3A_3021[%dma_wait3A_3016, %dma_wait3A_3022, %dma_wait3A_3023] : memref<32x50x32xf32, #tpu.memory_space<vmem>> -> memref<1x50x32xf32, #tpu.memory_space<vmem>>
      %dma_wait3A_3025 = tpu.memref_squeeze %dma_wait3A_3024 : memref<1x50x32xf32, #tpu.memory_space<vmem>> -> memref<50x32xf32, #tpu.memory_space<vmem>>
      %dma_wait3A_3026 = arith.constant 0 : i32
      %dma_wait3A_3027 = arith.constant 0 : i32
      %dma_wait3A_3028 = tpu.memref_slice %arg5[%dma_wait3A_3013, %dma_wait3A_3026, %dma_wait3A_3027] : memref<2x32x50xi32, #tpu.memory_space<vmem>> -> memref<1x32x50xi32, #tpu.memory_space<vmem>>
      %dma_wait3A_3029 = tpu.memref_squeeze %dma_wait3A_3028 : memref<1x32x50xi32, #tpu.memory_space<vmem>> -> memref<32x50xi32, #tpu.memory_space<vmem>>
      %dma_wait3A_3030 = arith.constant 0 : i32
      %dma_wait3A_3031 = tpu.memref_slice %dma_wait3A_3029[%dma_wait3A_3014, %dma_wait3A_3030] : memref<32x50xi32, #tpu.memory_space<vmem>> -> memref<1x50xi32, #tpu.memory_space<vmem>>
      %dma_wait3A_3032 = tpu.memref_squeeze %dma_wait3A_3031 : memref<1x50xi32, #tpu.memory_space<vmem>> -> memref<50xi32, #tpu.memory_space<vmem>>
      %dma_wait3A_3033 = arith.constant 0 : i32
      %dma_wait3A_3034 = arith.constant 0 : i32
      %dma_wait3A_3035 = tpu.memref_slice %arg3[%dma_wait3A_3033, %dma_wait3A_3034] : memref<1000000x32xf32, #tpu.memory_space<hbm>> -> memref<1000000x32xf32, #tpu.memory_space<hbm>>
      tpu.wait_indirect_dma semaphore(%arg11 : memref<!tpu.dma_semaphore, #tpu.memory_space<semaphore_mem>>) src(%dma_wait3A_3035 : memref<1000000x32xf32, #tpu.memory_space<hbm>>) dst(%dma_wait3A_3025 : memref<50x32xf32, #tpu.memory_space<vmem>>)
      %dma_wait3A_3036 = arith.constant 1 : i32
      %dma_wait3A_3037 = arith.constant 30 : i32
      %dma_wait3A_3038 = arith.constant 1 : i32
      %dma_wait3A_3039 = arith.constant 30 : i32
      %dma_wait3A_3040 = arith.constant 0 : i32
      %dma_wait3A_3041 = arith.constant 0 : i32
      %dma_wait3A_3042 = arith.constant 0 : i32
      %dma_wait3A_3043 = tpu.memref_slice %arg6[%dma_wait3A_3038, %dma_wait3A_3040, %dma_wait3A_3041, %dma_wait3A_3042] : memref<2x32x50x32xf32, #tpu.memory_space<vmem>> -> memref<1x32x50x32xf32, #tpu.memory_space<vmem>>
      %dma_wait3A_3044 = tpu.memref_squeeze %dma_wait3A_3043 : memref<1x32x50x32xf32, #tpu.memory_space<vmem>> -> memref<32x50x32xf32, #tpu.memory_space<vmem>>
      %dma_wait3A_3045 = arith.constant 0 : i32
      %dma_wait3A_3046 = arith.constant 0 : i32
      %dma_wait3A_3047 = tpu.memref_slice %dma_wait3A_3044[%dma_wait3A_3039, %dma_wait3A_3045, %dma_wait3A_3046] : memref<32x50x32xf32, #tpu.memory_space<vmem>> -> memref<1x50x32xf32, #tpu.memory_space<vmem>>
      %dma_wait3A_3048 = tpu.memref_squeeze %dma_wait3A_3047 : memref<1x50x32xf32, #tpu.memory_space<vmem>> -> memref<50x32xf32, #tpu.memory_space<vmem>>
      %dma_wait3A_3049 = arith.constant 0 : i32
      %dma_wait3A_3050 = arith.constant 0 : i32
      %dma_wait3A_3051 = tpu.memref_slice %arg5[%dma_wait3A_3036, %dma_wait3A_3049, %dma_wait3A_3050] : memref<2x32x50xi32, #tpu.memory_space<vmem>> -> memref<1x32x50xi32, #tpu.memory_space<vmem>>
      %dma_wait3A_3052 = tpu.memref_squeeze %dma_wait3A_3051 : memref<1x32x50xi32, #tpu.memory_space<vmem>> -> memref<32x50xi32, #tpu.memory_space<vmem>>
      %dma_wait3A_3053 = arith.constant 0 : i32
      %dma_wait3A_3054 = tpu.memref_slice %dma_wait3A_3052[%dma_wait3A_3037, %dma_wait3A_3053] : memref<32x50xi32, #tpu.memory_space<vmem>> -> memref<1x50xi32, #tpu.memory_space<vmem>>
      %dma_wait3A_3055 = tpu.memref_squeeze %dma_wait3A_3054 : memref<1x50xi32, #tpu.memory_space<vmem>> -> memref<50xi32, #tpu.memory_space<vmem>>
      %dma_wait3A_3056 = arith.constant 0 : i32
      %dma_wait3A_3057 = arith.constant 0 : i32
      %dma_wait3A_3058 = tpu.memref_slice %arg3[%dma_wait3A_3056, %dma_wait3A_3057] : memref<1000000x32xf32, #tpu.memory_space<hbm>> -> memref<1000000x32xf32, #tpu.memory_space<hbm>>
      tpu.wait_indirect_dma semaphore(%arg11 : memref<!tpu.dma_semaphore, #tpu.memory_space<semaphore_mem>>) src(%dma_wait3A_3058 : memref<1000000x32xf32, #tpu.memory_space<hbm>>) dst(%dma_wait3A_3048 : memref<50x32xf32, #tpu.memory_space<vmem>>)
      %dma_wait3A_3059 = arith.constant 1 : i32
      %dma_wait3A_3060 = arith.constant 31 : i32
      %dma_wait3A_3061 = arith.constant 1 : i32
      %dma_wait3A_3062 = arith.constant 31 : i32
      %dma_wait3A_3063 = arith.constant 0 : i32
      %dma_wait3A_3064 = arith.constant 0 : i32
      %dma_wait3A_3065 = arith.constant 0 : i32
      %dma_wait3A_3066 = tpu.memref_slice %arg6[%dma_wait3A_3061, %dma_wait3A_3063, %dma_wait3A_3064, %dma_wait3A_3065] : memref<2x32x50x32xf32, #tpu.memory_space<vmem>> -> memref<1x32x50x32xf32, #tpu.memory_space<vmem>>
      %dma_wait3A_3067 = tpu.memref_squeeze %dma_wait3A_3066 : memref<1x32x50x32xf32, #tpu.memory_space<vmem>> -> memref<32x50x32xf32, #tpu.memory_space<vmem>>
      %dma_wait3A_3068 = arith.constant 0 : i32
      %dma_wait3A_3069 = arith.constant 0 : i32
      %dma_wait3A_3070 = tpu.memref_slice %dma_wait3A_3067[%dma_wait3A_3062, %dma_wait3A_3068, %dma_wait3A_3069] : memref<32x50x32xf32, #tpu.memory_space<vmem>> -> memref<1x50x32xf32, #tpu.memory_space<vmem>>
      %dma_wait3A_3071 = tpu.memref_squeeze %dma_wait3A_3070 : memref<1x50x32xf32, #tpu.memory_space<vmem>> -> memref<50x32xf32, #tpu.memory_space<vmem>>
      %dma_wait3A_3072 = arith.constant 0 : i32
      %dma_wait3A_3073 = arith.constant 0 : i32
      %dma_wait3A_3074 = tpu.memref_slice %arg5[%dma_wait3A_3059, %dma_wait3A_3072, %dma_wait3A_3073] : memref<2x32x50xi32, #tpu.memory_space<vmem>> -> memref<1x32x50xi32, #tpu.memory_space<vmem>>
      %dma_wait3A_3075 = tpu.memref_squeeze %dma_wait3A_3074 : memref<1x32x50xi32, #tpu.memory_space<vmem>> -> memref<32x50xi32, #tpu.memory_space<vmem>>
      %dma_wait3A_3076 = arith.constant 0 : i32
      %dma_wait3A_3077 = tpu.memref_slice %dma_wait3A_3075[%dma_wait3A_3060, %dma_wait3A_3076] : memref<32x50xi32, #tpu.memory_space<vmem>> -> memref<1x50xi32, #tpu.memory_space<vmem>>
      %dma_wait3A_3078 = tpu.memref_squeeze %dma_wait3A_3077 : memref<1x50xi32, #tpu.memory_space<vmem>> -> memref<50xi32, #tpu.memory_space<vmem>>
      %dma_wait3A_3079 = arith.constant 0 : i32
      %dma_wait3A_3080 = arith.constant 0 : i32
      %dma_wait3A_3081 = tpu.memref_slice %arg3[%dma_wait3A_3079, %dma_wait3A_3080] : memref<1000000x32xf32, #tpu.memory_space<hbm>> -> memref<1000000x32xf32, #tpu.memory_space<hbm>>
      tpu.wait_indirect_dma semaphore(%arg11 : memref<!tpu.dma_semaphore, #tpu.memory_space<semaphore_mem>>) src(%dma_wait3A_3081 : memref<1000000x32xf32, #tpu.memory_space<hbm>>) dst(%dma_wait3A_3071 : memref<50x32xf32, #tpu.memory_space<vmem>>)
      %add3A_3082 = arith.constant 2 : i32
      %add3A_3083 = arith.addi %add3A_1591, %add3A_3082 : i32
      %lt3A_3084 = arith.constant 16 : i32
      %lt3A_3085 = arith.cmpi slt, %add3A_3083, %lt3A_3084 : i32
      %convert_element_type3A_3086 = arith.extui %lt3A_3085 : i1 to i32
      %cond3A_3087 = arith.constant 0 : i32
      %cond3A_3088 = arith.cmpi ne, %convert_element_type3A_3086, %cond3A_3087 : i32
      scf.if %cond3A_3088 {
        %add3A_3109 = arith.constant 2 : i32
        %add3A_3110 = arith.addi %add3A_1591, %add3A_3109 : i32
        %mul3A_3111 = arith.constant 32 : i32
        %mul3A_3112 = arith.muli %add3A_3110, %mul3A_3111 : i32
        %add3A_3113 = arith.addi %mul3A_2, %mul3A_3112 : i32
        %dma_start3A_3114 = arith.constant 1 : i32
        %dma_start3A_3115 = arith.constant 0 : i32
        %dma_start3A_3116 = arith.constant 0 : i32
        %dma_start3A_3117 = tpu.memref_slice %arg5[%dma_start3A_3114, %dma_start3A_3115, %dma_start3A_3116] : memref<2x32x50xi32, #tpu.memory_space<vmem>> -> memref<1x32x50xi32, #tpu.memory_space<vmem>>
        %dma_start3A_3118 = tpu.memref_squeeze %dma_start3A_3117 : memref<1x32x50xi32, #tpu.memory_space<vmem>> -> memref<32x50xi32, #tpu.memory_space<vmem>>
        %dma_start3A_3119 = arith.constant 0 : i32
        %dma_start3A_3120 = tpu.memref_slice %arg2[%add3A_3113, %dma_start3A_3119] : memref<16384x50xi32, #tpu.memory_space<hbm>> -> memref<32x50xi32, #tpu.memory_space<hbm>>
        %dma_start3A_3121 = arith.constant 0 : i32
        %dma_start3A_3122 = arith.constant 0 : i32
        %dma_start3A_3123 = tpu.memref_slice %arg5[%dma_start3A_3114, %dma_start3A_3121, %dma_start3A_3122] : memref<2x32x50xi32, #tpu.memory_space<vmem>> -> memref<1x32x50xi32, #tpu.memory_space<vmem>>
        %dma_start3A_3124 = tpu.memref_squeeze %dma_start3A_3123 : memref<1x32x50xi32, #tpu.memory_space<vmem>> -> memref<32x50xi32, #tpu.memory_space<vmem>>
        %dma_start3A_3125 = arith.constant 0 : i32
        %dma_start3A_3126 = tpu.memref_slice %arg2[%add3A_3113, %dma_start3A_3125] : memref<16384x50xi32, #tpu.memory_space<hbm>> -> memref<32x50xi32, #tpu.memory_space<hbm>>
        tpu.enqueue_dma source(%dma_start3A_3126 : memref<32x50xi32, #tpu.memory_space<hbm>>) target(%dma_start3A_3124 : memref<32x50xi32, #tpu.memory_space<vmem>>) target_semaphore(%arg8 : memref<!tpu.dma_semaphore, #tpu.memory_space<semaphore_mem>>)
      } else {
      }
      %mul3A_3089 = arith.constant 32 : i32
      %mul3A_3090 = arith.muli %add3A_1591, %mul3A_3089 : i32
      %add3A_3091 = arith.addi %mul3A_2, %mul3A_3090 : i32
      %dma_start3A_3092 = arith.constant 1 : i32
      %dma_start3A_3093 = arith.constant 0 : i32
      %dma_start3A_3094 = arith.constant 0 : i32
      %dma_start3A_3095 = arith.constant 0 : i32
      %dma_start3A_3096 = tpu.memref_slice %arg6[%dma_start3A_3092, %dma_start3A_3093, %dma_start3A_3094, %dma_start3A_3095] : memref<2x32x50x32xf32, #tpu.memory_space<vmem>> -> memref<1x32x50x32xf32, #tpu.memory_space<vmem>>
      %dma_start3A_3097 = tpu.memref_squeeze %dma_start3A_3096 : memref<1x32x50x32xf32, #tpu.memory_space<vmem>> -> memref<32x50x32xf32, #tpu.memory_space<vmem>>
      %dma_start3A_3098 = arith.constant 0 : i32
      %dma_start3A_3099 = arith.constant 0 : i32
      %dma_start3A_3100 = tpu.memref_slice %arg4[%add3A_3091, %dma_start3A_3098, %dma_start3A_3099] : memref<16384x50x32xf32, #tpu.memory_space<hbm>> -> memref<32x50x32xf32, #tpu.memory_space<hbm>>
      %dma_start3A_3101 = arith.constant 0 : i32
      %dma_start3A_3102 = arith.constant 0 : i32
      %dma_start3A_3103 = tpu.memref_slice %arg4[%add3A_3091, %dma_start3A_3101, %dma_start3A_3102] : memref<16384x50x32xf32, #tpu.memory_space<hbm>> -> memref<32x50x32xf32, #tpu.memory_space<hbm>>
      %dma_start3A_3104 = arith.constant 0 : i32
      %dma_start3A_3105 = arith.constant 0 : i32
      %dma_start3A_3106 = arith.constant 0 : i32
      %dma_start3A_3107 = tpu.memref_slice %arg6[%dma_start3A_3092, %dma_start3A_3104, %dma_start3A_3105, %dma_start3A_3106] : memref<2x32x50x32xf32, #tpu.memory_space<vmem>> -> memref<1x32x50x32xf32, #tpu.memory_space<vmem>>
      %dma_start3A_3108 = tpu.memref_squeeze %dma_start3A_3107 : memref<1x32x50x32xf32, #tpu.memory_space<vmem>> -> memref<32x50x32xf32, #tpu.memory_space<vmem>>
      tpu.enqueue_dma source(%dma_start3A_3108 : memref<32x50x32xf32, #tpu.memory_space<vmem>>) target(%dma_start3A_3103 : memref<32x50x32xf32, #tpu.memory_space<hbm>>) target_semaphore(%arg10 : memref<!tpu.dma_semaphore, #tpu.memory_space<semaphore_mem>>)
    }
    %scan3A_36 = arith.constant 8 : i32
    %dma_wait3A = arith.constant 0 : i32
    %dma_wait3A_37 = arith.constant 0 : i32
    %dma_wait3A_38 = arith.constant 0 : i32
    %dma_wait3A_39 = arith.constant 0 : i32
    %dma_wait3A_40 = tpu.memref_slice %arg6[%dma_wait3A, %dma_wait3A_37, %dma_wait3A_38, %dma_wait3A_39] : memref<2x32x50x32xf32, #tpu.memory_space<vmem>> -> memref<1x32x50x32xf32, #tpu.memory_space<vmem>>
    %dma_wait3A_41 = tpu.memref_squeeze %dma_wait3A_40 : memref<1x32x50x32xf32, #tpu.memory_space<vmem>> -> memref<32x50x32xf32, #tpu.memory_space<vmem>>
    %dma_wait3A_42 = arith.constant 0 : i32
    %dma_wait3A_43 = arith.constant 0 : i32
    %dma_wait3A_44 = tpu.memref_slice %arg4[%mul3A_2, %dma_wait3A_42, %dma_wait3A_43] : memref<16384x50x32xf32, #tpu.memory_space<hbm>> -> memref<32x50x32xf32, #tpu.memory_space<hbm>>
    %dma_wait3A_45 = arith.constant 0 : i32
    %dma_wait3A_46 = arith.constant 0 : i32
    %dma_wait3A_47 = tpu.memref_slice %arg4[%mul3A_2, %dma_wait3A_45, %dma_wait3A_46] : memref<16384x50x32xf32, #tpu.memory_space<hbm>> -> memref<32x50x32xf32, #tpu.memory_space<hbm>>
    %dma_wait3A_48 = arith.constant 0 : i32
    %dma_wait3A_49 = arith.constant 0 : i32
    %dma_wait3A_50 = arith.constant 0 : i32
    %dma_wait3A_51 = tpu.memref_slice %arg6[%dma_wait3A, %dma_wait3A_48, %dma_wait3A_49, %dma_wait3A_50] : memref<2x32x50x32xf32, #tpu.memory_space<vmem>> -> memref<1x32x50x32xf32, #tpu.memory_space<vmem>>
    %dma_wait3A_52 = tpu.memref_squeeze %dma_wait3A_51 : memref<1x32x50x32xf32, #tpu.memory_space<vmem>> -> memref<32x50x32xf32, #tpu.memory_space<vmem>>
    tpu.wait_dma2 semaphore(%arg9 : memref<!tpu.dma_semaphore, #tpu.memory_space<semaphore_mem>>) src(%dma_wait3A_52 : memref<32x50x32xf32, #tpu.memory_space<vmem>>) dst(%dma_wait3A_47 : memref<32x50x32xf32, #tpu.memory_space<hbm>>)
    %dma_wait3A_53 = arith.constant 1 : i32
    %dma_wait3A_54 = arith.constant 0 : i32
    %dma_wait3A_55 = arith.constant 0 : i32
    %dma_wait3A_56 = arith.constant 0 : i32
    %dma_wait3A_57 = tpu.memref_slice %arg6[%dma_wait3A_53, %dma_wait3A_54, %dma_wait3A_55, %dma_wait3A_56] : memref<2x32x50x32xf32, #tpu.memory_space<vmem>> -> memref<1x32x50x32xf32, #tpu.memory_space<vmem>>
    %dma_wait3A_58 = tpu.memref_squeeze %dma_wait3A_57 : memref<1x32x50x32xf32, #tpu.memory_space<vmem>> -> memref<32x50x32xf32, #tpu.memory_space<vmem>>
    %dma_wait3A_59 = arith.constant 0 : i32
    %dma_wait3A_60 = arith.constant 0 : i32
    %dma_wait3A_61 = tpu.memref_slice %arg4[%mul3A_2, %dma_wait3A_59, %dma_wait3A_60] : memref<16384x50x32xf32, #tpu.memory_space<hbm>> -> memref<32x50x32xf32, #tpu.memory_space<hbm>>
    %dma_wait3A_62 = arith.constant 0 : i32
    %dma_wait3A_63 = arith.constant 0 : i32
    %dma_wait3A_64 = tpu.memref_slice %arg4[%mul3A_2, %dma_wait3A_62, %dma_wait3A_63] : memref<16384x50x32xf32, #tpu.memory_space<hbm>> -> memref<32x50x32xf32, #tpu.memory_space<hbm>>
    %dma_wait3A_65 = arith.constant 0 : i32
    %dma_wait3A_66 = arith.constant 0 : i32
    %dma_wait3A_67 = arith.constant 0 : i32
    %dma_wait3A_68 = tpu.memref_slice %arg6[%dma_wait3A_53, %dma_wait3A_65, %dma_wait3A_66, %dma_wait3A_67] : memref<2x32x50x32xf32, #tpu.memory_space<vmem>> -> memref<1x32x50x32xf32, #tpu.memory_space<vmem>>
    %dma_wait3A_69 = tpu.memref_squeeze %dma_wait3A_68 : memref<1x32x50x32xf32, #tpu.memory_space<vmem>> -> memref<32x50x32xf32, #tpu.memory_space<vmem>>
    tpu.wait_dma2 semaphore(%arg10 : memref<!tpu.dma_semaphore, #tpu.memory_space<semaphore_mem>>) src(%dma_wait3A_69 : memref<32x50x32xf32, #tpu.memory_space<vmem>>) dst(%dma_wait3A_64 : memref<32x50x32xf32, #tpu.memory_space<hbm>>)
    return
  }
}

</mosaic_0001>

<sc_bundles>
// kernel: kernel.3.cloned.1.call-start
scs
__scs_entry_jumppad:
0x0: {  	(pc) =	sbr.rel $0x88, $3  }
0x1: {  	(tag) =	ssettag $0x0;
	lr =	simm.s32 $0x1  }
0x2: {  	[smem:$0x3F9F] =	sst lr;
	_ =	strace $0xD0000000  }
0x3: {  	_ = 	snop  }
0x4: {  	_ = 	snop  }
0x5: {  	_ = 	snop  }
0x6: {  	_ = 	snop  }
0x7: {  	_ = 	snop  }
__scs_overlays_trampoline_lowered:
0x8: {  	[smem:$0x3FAE] =	sst s0  }
0x9: {  	[smem:$0x3FAF] =	sst s1  }
0xa: {  	[smem:$0x3FB0] =	sst s2  }
0xb: {  	[smem:$0x3FB1] =	sst s3  }
0xc: {  	[smem:$0x3FB2] =	sst s4  }
0xd: {  	[smem:$0x3FB3] =	sst s5  }
0xe: {  	[smem:$0x3FB4] =	sst s6  }
0xf: {  	[smem:$0x3FB5] =	sst s7  }
0x10: {  	[smem:$0x3FB6] =	sst s8  }
0x11: {  	[smem:$0x3FB7] =	sst s9;
	s0 =	simm.s32 @!p0 $0x0  }
0x12: {  	s1 =	sld [smem:$0x3F9D];
	s0 =	simm.s32 @p0 $0x1  }
0x13: {  	[smem:$0x3FB8] =	sst s0;
	s0 =	simm.s32 @!p1 $0x0  }
0x14: {  	s2 =	sld [smem:$0x3F9C];
	s0 =	simm.s32 @p1 $0x1  }
0x15: {  	[smem:$0x3FB9] =	sst s0;
	s0 =	simm.s32 @!p2 $0x0  }
0x16: {  	s3 =	sld [smem:$0x3FDB];
	s0 =	simm.s32 @p2 $0x1  }
0x17: {  	s4 =	simm.s32 $0x1BF5;
	[smem:$0x3FBB] =	sst s0  }
0x18: {  	s0 =	sld [smem:$0x3F9E];
	_ =	swait.ge [sflag:s4], $0x0  }
0x19: {  	s7 =	sld [smem:$0x3F9F]  }
0x1a: {  	s8 =	sadd.s32 $0xFFFFE003, lr  }
0x1b: {  	s9 =	sadd.s32 $0xFFFFFEF7, lr;
	s5 =	simm.s32 $0xFFFFFFFF;
	p2 =	slt.u32 s8, $0xFFFFF086  }
0x1c: {  	p1 =	slt.u32 s9, $0xF7A;
	s5 =	simm.s32 @!p2 $0x0  }
0x1d: {  	s5 =	simm.s32 @p1 $0x1;
	p0 =	seq.s32 s7, s2  }
0x1e: {  	s7 =	smul.u32 @!p0 $0xF7A, s2;
	p2 =	seq.s32 @!p0 s5, $0x0  }
0x1f: {  	s9 =	smul.u32 $0xF7A, s1;
	s8 =	simm.s32 @!p0 $0x1BF5;
	p2 =	por !p2, p0  }
0x20: {  	[sflag:s8] =	ssyncset.s32 @!p0 $0xFFFFF086;
	s6 =	sadd.s32 @!p0 s3, s7;
	s7 =	simm.s32 @!p0 $0x108  }
0x21: {  	s3 =	sadd.s32 s3, s9;
	s6 =	sadd.s32 @!p0 $0x88, s6;
	s7 =	simm.s32 @p2 $0x1082  }
0x22: {  	[simem:s7], [sflag:s8] =	dma.local @!p0 [hbm:s6], $0xF7A  }
0x23: {  	s9 =	sor.u32 $0xD0000000, s2;
	s6 =	simm.s32 $0x108;
	_ =	swait.ge @!p0 [sflag:s8], $0x0  }
0x24: {  	s3 =	sadd.s32 $0x88, s3;
	s6 =	simm.s32 @!p1 $0x1082;
	[sflag:s4] =	ssyncset.s32 $0xFFFFF086  }
0x25: {  	[simem:s6], [sflag:s4] =	dma.local [hbm:s3], $0xF7A  }
0x26: {  	[smem:$0x3F9F] =	sst s1;
	(tag) =	ssettag s2;
	_ =	strace s9  }
0x27: {  	s1 =	sld [smem:$0x3FAF]  }
0x28: {  	s2 =	sld [smem:$0x3FB0]  }
0x29: {  	s4 =	sld [smem:$0x3FB2]  }
0x2a: {  	p0 =	seq.s32 s5, $0x0;
	s5 =	sld [smem:$0x3FB3]  }
0x2b: {  	s6 =	sld [smem:$0x3FB4]  }
0x2c: {  	s7 =	sld [smem:$0x3FB5]  }
0x2d: {  	s3 =	simm.s32 $0x108;
	s8 =	sld [smem:$0x3FB6]  }
0x2e: {  	s3 =	simm.s32 @!p0 $0x1082;
	s9 =	sld [smem:$0x3FB7]  }
0x2f: {  	lr =	sadd.s32 s0, s3;
	s0 =	sld [smem:$0x3FAE]  }
0x30: {  	s3 =	sld [smem:$0x3FB1]  }
0x31: {  	[smem:$0x3FBA] =	sst s10  }
0x32: {  	s10 =	sld [smem:$0x3FB8];
	_ =	sdelay $0x3  }
0x33: {  	p0 =	seq.s32 s10, $0x1;
	s10 =	sld [smem:$0x3FBA];
	_ =	sdelay $0x3  }
0x34: {  	[smem:$0x3FBA] =	sst s10  }
0x35: {  	s10 =	sld [smem:$0x3FB9];
	_ =	sdelay $0x3  }
0x36: {  	p1 =	seq.s32 s10, $0x1;
	s10 =	sld [smem:$0x3FBA];
	_ =	sdelay $0x3  }
0x37: {  	[smem:$0x3FBA] =	sst s10  }
0x38: {  	s10 =	sld [smem:$0x3FBB]  }
0x39: {  	_ = 	snop;
	(pc) =	sbr.ind lr, $3  }
0x3a: {  	_ = 	snop  }
0x3b: {  	_ = 	snop  }
0x3c: {  	p2 =	seq.s32 s10, $0x1;
	s10 =	sld [smem:$0x3FBA]  }
0x3d: {  	_ =	shalt  }
0x3e: {  	_ =	shalt  }
0x3f: {  	_ =	shalt  }
0x40: {  	_ =	shalt  }
0x41: {  	_ =	shalt  }
0x42: {  	_ =	shalt  }
0x43: {  	_ =	shalt  }
0x44: {  	_ =	shalt  }
0x45: {  	_ =	shalt  }
0x46: {  	_ =	shalt  }
0x47: {  	_ =	shalt  }
0x48: {  	_ =	shalt  }
0x49: {  	_ =	shalt  }
0x4a: {  	_ =	shalt  }
0x4b: {  	_ =	shalt  }
0x4c: {  	_ =	shalt  }
0x4d: {  	_ =	shalt  }
0x4e: {  	_ =	shalt  }
0x4f: {  	_ =	shalt  }
0x50: {  	_ =	shalt  }
0x51: {  	_ =	shalt  }
0x52: {  	_ =	shalt  }
0x53: {  	_ =	shalt  }
0x54: {  	_ =	shalt  }
0x55: {  	_ =	shalt  }
0x56: {  	_ =	shalt  }
0x57: {  	_ =	shalt  }
0x58: {  	_ =	shalt  }
0x59: {  	_ =	shalt  }
0x5a: {  	_ =	shalt  }
0x5b: {  	_ =	shalt  }
0x5c: {  	_ =	shalt  }
0x5d: {  	_ =	shalt  }
0x5e: {  	_ =	shalt  }
0x5f: {  	_ =	shalt  }
0x60: {  	_ =	shalt  }
0x61: {  	_ =	shalt  }
0x62: {  	_ =	shalt  }
0x63: {  	_ =	shalt  }
0x64: {  	_ =	shalt  }
0x65: {  	_ =	shalt  }
0x66: {  	_ =	shalt  }
0x67: {  	_ =	shalt  }
0x68: {  	_ =	shalt  }
0x69: {  	_ =	shalt  }
0x6a: {  	_ =	shalt  }
0x6b: {  	_ =	shalt  }
0x6c: {  	_ =	shalt  }
0x6d: {  	_ =	shalt  }
0x6e: {  	_ =	shalt  }
0x6f: {  	_ =	shalt  }
0x70: {  	_ =	shalt  }
0x71: {  	_ =	shalt  }
0x72: {  	_ =	shalt  }
0x73: {  	_ =	shalt  }
0x74: {  	_ =	shalt  }
0x75: {  	_ =	shalt  }
0x76: {  	_ =	shalt  }
0x77: {  	_ =	shalt  }
0x78: {  	_ =	shalt  }
0x79: {  	_ =	shalt  }
0x7a: {  	_ =	shalt  }
0x7b: {  	_ =	shalt  }
0x7c: {  	_ =	shalt  }
0x7d: {  	_ =	shalt  }
0x7e: {  	_ =	shalt  }
0x7f: {  	_ =	shalt  }
0x80: {  	_ =	shalt  }
0x81: {  	_ =	shalt  }
0x82: {  	_ =	shalt  }
0x83: {  	_ =	shalt  }
0x84: {  	_ =	shalt  }
0x85: {  	_ =	shalt  }
0x86: {  	_ =	shalt  }
0x87: {  	_ =	shalt  }
.Lfunc_end0:
.L_simem_size_0:
called_computation.1_lowered:
.L_overlay_start_0:
0x88: {  	s2 =	sld [smem:$0x3FD9]  }
0x89: {  	s3 =	sld [smem:$0x3FFE];
	_ =	sdelay $0x1  }
0x8a: {  	s1 =	srdreg.scid  }
0x8b: {  	s0 =	sand.u32 $0x1, s1  }
0x8c: {  	s17 =	sshll.u32 s0, $0xA;
	s2 =	sadd.s32 s3, s2  }
0x8d: {  	s2 =	sadd.s32 s2, s17  }
0x8e: {  	[smem:$0x3FC6] =	sst s2  }
0x8f: {  	_ = 	snop  }
0x90: {  	s2 =	sld [smem:$0x3FD0];
	(tm) =	ssettm $0x1  }
0x91: {  	s18 =	sld [smem:$0x3FFB];
	_ =	sdelay $0x3  }
0x92: {  	_ =	strace s18  }
0x93: {  	s3 =	sld [smem:$0x3FFC];
	_ =	sdelay $0x3  }
0x94: {  	_ =	strace s3  }
0x95: {  	s3 =	sld [smem:$0x3FFD];
	_ =	sdelay $0x3  }
0x96: {  	_ =	strace s3  }
0x97: {  	_ =	strace $0x8FFFFFFF  }
0x98: {  	s19 =	sld [smem:$0x3FDB];
	_ =	sdelay $0x1  }
0x99: {  	s4 =	simm.s32 $_scs_section_size  }
0x9a: {  	s5 =	simm.s32 $_size__tile_overlayer_lowered;
	s6 =	simm.s32 $_tile_overlayer_lowered  }
0x9b: {  	s22 =	simm.s32 $0x1BFF;
	s21 =	sshll.u32 s6, $0x1;
	s3 =	sadd.s32 s4, s19  }
0x9c: {  	s7 =	simm.s32 $0x0;
	s20 =	sshll.u32 s5, $0x1;
	s5 =	sadd.s32 s21, s3  }
0x9d: {  	[timem:s7], [sflag:s22] =	dma.local [hbm:s5], s20  }
0x9e: {  	_ =	swait.ge [sflag:s22], s20  }
0x9f: {  	s4 =	ssub.s32 $0x0, s20;
	[sflag:s22] =	ssyncset.done $0x0  }
0xa0: {  	[sflag:s22] =	ssyncadd.s32 s4;
	_ =	sdelay $0x1  }
0xa1: {  	s23 =	simm.s32 $0x1B8B  }
0xa2: {  	_ =	swait.ge [sflag:s23], $0x1  }
0xa3: {  	[sflag:s23] =	ssyncset.done $0x0  }
0xa4: {  	s25 =	simm.s32 $0x1B8E;
	s24 =	sld [smem:$0x3FFE];
	[sflag:s23] =	ssyncadd.s32 $0xFFFFFFFF  }
0xa5: {  	s26 =	simm.s32 $execute0_lowered;
	[smem:$0x3FD2] =	sst s25  }
0xa6: {  	s5 =	sshll.u32 s26, $0x1;
	_ =	strace $0x80000046;
	[dreg:$0x1] =	wrdreg $0xFFFFFFFF  }
0xa7: {  	s28 =	simm.s32 $_size_execute0_lowered;
	s3 =	sadd.s32 s3, s5;
	[dreg:$0x0] =	wrdreg $0x0  }
0xa8: {  	s5 =	sshll.u32 s28, $0x1;
	[dreg:$0x2] =	wrdreg s3  }
0xa9: {  	[dreg:$0x3] =	wrdreg s5  }
0xaa: {  	[dreg:$0x4] =	wrdreg $0xC0  }
0xab: {  	_ =	task [dreg:s7], $0x5FFFF  }
0xac: {  	[dreg:$0x1] =	wrdreg $0xFFFFFFFF  }
0xad: {  	[dreg:$0x0] =	wrdreg $0x60  }
0xae: {  	[dreg:$0x2] =	wrdreg s24  }
0xaf: {  	[dreg:$0x3] =	wrdreg s2  }
0xb0: {  	[dreg:$0x4] =	wrdreg $0x9  }
0xb1: {  	_ =	task.clear_ibuf [dreg:s7], $0x5FFFF;
	_ =	strace $0x90000046  }
0xb2: {  	s29 =	simm.s32 $0x9;
	_ =	strace $0x80000048  }
0xb3: {  	_ =	swait.ge [sflag:s29], $0x1  }
0xb4: {  	[sflag:s29] =	ssyncadd.s32 $0xFFFFFFFF  }
0xb5: {  	_ =	strace $0x90000048  }
0xb6: {  	_ =	sfence  }
0xb7: {  	s30 =	sld [smem:$0x0];
	_ =	sdelay $0x2  }
0xb8: {  	s31 =	sshll.u32 s1, $0xD;
	s1 =	sshrl.u32 s1, $0x2  }
0xb9: {  	s3 =	sand.u32 $0x4000, s31;
	s1 =	sadd.s32 s1, s30  }
0xba: {  	s0 =	sor.u32 s3, s0;
	s1 =	sshll.u32 s1, $0x11  }
0xbb: {  	s0 =	sor.u32 s1, s0  }
0xbc: {  	s0 =	sadd.s32 $0x8F2B, s0  }
0xbd: {  	[sflag:s0] =	ssyncadd.remote.s32 $0x1  }
0xbe: {  	_ =	sfence.sel $0xFFFF  }
0xbf: {  	[dreg:$0x0] =	wrdreg $0xFFFFFFFF;
	(pc) =	sbr.abs _section_cstart, $3  }
0xc0: {  	[dreg:$0x1] =	wrdreg $0xFFFFFFFF  }
0xc1: {  	_ =	task.clear_ibuf [dreg:s7], $0x2FFFF;
	_ =	strace $0x9FFFFFFF  }
0xc2: {  	(tm) =	ssettm $0x7FFFFFFF  }
0xc3: {  	_ =	shalt  }
tec
execute0_lowered:
.L_overlay_start_1:
0x0: {  	(tag) =	ssettag $0x1  }
0x1: {  	s3 =	rddreg [dreg:$0x0]  }
0x2: {  	s7 =	rddreg [dreg:$0x1];
	s2 =	simm.s32 $0x0  }
0x3: {  	s20 =	simm.s32 $0x38;
	[smem:$0x7FF] =	sst s2  }
0x4: {  	s21 =	simm.s32 $0x1440;
	_ =	strace $0x80000047;
	[dreg:$0x4] =	wrdreg s20  }
0x5: {  	s22 =	simm.s32 $0x70;
	[dreg:$0x5] =	wrdreg s21  }
0x6: {  	s23 =	simm.s32 $0x1A80;
	[dreg:$0x6] =	wrdreg s22  }
0x7: {  	s24 =	simm.s32 $0xA8;
	[dreg:$0x7] =	wrdreg s23  }
0x8: {  	s25 =	simm.s32 $0x20C0;
	[dreg:$0x8] =	wrdreg s24  }
0x9: {  	s26 =	simm.s32 $0xE0;
	[dreg:$0x9] =	wrdreg s25  }
0xa: {  	s30 =	simm.s32 $0x2700;
	[dreg:$0xa] =	wrdreg s26  }
0xb: {  	s31 =	simm.s32 $0x118;
	[dreg:$0xb] =	wrdreg s30  }
0xc: {  	s5 =	simm.s32 $0x150;
	[dreg:$0xc] =	wrdreg s31  }
0xd: {  	s6 =	simm.s32 $0x3380;
	[dreg:$0xe] =	wrdreg s5  }
0xe: {  	s9 =	simm.s32 $0x188;
	[dreg:$0xf] =	wrdreg s6  }
0xf: {  	s11 =	simm.s32 $0x39C0;
	[dreg:$0x10] =	wrdreg s9  }
0x10: {  	s12 =	simm.s32 $0x1C0;
	[dreg:$0x11] =	wrdreg s11  }
0x11: {  	s13 =	simm.s32 $0x4000;
	[dreg:$0x12] =	wrdreg s12  }
0x12: {  	s14 =	simm.s32 $0x1F8;
	[dreg:$0x13] =	wrdreg s13  }
0x13: {  	s15 =	simm.s32 $0x4640;
	[dreg:$0x14] =	wrdreg s14  }
0x14: {  	s16 =	simm.s32 $0x230;
	[dreg:$0x15] =	wrdreg s15  }
0x15: {  	s17 =	simm.s32 $0x4C80;
	[dreg:$0x16] =	wrdreg s16  }
0x16: {  	s18 =	simm.s32 $0x268;
	[dreg:$0x17] =	wrdreg s17  }
0x17: {  	[dreg:$0x18] =	wrdreg s18;
	s20 =	simm.s32 $0x2A0  }
0x18: {  	s21 =	simm.s32 $0x5900;
	[dreg:$0x1a] =	wrdreg s20  }
0x19: {  	s22 =	simm.s32 $0x2D8;
	[dreg:$0x1b] =	wrdreg s21  }
0x1a: {  	s23 =	simm.s32 $0x5F40;
	[dreg:$0x1c] =	wrdreg s22  }
0x1b: {  	s24 =	simm.s32 $0x310;
	[dreg:$0x1d] =	wrdreg s23  }
0x1c: {  	s25 =	simm.s32 $0x6580;
	[dreg:$0x1e] =	wrdreg s24  }
0x1d: {  	s26 =	simm.s32 $0x348;
	[dreg:$0x1f] =	wrdreg s25  }
0x1e: {  	s30 =	simm.s32 $0x6BC0;
	[smem:$0x7A5] =	sst s26  }
0x1f: {  	s31 =	simm.s32 $0x380;
	[smem:$0x7A6] =	sst s30  }
0x20: {  	s5 =	simm.s32 $0x3B8;
	[smem:$0x7A7] =	sst s31  }
0x21: {  	s6 =	simm.s32 $0x7840;
	[smem:$0x7A9] =	sst s5  }
0x22: {  	s9 =	simm.s32 $0x3F0;
	[smem:$0x7AA] =	sst s6  }
0x23: {  	s11 =	simm.s32 $0x7E80;
	[smem:$0x7AB] =	sst s9  }
0x24: {  	s12 =	simm.s32 $0x428;
	[smem:$0x7AC] =	sst s11  }
0x25: {  	s13 =	simm.s32 $0x84C0;
	[smem:$0x7AD] =	sst s12  }
0x26: {  	s0 =	srdreg.scid;
	s14 =	simm.s32 $0x460;
	[smem:$0x7AE] =	sst s13  }
0x27: {  	s10 =	stileid.u32;
	s15 =	simm.s32 $0x8B00;
	[smem:$0x7AF] =	sst s14  }
0x28: {  	s8 =	sand.u32 $0x1, s0;
	s16 =	simm.s32 $0x498;
	[smem:$0x7B0] =	sst s15  }
0x29: {  	s19 =	smul.u32 $0x1C00, s10;
	s17 =	simm.s32 $0x9140;
	[smem:$0x7B1] =	sst s16  }
0x2a: {  	s4 =	sadd.s32 $0xA00, s3;
	s18 =	simm.s32 $0x4D0;
	[smem:$0x7B2] =	sst s17  }
0x2b: {  	s0 =	sadd.s32 s19, s4;
	s19 =	simm.s32 $0x52C0;
	[smem:$0x7B3] =	sst s18  }
0x2c: {  	s20 =	simm.s32 $0x508;
	[dreg:$0x19] =	wrdreg s19  }
0x2d: {  	s21 =	simm.s32 $0x9DC0;
	[smem:$0x7B5] =	sst s20  }
0x2e: {  	s22 =	simm.s32 $0x540;
	[smem:$0x7B6] =	sst s21  }
0x2f: {  	s23 =	simm.s32 $0xA400;
	[smem:$0x7B7] =	sst s22  }
0x30: {  	s24 =	simm.s32 $0x578;
	[smem:$0x7B8] =	sst s23  }
0x31: {  	s25 =	simm.s32 $0xAA40;
	[smem:$0x7B9] =	sst s24  }
0x32: {  	s26 =	simm.s32 $0x5B0;
	[smem:$0x7BA] =	sst s25  }
0x33: {  	s30 =	simm.s32 $0xB080;
	[smem:$0x7BB] =	sst s26  }
0x34: {  	s31 =	simm.s32 $0x5E8;
	[smem:$0x7BC] =	sst s30  }
0x35: {  	s5 =	simm.s32 $0x620;
	[smem:$0x7BD] =	sst s31  }
0x36: {  	s6 =	simm.s32 $0xBD00;
	[smem:$0x7BF] =	sst s5  }
0x37: {  	s9 =	simm.s32 $0x658;
	[smem:$0x7C0] =	sst s6  }
0x38: {  	s11 =	simm.s32 $0xC340;
	[smem:$0x7C1] =	sst s9  }
0x39: {  	s12 =	simm.s32 $0x690;
	[smem:$0x7C2] =	sst s11  }
0x3a: {  	s13 =	simm.s32 $0xC980;
	[smem:$0x7C3] =	sst s12  }
0x3b: {  	s14 =	simm.s32 $0x6C8;
	[smem:$0x7C4] =	sst s13  }
0x3c: {  	s15 =	simm.s32 $0xCFC0;
	[smem:$0x7C5] =	sst s14  }
0x3d: {  	s16 =	simm.s32 $0x738;
	[smem:$0x7C6] =	sst s15  }
0x3e: {  	s1 =	smul.u32 $0xE00, s8;
	s17 =	simm.s32 $0xDC40;
	[smem:$0x7C7] =	sst s16  }
0x3f: {  	s18 =	simm.s32 $0x770;
	[smem:$0x7C8] =	sst s17  }
0x40: {  	s0 =	sadd.s32 s1, s0;
	[smem:$0x7C9] =	sst s18  }
0x41: {  	s1 =	simm.s32 $0x2D40;
	[dreg:$0x3] =	wrdreg s0  }
0x42: {  	s19 =	simm.s32 $0x9780;
	[dreg:$0xd] =	wrdreg s1  }
0x43: {  	s20 =	simm.s32 $0x7A8;
	[smem:$0x7B4] =	sst s19  }
0x44: {  	s21 =	simm.s32 $0xE8C0;
	[smem:$0x7CB] =	sst s20  }
0x45: {  	s22 =	simm.s32 $0x7E0;
	[smem:$0x7CC] =	sst s21  }
0x46: {  	s23 =	simm.s32 $0xEF00;
	[smem:$0x7CD] =	sst s22  }
0x47: {  	s24 =	simm.s32 $0x818;
	[smem:$0x7CE] =	sst s23  }
0x48: {  	s25 =	simm.s32 $0xF540;
	[smem:$0x7CF] =	sst s24  }
0x49: {  	s26 =	simm.s32 $0x850;
	[smem:$0x7D0] =	sst s25  }
0x4a: {  	s30 =	simm.s32 $0xFB80;
	[smem:$0x7D1] =	sst s26  }
0x4b: {  	s31 =	simm.s32 $0x888;
	[smem:$0x7D2] =	sst s30  }
0x4c: {  	s5 =	simm.s32 $0x8C0;
	[smem:$0x7D3] =	sst s31  }
0x4d: {  	s6 =	simm.s32 $0x10800;
	[smem:$0x7D5] =	sst s5  }
0x4e: {  	s9 =	simm.s32 $0x8F8;
	[smem:$0x7D6] =	sst s6  }
0x4f: {  	s11 =	simm.s32 $0x10E40;
	[smem:$0x7D7] =	sst s9  }
0x50: {  	s12 =	simm.s32 $0x930;
	[smem:$0x7D8] =	sst s11  }
0x51: {  	s13 =	simm.s32 $0x11480;
	[smem:$0x7D9] =	sst s12  }
0x52: {  	s14 =	simm.s32 $0x968;
	[smem:$0x7DA] =	sst s13  }
0x53: {  	s15 =	simm.s32 $0x11AC0;
	[smem:$0x7DB] =	sst s14  }
0x54: {  	s16 =	simm.s32 $0x9A0;
	[smem:$0x7DC] =	sst s15  }
0x55: {  	s17 =	simm.s32 $0x12100;
	[smem:$0x7DD] =	sst s16  }
0x56: {  	s18 =	simm.s32 $0x9D8;
	[smem:$0x7DE] =	sst s17  }
0x57: {  	s1 =	simm.s32 $0x7200;
	[smem:$0x7DF] =	sst s18  }
0x58: {  	s19 =	simm.s32 $0xE280;
	[smem:$0x7A8] =	sst s1  }
0x59: {  	s20 =	simm.s32 $0xA10;
	[smem:$0x7CA] =	sst s19  }
0x5a: {  	s21 =	simm.s32 $0x12D80;
	[smem:$0x7E1] =	sst s20  }
0x5b: {  	s22 =	simm.s32 $0xA48;
	[smem:$0x7E2] =	sst s21  }
0x5c: {  	s23 =	simm.s32 $0x133C0;
	[smem:$0x7E3] =	sst s22  }
0x5d: {  	s25 =	simm.s32 $0xA80;
	[smem:$0x7E4] =	sst s23  }
0x5e: {  	s28 =	simm.s32 $0x4;
	s26 =	simm.s32 $0x13A00;
	[smem:$0x7E5] =	sst s25  }
0x5f: {  	s29 =	simm.s32 $0x0;
	s30 =	simm.s32 $0xAB8;
	[smem:$0x7E6] =	sst s26  }
0x60: {  	s3 =	sadd.s32 $0xF42E00, s3;
	s31 =	simm.s32 $0x14040;
	[smem:$0x7E7] =	sst s30  }
0x61: {  	s24 =	ssub.s32 $0x2, s8;
	s11 =	simm.s32 $0xAF0;
	[smem:$0x7E8] =	sst s31  }
0x62: {  	s6 =	sshll.u32 s10, $0xA;
	s12 =	simm.s32 $0x14680;
	[smem:$0x7E9] =	sst s11  }
0x63: {  	s9 =	sshll.u32 s8, $0x9;
	s13 =	simm.s32 $0xB28;
	[smem:$0x7EA] =	sst s12  }
0x64: {  	s14 =	simm.s32 $0x14CC0;
	s15 =	simm.s32 $0xB60;
	[smem:$0x7EB] =	sst s13  }
0x65: {  	s16 =	simm.s32 $0x15300;
	s17 =	smul.u32 $0x32000, s10;
	[smem:$0x7EE] =	sst s14  }
0x66: {  	s18 =	simm.s32 $0xB98;
	s8 =	smul.u32 $0x19000, s8;
	[smem:$0x7F0] =	sst s15  }
0x67: {  	s10 =	simm.s32 $0x32;
	s1 =	simm.s32 $0xB6C0;
	[smem:$0x7F1] =	sst s16  }
0x68: {  	s19 =	simm.s32 $0x12740;
	s5 =	sshrl.u32 s24, $0x1;
	[smem:$0x7F2] =	sst s18  }
0x69: {  	s6 =	sor.u32 s9, s6;
	s20 =	simm.s32 $0xBD0;
	[smem:$0x7BE] =	sst s1  }
0x6a: {  	s21 =	simm.s32 $0x15F80;
	s22 =	simm.s32 $0xC08;
	[smem:$0x7E0] =	sst s19  }
0x6b: {  	s9 =	simm.s32 $0x1;
	s23 =	simm.s32 $0x165C0;
	[smem:$0x7F5] =	sst s20  }
0x6c: {  	s11 =	simm.s32 $0xE00;
	s25 =	simm.s32 $0x16C00;
	[smem:$0x7F6] =	sst s21  }
0x6d: {  	s12 =	simm.s32 $0x5;
	s26 =	simm.s32 $0xC78;
	[smem:$0x7F7] =	sst s22  }
0x6e: {  	s13 =	simm.s32 $0x2;
	s30 =	simm.s32 $0x17240;
	[smem:$0x7F8] =	sst s23  }
0x6f: {  	s14 =	simm.s32 $0xD600;
	s31 =	simm.s32 $0xCB0;
	[smem:$0x7FA] =	sst s25  }
0x70: {  	s15 =	simm.s32 $0x17880;
	s16 =	simm.s32 $0xCE8;
	[smem:$0x7FB] =	sst s26  }
0x71: {  	s18 =	simm.s32 $0xD20;
	s1 =	simm.s32 $0x101C0;
	[smem:$0x7FC] =	sst s30  }
0x72: {  	s6 =	smul.u32 $0x7, s6;
	s19 =	simm.s32 $0x15940;
	[smem:$0x7FD] =	sst s31  }
0x73: {  	s20 =	simm.s32 $0xD58;
	s21 =	simm.s32 $0x18B40;
	s22 =	simm.s32 $0xD90  }
0x74: {  	s23 =	simm.s32 $0x19180;
	s25 =	simm.s32 $0x197C0;
	[smem:$0x7D4] =	sst s1  }
0x75: {  	s1 =	ssub.s32 s24, s5;
	[smem:$0x7F3] =	sst s19;
	s24 =	simm.s32 $0xC40  }
0x76: {  	s26 =	simm.s32 $0x3;
	s4 =	sadd.s32 s4, s6;
	[smem:$0x7F9] =	sst s24  }
0x77: {  	s19 =	simm.s32 $0x18500;
	s1 =	smax.u32 s1, $0x1;
	[smem:$0x7EC] =	sst s4  }
0x78: {  	s4 =	sadd.s32 $0xE0, s4;
	[smem:$0x7EF] =	sst s1;
	s1 =	sadd.s32 s17, s7  }
0x79: {  	s24 =	simm.s32 $0xDC8;
	[smem:$0x7ED] =	sst s4;
	s1 =	sadd.s32 s8, s1  }
0x7a: {  	s17 =	simm.s32 $0x17EC0;
	s8 =	simm.s32 $0x700;
	[smem:$0x7F4] =	sst s1  }
.LBB2_1:
0x7b: {  	s0 =	sld [smem:$0x7EC];
	_ =	sdelay $0x1  }
0x7c: {  	s7 =	sld [smem:$0x7ED]  }
0x7d: {  	[tilespmem:s2], [sflag:$0x1] =	stream.linear.gather [hbm4b:s0+s2], $0x700, $0x38;
	[tilespmem:$0x19E00] =	vst v63  }
0x7e: {  	s30 =	sld [smem:$0x7F4];
	s31 =	simm.s32 $0x0  }
0x7f: {  	[tilespmem:s8], [sflag:$0x2] =	stream.linear.gather [hbm4b:s7+s2], $0x700, $0x38;
	[tilespmem:$0x19E00] =	vst v63  }
.LBB2_2:
0x80: {  	_ =	swait.ge [sflag:s9], $0x700  }
0x81: {  	p0 =	seq.s32 s31, $0x0;
	[sflag:s9] =	ssyncset.done $0x0  }
0x82: {  	s0 =	simm.s32 @!p0 $0x3;
	[sflag:s9] =	ssyncadd.s32 $0xFFFFF900  }
0x83: {  	_ =	swait.ge @!p0 [sflag:s0], $0xC800  }
0x84: {  	s1 =	rddreg [dreg:$0x4]  }
0x85: {  	s7 =	rddreg [dreg:$0x5]  }
0x86: {  	[sflag:s0] =	ssyncset.done @!p0 $0x0;
	s4 =	rddreg [dreg:$0x7]  }
0x87: {  	s5 =	rddreg [dreg:$0x8];
	[sflag:s0] =	ssyncadd.s32 @!p0 $0xFFFF3800  }
0x88: {  	[tilespmem:s11], [sflag:$0x5] =	stream.indirect.gather [hbm4b:s3+s10], $0x20, s2, s10, $0xb8;
	[tilespmem:$0x19E00] =	vst v63  }
0x89: {  	s6 =	rddreg [dreg:$0x9]  }
0x8a: {  	[tilespmem:s7], [sflag:$0x5] =	stream.indirect.gather [hbm4b:s3+s10], $0x20, s1, s10, $0xb8;
	[tilespmem:$0x19E00] =	vst v63  }
0x8b: {  	s1 =	rddreg [dreg:$0x6]  }
0x8c: {  	s7 =	rddreg [dreg:$0xc]  }
0x8d: {  	[tilespmem:s4], [sflag:$0x5] =	stream.indirect.gather [hbm4b:s3+s10], $0x20, s1, s10, $0xb8;
	[tilespmem:$0x19E00] =	vst v63  }
0x8e: {  	s4 =	rddreg [dreg:$0xd]  }
0x8f: {  	[tilespmem:s6], [sflag:$0x5] =	stream.indirect.gather [hbm4b:s3+s10], $0x20, s5, s10, $0xb8;
	[tilespmem:$0x19E00] =	vst v63  }
0x90: {  	s5 =	rddreg [dreg:$0xa]  }
0x91: {  	s6 =	rddreg [dreg:$0xb]  }
0x92: {  	[tilespmem:s6], [sflag:$0x5] =	stream.indirect.gather [hbm4b:s3+s10], $0x20, s5, s10, $0xb8;
	[tilespmem:$0x19E00] =	vst v63  }
0x93: {  	s5 =	rddreg [dreg:$0xe]  }
0x94: {  	s6 =	rddreg [dreg:$0xf]  }
0x95: {  	[tilespmem:s4], [sflag:$0x5] =	stream.indirect.gather [hbm4b:s3+s10], $0x20, s7, s10, $0xb8;
	[tilespmem:$0x19E00] =	vst v63  }
0x96: {  	s7 =	rddreg [dreg:$0x10]  }
0x97: {  	s4 =	rddreg [dreg:$0x11]  }
0x98: {  	[tilespmem:s6], [sflag:$0x5] =	stream.indirect.gather [hbm4b:s3+s10], $0x20, s5, s10, $0xb8;
	[tilespmem:$0x19E00] =	vst v63  }
0x99: {  	s5 =	rddreg [dreg:$0x12]  }
0x9a: {  	s6 =	rddreg [dreg:$0x13]  }
0x9b: {  	[tilespmem:s4], [sflag:$0x5] =	stream.indirect.gather [hbm4b:s3+s10], $0x20, s7, s10, $0xb8;
	[tilespmem:$0x19E00] =	vst v63  }
0x9c: {  	s7 =	rddreg [dreg:$0x14]  }
0x9d: {  	s4 =	rddreg [dreg:$0x15]  }
0x9e: {  	[tilespmem:s6], [sflag:$0x5] =	stream.indirect.gather [hbm4b:s3+s10], $0x20, s5, s10, $0xb8;
	[tilespmem:$0x19E00] =	vst v63  }
0x9f: {  	s5 =	rddreg [dreg:$0x16]  }
0xa0: {  	s6 =	rddreg [dreg:$0x17]  }
0xa1: {  	[tilespmem:s4], [sflag:$0x5] =	stream.indirect.gather [hbm4b:s3+s10], $0x20, s7, s10, $0xb8;
	[tilespmem:$0x19E00] =	vst v63  }
0xa2: {  	s7 =	rddreg [dreg:$0x18]  }
0xa3: {  	s4 =	rddreg [dreg:$0x19]  }
0xa4: {  	[tilespmem:s6], [sflag:$0x5] =	stream.indirect.gather [hbm4b:s3+s10], $0x20, s5, s10, $0xb8;
	[tilespmem:$0x19E00] =	vst v63  }
0xa5: {  	s5 =	rddreg [dreg:$0x1a]  }
0xa6: {  	s6 =	rddreg [dreg:$0x1b]  }
0xa7: {  	[tilespmem:s4], [sflag:$0x5] =	stream.indirect.gather [hbm4b:s3+s10], $0x20, s7, s10, $0xb8;
	[tilespmem:$0x19E00] =	vst v63  }
0xa8: {  	s7 =	rddreg [dreg:$0x1c]  }
0xa9: {  	s4 =	rddreg [dreg:$0x1d]  }
0xaa: {  	[tilespmem:s6], [sflag:$0x5] =	stream.indirect.gather [hbm4b:s3+s10], $0x20, s5, s10, $0xb8;
	[tilespmem:$0x19E00] =	vst v63  }
0xab: {  	s5 =	rddreg [dreg:$0x1e]  }
0xac: {  	s6 =	rddreg [dreg:$0x1f]  }
0xad: {  	[tilespmem:s4], [sflag:$0x5] =	stream.indirect.gather [hbm4b:s3+s10], $0x20, s7, s10, $0xb8;
	[tilespmem:$0x19E00] =	vst v63  }
0xae: {  	s7 =	sld [smem:$0x7A5]  }
0xaf: {  	s4 =	sld [smem:$0x7A6]  }
0xb0: {  	[tilespmem:s6], [sflag:$0x5] =	stream.indirect.gather [hbm4b:s3+s10], $0x20, s5, s10, $0xb8;
	[tilespmem:$0x19E00] =	vst v63  }
0xb1: {  	s5 =	sld [smem:$0x7A7]  }
0xb2: {  	s6 =	sld [smem:$0x7A8]  }
0xb3: {  	[tilespmem:s4], [sflag:$0x5] =	stream.indirect.gather [hbm4b:s3+s10], $0x20, s7, s10, $0xb8;
	[tilespmem:$0x19E00] =	vst v63  }
0xb4: {  	s7 =	sld [smem:$0x7A9]  }
0xb5: {  	s4 =	sld [smem:$0x7AA]  }
0xb6: {  	[tilespmem:s6], [sflag:$0x5] =	stream.indirect.gather [hbm4b:s3+s10], $0x20, s5, s10, $0xb8;
	[tilespmem:$0x19E00] =	vst v63  }
0xb7: {  	s5 =	sld [smem:$0x7AB]  }
0xb8: {  	s6 =	sld [smem:$0x7AC]  }
0xb9: {  	[tilespmem:s4], [sflag:$0x5] =	stream.indirect.gather [hbm4b:s3+s10], $0x20, s7, s10, $0xb8;
	[tilespmem:$0x19E00] =	vst v63  }
0xba: {  	s7 =	sld [smem:$0x7AD]  }
0xbb: {  	s4 =	sld [smem:$0x7AE]  }
0xbc: {  	[tilespmem:s6], [sflag:$0x5] =	stream.indirect.gather [hbm4b:s3+s10], $0x20, s5, s10, $0xb8;
	[tilespmem:$0x19E00] =	vst v63  }
0xbd: {  	s5 =	sld [smem:$0x7AF]  }
0xbe: {  	s6 =	sld [smem:$0x7B0]  }
0xbf: {  	[tilespmem:s4], [sflag:$0x5] =	stream.indirect.gather [hbm4b:s3+s10], $0x20, s7, s10, $0xb8;
	[tilespmem:$0x19E00] =	vst v63  }
0xc0: {  	s7 =	sld [smem:$0x7B1]  }
0xc1: {  	s4 =	sld [smem:$0x7B2]  }
0xc2: {  	[tilespmem:s6], [sflag:$0x5] =	stream.indirect.gather [hbm4b:s3+s10], $0x20, s5, s10, $0xb8;
	[tilespmem:$0x19E00] =	vst v63  }
0xc3: {  	s5 =	sld [smem:$0x7B3]  }
0xc4: {  	s6 =	sld [smem:$0x7B4]  }
0xc5: {  	[tilespmem:s4], [sflag:$0x5] =	stream.indirect.gather [hbm4b:s3+s10], $0x20, s7, s10, $0xb8;
	[tilespmem:$0x19E00] =	vst v63  }
0xc6: {  	s7 =	sld [smem:$0x7B5]  }
0xc7: {  	s4 =	sld [smem:$0x7B6]  }
0xc8: {  	[tilespmem:s6], [sflag:$0x5] =	stream.indirect.gather [hbm4b:s3+s10], $0x20, s5, s10, $0xb8;
	[tilespmem:$0x19E00] =	vst v63  }
0xc9: {  	s5 =	sld [smem:$0x7B7]  }
0xca: {  	s6 =	sld [smem:$0x7B8]  }
0xcb: {  	[tilespmem:s4], [sflag:$0x5] =	stream.indirect.gather [hbm4b:s3+s10], $0x20, s7, s10, $0xb8;
	[tilespmem:$0x19E00] =	vst v63  }
0xcc: {  	s7 =	sld [smem:$0x7B9]  }
0xcd: {  	s4 =	sld [smem:$0x7BA]  }
0xce: {  	[tilespmem:s6], [sflag:$0x5] =	stream.indirect.gather [hbm4b:s3+s10], $0x20, s5, s10, $0xb8;
	[tilespmem:$0x19E00] =	vst v63  }
0xcf: {  	s5 =	sld [smem:$0x7BB]  }
0xd0: {  	s6 =	sld [smem:$0x7BC]  }
0xd1: {  	[tilespmem:s4], [sflag:$0x5] =	stream.indirect.gather [hbm4b:s3+s10], $0x20, s7, s10, $0xb8;
	[tilespmem:$0x19E00] =	vst v63  }
0xd2: {  	s7 =	sld [smem:$0x7BD]  }
0xd3: {  	s4 =	sld [smem:$0x7BE]  }
0xd4: {  	[tilespmem:s6], [sflag:$0x5] =	stream.indirect.gather [hbm4b:s3+s10], $0x20, s5, s10, $0xb8;
	[tilespmem:$0x19E00] =	vst v63  }
0xd5: {  	s5 =	sld [smem:$0x7BF]  }
0xd6: {  	s6 =	sld [smem:$0x7C0]  }
0xd7: {  	[tilespmem:s4], [sflag:$0x5] =	stream.indirect.gather [hbm4b:s3+s10], $0x20, s7, s10, $0xb8;
	[tilespmem:$0x19E00] =	vst v63  }
0xd8: {  	s7 =	sld [smem:$0x7C1]  }
0xd9: {  	s4 =	sld [smem:$0x7C2]  }
0xda: {  	[tilespmem:s6], [sflag:$0x5] =	stream.indirect.gather [hbm4b:s3+s10], $0x20, s5, s10, $0xb8;
	[tilespmem:$0x19E00] =	vst v63  }
0xdb: {  	s5 =	sld [smem:$0x7C3]  }
0xdc: {  	s6 =	sld [smem:$0x7C4]  }
0xdd: {  	[tilespmem:s4], [sflag:$0x5] =	stream.indirect.gather [hbm4b:s3+s10], $0x20, s7, s10, $0xb8;
	[tilespmem:$0x19E00] =	vst v63  }
0xde: {  	s7 =	sld [smem:$0x7C5]  }
0xdf: {  	s4 =	sld [smem:$0x7C6]  }
0xe0: {  	[tilespmem:s6], [sflag:$0x5] =	stream.indirect.gather [hbm4b:s3+s10], $0x20, s5, s10, $0xb8;
	[tilespmem:$0x19E00] =	vst v63  }
0xe1: {  	_ = 	snop  }
0xe2: {  	[tilespmem:s4], [sflag:$0x5] =	stream.indirect.gather [hbm4b:s3+s10], $0x20, s7, s10, $0xb8;
	[tilespmem:$0x19E00] =	vst v63  }
0xe3: {  	_ =	swait.ge [sflag:s12], $0x640  }
0xe4: {  	[sflag:s12] =	ssyncset.done $0x0  }
0xe5: {  	[sflag:s12] =	ssyncadd.s32 $0xFFFFF9C0  }
0xe6: {  	_ =	swait.ge [sflag:s12], $0x640  }
0xe7: {  	[sflag:s12] =	ssyncset.done $0x0  }
0xe8: {  	[sflag:s12] =	ssyncadd.s32 $0xFFFFF9C0  }
0xe9: {  	_ =	swait.ge [sflag:s12], $0x640  }
0xea: {  	[sflag:s12] =	ssyncset.done $0x0  }
0xeb: {  	[sflag:s12] =	ssyncadd.s32 $0xFFFFF9C0  }
0xec: {  	_ =	swait.ge [sflag:s12], $0x640  }
0xed: {  	[sflag:s12] =	ssyncset.done $0x0  }
0xee: {  	[sflag:s12] =	ssyncadd.s32 $0xFFFFF9C0  }
0xef: {  	_ =	swait.ge [sflag:s12], $0x640  }
0xf0: {  	[sflag:s12] =	ssyncset.done $0x0  }
0xf1: {  	[sflag:s12] =	ssyncadd.s32 $0xFFFFF9C0  }
0xf2: {  	_ =	swait.ge [sflag:s12], $0x640  }
0xf3: {  	[sflag:s12] =	ssyncset.done $0x0  }
0xf4: {  	[sflag:s12] =	ssyncadd.s32 $0xFFFFF9C0  }
0xf5: {  	_ =	swait.ge [sflag:s12], $0x640  }
0xf6: {  	[sflag:s12] =	ssyncset.done $0x0  }
0xf7: {  	[sflag:s12] =	ssyncadd.s32 $0xFFFFF9C0  }
0xf8: {  	_ =	swait.ge [sflag:s12], $0x640  }
0xf9: {  	[sflag:s12] =	ssyncset.done $0x0  }
0xfa: {  	[sflag:s12] =	ssyncadd.s32 $0xFFFFF9C0  }
0xfb: {  	_ =	swait.ge [sflag:s12], $0x640  }
0xfc: {  	[sflag:s12] =	ssyncset.done $0x0  }
0xfd: {  	[sflag:s12] =	ssyncadd.s32 $0xFFFFF9C0  }
0xfe: {  	_ =	swait.ge [sflag:s12], $0x640  }
0xff: {  	[sflag:s12] =	ssyncset.done $0x0  }
0x100: {  	[sflag:s12] =	ssyncadd.s32 $0xFFFFF9C0  }
0x101: {  	_ =	swait.ge [sflag:s12], $0x640  }
0x102: {  	[sflag:s12] =	ssyncset.done $0x0  }
0x103: {  	[sflag:s12] =	ssyncadd.s32 $0xFFFFF9C0  }
0x104: {  	_ =	swait.ge [sflag:s12], $0x640  }
0x105: {  	[sflag:s12] =	ssyncset.done $0x0  }
0x106: {  	[sflag:s12] =	ssyncadd.s32 $0xFFFFF9C0  }
0x107: {  	_ =	swait.ge [sflag:s12], $0x640  }
0x108: {  	[sflag:s12] =	ssyncset.done $0x0  }
0x109: {  	[sflag:s12] =	ssyncadd.s32 $0xFFFFF9C0  }
0x10a: {  	_ =	swait.ge [sflag:s12], $0x640  }
0x10b: {  	[sflag:s12] =	ssyncset.done $0x0  }
0x10c: {  	[sflag:s12] =	ssyncadd.s32 $0xFFFFF9C0  }
0x10d: {  	_ =	swait.ge [sflag:s12], $0x640  }
0x10e: {  	[sflag:s12] =	ssyncset.done $0x0  }
0x10f: {  	[sflag:s12] =	ssyncadd.s32 $0xFFFFF9C0  }
0x110: {  	_ =	swait.ge [sflag:s12], $0x640  }
0x111: {  	[sflag:s12] =	ssyncset.done $0x0  }
0x112: {  	[sflag:s12] =	ssyncadd.s32 $0xFFFFF9C0  }
0x113: {  	_ =	swait.ge [sflag:s12], $0x640  }
0x114: {  	[sflag:s12] =	ssyncset.done $0x0  }
0x115: {  	[sflag:s12] =	ssyncadd.s32 $0xFFFFF9C0  }
0x116: {  	_ =	swait.ge [sflag:s12], $0x640  }
0x117: {  	[sflag:s12] =	ssyncset.done $0x0  }
0x118: {  	[sflag:s12] =	ssyncadd.s32 $0xFFFFF9C0  }
0x119: {  	_ =	swait.ge [sflag:s12], $0x640  }
0x11a: {  	[sflag:s12] =	ssyncset.done $0x0  }
0x11b: {  	[sflag:s12] =	ssyncadd.s32 $0xFFFFF9C0  }
0x11c: {  	_ =	swait.ge [sflag:s12], $0x640  }
0x11d: {  	[sflag:s12] =	ssyncset.done $0x0  }
0x11e: {  	[sflag:s12] =	ssyncadd.s32 $0xFFFFF9C0  }
0x11f: {  	_ =	swait.ge [sflag:s12], $0x640  }
0x120: {  	[sflag:s12] =	ssyncset.done $0x0  }
0x121: {  	[sflag:s12] =	ssyncadd.s32 $0xFFFFF9C0  }
0x122: {  	_ =	swait.ge [sflag:s12], $0x640  }
0x123: {  	[sflag:s12] =	ssyncset.done $0x0  }
0x124: {  	[sflag:s12] =	ssyncadd.s32 $0xFFFFF9C0  }
0x125: {  	_ =	swait.ge [sflag:s12], $0x640  }
0x126: {  	[sflag:s12] =	ssyncset.done $0x0  }
0x127: {  	[sflag:s12] =	ssyncadd.s32 $0xFFFFF9C0  }
0x128: {  	_ =	swait.ge [sflag:s12], $0x640  }
0x129: {  	[sflag:s12] =	ssyncset.done $0x0  }
0x12a: {  	[sflag:s12] =	ssyncadd.s32 $0xFFFFF9C0  }
0x12b: {  	_ =	swait.ge [sflag:s12], $0x640  }
0x12c: {  	[sflag:s12] =	ssyncset.done $0x0  }
0x12d: {  	[sflag:s12] =	ssyncadd.s32 $0xFFFFF9C0  }
0x12e: {  	_ =	swait.ge [sflag:s12], $0x640  }
0x12f: {  	[sflag:s12] =	ssyncset.done $0x0  }
0x130: {  	[sflag:s12] =	ssyncadd.s32 $0xFFFFF9C0  }
0x131: {  	_ =	swait.ge [sflag:s12], $0x640  }
0x132: {  	[sflag:s12] =	ssyncset.done $0x0  }
0x133: {  	[sflag:s12] =	ssyncadd.s32 $0xFFFFF9C0  }
0x134: {  	_ =	swait.ge [sflag:s12], $0x640  }
0x135: {  	[sflag:s12] =	ssyncset.done $0x0  }
0x136: {  	[sflag:s12] =	ssyncadd.s32 $0xFFFFF9C0  }
0x137: {  	_ =	swait.ge [sflag:s12], $0x640  }
0x138: {  	[sflag:s12] =	ssyncset.done $0x0  }
0x139: {  	[sflag:s12] =	ssyncadd.s32 $0xFFFFF9C0  }
0x13a: {  	_ =	swait.ge [sflag:s12], $0x640  }
0x13b: {  	[sflag:s12] =	ssyncset.done $0x0  }
0x13c: {  	[sflag:s12] =	ssyncadd.s32 $0xFFFFF9C0  }
0x13d: {  	_ =	swait.ge [sflag:s12], $0x640  }
0x13e: {  	[sflag:s12] =	ssyncset.done $0x0  }
0x13f: {  	[sflag:s12] =	ssyncadd.s32 $0xFFFFF9C0  }
0x140: {  	_ =	swait.ge [sflag:s12], $0x640  }
0x141: {  	p1 =	seq.s32 s31, $0xC40;
	s0 =	rddreg [dreg:$0x3]  }
0x142: {  	[sflag:s12] =	ssyncset.done $0x0;
	s0 =	sadd.s32 @!p1 s31, s0  }
0x143: {  	s1 =	simm.s32 @!p1 $0x0;
	[sflag:s12] =	ssyncadd.s32 $0xFFFFF9C0;
	s5 =	sadd.s32 @!p1 $0x1C0, s0  }
0x144: {  	[tilespmem:s1], [sflag:$0x1] =	stream.linear.gather @!p1 [hbm4b:s5+s1], $0x700, $0x38;
	[tilespmem:$0x19E00] =	vst v63  }
0x145: {  	_ = 	snop  }
0x146: {  	[hbm4b:s30+s2] =	stream.linear.scatter [tilespmem:s11], [sflag:$0x3], $0xC800, $0x38;
	[tilespmem:$0x19E00] =	vst v63  }
0x147: {  	_ =	swait.ge [sflag:s13], $0x700  }
0x148: {  	[sflag:s13] =	ssyncset.done $0x0  }
0x149: {  	s5 =	simm.s32 @!p0 $0x4;
	[sflag:s13] =	ssyncadd.s32 $0xFFFFF900  }
0x14a: {  	_ =	swait.ge @!p0 [sflag:s5], $0xC800  }
0x14b: {  	s7 =	sld [smem:$0x7C7]  }
0x14c: {  	[sflag:s5] =	ssyncset.done @!p0 $0x0;
	s4 =	sld [smem:$0x7C8]  }
0x14d: {  	s6 =	sld [smem:$0x7CA];
	[sflag:s5] =	ssyncadd.s32 @!p0 $0xFFFF3800  }
0x14e: {  	[tilespmem:s14], [sflag:$0x5] =	stream.indirect.gather [hbm4b:s3+s10], $0x20, s8, s10, $0xb8;
	[tilespmem:$0x19E00] =	vst v63  }
0x14f: {  	s5 =	sld [smem:$0x7C9]  }
0x150: {  	[tilespmem:s4], [sflag:$0x5] =	stream.indirect.gather [hbm4b:s3+s10], $0x20, s7, s10, $0xb8;
	[tilespmem:$0x19E00] =	vst v63  }
0x151: {  	s4 =	sld [smem:$0x7CB]  }
0x152: {  	s7 =	sld [smem:$0x7CC]  }
0x153: {  	[tilespmem:s6], [sflag:$0x5] =	stream.indirect.gather [hbm4b:s3+s10], $0x20, s5, s10, $0xb8;
	[tilespmem:$0x19E00] =	vst v63  }
0x154: {  	s5 =	sld [smem:$0x7CE]  }
0x155: {  	[tilespmem:s7], [sflag:$0x5] =	stream.indirect.gather [hbm4b:s3+s10], $0x20, s4, s10, $0xb8;
	[tilespmem:$0x19E00] =	vst v63  }
0x156: {  	s4 =	sld [smem:$0x7CD]  }
0x157: {  	s6 =	sld [smem:$0x7CF]  }
0x158: {  	s7 =	sld [smem:$0x7D0]  }
0x159: {  	[tilespmem:s5], [sflag:$0x5] =	stream.indirect.gather [hbm4b:s3+s10], $0x20, s4, s10, $0xb8;
	[tilespmem:$0x19E00] =	vst v63  }
0x15a: {  	s4 =	sld [smem:$0x7D1]  }
0x15b: {  	s5 =	sld [smem:$0x7D2]  }
0x15c: {  	[tilespmem:s7], [sflag:$0x5] =	stream.indirect.gather [hbm4b:s3+s10], $0x20, s6, s10, $0xb8;
	[tilespmem:$0x19E00] =	vst v63  }
0x15d: {  	s6 =	sld [smem:$0x7D3]  }
0x15e: {  	s7 =	sld [smem:$0x7D4]  }
0x15f: {  	[tilespmem:s5], [sflag:$0x5] =	stream.indirect.gather [hbm4b:s3+s10], $0x20, s4, s10, $0xb8;
	[tilespmem:$0x19E00] =	vst v63  }
0x160: {  	s4 =	sld [smem:$0x7D5]  }
0x161: {  	s5 =	sld [smem:$0x7D6]  }
0x162: {  	[tilespmem:s7], [sflag:$0x5] =	stream.indirect.gather [hbm4b:s3+s10], $0x20, s6, s10, $0xb8;
	[tilespmem:$0x19E00] =	vst v63  }
0x163: {  	s6 =	sld [smem:$0x7D7]  }
0x164: {  	s7 =	sld [smem:$0x7D8]  }
0x165: {  	[tilespmem:s5], [sflag:$0x5] =	stream.indirect.gather [hbm4b:s3+s10], $0x20, s4, s10, $0xb8;
	[tilespmem:$0x19E00] =	vst v63  }
0x166: {  	s4 =	sld [smem:$0x7D9]  }
0x167: {  	s5 =	sld [smem:$0x7DA]  }
0x168: {  	[tilespmem:s7], [sflag:$0x5] =	stream.indirect.gather [hbm4b:s3+s10], $0x20, s6, s10, $0xb8;
	[tilespmem:$0x19E00] =	vst v63  }
0x169: {  	s6 =	sld [smem:$0x7DB]  }
0x16a: {  	s7 =	sld [smem:$0x7DC]  }
0x16b: {  	[tilespmem:s5], [sflag:$0x5] =	stream.indirect.gather [hbm4b:s3+s10], $0x20, s4, s10, $0xb8;
	[tilespmem:$0x19E00] =	vst v63  }
0x16c: {  	s4 =	sld [smem:$0x7DD]  }
0x16d: {  	s5 =	sld [smem:$0x7DE]  }
0x16e: {  	[tilespmem:s7], [sflag:$0x5] =	stream.indirect.gather [hbm4b:s3+s10], $0x20, s6, s10, $0xb8;
	[tilespmem:$0x19E00] =	vst v63  }
0x16f: {  	s6 =	sld [smem:$0x7DF]  }
0x170: {  	s7 =	sld [smem:$0x7E0]  }
0x171: {  	[tilespmem:s5], [sflag:$0x5] =	stream.indirect.gather [hbm4b:s3+s10], $0x20, s4, s10, $0xb8;
	[tilespmem:$0x19E00] =	vst v63  }
0x172: {  	s4 =	sld [smem:$0x7E1]  }
0x173: {  	s5 =	sld [smem:$0x7E2]  }
0x174: {  	[tilespmem:s7], [sflag:$0x5] =	stream.indirect.gather [hbm4b:s3+s10], $0x20, s6, s10, $0xb8;
	[tilespmem:$0x19E00] =	vst v63  }
0x175: {  	s6 =	sld [smem:$0x7E3]  }
0x176: {  	s7 =	sld [smem:$0x7E4]  }
0x177: {  	[tilespmem:s5], [sflag:$0x5] =	stream.indirect.gather [hbm4b:s3+s10], $0x20, s4, s10, $0xb8;
	[tilespmem:$0x19E00] =	vst v63  }
0x178: {  	s4 =	sld [smem:$0x7E5]  }
0x179: {  	s5 =	sld [smem:$0x7E6]  }
0x17a: {  	[tilespmem:s7], [sflag:$0x5] =	stream.indirect.gather [hbm4b:s3+s10], $0x20, s6, s10, $0xb8;
	[tilespmem:$0x19E00] =	vst v63  }
0x17b: {  	s6 =	sld [smem:$0x7E7]  }
0x17c: {  	s7 =	sld [smem:$0x7E8]  }
0x17d: {  	[tilespmem:s5], [sflag:$0x5] =	stream.indirect.gather [hbm4b:s3+s10], $0x20, s4, s10, $0xb8;
	[tilespmem:$0x19E00] =	vst v63  }
0x17e: {  	s4 =	sld [smem:$0x7E9]  }
0x17f: {  	s5 =	sld [smem:$0x7EA]  }
0x180: {  	[tilespmem:s7], [sflag:$0x5] =	stream.indirect.gather [hbm4b:s3+s10], $0x20, s6, s10, $0xb8;
	[tilespmem:$0x19E00] =	vst v63  }
0x181: {  	s6 =	sld [smem:$0x7EB]  }
0x182: {  	s7 =	sld [smem:$0x7EE]  }
0x183: {  	[tilespmem:s5], [sflag:$0x5] =	stream.indirect.gather [hbm4b:s3+s10], $0x20, s4, s10, $0xb8;
	[tilespmem:$0x19E00] =	vst v63  }
0x184: {  	s4 =	sld [smem:$0x7F0]  }
0x185: {  	s5 =	sld [smem:$0x7F1]  }
0x186: {  	[tilespmem:s7], [sflag:$0x5] =	stream.indirect.gather [hbm4b:s3+s10], $0x20, s6, s10, $0xb8;
	[tilespmem:$0x19E00] =	vst v63  }
0x187: {  	s6 =	sld [smem:$0x7F2]  }
0x188: {  	s7 =	sld [smem:$0x7F3]  }
0x189: {  	[tilespmem:s5], [sflag:$0x5] =	stream.indirect.gather [hbm4b:s3+s10], $0x20, s4, s10, $0xb8;
	[tilespmem:$0x19E00] =	vst v63  }
0x18a: {  	s4 =	sld [smem:$0x7F5]  }
0x18b: {  	s5 =	sld [smem:$0x7F6]  }
0x18c: {  	[tilespmem:s7], [sflag:$0x5] =	stream.indirect.gather [hbm4b:s3+s10], $0x20, s6, s10, $0xb8;
	[tilespmem:$0x19E00] =	vst v63  }
0x18d: {  	s6 =	sld [smem:$0x7F7]  }
0x18e: {  	s7 =	sld [smem:$0x7F8]  }
0x18f: {  	[tilespmem:s5], [sflag:$0x5] =	stream.indirect.gather [hbm4b:s3+s10], $0x20, s4, s10, $0xb8;
	[tilespmem:$0x19E00] =	vst v63  }
0x190: {  	s4 =	sld [smem:$0x7F9]  }
0x191: {  	s5 =	sld [smem:$0x7FA]  }
0x192: {  	[tilespmem:s7], [sflag:$0x5] =	stream.indirect.gather [hbm4b:s3+s10], $0x20, s6, s10, $0xb8;
	[tilespmem:$0x19E00] =	vst v63  }
0x193: {  	s6 =	sld [smem:$0x7FB]  }
0x194: {  	s7 =	sld [smem:$0x7FC]  }
0x195: {  	[tilespmem:s5], [sflag:$0x5] =	stream.indirect.gather [hbm4b:s3+s10], $0x20, s4, s10, $0xb8;
	[tilespmem:$0x19E00] =	vst v63  }
0x196: {  	s5 =	sld [smem:$0x7FD]  }
0x197: {  	[tilespmem:s7], [sflag:$0x5] =	stream.indirect.gather [hbm4b:s3+s10], $0x20, s6, s10, $0xb8;
	[tilespmem:$0x19E00] =	vst v63  }
0x198: {  	_ = 	snop  }
0x199: {  	[tilespmem:s15], [sflag:$0x5] =	stream.indirect.gather [hbm4b:s3+s10], $0x20, s5, s10, $0xb8;
	[tilespmem:$0x19E00] =	vst v63  }
0x19a: {  	_ = 	snop  }
0x19b: {  	[tilespmem:s17], [sflag:$0x5] =	stream.indirect.gather [hbm4b:s3+s10], $0x20, s16, s10, $0xb8;
	[tilespmem:$0x19E00] =	vst v63  }
0x19c: {  	_ = 	snop  }
0x19d: {  	[tilespmem:s19], [sflag:$0x5] =	stream.indirect.gather [hbm4b:s3+s10], $0x20, s18, s10, $0xb8;
	[tilespmem:$0x19E00] =	vst v63  }
0x19e: {  	_ = 	snop  }
0x19f: {  	[tilespmem:s21], [sflag:$0x5] =	stream.indirect.gather [hbm4b:s3+s10], $0x20, s20, s10, $0xb8;
	[tilespmem:$0x19E00] =	vst v63  }
0x1a0: {  	_ = 	snop  }
0x1a1: {  	[tilespmem:s23], [sflag:$0x5] =	stream.indirect.gather [hbm4b:s3+s10], $0x20, s22, s10, $0xb8;
	[tilespmem:$0x19E00] =	vst v63  }
0x1a2: {  	_ = 	snop  }
0x1a3: {  	[tilespmem:s25], [sflag:$0x5] =	stream.indirect.gather [hbm4b:s3+s10], $0x20, s24, s10, $0xb8;
	[tilespmem:$0x19E00] =	vst v63  }
0x1a4: {  	_ =	swait.ge [sflag:s12], $0x640  }
0x1a5: {  	[sflag:s12] =	ssyncset.done $0x0  }
0x1a6: {  	[sflag:s12] =	ssyncadd.s32 $0xFFFFF9C0  }
0x1a7: {  	_ =	swait.ge [sflag:s12], $0x640  }
0x1a8: {  	[sflag:s12] =	ssyncset.done $0x0  }
0x1a9: {  	[sflag:s12] =	ssyncadd.s32 $0xFFFFF9C0  }
0x1aa: {  	_ =	swait.ge [sflag:s12], $0x640  }
0x1ab: {  	[sflag:s12] =	ssyncset.done $0x0  }
0x1ac: {  	[sflag:s12] =	ssyncadd.s32 $0xFFFFF9C0  }
0x1ad: {  	_ =	swait.ge [sflag:s12], $0x640  }
0x1ae: {  	[sflag:s12] =	ssyncset.done $0x0  }
0x1af: {  	[sflag:s12] =	ssyncadd.s32 $0xFFFFF9C0  }
0x1b0: {  	_ =	swait.ge [sflag:s12], $0x640  }
0x1b1: {  	[sflag:s12] =	ssyncset.done $0x0  }
0x1b2: {  	[sflag:s12] =	ssyncadd.s32 $0xFFFFF9C0  }
0x1b3: {  	_ =	swait.ge [sflag:s12], $0x640  }
0x1b4: {  	[sflag:s12] =	ssyncset.done $0x0  }
0x1b5: {  	[sflag:s12] =	ssyncadd.s32 $0xFFFFF9C0  }
0x1b6: {  	_ =	swait.ge [sflag:s12], $0x640  }
0x1b7: {  	[sflag:s12] =	ssyncset.done $0x0  }
0x1b8: {  	[sflag:s12] =	ssyncadd.s32 $0xFFFFF9C0  }
0x1b9: {  	_ =	swait.ge [sflag:s12], $0x640  }
0x1ba: {  	[sflag:s12] =	ssyncset.done $0x0  }
0x1bb: {  	[sflag:s12] =	ssyncadd.s32 $0xFFFFF9C0  }
0x1bc: {  	_ =	swait.ge [sflag:s12], $0x640  }
0x1bd: {  	[sflag:s12] =	ssyncset.done $0x0  }
0x1be: {  	[sflag:s12] =	ssyncadd.s32 $0xFFFFF9C0  }
0x1bf: {  	_ =	swait.ge [sflag:s12], $0x640  }
0x1c0: {  	[sflag:s12] =	ssyncset.done $0x0  }
0x1c1: {  	[sflag:s12] =	ssyncadd.s32 $0xFFFFF9C0  }
0x1c2: {  	_ =	swait.ge [sflag:s12], $0x640  }
0x1c3: {  	[sflag:s12] =	ssyncset.done $0x0  }
0x1c4: {  	[sflag:s12] =	ssyncadd.s32 $0xFFFFF9C0  }
0x1c5: {  	_ =	swait.ge [sflag:s12], $0x640  }
0x1c6: {  	[sflag:s12] =	ssyncset.done $0x0  }
0x1c7: {  	[sflag:s12] =	ssyncadd.s32 $0xFFFFF9C0  }
0x1c8: {  	_ =	swait.ge [sflag:s12], $0x640  }
0x1c9: {  	[sflag:s12] =	ssyncset.done $0x0  }
0x1ca: {  	[sflag:s12] =	ssyncadd.s32 $0xFFFFF9C0  }
0x1cb: {  	_ =	swait.ge [sflag:s12], $0x640  }
0x1cc: {  	[sflag:s12] =	ssyncset.done $0x0  }
0x1cd: {  	[sflag:s12] =	ssyncadd.s32 $0xFFFFF9C0  }
0x1ce: {  	_ =	swait.ge [sflag:s12], $0x640  }
0x1cf: {  	[sflag:s12] =	ssyncset.done $0x0  }
0x1d0: {  	[sflag:s12] =	ssyncadd.s32 $0xFFFFF9C0  }
0x1d1: {  	_ =	swait.ge [sflag:s12], $0x640  }
0x1d2: {  	[sflag:s12] =	ssyncset.done $0x0  }
0x1d3: {  	[sflag:s12] =	ssyncadd.s32 $0xFFFFF9C0  }
0x1d4: {  	_ =	swait.ge [sflag:s12], $0x640  }
0x1d5: {  	[sflag:s12] =	ssyncset.done $0x0  }
0x1d6: {  	[sflag:s12] =	ssyncadd.s32 $0xFFFFF9C0  }
0x1d7: {  	_ =	swait.ge [sflag:s12], $0x640  }
0x1d8: {  	[sflag:s12] =	ssyncset.done $0x0  }
0x1d9: {  	[sflag:s12] =	ssyncadd.s32 $0xFFFFF9C0  }
0x1da: {  	_ =	swait.ge [sflag:s12], $0x640  }
0x1db: {  	[sflag:s12] =	ssyncset.done $0x0  }
0x1dc: {  	[sflag:s12] =	ssyncadd.s32 $0xFFFFF9C0  }
0x1dd: {  	_ =	swait.ge [sflag:s12], $0x640  }
0x1de: {  	[sflag:s12] =	ssyncset.done $0x0  }
0x1df: {  	[sflag:s12] =	ssyncadd.s32 $0xFFFFF9C0  }
0x1e0: {  	_ =	swait.ge [sflag:s12], $0x640  }
0x1e1: {  	[sflag:s12] =	ssyncset.done $0x0  }
0x1e2: {  	[sflag:s12] =	ssyncadd.s32 $0xFFFFF9C0  }
0x1e3: {  	_ =	swait.ge [sflag:s12], $0x640  }
0x1e4: {  	[sflag:s12] =	ssyncset.done $0x0  }
0x1e5: {  	[sflag:s12] =	ssyncadd.s32 $0xFFFFF9C0  }
0x1e6: {  	_ =	swait.ge [sflag:s12], $0x640  }
0x1e7: {  	[sflag:s12] =	ssyncset.done $0x0  }
0x1e8: {  	[sflag:s12] =	ssyncadd.s32 $0xFFFFF9C0  }
0x1e9: {  	_ =	swait.ge [sflag:s12], $0x640  }
0x1ea: {  	[sflag:s12] =	ssyncset.done $0x0  }
0x1eb: {  	[sflag:s12] =	ssyncadd.s32 $0xFFFFF9C0  }
0x1ec: {  	_ =	swait.ge [sflag:s12], $0x640  }
0x1ed: {  	[sflag:s12] =	ssyncset.done $0x0  }
0x1ee: {  	[sflag:s12] =	ssyncadd.s32 $0xFFFFF9C0  }
0x1ef: {  	_ =	swait.ge [sflag:s12], $0x640  }
0x1f0: {  	[sflag:s12] =	ssyncset.done $0x0  }
0x1f1: {  	[sflag:s12] =	ssyncadd.s32 $0xFFFFF9C0  }
0x1f2: {  	_ =	swait.ge [sflag:s12], $0x640  }
0x1f3: {  	[sflag:s12] =	ssyncset.done $0x0  }
0x1f4: {  	[sflag:s12] =	ssyncadd.s32 $0xFFFFF9C0  }
0x1f5: {  	_ =	swait.ge [sflag:s12], $0x640  }
0x1f6: {  	[sflag:s12] =	ssyncset.done $0x0  }
0x1f7: {  	[sflag:s12] =	ssyncadd.s32 $0xFFFFF9C0  }
0x1f8: {  	_ =	swait.ge [sflag:s12], $0x640  }
0x1f9: {  	[sflag:s12] =	ssyncset.done $0x0  }
0x1fa: {  	[sflag:s12] =	ssyncadd.s32 $0xFFFFF9C0  }
0x1fb: {  	_ =	swait.ge [sflag:s12], $0x640  }
0x1fc: {  	[sflag:s12] =	ssyncset.done $0x0  }
0x1fd: {  	[sflag:s12] =	ssyncadd.s32 $0xFFFFF9C0  }
0x1fe: {  	_ =	swait.ge [sflag:s12], $0x640  }
0x1ff: {  	[sflag:s12] =	ssyncset.done $0x0  }
0x200: {  	s31 =	sadd.s32 $0x1C0, s31;
	[sflag:s12] =	ssyncadd.s32 $0xFFFFF9C0  }
0x201: {  	p0 =	sne.s32 s31, $0xE00;
	_ =	swait.ge [sflag:s12], $0x640  }
.Ltmp0:
0x202: {  	[sflag:s12] =	ssyncset.done $0x0;
	(pc) =	sbr.rel @p0 .LBB2_2-.Ltmp0, $4  }
0x203: {  	s0 =	sadd.s32 @!p1 $0x2A0, s0;
	s4 =	simm.s32 @!p1 $0x700;
	[sflag:s12] =	ssyncadd.s32 $0xFFFFF9C0  }
0x204: {  	[tilespmem:s4], [sflag:$0x2] =	stream.linear.gather @!p1 [hbm4b:s0+s1], $0x700, $0x38;
	[tilespmem:$0x19E00] =	vst v63  }
0x205: {  	s7 =	sadd.s32 $0x1900, s30;
	s30 =	sadd.s32 $0x3200, s30  }
0x206: {  	[hbm4b:s7+s2] =	stream.linear.scatter [tilespmem:s14], [sflag:$0x4], $0xC800, $0x38;
	[tilespmem:$0x19E00] =	vst v63  }
0x207: {  	_ =	swait.ge [sflag:s26], $0xC800  }
0x208: {  	[sflag:s26] =	ssyncset.done $0x0  }
0x209: {  	[sflag:s26] =	ssyncadd.s32 $0xFFFF3800  }
0x20a: {  	_ =	swait.ge [sflag:s28], $0xC800  }
0x20b: {  	s0 =	sld [smem:$0x7EF];
	_ =	sdelay $0x1  }
0x20c: {  	s29 =	sadd.s32 $0x1, s29  }
0x20d: {  	p0 =	sne.s32 s29, s0  }
.Ltmp1:
0x20e: {  	_ = 	snop;
	(pc) =	sbr.rel @p0 .LBB2_1-.Ltmp1, $3  }
0x20f: {  	_ =	sdelay $0x1  }
0x210: {  	[sflag:s28] =	ssyncset.done $0x0  }
0x211: {  	[sflag:s28] =	ssyncadd.s32 $0xFFFF3800  }
0x212: {  	_ =	sfence.sel $0x180000  }
0x213: {  	[bflag:$0x0] =	sbarrier.arrive $0xFFFF  }
0x214: {  	_ =	strace $0x90000047  }
0x215: {  	s0 =	stileid.u32;
	[bflag:$0x2] =	sbarrier.arrive $0xFFFF  }
0x216: {  	p0 =	sne.s32 s0, $0x0;
	s0 =	rddreg [dreg:$0x2]  }
0x217: {  	s0 =	sadd.s32 @!p0 $0x100000, s0  }
0x218: {  	[sflag:s0] =	ssyncadd.tile.s32 @!p0 $0x1;
	_ =	shalt  }
.Lfunc_end2:
_tile_overlayer_lowered:
.L_overlay_start_2:
0x219: {  	(tag) =	ssettag $0x2  }
0x21a: {  	s0 =	rddreg [dreg:$0x0];
	s2 =	stileid.u32  }
0x21b: {  	s1 =	rddreg [dreg:$0x1];
	p0 =	sne.s32 s2, $0x0  }
0x21c: {  	s3 =	rddreg [dreg:$0x2];
	[bflag:$0x3] =	sbarrier.arrive $0xFFFF;
	s2 =	simm.s32 @!p0 $0x1C06  }
0x21d: {  	[timem:s3], [sflag:s2] =	dma.local @!p0 [hbm:s0], s1  }
0x21e: {  	s0 =	simm.s32 @!p0 $0x6  }
0x21f: {  	_ =	swait.ge @!p0 [sflag:s0], s1  }
0x220: {  	s1 =	ssub.s32 @!p0 $0x0, s1;
	[sflag:s0] =	ssyncset.done @!p0 $0x0  }
0x221: {  	[sflag:s0] =	ssyncadd.s32 @!p0 s1  }
0x222: {  	[bflag:$0x3] =	sbarrier.arrive $0xFFFF  }
0x223: {  	_ =	shalt  }

// kernel: sparse-core-data-format-call.cloned.1.call-start
scs
called_computation_lowered:
.L_overlay_start_0:
0x0: {  	s2 =	sld [smem:$0x3FD9]  }
0x1: {  	s3 =	sld [smem:$0x3FFE];
	_ =	sdelay $0x1  }
0x2: {  	s1 =	srdreg.scid  }
0x3: {  	s0 =	sand.u32 $0x1, s1  }
0x4: {  	s18 =	sshll.u32 s0, $0xA;
	s2 =	sadd.s32 s3, s2  }
0x5: {  	s2 =	sadd.s32 s2, s18  }
0x6: {  	[smem:$0x3FC6] =	sst s2  }
0x7: {  	_ = 	snop  }
0x8: {  	s2 =	sld [smem:$0x3FD0];
	(tm) =	ssettm $0x1  }
0x9: {  	s19 =	sld [smem:$0x3FFB];
	_ =	sdelay $0x3  }
0xa: {  	_ =	strace s19  }
0xb: {  	s3 =	sld [smem:$0x3FFC];
	_ =	sdelay $0x3  }
0xc: {  	_ =	strace s3  }
0xd: {  	s3 =	sld [smem:$0x3FFD];
	_ =	sdelay $0x3  }
0xe: {  	_ =	strace s3  }
0xf: {  	_ =	strace $0x8FFFFFFF  }
0x10: {  	s20 =	sld [smem:$0x3FDB];
	_ =	sdelay $0x1  }
0x11: {  	s4 =	simm.s32 $_scs_section_size  }
0x12: {  	s5 =	simm.s32 $_size__tile_overlayer_lowered;
	s6 =	simm.s32 $_tile_overlayer_lowered  }
0x13: {  	s23 =	simm.s32 $0x1BFF;
	s22 =	sshll.u32 s6, $0x1;
	s3 =	sadd.s32 s4, s20  }
0x14: {  	s7 =	simm.s32 $0x0;
	s21 =	sshll.u32 s5, $0x1;
	s5 =	sadd.s32 s22, s3  }
0x15: {  	[timem:s7], [sflag:s23] =	dma.local [hbm:s5], s21  }
0x16: {  	_ =	swait.ge [sflag:s23], s21  }
0x17: {  	s4 =	ssub.s32 $0x0, s21;
	[sflag:s23] =	ssyncset.done $0x0  }
0x18: {  	[sflag:s23] =	ssyncadd.s32 s4;
	_ =	sdelay $0x1  }
0x19: {  	s24 =	simm.s32 $0x1B8B  }
0x1a: {  	_ =	swait.ge [sflag:s24], $0x1  }
0x1b: {  	[sflag:s24] =	ssyncset.done $0x0  }
0x1c: {  	s26 =	simm.s32 $0x1B8E;
	s25 =	sld [smem:$0x3FFE];
	[sflag:s24] =	ssyncadd.s32 $0xFFFFFFFF  }
0x1d: {  	s27 =	simm.s32 $execute0_lowered;
	[smem:$0x3FD2] =	sst s26  }
0x1e: {  	s5 =	sshll.u32 s27, $0x1;
	_ =	strace $0x80000049;
	[dreg:$0x1] =	wrdreg $0xFFFFFFFF  }
0x1f: {  	s28 =	simm.s32 $_size_execute0_lowered;
	s3 =	sadd.s32 s3, s5;
	[dreg:$0x0] =	wrdreg $0x0  }
0x20: {  	s5 =	sshll.u32 s28, $0x1;
	[dreg:$0x2] =	wrdreg s3  }
0x21: {  	[dreg:$0x3] =	wrdreg s5  }
0x22: {  	[dreg:$0x4] =	wrdreg $0xC0  }
0x23: {  	_ =	task [dreg:s7], $0x5FFFF  }
0x24: {  	[dreg:$0x1] =	wrdreg $0xFFFFFFFF  }
0x25: {  	[dreg:$0x0] =	wrdreg $0x60  }
0x26: {  	[dreg:$0x2] =	wrdreg s25  }
0x27: {  	[dreg:$0x3] =	wrdreg s2  }
0x28: {  	[dreg:$0x4] =	wrdreg $0x9  }
0x29: {  	_ =	task.clear_ibuf [dreg:s7], $0x5FFFF;
	_ =	strace $0x90000049  }
0x2a: {  	s29 =	simm.s32 $0x9;
	_ =	strace $0x8000004B  }
0x2b: {  	_ =	swait.ge [sflag:s29], $0x1  }
0x2c: {  	[sflag:s29] =	ssyncadd.s32 $0xFFFFFFFF  }
0x2d: {  	_ =	strace $0x9000004B  }
0x2e: {  	_ =	sfence  }
0x2f: {  	s30 =	sld [smem:$0x0];
	_ =	sdelay $0x2  }
0x30: {  	s31 =	sshll.u32 s1, $0xD;
	s1 =	sshrl.u32 s1, $0x2  }
0x31: {  	s3 =	sand.u32 $0x4000, s31;
	s1 =	sadd.s32 s1, s30  }
0x32: {  	s0 =	sor.u32 s3, s0;
	s1 =	sshll.u32 s1, $0x11  }
0x33: {  	s0 =	sor.u32 s1, s0  }
0x34: {  	s0 =	sadd.s32 $0x8F2B, s0  }
0x35: {  	[sflag:s0] =	ssyncadd.remote.s32 $0x1  }
0x36: {  	_ =	sfence.sel $0xFFFF  }
0x37: {  	[dreg:$0x0] =	wrdreg $0xFFFFFFFF;
	(pc) =	sbr.abs _section_cstart, $3  }
0x38: {  	[dreg:$0x1] =	wrdreg $0xFFFFFFFF  }
0x39: {  	_ =	task.clear_ibuf [dreg:s7], $0x2FFFF;
	_ =	strace $0x9FFFFFFF  }
0x3a: {  	(tm) =	ssettm $0x7FFFFFFF  }
0x3b: {  	_ =	shalt  }
tec
execute0_lowered:
.L_overlay_start_1:
0x0: {  	(tag) =	ssettag $0x1  }
0x1: {  	s0 =	srdreg.scid  }
0x2: {  	s1 =	sshll.u32 s0, $0x4  }
0x3: {  	s0 =	stileid.u32;
	s1 =	sand.u32 $0x10, s1  }
0x4: {  	s1 =	sor.u32 s0, s1  }
0x5: {  	s6 =	rddreg [dreg:$0x0];
	s4 =	simm.s32 $0x1;
	s2 =	sshll.u32 s1, $0x7  }
0x6: {  	s7 =	simm.s32 $0x2;
	s12 =	simm.s32 $0x0;
	s1 =	ssub.s32 $0x4000, s2  }
0x7: {  	s8 =	simm.s32 $0x20000;
	s13 =	simm.s32 $0x0;
	s3 =	sand.u32 $0xF80, s1  }
0x8: {  	s9 =	simm.s32 $0x0;
	s5 =	sshrl.u32 s1, $0xC;
	p0 =	sne.s32 s3, $0x0  }
.Ltmp0:
0x9: {  	s1 =	rddreg [dreg:$0x2];
	s4 =	simm.s32 @!p0 $0x0;
	(pc) =	sbr.rel .LBB1_1-.Ltmp0, $4  }
0xa: {  	s11 =	simm.s32 $0x0;
	s3 =	rddreg [dreg:$0x1];
	s5 =	sadd.s32 s4, s5  }
0xb: {  	_ =	strace $0x8000004A;
	s4 =	simm.s32 $0x1;
	s5 =	smul.u32 $0x32, s5  }
0xc: {  	s6 =	sadd.s32 $0xA00, s6;
	s10 =	smov.u32 s2;
	[sflag:s4] =	ssyncpa.u1 $0x0  }
0xd: {  	p0 =	por $0x0, $0x0;
	[sflag:s7] =	ssyncpa.u1 $0x0;
	s7 =	sor.u32 $0x1, s5  }
.LBB1_4:
0xe: {  	s16 =	sshll.u32 s13, $0x3;
	s17 =	sand.u32 $0x78, s13  }
0xf: {  	s30 =	sand.u32 $0xF800, s13;
	s12 =	sshll.u32 s12, $0x10;
	s16 =	sand.u32 $0x3C00, s16  }
0x10: {  	s31 =	sand.u32 $0x7, s13;
	s16 =	sor.u32 s17, s16;
	s17 =	sadd.s32 s3, s30  }
0x11: {  	s13 =	sshll.u32 s31, $0x12;
	s16 =	sshrl.u32 s16, $0x3;
	s12 =	sadd.s32 s12, s17  }
0x12: {  	[tilespmem:s15+$0x0 ss:$0x81] =	vst.msk $0xffff, v0;
	s13 =	sor.u32 $0x400, s13;
	s12 =	sadd.s32 s16, s12  }
0x13: {  	[hbm4b:s12+s13] =	stream.strided.scatter [tilespmem:s14], [sflag:$0x2], $0x1000, s8, s13, $0x20;
	[tilespmem:$0x4040] =	vst v63  }
.LBB1_5:
0x14: {  	s14 =	sadd.s32 $0x1, s9  }
0x15: {  	s12 =	sadd.s32 $0x1000, s10;
	s16 =	smov.u32 s10;
	p2 =	sgt.s32 s14, $0x31  }
0x16: {  	s16 =	smov.u32 @p2 s12  }
0x17: {  	s14 =	simm.s32 @p2 $0x0;
	p2 =	sgt.s32 s16, $0x3FFF  }
0x18: {  	s16 =	smov.u32 @p2 s2;
	p2 =	sne.s32 s11, s7  }
.Ltmp1:
0x19: {  	p1 =	slt.u32 s11, $0x2;
	(pc) =	sbr.rel @!p2 .LBB1_6-.Ltmp1, $4  }
0x1a: {  	s15 =	simm.s32 @!p1 $0x2  }
0x1b: {  	s13 =	smov.u32 s10;
	p0 =	por !p0, !p0;
	_ =	swait.ge @!p1 [sflag:s15], $0x1000  }
0x1c: {  	s12 =	smov.u32 s9;
	[sflag:s15] =	ssyncset.done @!p1 $0x0;
	s9 =	smov.u32 s14  }
0x1d: {  	s11 =	sadd.s32 $0x1, s11;
	[sflag:s15] =	ssyncadd.s32 @!p1 $0xFFFFF000;
	s10 =	smov.u32 s16  }
.LBB1_1:
0x1e: {  	p1 =	sge.u32 s11, s5  }
0x1f: {  	s14 =	sand.u32 @!p1 $0x1FFFFFF, s9  }
0x20: {  	s15 =	smulhi.u32 @!p1 $0x4924925, s14;
	_ =	sdelay $0x1  }
0x21: {  	s15 =	smul.u32 @!p1 $0x38, s15  }
0x22: {  	s16 =	sxor.u32 @!p1 $0xFFFFFFFF, s11;
	s17 =	smul.u32 @!p1 $0x380, s10  }
0x23: {  	s31 =	sadd.s32 $0xFFFFFFFF, s11;
	s16 =	sshll.u32 @!p1 s16, $0xC;
	s14 =	ssub.s32 @!p1 s14, s15  }
0x24: {  	s15 =	sand.u32 @!p1 $0x1000, s16;
	s16 =	sadd.s32 @!p1 s6, s17;
	s14 =	sshll.u32 @!p1 s14, $0x4  }
0x25: {  	s17 =	simm.s32 @!p1 $0x1C00;
	s14 =	sadd.s32 @!p1 s14, s16;
	s16 =	simm.s32 @!p1 $0x20  }
0x26: {  	[tilespmem:s15], [sflag:$0x1] =	stream.strided.gather @!p1 [hbm4b:s14+s16], $0x1000, s17, s16, $0x38;
	[tilespmem:$0x4040] =	vst v63  }
0x27: {  	p1 =	sge.u32 s31, s5  }
.Ltmp2:
0x28: {  	_ = 	snop;
	(pc) =	sbr.rel @p1 .LBB1_5-.Ltmp2, $1  }
0x29: {  	_ =	sdelay $0x3  }
0x2a: {  	s14 =	simm.s32 $0x1  }
0x2b: {  	_ =	swait.ge [sflag:s4], $0x1000;
	s14 =	simm.s32 @!p0 $0x0  }
0x2c: {  	[sflag:s4] =	ssyncset.done $0x0;
	s15 =	sshll.u32 s14, $0xC  }
0x2d: {  	[sflag:s4] =	ssyncadd.s32 $0xFFFFF000;
	s18 =	sor.u32 $0x10, s15  }
0x2e: {  	s14 =	smul.u32 $0x4080, s14;
	v1 =	vld [tilespmem:s18+$0x0]  }
0x2f: {  	s30 =	sand.u32 $0x1, s11;
	v0 =	vld [tilespmem:s18+$0xFFFFFFF0]  }
0x30: {  	s15 =	smul.u32 $0x4080, s30;
	s14 =	sshrl.u32 s14, $0x2  }
0x31: {  	s16 =	sor.u32 $0x2000, s14  }
0x32: {  	s31 =	sshrl.u32 s15, $0x2;
	s15 =	sadd.s32 $0x0, s16  }
0x33: {  	s17 =	simm.s32 $0x4;
	s18 =	sadd.s32 $0x20, s18;
	s14 =	sor.u32 $0x2000, s31;
	[tilespmem:s15+$0x810 ss:$0x81] =	vst.msk $0xffff, v1  }
.LBB1_3:
0x34: {  	v1 =	vld [tilespmem:s18+$0x0];
	p1 =	sne.s32 s17, $0x1FC;
	[tilespmem:s15+$0x0 ss:$0x81] =	vst.msk $0xffff, v0;
	s15 =	smov.u32 s17;
	s17 =	sadd.s32 $0x4, s17  }
.Ltmp3:
0x35: {  	v0 =	vld [tilespmem:s18+$0xFFFFFFF0];
	(pc) =	sbr.rel @p1 .LBB1_3-.Ltmp3, $4  }
0x36: {  	_ = 	snop  }
0x37: {  	s15 =	sshra.s32 s15, $0x2  }
0x38: {  	s15 =	sadd.s32 s15, s16  }
0x39: {  	s18 =	sadd.s32 $0x20, s18;
	[tilespmem:s15+$0x810 ss:$0x81] =	vst.msk $0xffff, v1  }
.Ltmp4:
0x3a: {  	_ = 	snop;
	(pc) =	sbr.rel .LBB1_4-.Ltmp4, $1  }
0x3b: {  	_ =	sdelay $0x3  }
.LBB1_6:
0x3c: {  	_ =	sfence.sel $0x180000  }
0x3d: {  	s2 =	simm.s32 $0x1;
	[bflag:$0x0] =	sbarrier.arrive $0xFFFF  }
0x3e: {  	s31 =	simm.s32 $0x2;
	[sflag:s2] =	ssyncpa.u1 $0x1  }
0x3f: {  	[sflag:s31] =	ssyncpa.u1 $0x1  }
0x40: {  	p0 =	sne.s32 s0, $0x0;
	_ =	strace $0x9000004A  }
0x41: {  	s0 =	sadd.s32 @!p0 $0x100000, s1;
	[bflag:$0x2] =	sbarrier.arrive $0xFFFF  }
0x42: {  	[sflag:s0] =	ssyncadd.tile.s32 @!p0 $0x1;
	_ =	shalt  }
.Lfunc_end1:
_tile_overlayer_lowered:
.L_overlay_start_2:
0x43: {  	(tag) =	ssettag $0x2  }
0x44: {  	s0 =	rddreg [dreg:$0x0];
	s2 =	stileid.u32  }
0x45: {  	s1 =	rddreg [dreg:$0x1];
	p0 =	sne.s32 s2, $0x0  }
0x46: {  	s3 =	rddreg [dreg:$0x2];
	[bflag:$0x3] =	sbarrier.arrive $0xFFFF;
	s2 =	simm.s32 @!p0 $0x1C01  }
0x47: {  	[timem:s3], [sflag:s2] =	dma.local @!p0 [hbm:s0], s1  }
0x48: {  	s0 =	simm.s32 @!p0 $0x1  }
0x49: {  	_ =	swait.ge @!p0 [sflag:s0], s1  }
0x4a: {  	s1 =	ssub.s32 @!p0 $0x0, s1;
	[sflag:s0] =	ssyncset.done @!p0 $0x0  }
0x4b: {  	[sflag:s0] =	ssyncadd.s32 @!p0 s1  }
0x4c: {  	[bflag:$0x3] =	sbarrier.arrive $0xFFFF  }
0x4d: {  	_ =	shalt  }

</sc_bundles>
